<compile_context>
chip_gen: v7x
topology: tpu7x:2x2x1
jax: 0.10.2.dev20260603
libtpu: 0.0.44.dev20260713+nightly
codegen_flags: <defaults>
</compile_context>

<pallas_src>
import functools

import jax
import jax.numpy as jnp
from jax import lax
from jax.experimental import pallas as pl
from jax.experimental.pallas import tpu as pltpu
from jax.experimental.pallas import tpu_sc as plsc

N_ROWS = 16384
N_COMP = 64
NC = 2
NS = 16
L = 16
NW = NC * NS
SAMP_PER_W = N_ROWS // NW
NCHUNK = 4
CHUNK_S = SAMP_PER_W // NCHUNK
GROUPS = CHUNK_S // L
CHAINS = 4
CHAIN_W = N_COMP // CHAINS

_mesh = plsc.VectorSubcoreMesh(
    core_axis_name="c", subcore_axis_name="s", num_cores=NC, num_subcores=NS)


@functools.partial(
    pl.kernel,
    out_type=[
        jax.ShapeDtypeStruct((NW, N_COMP), jnp.float32),
        jax.ShapeDtypeStruct((NW, L), jnp.float32),
    ],
    mesh=_mesh,
    compiler_params=pltpu.CompilerParams(needs_layout_passes=False),
    scratch_types=[
        pltpu.VMEM((NCHUNK, N_COMP, CHUNK_S), jnp.float32),
        pltpu.VMEM((N_COMP,), jnp.float32),
        pltpu.VMEM((L,), jnp.float32),
        pltpu.SemaphoreType.DMA((NCHUNK * CHAINS,)),
    ],
)
def _sc_partials(zt_hbm, flags_hbm, conf_hbm, buf_v, flags_v, conf_v, sems):
    wid = lax.axis_index("s") * NC + lax.axis_index("c")
    base = wid * SAMP_PER_W

    copies = [
        [
            pltpu.async_copy(
                zt_hbm.at[pl.ds(t * CHAIN_W, CHAIN_W),
                          pl.ds(base + k * CHUNK_S, CHUNK_S)],
                buf_v.at[k, pl.ds(t * CHAIN_W, CHAIN_W)],
                sems.at[k * CHAINS + t])
            for t in range(CHAINS)
        ]
        for k in range(NCHUNK)
    ]

    iota = lax.iota(jnp.int32, L)
    zeros = jnp.zeros((L,), jnp.float32)
    ones = jnp.ones((L,), jnp.float32)
    for k in range(N_COMP // L):
        flags_v[pl.ds(k * L, L)] = zeros

    acc = zeros
    for k in range(NCHUNK):
        for c in copies[k]:
            c.wait()
        kb = k

        def group_body(g, acc):
            s0 = g * L
            ms, args = [], []
            for t in range(CHAINS):
                c0 = t * CHAIN_W
                m = buf_v[kb, c0, pl.ds(s0, L)]
                a = jnp.full((L,), c0, jnp.int32)
                for c in range(c0 + 1, c0 + CHAIN_W):
                    v = buf_v[kb, c, pl.ds(s0, L)]
                    gt = v > m
                    a = jnp.where(gt, jnp.int32(c), a)
                    m = jnp.maximum(m, v)
                ms.append(m)
                args.append(a)
            m, a = ms[0], args[0]
            for t in range(1, CHAINS):
                gt = ms[t] > m
                a = jnp.where(gt, args[t], a)
                m = jnp.maximum(m, ms[t])
            plsc.store_scatter(flags_v, [a], ones)
            return acc + m

        acc = lax.fori_loop(0, GROUPS, group_body, acc)

    conf_v[...] = acc
    pltpu.sync_copy(flags_v, flags_hbm.at[wid])
    pltpu.sync_copy(conf_v, conf_hbm.at[wid])


def _reduce_body(flags_ref, conf_ref, pop_ref, mean_ref):
    flags = flags_ref[...]
    colmax = jnp.max(flags, axis=0, keepdims=True)
    pop = jnp.sum(jnp.where(colmax > 0.0, 1.0, 0.0))
    mean = jnp.sum(conf_ref[...]) * (1.0 / N_ROWS)
    pop_ref[...] = jnp.full((1, 1), pop)
    mean_ref[...] = jnp.full((1, 1), mean)


_reduce = pl.pallas_call(
    _reduce_body,
    out_shape=[
        jax.ShapeDtypeStruct((1, 1), jnp.float32),
        jax.ShapeDtypeStruct((1, 1), jnp.float32),
    ],
)


_ZBLK = 1024
_ZNBLK = N_ROWS // _ZBLK


def _zcopy_body(zin_ref, zout_ref, buf, in_sems, out_sems):
    ins = [
        pltpu.async_copy(
            zin_ref.at[pl.ds(k * _ZBLK, _ZBLK)], buf.at[k], in_sems.at[k])
        for k in range(_ZNBLK)
    ]
    outs = []
    for k in range(_ZNBLK):
        ins[k].wait()
        outs.append(pltpu.async_copy(
            buf.at[k], zout_ref.at[pl.ds(k * _ZBLK, _ZBLK)], out_sems.at[k]))
    for o in outs:
        o.wait()


_zcopy = pl.pallas_call(
    _zcopy_body,
    in_specs=[pl.BlockSpec(memory_space=pl.ANY)],
    out_specs=pl.BlockSpec(memory_space=pl.ANY),
    out_shape=jax.ShapeDtypeStruct((N_ROWS, 128), jnp.float32),
    scratch_shapes=[
        pltpu.VMEM((_ZNBLK, _ZBLK, 128), jnp.float32),
        pltpu.SemaphoreType.DMA((_ZNBLK,)),
        pltpu.SemaphoreType.DMA((_ZNBLK,)),
    ],
)


def kernel(z, z_cat):
    flags, conf = _sc_partials(z_cat.T)
    z_out = _zcopy(z)
    pop, mean = _reduce(flags, conf)
    return (z_out, pop[0, 0], mean[0, 0])

# --- scband reference (transcript-rebuilt; emitter-appended) ---
"""Pipeline reference for scband-cluster-control-pt-40166534152275 (READ-ONLY COPY).

The authoritative reference and input builder live on the scoring server;
editing this copy changes nothing except your own understanding.
"""

import jax, jax.numpy as jnp
import numpy as np

N_COMPONENTS = 64

def setup_inputs(seed: int = 0) -> dict:
    key = jax.random.key(seed)
    k1, k2 = jax.random.split(key)
    z = jax.random.normal(k1, (16384, 128), dtype=jnp.float32)
    z_cat = jax.random.uniform(k2, (16384, N_COMPONENTS), dtype=jnp.float32)
    return {"z": z, "z_cat": z_cat}

def reference(z, z_cat):
    # confidence, hard_groups = torch.max(z_cat, dim=1)
    confidence = jnp.max(z_cat, axis=1)
    hard_groups = jnp.argmax(z_cat, axis=1)
    # num_populated = torch.unique(hard_groups).numel()
    # jit-safe equivalent: count nonzero bins of a fixed-length histogram
    bins = jnp.bincount(hard_groups, length=N_COMPONENTS)
    num_populated = jnp.sum(bins > 0).astype(jnp.float32)
    conf_mean = jnp.mean(confidence)
    # returns (z, metrics) -> flatten metrics dict values into tuple
    return (z, num_populated, conf_mean)

if __name__ == "__main__":
    import jax
    _d = setup_inputs()
    print(jax.jit(kernel)(*tuple(_d.values())))

</pallas_src>

<mosaic_0001>
#map = affine_map<(d0, d1) -> (0, 0)>
module attributes {stable_mosaic.version = 14 : i64} {
  func.func @_sc_partials(%arg0: i32, %arg1: i32, %arg2: memref<64x16384xf32, #tpu.memory_space<hbm>>, %arg3: memref<32x64xf32, #tpu.memory_space<hbm>>, %arg4: memref<32x16xf32, #tpu.memory_space<hbm>>, %arg5: memref<4x64x128xf32, #tpu.memory_space<vmem>>, %arg6: memref<64xf32, #tpu.memory_space<vmem>>, %arg7: memref<16xf32, #tpu.memory_space<vmem>>, %arg8: memref<16x!tpu.dma_semaphore, #tpu.memory_space<semaphore_mem>>) attributes {dimension_semantics = [#tpu.dimension_semantics<core_parallel>, #tpu.dimension_semantics<subcore_parallel>], iteration_bounds = array<i64: 2, 16>, scalar_prefetch = 0 : i64, scratch_operands = 4 : i64, tpu.core_type = #tpu.core_type<sc_vector_subcore>, window_params = [{transform_indices = #map}, {transform_indices = #map}, {transform_indices = #map}]} {
    %mul3A = arith.constant 2 : i32
    %mul3A_0 = arith.muli %arg1, %mul3A : i32
    %add3A = arith.addi %mul3A_0, %arg0 : i32
    %mul3A_1 = arith.constant 512 : i32
    %mul3A_2 = arith.muli %add3A, %mul3A_1 : i32
    %add3A_3 = arith.constant 0 : i32
    %add3A_4 = arith.addi %mul3A_2, %add3A_3 : i32
    %dma_start3A = arith.constant 0 : i32
    %dma_start3A_5 = arith.constant 0 : i32
    %dma_start3A_6 = arith.constant 0 : i32
    %dma_start3A_7 = arith.constant 0 : i32
    %dma_start3A_8 = tpu.memref_slice %arg5[%dma_start3A, %dma_start3A_6, %dma_start3A_7] : memref<4x64x128xf32, #tpu.memory_space<vmem>> -> memref<1x16x128xf32, #tpu.memory_space<vmem>>
    %dma_start3A_9 = tpu.memref_squeeze %dma_start3A_8 : memref<1x16x128xf32, #tpu.memory_space<vmem>> -> memref<16x128xf32, #tpu.memory_space<vmem>>
    %dma_start3A_10 = arith.constant 0 : i32
    %dma_start3A_11 = tpu.memref_slice %arg2[%dma_start3A_10, %add3A_4] : memref<64x16384xf32, #tpu.memory_space<hbm>> -> memref<16x128xf32, #tpu.memory_space<hbm>>
    %dma_start3A_12 = tpu.memref_slice %arg8[%dma_start3A_5] : memref<16x!tpu.dma_semaphore, #tpu.memory_space<semaphore_mem>> -> memref<1x!tpu.dma_semaphore, #tpu.memory_space<semaphore_mem>>
    %dma_start3A_13 = tpu.memref_squeeze %dma_start3A_12 : memref<1x!tpu.dma_semaphore, #tpu.memory_space<semaphore_mem>> -> memref<!tpu.dma_semaphore, #tpu.memory_space<semaphore_mem>>
    %dma_start3A_14 = arith.constant 0 : i32
    %dma_start3A_15 = arith.constant 0 : i32
    %dma_start3A_16 = tpu.memref_slice %arg5[%dma_start3A, %dma_start3A_14, %dma_start3A_15] : memref<4x64x128xf32, #tpu.memory_space<vmem>> -> memref<1x16x128xf32, #tpu.memory_space<vmem>>
    %dma_start3A_17 = tpu.memref_squeeze %dma_start3A_16 : memref<1x16x128xf32, #tpu.memory_space<vmem>> -> memref<16x128xf32, #tpu.memory_space<vmem>>
    %dma_start3A_18 = arith.constant 0 : i32
    %dma_start3A_19 = tpu.memref_slice %arg2[%dma_start3A_18, %add3A_4] : memref<64x16384xf32, #tpu.memory_space<hbm>> -> memref<16x128xf32, #tpu.memory_space<hbm>>
    tpu.enqueue_dma source(%dma_start3A_19 : memref<16x128xf32, #tpu.memory_space<hbm>>) target(%dma_start3A_17 : memref<16x128xf32, #tpu.memory_space<vmem>>) target_semaphore(%dma_start3A_13 : memref<!tpu.dma_semaphore, #tpu.memory_space<semaphore_mem>>)
    %add3A_20 = arith.constant 0 : i32
    %add3A_21 = arith.addi %mul3A_2, %add3A_20 : i32
    %dma_start3A_22 = arith.constant 0 : i32
    %dma_start3A_23 = arith.constant 1 : i32
    %dma_start3A_24 = arith.constant 16 : i32
    %dma_start3A_25 = arith.constant 0 : i32
    %dma_start3A_26 = tpu.memref_slice %arg5[%dma_start3A_22, %dma_start3A_24, %dma_start3A_25] : memref<4x64x128xf32, #tpu.memory_space<vmem>> -> memref<1x16x128xf32, #tpu.memory_space<vmem>>
    %dma_start3A_27 = tpu.memref_squeeze %dma_start3A_26 : memref<1x16x128xf32, #tpu.memory_space<vmem>> -> memref<16x128xf32, #tpu.memory_space<vmem>>
    %dma_start3A_28 = arith.constant 16 : i32
    %dma_start3A_29 = tpu.memref_slice %arg2[%dma_start3A_28, %add3A_21] : memref<64x16384xf32, #tpu.memory_space<hbm>> -> memref<16x128xf32, #tpu.memory_space<hbm>>
    %dma_start3A_30 = tpu.memref_slice %arg8[%dma_start3A_23] : memref<16x!tpu.dma_semaphore, #tpu.memory_space<semaphore_mem>> -> memref<1x!tpu.dma_semaphore, #tpu.memory_space<semaphore_mem>>
    %dma_start3A_31 = tpu.memref_squeeze %dma_start3A_30 : memref<1x!tpu.dma_semaphore, #tpu.memory_space<semaphore_mem>> -> memref<!tpu.dma_semaphore, #tpu.memory_space<semaphore_mem>>
    %dma_start3A_32 = arith.constant 16 : i32
    %dma_start3A_33 = arith.constant 0 : i32
    %dma_start3A_34 = tpu.memref_slice %arg5[%dma_start3A_22, %dma_start3A_32, %dma_start3A_33] : memref<4x64x128xf32, #tpu.memory_space<vmem>> -> memref<1x16x128xf32, #tpu.memory_space<vmem>>
    %dma_start3A_35 = tpu.memref_squeeze %dma_start3A_34 : memref<1x16x128xf32, #tpu.memory_space<vmem>> -> memref<16x128xf32, #tpu.memory_space<vmem>>
    %dma_start3A_36 = arith.constant 16 : i32
    %dma_start3A_37 = tpu.memref_slice %arg2[%dma_start3A_36, %add3A_21] : memref<64x16384xf32, #tpu.memory_space<hbm>> -> memref<16x128xf32, #tpu.memory_space<hbm>>
    tpu.enqueue_dma source(%dma_start3A_37 : memref<16x128xf32, #tpu.memory_space<hbm>>) target(%dma_start3A_35 : memref<16x128xf32, #tpu.memory_space<vmem>>) target_semaphore(%dma_start3A_31 : memref<!tpu.dma_semaphore, #tpu.memory_space<semaphore_mem>>)
    %add3A_38 = arith.constant 0 : i32
    %add3A_39 = arith.addi %mul3A_2, %add3A_38 : i32
    %dma_start3A_40 = arith.constant 0 : i32
    %dma_start3A_41 = arith.constant 2 : i32
    %dma_start3A_42 = arith.constant 32 : i32
    %dma_start3A_43 = arith.constant 0 : i32
    %dma_start3A_44 = tpu.memref_slice %arg5[%dma_start3A_40, %dma_start3A_42, %dma_start3A_43] : memref<4x64x128xf32, #tpu.memory_space<vmem>> -> memref<1x16x128xf32, #tpu.memory_space<vmem>>
    %dma_start3A_45 = tpu.memref_squeeze %dma_start3A_44 : memref<1x16x128xf32, #tpu.memory_space<vmem>> -> memref<16x128xf32, #tpu.memory_space<vmem>>
    %dma_start3A_46 = arith.constant 32 : i32
    %dma_start3A_47 = tpu.memref_slice %arg2[%dma_start3A_46, %add3A_39] : memref<64x16384xf32, #tpu.memory_space<hbm>> -> memref<16x128xf32, #tpu.memory_space<hbm>>
    %dma_start3A_48 = tpu.memref_slice %arg8[%dma_start3A_41] : memref<16x!tpu.dma_semaphore, #tpu.memory_space<semaphore_mem>> -> memref<1x!tpu.dma_semaphore, #tpu.memory_space<semaphore_mem>>
    %dma_start3A_49 = tpu.memref_squeeze %dma_start3A_48 : memref<1x!tpu.dma_semaphore, #tpu.memory_space<semaphore_mem>> -> memref<!tpu.dma_semaphore, #tpu.memory_space<semaphore_mem>>
    %dma_start3A_50 = arith.constant 32 : i32
    %dma_start3A_51 = arith.constant 0 : i32
    %dma_start3A_52 = tpu.memref_slice %arg5[%dma_start3A_40, %dma_start3A_50, %dma_start3A_51] : memref<4x64x128xf32, #tpu.memory_space<vmem>> -> memref<1x16x128xf32, #tpu.memory_space<vmem>>
    %dma_start3A_53 = tpu.memref_squeeze %dma_start3A_52 : memref<1x16x128xf32, #tpu.memory_space<vmem>> -> memref<16x128xf32, #tpu.memory_space<vmem>>
    %dma_start3A_54 = arith.constant 32 : i32
    %dma_start3A_55 = tpu.memref_slice %arg2[%dma_start3A_54, %add3A_39] : memref<64x16384xf32, #tpu.memory_space<hbm>> -> memref<16x128xf32, #tpu.memory_space<hbm>>
    tpu.enqueue_dma source(%dma_start3A_55 : memref<16x128xf32, #tpu.memory_space<hbm>>) target(%dma_start3A_53 : memref<16x128xf32, #tpu.memory_space<vmem>>) target_semaphore(%dma_start3A_49 : memref<!tpu.dma_semaphore, #tpu.memory_space<semaphore_mem>>)
    %add3A_56 = arith.constant 0 : i32
    %add3A_57 = arith.addi %mul3A_2, %add3A_56 : i32
    %dma_start3A_58 = arith.constant 0 : i32
    %dma_start3A_59 = arith.constant 3 : i32
    %dma_start3A_60 = arith.constant 48 : i32
    %dma_start3A_61 = arith.constant 0 : i32
    %dma_start3A_62 = tpu.memref_slice %arg5[%dma_start3A_58, %dma_start3A_60, %dma_start3A_61] : memref<4x64x128xf32, #tpu.memory_space<vmem>> -> memref<1x16x128xf32, #tpu.memory_space<vmem>>
    %dma_start3A_63 = tpu.memref_squeeze %dma_start3A_62 : memref<1x16x128xf32, #tpu.memory_space<vmem>> -> memref<16x128xf32, #tpu.memory_space<vmem>>
    %dma_start3A_64 = arith.constant 48 : i32
    %dma_start3A_65 = tpu.memref_slice %arg2[%dma_start3A_64, %add3A_57] : memref<64x16384xf32, #tpu.memory_space<hbm>> -> memref<16x128xf32, #tpu.memory_space<hbm>>
    %dma_start3A_66 = tpu.memref_slice %arg8[%dma_start3A_59] : memref<16x!tpu.dma_semaphore, #tpu.memory_space<semaphore_mem>> -> memref<1x!tpu.dma_semaphore, #tpu.memory_space<semaphore_mem>>
    %dma_start3A_67 = tpu.memref_squeeze %dma_start3A_66 : memref<1x!tpu.dma_semaphore, #tpu.memory_space<semaphore_mem>> -> memref<!tpu.dma_semaphore, #tpu.memory_space<semaphore_mem>>
    %dma_start3A_68 = arith.constant 48 : i32
    %dma_start3A_69 = arith.constant 0 : i32
    %dma_start3A_70 = tpu.memref_slice %arg5[%dma_start3A_58, %dma_start3A_68, %dma_start3A_69] : memref<4x64x128xf32, #tpu.memory_space<vmem>> -> memref<1x16x128xf32, #tpu.memory_space<vmem>>
    %dma_start3A_71 = tpu.memref_squeeze %dma_start3A_70 : memref<1x16x128xf32, #tpu.memory_space<vmem>> -> memref<16x128xf32, #tpu.memory_space<vmem>>
    %dma_start3A_72 = arith.constant 48 : i32
    %dma_start3A_73 = tpu.memref_slice %arg2[%dma_start3A_72, %add3A_57] : memref<64x16384xf32, #tpu.memory_space<hbm>> -> memref<16x128xf32, #tpu.memory_space<hbm>>
    tpu.enqueue_dma source(%dma_start3A_73 : memref<16x128xf32, #tpu.memory_space<hbm>>) target(%dma_start3A_71 : memref<16x128xf32, #tpu.memory_space<vmem>>) target_semaphore(%dma_start3A_67 : memref<!tpu.dma_semaphore, #tpu.memory_space<semaphore_mem>>)
    %add3A_74 = arith.constant 128 : i32
    %add3A_75 = arith.addi %mul3A_2, %add3A_74 : i32
    %dma_start3A_76 = arith.constant 1 : i32
    %dma_start3A_77 = arith.constant 4 : i32
    %dma_start3A_78 = arith.constant 0 : i32
    %dma_start3A_79 = arith.constant 0 : i32
    %dma_start3A_80 = tpu.memref_slice %arg5[%dma_start3A_76, %dma_start3A_78, %dma_start3A_79] : memref<4x64x128xf32, #tpu.memory_space<vmem>> -> memref<1x16x128xf32, #tpu.memory_space<vmem>>
    %dma_start3A_81 = tpu.memref_squeeze %dma_start3A_80 : memref<1x16x128xf32, #tpu.memory_space<vmem>> -> memref<16x128xf32, #tpu.memory_space<vmem>>
    %dma_start3A_82 = arith.constant 0 : i32
    %dma_start3A_83 = tpu.memref_slice %arg2[%dma_start3A_82, %add3A_75] : memref<64x16384xf32, #tpu.memory_space<hbm>> -> memref<16x128xf32, #tpu.memory_space<hbm>>
    %dma_start3A_84 = tpu.memref_slice %arg8[%dma_start3A_77] : memref<16x!tpu.dma_semaphore, #tpu.memory_space<semaphore_mem>> -> memref<1x!tpu.dma_semaphore, #tpu.memory_space<semaphore_mem>>
    %dma_start3A_85 = tpu.memref_squeeze %dma_start3A_84 : memref<1x!tpu.dma_semaphore, #tpu.memory_space<semaphore_mem>> -> memref<!tpu.dma_semaphore, #tpu.memory_space<semaphore_mem>>
    %dma_start3A_86 = arith.constant 0 : i32
    %dma_start3A_87 = arith.constant 0 : i32
    %dma_start3A_88 = tpu.memref_slice %arg5[%dma_start3A_76, %dma_start3A_86, %dma_start3A_87] : memref<4x64x128xf32, #tpu.memory_space<vmem>> -> memref<1x16x128xf32, #tpu.memory_space<vmem>>
    %dma_start3A_89 = tpu.memref_squeeze %dma_start3A_88 : memref<1x16x128xf32, #tpu.memory_space<vmem>> -> memref<16x128xf32, #tpu.memory_space<vmem>>
    %dma_start3A_90 = arith.constant 0 : i32
    %dma_start3A_91 = tpu.memref_slice %arg2[%dma_start3A_90, %add3A_75] : memref<64x16384xf32, #tpu.memory_space<hbm>> -> memref<16x128xf32, #tpu.memory_space<hbm>>
    tpu.enqueue_dma source(%dma_start3A_91 : memref<16x128xf32, #tpu.memory_space<hbm>>) target(%dma_start3A_89 : memref<16x128xf32, #tpu.memory_space<vmem>>) target_semaphore(%dma_start3A_85 : memref<!tpu.dma_semaphore, #tpu.memory_space<semaphore_mem>>)
    %add3A_92 = arith.constant 128 : i32
    %add3A_93 = arith.addi %mul3A_2, %add3A_92 : i32
    %dma_start3A_94 = arith.constant 1 : i32
    %dma_start3A_95 = arith.constant 5 : i32
    %dma_start3A_96 = arith.constant 16 : i32
    %dma_start3A_97 = arith.constant 0 : i32
    %dma_start3A_98 = tpu.memref_slice %arg5[%dma_start3A_94, %dma_start3A_96, %dma_start3A_97] : memref<4x64x128xf32, #tpu.memory_space<vmem>> -> memref<1x16x128xf32, #tpu.memory_space<vmem>>
    %dma_start3A_99 = tpu.memref_squeeze %dma_start3A_98 : memref<1x16x128xf32, #tpu.memory_space<vmem>> -> memref<16x128xf32, #tpu.memory_space<vmem>>
    %dma_start3A_100 = arith.constant 16 : i32
    %dma_start3A_101 = tpu.memref_slice %arg2[%dma_start3A_100, %add3A_93] : memref<64x16384xf32, #tpu.memory_space<hbm>> -> memref<16x128xf32, #tpu.memory_space<hbm>>
    %dma_start3A_102 = tpu.memref_slice %arg8[%dma_start3A_95] : memref<16x!tpu.dma_semaphore, #tpu.memory_space<semaphore_mem>> -> memref<1x!tpu.dma_semaphore, #tpu.memory_space<semaphore_mem>>
    %dma_start3A_103 = tpu.memref_squeeze %dma_start3A_102 : memref<1x!tpu.dma_semaphore, #tpu.memory_space<semaphore_mem>> -> memref<!tpu.dma_semaphore, #tpu.memory_space<semaphore_mem>>
    %dma_start3A_104 = arith.constant 16 : i32
    %dma_start3A_105 = arith.constant 0 : i32
    %dma_start3A_106 = tpu.memref_slice %arg5[%dma_start3A_94, %dma_start3A_104, %dma_start3A_105] : memref<4x64x128xf32, #tpu.memory_space<vmem>> -> memref<1x16x128xf32, #tpu.memory_space<vmem>>
    %dma_start3A_107 = tpu.memref_squeeze %dma_start3A_106 : memref<1x16x128xf32, #tpu.memory_space<vmem>> -> memref<16x128xf32, #tpu.memory_space<vmem>>
    %dma_start3A_108 = arith.constant 16 : i32
    %dma_start3A_109 = tpu.memref_slice %arg2[%dma_start3A_108, %add3A_93] : memref<64x16384xf32, #tpu.memory_space<hbm>> -> memref<16x128xf32, #tpu.memory_space<hbm>>
    tpu.enqueue_dma source(%dma_start3A_109 : memref<16x128xf32, #tpu.memory_space<hbm>>) target(%dma_start3A_107 : memref<16x128xf32, #tpu.memory_space<vmem>>) target_semaphore(%dma_start3A_103 : memref<!tpu.dma_semaphore, #tpu.memory_space<semaphore_mem>>)
    %add3A_110 = arith.constant 128 : i32
    %add3A_111 = arith.addi %mul3A_2, %add3A_110 : i32
    %dma_start3A_112 = arith.constant 1 : i32
    %dma_start3A_113 = arith.constant 6 : i32
    %dma_start3A_114 = arith.constant 32 : i32
    %dma_start3A_115 = arith.constant 0 : i32
    %dma_start3A_116 = tpu.memref_slice %arg5[%dma_start3A_112, %dma_start3A_114, %dma_start3A_115] : memref<4x64x128xf32, #tpu.memory_space<vmem>> -> memref<1x16x128xf32, #tpu.memory_space<vmem>>
    %dma_start3A_117 = tpu.memref_squeeze %dma_start3A_116 : memref<1x16x128xf32, #tpu.memory_space<vmem>> -> memref<16x128xf32, #tpu.memory_space<vmem>>
    %dma_start3A_118 = arith.constant 32 : i32
    %dma_start3A_119 = tpu.memref_slice %arg2[%dma_start3A_118, %add3A_111] : memref<64x16384xf32, #tpu.memory_space<hbm>> -> memref<16x128xf32, #tpu.memory_space<hbm>>
    %dma_start3A_120 = tpu.memref_slice %arg8[%dma_start3A_113] : memref<16x!tpu.dma_semaphore, #tpu.memory_space<semaphore_mem>> -> memref<1x!tpu.dma_semaphore, #tpu.memory_space<semaphore_mem>>
    %dma_start3A_121 = tpu.memref_squeeze %dma_start3A_120 : memref<1x!tpu.dma_semaphore, #tpu.memory_space<semaphore_mem>> -> memref<!tpu.dma_semaphore, #tpu.memory_space<semaphore_mem>>
    %dma_start3A_122 = arith.constant 32 : i32
    %dma_start3A_123 = arith.constant 0 : i32
    %dma_start3A_124 = tpu.memref_slice %arg5[%dma_start3A_112, %dma_start3A_122, %dma_start3A_123] : memref<4x64x128xf32, #tpu.memory_space<vmem>> -> memref<1x16x128xf32, #tpu.memory_space<vmem>>
    %dma_start3A_125 = tpu.memref_squeeze %dma_start3A_124 : memref<1x16x128xf32, #tpu.memory_space<vmem>> -> memref<16x128xf32, #tpu.memory_space<vmem>>
    %dma_start3A_126 = arith.constant 32 : i32
    %dma_start3A_127 = tpu.memref_slice %arg2[%dma_start3A_126, %add3A_111] : memref<64x16384xf32, #tpu.memory_space<hbm>> -> memref<16x128xf32, #tpu.memory_space<hbm>>
    tpu.enqueue_dma source(%dma_start3A_127 : memref<16x128xf32, #tpu.memory_space<hbm>>) target(%dma_start3A_125 : memref<16x128xf32, #tpu.memory_space<vmem>>) target_semaphore(%dma_start3A_121 : memref<!tpu.dma_semaphore, #tpu.memory_space<semaphore_mem>>)
    %add3A_128 = arith.constant 128 : i32
    %add3A_129 = arith.addi %mul3A_2, %add3A_128 : i32
    %dma_start3A_130 = arith.constant 1 : i32
    %dma_start3A_131 = arith.constant 7 : i32
    %dma_start3A_132 = arith.constant 48 : i32
    %dma_start3A_133 = arith.constant 0 : i32
    %dma_start3A_134 = tpu.memref_slice %arg5[%dma_start3A_130, %dma_start3A_132, %dma_start3A_133] : memref<4x64x128xf32, #tpu.memory_space<vmem>> -> memref<1x16x128xf32, #tpu.memory_space<vmem>>
    %dma_start3A_135 = tpu.memref_squeeze %dma_start3A_134 : memref<1x16x128xf32, #tpu.memory_space<vmem>> -> memref<16x128xf32, #tpu.memory_space<vmem>>
    %dma_start3A_136 = arith.constant 48 : i32
    %dma_start3A_137 = tpu.memref_slice %arg2[%dma_start3A_136, %add3A_129] : memref<64x16384xf32, #tpu.memory_space<hbm>> -> memref<16x128xf32, #tpu.memory_space<hbm>>
    %dma_start3A_138 = tpu.memref_slice %arg8[%dma_start3A_131] : memref<16x!tpu.dma_semaphore, #tpu.memory_space<semaphore_mem>> -> memref<1x!tpu.dma_semaphore, #tpu.memory_space<semaphore_mem>>
    %dma_start3A_139 = tpu.memref_squeeze %dma_start3A_138 : memref<1x!tpu.dma_semaphore, #tpu.memory_space<semaphore_mem>> -> memref<!tpu.dma_semaphore, #tpu.memory_space<semaphore_mem>>
    %dma_start3A_140 = arith.constant 48 : i32
    %dma_start3A_141 = arith.constant 0 : i32
    %dma_start3A_142 = tpu.memref_slice %arg5[%dma_start3A_130, %dma_start3A_140, %dma_start3A_141] : memref<4x64x128xf32, #tpu.memory_space<vmem>> -> memref<1x16x128xf32, #tpu.memory_space<vmem>>
    %dma_start3A_143 = tpu.memref_squeeze %dma_start3A_142 : memref<1x16x128xf32, #tpu.memory_space<vmem>> -> memref<16x128xf32, #tpu.memory_space<vmem>>
    %dma_start3A_144 = arith.constant 48 : i32
    %dma_start3A_145 = tpu.memref_slice %arg2[%dma_start3A_144, %add3A_129] : memref<64x16384xf32, #tpu.memory_space<hbm>> -> memref<16x128xf32, #tpu.memory_space<hbm>>
    tpu.enqueue_dma source(%dma_start3A_145 : memref<16x128xf32, #tpu.memory_space<hbm>>) target(%dma_start3A_143 : memref<16x128xf32, #tpu.memory_space<vmem>>) target_semaphore(%dma_start3A_139 : memref<!tpu.dma_semaphore, #tpu.memory_space<semaphore_mem>>)
    %add3A_146 = arith.constant 256 : i32
    %add3A_147 = arith.addi %mul3A_2, %add3A_146 : i32
    %dma_start3A_148 = arith.constant 2 : i32
    %dma_start3A_149 = arith.constant 8 : i32
    %dma_start3A_150 = arith.constant 0 : i32
    %dma_start3A_151 = arith.constant 0 : i32
    %dma_start3A_152 = tpu.memref_slice %arg5[%dma_start3A_148, %dma_start3A_150, %dma_start3A_151] : memref<4x64x128xf32, #tpu.memory_space<vmem>> -> memref<1x16x128xf32, #tpu.memory_space<vmem>>
    %dma_start3A_153 = tpu.memref_squeeze %dma_start3A_152 : memref<1x16x128xf32, #tpu.memory_space<vmem>> -> memref<16x128xf32, #tpu.memory_space<vmem>>
    %dma_start3A_154 = arith.constant 0 : i32
    %dma_start3A_155 = tpu.memref_slice %arg2[%dma_start3A_154, %add3A_147] : memref<64x16384xf32, #tpu.memory_space<hbm>> -> memref<16x128xf32, #tpu.memory_space<hbm>>
    %dma_start3A_156 = tpu.memref_slice %arg8[%dma_start3A_149] : memref<16x!tpu.dma_semaphore, #tpu.memory_space<semaphore_mem>> -> memref<1x!tpu.dma_semaphore, #tpu.memory_space<semaphore_mem>>
    %dma_start3A_157 = tpu.memref_squeeze %dma_start3A_156 : memref<1x!tpu.dma_semaphore, #tpu.memory_space<semaphore_mem>> -> memref<!tpu.dma_semaphore, #tpu.memory_space<semaphore_mem>>
    %dma_start3A_158 = arith.constant 0 : i32
    %dma_start3A_159 = arith.constant 0 : i32
    %dma_start3A_160 = tpu.memref_slice %arg5[%dma_start3A_148, %dma_start3A_158, %dma_start3A_159] : memref<4x64x128xf32, #tpu.memory_space<vmem>> -> memref<1x16x128xf32, #tpu.memory_space<vmem>>
    %dma_start3A_161 = tpu.memref_squeeze %dma_start3A_160 : memref<1x16x128xf32, #tpu.memory_space<vmem>> -> memref<16x128xf32, #tpu.memory_space<vmem>>
    %dma_start3A_162 = arith.constant 0 : i32
    %dma_start3A_163 = tpu.memref_slice %arg2[%dma_start3A_162, %add3A_147] : memref<64x16384xf32, #tpu.memory_space<hbm>> -> memref<16x128xf32, #tpu.memory_space<hbm>>
    tpu.enqueue_dma source(%dma_start3A_163 : memref<16x128xf32, #tpu.memory_space<hbm>>) target(%dma_start3A_161 : memref<16x128xf32, #tpu.memory_space<vmem>>) target_semaphore(%dma_start3A_157 : memref<!tpu.dma_semaphore, #tpu.memory_space<semaphore_mem>>)
    %add3A_164 = arith.constant 256 : i32
    %add3A_165 = arith.addi %mul3A_2, %add3A_164 : i32
    %dma_start3A_166 = arith.constant 2 : i32
    %dma_start3A_167 = arith.constant 9 : i32
    %dma_start3A_168 = arith.constant 16 : i32
    %dma_start3A_169 = arith.constant 0 : i32
    %dma_start3A_170 = tpu.memref_slice %arg5[%dma_start3A_166, %dma_start3A_168, %dma_start3A_169] : memref<4x64x128xf32, #tpu.memory_space<vmem>> -> memref<1x16x128xf32, #tpu.memory_space<vmem>>
    %dma_start3A_171 = tpu.memref_squeeze %dma_start3A_170 : memref<1x16x128xf32, #tpu.memory_space<vmem>> -> memref<16x128xf32, #tpu.memory_space<vmem>>
    %dma_start3A_172 = arith.constant 16 : i32
    %dma_start3A_173 = tpu.memref_slice %arg2[%dma_start3A_172, %add3A_165] : memref<64x16384xf32, #tpu.memory_space<hbm>> -> memref<16x128xf32, #tpu.memory_space<hbm>>
    %dma_start3A_174 = tpu.memref_slice %arg8[%dma_start3A_167] : memref<16x!tpu.dma_semaphore, #tpu.memory_space<semaphore_mem>> -> memref<1x!tpu.dma_semaphore, #tpu.memory_space<semaphore_mem>>
    %dma_start3A_175 = tpu.memref_squeeze %dma_start3A_174 : memref<1x!tpu.dma_semaphore, #tpu.memory_space<semaphore_mem>> -> memref<!tpu.dma_semaphore, #tpu.memory_space<semaphore_mem>>
    %dma_start3A_176 = arith.constant 16 : i32
    %dma_start3A_177 = arith.constant 0 : i32
    %dma_start3A_178 = tpu.memref_slice %arg5[%dma_start3A_166, %dma_start3A_176, %dma_start3A_177] : memref<4x64x128xf32, #tpu.memory_space<vmem>> -> memref<1x16x128xf32, #tpu.memory_space<vmem>>
    %dma_start3A_179 = tpu.memref_squeeze %dma_start3A_178 : memref<1x16x128xf32, #tpu.memory_space<vmem>> -> memref<16x128xf32, #tpu.memory_space<vmem>>
    %dma_start3A_180 = arith.constant 16 : i32
    %dma_start3A_181 = tpu.memref_slice %arg2[%dma_start3A_180, %add3A_165] : memref<64x16384xf32, #tpu.memory_space<hbm>> -> memref<16x128xf32, #tpu.memory_space<hbm>>
    tpu.enqueue_dma source(%dma_start3A_181 : memref<16x128xf32, #tpu.memory_space<hbm>>) target(%dma_start3A_179 : memref<16x128xf32, #tpu.memory_space<vmem>>) target_semaphore(%dma_start3A_175 : memref<!tpu.dma_semaphore, #tpu.memory_space<semaphore_mem>>)
    %add3A_182 = arith.constant 256 : i32
    %add3A_183 = arith.addi %mul3A_2, %add3A_182 : i32
    %dma_start3A_184 = arith.constant 2 : i32
    %dma_start3A_185 = arith.constant 10 : i32
    %dma_start3A_186 = arith.constant 32 : i32
    %dma_start3A_187 = arith.constant 0 : i32
    %dma_start3A_188 = tpu.memref_slice %arg5[%dma_start3A_184, %dma_start3A_186, %dma_start3A_187] : memref<4x64x128xf32, #tpu.memory_space<vmem>> -> memref<1x16x128xf32, #tpu.memory_space<vmem>>
    %dma_start3A_189 = tpu.memref_squeeze %dma_start3A_188 : memref<1x16x128xf32, #tpu.memory_space<vmem>> -> memref<16x128xf32, #tpu.memory_space<vmem>>
    %dma_start3A_190 = arith.constant 32 : i32
    %dma_start3A_191 = tpu.memref_slice %arg2[%dma_start3A_190, %add3A_183] : memref<64x16384xf32, #tpu.memory_space<hbm>> -> memref<16x128xf32, #tpu.memory_space<hbm>>
    %dma_start3A_192 = tpu.memref_slice %arg8[%dma_start3A_185] : memref<16x!tpu.dma_semaphore, #tpu.memory_space<semaphore_mem>> -> memref<1x!tpu.dma_semaphore, #tpu.memory_space<semaphore_mem>>
    %dma_start3A_193 = tpu.memref_squeeze %dma_start3A_192 : memref<1x!tpu.dma_semaphore, #tpu.memory_space<semaphore_mem>> -> memref<!tpu.dma_semaphore, #tpu.memory_space<semaphore_mem>>
    %dma_start3A_194 = arith.constant 32 : i32
    %dma_start3A_195 = arith.constant 0 : i32
    %dma_start3A_196 = tpu.memref_slice %arg5[%dma_start3A_184, %dma_start3A_194, %dma_start3A_195] : memref<4x64x128xf32, #tpu.memory_space<vmem>> -> memref<1x16x128xf32, #tpu.memory_space<vmem>>
    %dma_start3A_197 = tpu.memref_squeeze %dma_start3A_196 : memref<1x16x128xf32, #tpu.memory_space<vmem>> -> memref<16x128xf32, #tpu.memory_space<vmem>>
    %dma_start3A_198 = arith.constant 32 : i32
    %dma_start3A_199 = tpu.memref_slice %arg2[%dma_start3A_198, %add3A_183] : memref<64x16384xf32, #tpu.memory_space<hbm>> -> memref<16x128xf32, #tpu.memory_space<hbm>>
    tpu.enqueue_dma source(%dma_start3A_199 : memref<16x128xf32, #tpu.memory_space<hbm>>) target(%dma_start3A_197 : memref<16x128xf32, #tpu.memory_space<vmem>>) target_semaphore(%dma_start3A_193 : memref<!tpu.dma_semaphore, #tpu.memory_space<semaphore_mem>>)
    %add3A_200 = arith.constant 256 : i32
    %add3A_201 = arith.addi %mul3A_2, %add3A_200 : i32
    %dma_start3A_202 = arith.constant 2 : i32
    %dma_start3A_203 = arith.constant 11 : i32
    %dma_start3A_204 = arith.constant 48 : i32
    %dma_start3A_205 = arith.constant 0 : i32
    %dma_start3A_206 = tpu.memref_slice %arg5[%dma_start3A_202, %dma_start3A_204, %dma_start3A_205] : memref<4x64x128xf32, #tpu.memory_space<vmem>> -> memref<1x16x128xf32, #tpu.memory_space<vmem>>
    %dma_start3A_207 = tpu.memref_squeeze %dma_start3A_206 : memref<1x16x128xf32, #tpu.memory_space<vmem>> -> memref<16x128xf32, #tpu.memory_space<vmem>>
    %dma_start3A_208 = arith.constant 48 : i32
    %dma_start3A_209 = tpu.memref_slice %arg2[%dma_start3A_208, %add3A_201] : memref<64x16384xf32, #tpu.memory_space<hbm>> -> memref<16x128xf32, #tpu.memory_space<hbm>>
    %dma_start3A_210 = tpu.memref_slice %arg8[%dma_start3A_203] : memref<16x!tpu.dma_semaphore, #tpu.memory_space<semaphore_mem>> -> memref<1x!tpu.dma_semaphore, #tpu.memory_space<semaphore_mem>>
    %dma_start3A_211 = tpu.memref_squeeze %dma_start3A_210 : memref<1x!tpu.dma_semaphore, #tpu.memory_space<semaphore_mem>> -> memref<!tpu.dma_semaphore, #tpu.memory_space<semaphore_mem>>
    %dma_start3A_212 = arith.constant 48 : i32
    %dma_start3A_213 = arith.constant 0 : i32
    %dma_start3A_214 = tpu.memref_slice %arg5[%dma_start3A_202, %dma_start3A_212, %dma_start3A_213] : memref<4x64x128xf32, #tpu.memory_space<vmem>> -> memref<1x16x128xf32, #tpu.memory_space<vmem>>
    %dma_start3A_215 = tpu.memref_squeeze %dma_start3A_214 : memref<1x16x128xf32, #tpu.memory_space<vmem>> -> memref<16x128xf32, #tpu.memory_space<vmem>>
    %dma_start3A_216 = arith.constant 48 : i32
    %dma_start3A_217 = tpu.memref_slice %arg2[%dma_start3A_216, %add3A_201] : memref<64x16384xf32, #tpu.memory_space<hbm>> -> memref<16x128xf32, #tpu.memory_space<hbm>>
    tpu.enqueue_dma source(%dma_start3A_217 : memref<16x128xf32, #tpu.memory_space<hbm>>) target(%dma_start3A_215 : memref<16x128xf32, #tpu.memory_space<vmem>>) target_semaphore(%dma_start3A_211 : memref<!tpu.dma_semaphore, #tpu.memory_space<semaphore_mem>>)
    %add3A_218 = arith.constant 384 : i32
    %add3A_219 = arith.addi %mul3A_2, %add3A_218 : i32
    %dma_start3A_220 = arith.constant 3 : i32
    %dma_start3A_221 = arith.constant 12 : i32
    %dma_start3A_222 = arith.constant 0 : i32
    %dma_start3A_223 = arith.constant 0 : i32
    %dma_start3A_224 = tpu.memref_slice %arg5[%dma_start3A_220, %dma_start3A_222, %dma_start3A_223] : memref<4x64x128xf32, #tpu.memory_space<vmem>> -> memref<1x16x128xf32, #tpu.memory_space<vmem>>
    %dma_start3A_225 = tpu.memref_squeeze %dma_start3A_224 : memref<1x16x128xf32, #tpu.memory_space<vmem>> -> memref<16x128xf32, #tpu.memory_space<vmem>>
    %dma_start3A_226 = arith.constant 0 : i32
    %dma_start3A_227 = tpu.memref_slice %arg2[%dma_start3A_226, %add3A_219] : memref<64x16384xf32, #tpu.memory_space<hbm>> -> memref<16x128xf32, #tpu.memory_space<hbm>>
    %dma_start3A_228 = tpu.memref_slice %arg8[%dma_start3A_221] : memref<16x!tpu.dma_semaphore, #tpu.memory_space<semaphore_mem>> -> memref<1x!tpu.dma_semaphore, #tpu.memory_space<semaphore_mem>>
    %dma_start3A_229 = tpu.memref_squeeze %dma_start3A_228 : memref<1x!tpu.dma_semaphore, #tpu.memory_space<semaphore_mem>> -> memref<!tpu.dma_semaphore, #tpu.memory_space<semaphore_mem>>
    %dma_start3A_230 = arith.constant 0 : i32
    %dma_start3A_231 = arith.constant 0 : i32
    %dma_start3A_232 = tpu.memref_slice %arg5[%dma_start3A_220, %dma_start3A_230, %dma_start3A_231] : memref<4x64x128xf32, #tpu.memory_space<vmem>> -> memref<1x16x128xf32, #tpu.memory_space<vmem>>
    %dma_start3A_233 = tpu.memref_squeeze %dma_start3A_232 : memref<1x16x128xf32, #tpu.memory_space<vmem>> -> memref<16x128xf32, #tpu.memory_space<vmem>>
    %dma_start3A_234 = arith.constant 0 : i32
    %dma_start3A_235 = tpu.memref_slice %arg2[%dma_start3A_234, %add3A_219] : memref<64x16384xf32, #tpu.memory_space<hbm>> -> memref<16x128xf32, #tpu.memory_space<hbm>>
    tpu.enqueue_dma source(%dma_start3A_235 : memref<16x128xf32, #tpu.memory_space<hbm>>) target(%dma_start3A_233 : memref<16x128xf32, #tpu.memory_space<vmem>>) target_semaphore(%dma_start3A_229 : memref<!tpu.dma_semaphore, #tpu.memory_space<semaphore_mem>>)
    %add3A_236 = arith.constant 384 : i32
    %add3A_237 = arith.addi %mul3A_2, %add3A_236 : i32
    %dma_start3A_238 = arith.constant 3 : i32
    %dma_start3A_239 = arith.constant 13 : i32
    %dma_start3A_240 = arith.constant 16 : i32
    %dma_start3A_241 = arith.constant 0 : i32
    %dma_start3A_242 = tpu.memref_slice %arg5[%dma_start3A_238, %dma_start3A_240, %dma_start3A_241] : memref<4x64x128xf32, #tpu.memory_space<vmem>> -> memref<1x16x128xf32, #tpu.memory_space<vmem>>
    %dma_start3A_243 = tpu.memref_squeeze %dma_start3A_242 : memref<1x16x128xf32, #tpu.memory_space<vmem>> -> memref<16x128xf32, #tpu.memory_space<vmem>>
    %dma_start3A_244 = arith.constant 16 : i32
    %dma_start3A_245 = tpu.memref_slice %arg2[%dma_start3A_244, %add3A_237] : memref<64x16384xf32, #tpu.memory_space<hbm>> -> memref<16x128xf32, #tpu.memory_space<hbm>>
    %dma_start3A_246 = tpu.memref_slice %arg8[%dma_start3A_239] : memref<16x!tpu.dma_semaphore, #tpu.memory_space<semaphore_mem>> -> memref<1x!tpu.dma_semaphore, #tpu.memory_space<semaphore_mem>>
    %dma_start3A_247 = tpu.memref_squeeze %dma_start3A_246 : memref<1x!tpu.dma_semaphore, #tpu.memory_space<semaphore_mem>> -> memref<!tpu.dma_semaphore, #tpu.memory_space<semaphore_mem>>
    %dma_start3A_248 = arith.constant 16 : i32
    %dma_start3A_249 = arith.constant 0 : i32
    %dma_start3A_250 = tpu.memref_slice %arg5[%dma_start3A_238, %dma_start3A_248, %dma_start3A_249] : memref<4x64x128xf32, #tpu.memory_space<vmem>> -> memref<1x16x128xf32, #tpu.memory_space<vmem>>
    %dma_start3A_251 = tpu.memref_squeeze %dma_start3A_250 : memref<1x16x128xf32, #tpu.memory_space<vmem>> -> memref<16x128xf32, #tpu.memory_space<vmem>>
    %dma_start3A_252 = arith.constant 16 : i32
    %dma_start3A_253 = tpu.memref_slice %arg2[%dma_start3A_252, %add3A_237] : memref<64x16384xf32, #tpu.memory_space<hbm>> -> memref<16x128xf32, #tpu.memory_space<hbm>>
    tpu.enqueue_dma source(%dma_start3A_253 : memref<16x128xf32, #tpu.memory_space<hbm>>) target(%dma_start3A_251 : memref<16x128xf32, #tpu.memory_space<vmem>>) target_semaphore(%dma_start3A_247 : memref<!tpu.dma_semaphore, #tpu.memory_space<semaphore_mem>>)
    %add3A_254 = arith.constant 384 : i32
    %add3A_255 = arith.addi %mul3A_2, %add3A_254 : i32
    %dma_start3A_256 = arith.constant 3 : i32
    %dma_start3A_257 = arith.constant 14 : i32
    %dma_start3A_258 = arith.constant 32 : i32
    %dma_start3A_259 = arith.constant 0 : i32
    %dma_start3A_260 = tpu.memref_slice %arg5[%dma_start3A_256, %dma_start3A_258, %dma_start3A_259] : memref<4x64x128xf32, #tpu.memory_space<vmem>> -> memref<1x16x128xf32, #tpu.memory_space<vmem>>
    %dma_start3A_261 = tpu.memref_squeeze %dma_start3A_260 : memref<1x16x128xf32, #tpu.memory_space<vmem>> -> memref<16x128xf32, #tpu.memory_space<vmem>>
    %dma_start3A_262 = arith.constant 32 : i32
    %dma_start3A_263 = tpu.memref_slice %arg2[%dma_start3A_262, %add3A_255] : memref<64x16384xf32, #tpu.memory_space<hbm>> -> memref<16x128xf32, #tpu.memory_space<hbm>>
    %dma_start3A_264 = tpu.memref_slice %arg8[%dma_start3A_257] : memref<16x!tpu.dma_semaphore, #tpu.memory_space<semaphore_mem>> -> memref<1x!tpu.dma_semaphore, #tpu.memory_space<semaphore_mem>>
    %dma_start3A_265 = tpu.memref_squeeze %dma_start3A_264 : memref<1x!tpu.dma_semaphore, #tpu.memory_space<semaphore_mem>> -> memref<!tpu.dma_semaphore, #tpu.memory_space<semaphore_mem>>
    %dma_start3A_266 = arith.constant 32 : i32
    %dma_start3A_267 = arith.constant 0 : i32
    %dma_start3A_268 = tpu.memref_slice %arg5[%dma_start3A_256, %dma_start3A_266, %dma_start3A_267] : memref<4x64x128xf32, #tpu.memory_space<vmem>> -> memref<1x16x128xf32, #tpu.memory_space<vmem>>
    %dma_start3A_269 = tpu.memref_squeeze %dma_start3A_268 : memref<1x16x128xf32, #tpu.memory_space<vmem>> -> memref<16x128xf32, #tpu.memory_space<vmem>>
    %dma_start3A_270 = arith.constant 32 : i32
    %dma_start3A_271 = tpu.memref_slice %arg2[%dma_start3A_270, %add3A_255] : memref<64x16384xf32, #tpu.memory_space<hbm>> -> memref<16x128xf32, #tpu.memory_space<hbm>>
    tpu.enqueue_dma source(%dma_start3A_271 : memref<16x128xf32, #tpu.memory_space<hbm>>) target(%dma_start3A_269 : memref<16x128xf32, #tpu.memory_space<vmem>>) target_semaphore(%dma_start3A_265 : memref<!tpu.dma_semaphore, #tpu.memory_space<semaphore_mem>>)
    %add3A_272 = arith.constant 384 : i32
    %add3A_273 = arith.addi %mul3A_2, %add3A_272 : i32
    %dma_start3A_274 = arith.constant 3 : i32
    %dma_start3A_275 = arith.constant 15 : i32
    %dma_start3A_276 = arith.constant 48 : i32
    %dma_start3A_277 = arith.constant 0 : i32
    %dma_start3A_278 = tpu.memref_slice %arg5[%dma_start3A_274, %dma_start3A_276, %dma_start3A_277] : memref<4x64x128xf32, #tpu.memory_space<vmem>> -> memref<1x16x128xf32, #tpu.memory_space<vmem>>
    %dma_start3A_279 = tpu.memref_squeeze %dma_start3A_278 : memref<1x16x128xf32, #tpu.memory_space<vmem>> -> memref<16x128xf32, #tpu.memory_space<vmem>>
    %dma_start3A_280 = arith.constant 48 : i32
    %dma_start3A_281 = tpu.memref_slice %arg2[%dma_start3A_280, %add3A_273] : memref<64x16384xf32, #tpu.memory_space<hbm>> -> memref<16x128xf32, #tpu.memory_space<hbm>>
    %dma_start3A_282 = tpu.memref_slice %arg8[%dma_start3A_275] : memref<16x!tpu.dma_semaphore, #tpu.memory_space<semaphore_mem>> -> memref<1x!tpu.dma_semaphore, #tpu.memory_space<semaphore_mem>>
    %dma_start3A_283 = tpu.memref_squeeze %dma_start3A_282 : memref<1x!tpu.dma_semaphore, #tpu.memory_space<semaphore_mem>> -> memref<!tpu.dma_semaphore, #tpu.memory_space<semaphore_mem>>
    %dma_start3A_284 = arith.constant 48 : i32
    %dma_start3A_285 = arith.constant 0 : i32
    %dma_start3A_286 = tpu.memref_slice %arg5[%dma_start3A_274, %dma_start3A_284, %dma_start3A_285] : memref<4x64x128xf32, #tpu.memory_space<vmem>> -> memref<1x16x128xf32, #tpu.memory_space<vmem>>
    %dma_start3A_287 = tpu.memref_squeeze %dma_start3A_286 : memref<1x16x128xf32, #tpu.memory_space<vmem>> -> memref<16x128xf32, #tpu.memory_space<vmem>>
    %dma_start3A_288 = arith.constant 48 : i32
    %dma_start3A_289 = tpu.memref_slice %arg2[%dma_start3A_288, %add3A_273] : memref<64x16384xf32, #tpu.memory_space<hbm>> -> memref<16x128xf32, #tpu.memory_space<hbm>>
    tpu.enqueue_dma source(%dma_start3A_289 : memref<16x128xf32, #tpu.memory_space<hbm>>) target(%dma_start3A_287 : memref<16x128xf32, #tpu.memory_space<vmem>>) target_semaphore(%dma_start3A_283 : memref<!tpu.dma_semaphore, #tpu.memory_space<semaphore_mem>>)
    %iota3A = tpu.iota {dimensions = array<i32: 0>} : vector<16xi32>
    %broadcast_in_dim3A = arith.constant 0.000000e+00 : f32
    %broadcast_in_dim3A_290 = vector.broadcast %broadcast_in_dim3A : f32 to vector<16xf32>
    %broadcast_in_dim3A_291 = arith.constant 1.000000e+00 : f32
    %broadcast_in_dim3A_292 = vector.broadcast %broadcast_in_dim3A_291 : f32 to vector<16xf32>
    %swap3A = arith.constant 0 : index
    %swap3A_293 = tpu.vector_load %arg6[%swap3A] {strides = array<i32>} : memref<64xf32, #tpu.memory_space<vmem>>, vector<16xf32>,
    tpu.vector_store %arg6[%swap3A], %broadcast_in_dim3A_290 {strides = array<i32>} : memref<64xf32, #tpu.memory_space<vmem>>, vector<16xf32>,
    %swap3A_294 = arith.constant 16 : index
    %swap3A_295 = tpu.vector_load %arg6[%swap3A_294] {strides = array<i32>} : memref<64xf32, #tpu.memory_space<vmem>>, vector<16xf32>,
    tpu.vector_store %arg6[%swap3A_294], %broadcast_in_dim3A_290 {strides = array<i32>} : memref<64xf32, #tpu.memory_space<vmem>>, vector<16xf32>,
    %swap3A_296 = arith.constant 32 : index
    %swap3A_297 = tpu.vector_load %arg6[%swap3A_296] {strides = array<i32>} : memref<64xf32, #tpu.memory_space<vmem>>, vector<16xf32>,
    tpu.vector_store %arg6[%swap3A_296], %broadcast_in_dim3A_290 {strides = array<i32>} : memref<64xf32, #tpu.memory_space<vmem>>, vector<16xf32>,
    %swap3A_298 = arith.constant 48 : index
    %swap3A_299 = tpu.vector_load %arg6[%swap3A_298] {strides = array<i32>} : memref<64xf32, #tpu.memory_space<vmem>>, vector<16xf32>,
    tpu.vector_store %arg6[%swap3A_298], %broadcast_in_dim3A_290 {strides = array<i32>} : memref<64xf32, #tpu.memory_space<vmem>>, vector<16xf32>,
    %dma_wait3A = arith.constant 0 : i32
    %dma_wait3A_300 = arith.constant 0 : i32
    %dma_wait3A_301 = arith.constant 0 : i32
    %dma_wait3A_302 = arith.constant 0 : i32
    %dma_wait3A_303 = tpu.memref_slice %arg5[%dma_wait3A, %dma_wait3A_301, %dma_wait3A_302] : memref<4x64x128xf32, #tpu.memory_space<vmem>> -> memref<1x16x128xf32, #tpu.memory_space<vmem>>
    %dma_wait3A_304 = tpu.memref_squeeze %dma_wait3A_303 : memref<1x16x128xf32, #tpu.memory_space<vmem>> -> memref<16x128xf32, #tpu.memory_space<vmem>>
    %dma_wait3A_305 = arith.constant 0 : i32
    %dma_wait3A_306 = tpu.memref_slice %arg2[%dma_wait3A_305, %add3A_4] : memref<64x16384xf32, #tpu.memory_space<hbm>> -> memref<16x128xf32, #tpu.memory_space<hbm>>
    %dma_wait3A_307 = tpu.memref_slice %arg8[%dma_wait3A_300] : memref<16x!tpu.dma_semaphore, #tpu.memory_space<semaphore_mem>> -> memref<1x!tpu.dma_semaphore, #tpu.memory_space<semaphore_mem>>
    %dma_wait3A_308 = tpu.memref_squeeze %dma_wait3A_307 : memref<1x!tpu.dma_semaphore, #tpu.memory_space<semaphore_mem>> -> memref<!tpu.dma_semaphore, #tpu.memory_space<semaphore_mem>>
    %dma_wait3A_309 = arith.constant 0 : i32
    %dma_wait3A_310 = arith.constant 0 : i32
    %dma_wait3A_311 = tpu.memref_slice %arg5[%dma_wait3A, %dma_wait3A_309, %dma_wait3A_310] : memref<4x64x128xf32, #tpu.memory_space<vmem>> -> memref<1x16x128xf32, #tpu.memory_space<vmem>>
    %dma_wait3A_312 = tpu.memref_squeeze %dma_wait3A_311 : memref<1x16x128xf32, #tpu.memory_space<vmem>> -> memref<16x128xf32, #tpu.memory_space<vmem>>
    %dma_wait3A_313 = arith.constant 0 : i32
    %dma_wait3A_314 = tpu.memref_slice %arg2[%dma_wait3A_313, %add3A_4] : memref<64x16384xf32, #tpu.memory_space<hbm>> -> memref<16x128xf32, #tpu.memory_space<hbm>>
    tpu.wait_dma2 semaphore(%dma_wait3A_308 : memref<!tpu.dma_semaphore, #tpu.memory_space<semaphore_mem>>) src(%dma_wait3A_314 : memref<16x128xf32, #tpu.memory_space<hbm>>) dst(%dma_wait3A_312 : memref<16x128xf32, #tpu.memory_space<vmem>>)
    %dma_wait3A_315 = arith.constant 0 : i32
    %dma_wait3A_316 = arith.constant 1 : i32
    %dma_wait3A_317 = arith.constant 16 : i32
    %dma_wait3A_318 = arith.constant 0 : i32
    %dma_wait3A_319 = tpu.memref_slice %arg5[%dma_wait3A_315, %dma_wait3A_317, %dma_wait3A_318] : memref<4x64x128xf32, #tpu.memory_space<vmem>> -> memref<1x16x128xf32, #tpu.memory_space<vmem>>
    %dma_wait3A_320 = tpu.memref_squeeze %dma_wait3A_319 : memref<1x16x128xf32, #tpu.memory_space<vmem>> -> memref<16x128xf32, #tpu.memory_space<vmem>>
    %dma_wait3A_321 = arith.constant 16 : i32
    %dma_wait3A_322 = tpu.memref_slice %arg2[%dma_wait3A_321, %add3A_21] : memref<64x16384xf32, #tpu.memory_space<hbm>> -> memref<16x128xf32, #tpu.memory_space<hbm>>
    %dma_wait3A_323 = tpu.memref_slice %arg8[%dma_wait3A_316] : memref<16x!tpu.dma_semaphore, #tpu.memory_space<semaphore_mem>> -> memref<1x!tpu.dma_semaphore, #tpu.memory_space<semaphore_mem>>
    %dma_wait3A_324 = tpu.memref_squeeze %dma_wait3A_323 : memref<1x!tpu.dma_semaphore, #tpu.memory_space<semaphore_mem>> -> memref<!tpu.dma_semaphore, #tpu.memory_space<semaphore_mem>>
    %dma_wait3A_325 = arith.constant 16 : i32
    %dma_wait3A_326 = arith.constant 0 : i32
    %dma_wait3A_327 = tpu.memref_slice %arg5[%dma_wait3A_315, %dma_wait3A_325, %dma_wait3A_326] : memref<4x64x128xf32, #tpu.memory_space<vmem>> -> memref<1x16x128xf32, #tpu.memory_space<vmem>>
    %dma_wait3A_328 = tpu.memref_squeeze %dma_wait3A_327 : memref<1x16x128xf32, #tpu.memory_space<vmem>> -> memref<16x128xf32, #tpu.memory_space<vmem>>
    %dma_wait3A_329 = arith.constant 16 : i32
    %dma_wait3A_330 = tpu.memref_slice %arg2[%dma_wait3A_329, %add3A_21] : memref<64x16384xf32, #tpu.memory_space<hbm>> -> memref<16x128xf32, #tpu.memory_space<hbm>>
    tpu.wait_dma2 semaphore(%dma_wait3A_324 : memref<!tpu.dma_semaphore, #tpu.memory_space<semaphore_mem>>) src(%dma_wait3A_330 : memref<16x128xf32, #tpu.memory_space<hbm>>) dst(%dma_wait3A_328 : memref<16x128xf32, #tpu.memory_space<vmem>>)
    %dma_wait3A_331 = arith.constant 0 : i32
    %dma_wait3A_332 = arith.constant 2 : i32
    %dma_wait3A_333 = arith.constant 32 : i32
    %dma_wait3A_334 = arith.constant 0 : i32
    %dma_wait3A_335 = tpu.memref_slice %arg5[%dma_wait3A_331, %dma_wait3A_333, %dma_wait3A_334] : memref<4x64x128xf32, #tpu.memory_space<vmem>> -> memref<1x16x128xf32, #tpu.memory_space<vmem>>
    %dma_wait3A_336 = tpu.memref_squeeze %dma_wait3A_335 : memref<1x16x128xf32, #tpu.memory_space<vmem>> -> memref<16x128xf32, #tpu.memory_space<vmem>>
    %dma_wait3A_337 = arith.constant 32 : i32
    %dma_wait3A_338 = tpu.memref_slice %arg2[%dma_wait3A_337, %add3A_39] : memref<64x16384xf32, #tpu.memory_space<hbm>> -> memref<16x128xf32, #tpu.memory_space<hbm>>
    %dma_wait3A_339 = tpu.memref_slice %arg8[%dma_wait3A_332] : memref<16x!tpu.dma_semaphore, #tpu.memory_space<semaphore_mem>> -> memref<1x!tpu.dma_semaphore, #tpu.memory_space<semaphore_mem>>
    %dma_wait3A_340 = tpu.memref_squeeze %dma_wait3A_339 : memref<1x!tpu.dma_semaphore, #tpu.memory_space<semaphore_mem>> -> memref<!tpu.dma_semaphore, #tpu.memory_space<semaphore_mem>>
    %dma_wait3A_341 = arith.constant 32 : i32
    %dma_wait3A_342 = arith.constant 0 : i32
    %dma_wait3A_343 = tpu.memref_slice %arg5[%dma_wait3A_331, %dma_wait3A_341, %dma_wait3A_342] : memref<4x64x128xf32, #tpu.memory_space<vmem>> -> memref<1x16x128xf32, #tpu.memory_space<vmem>>
    %dma_wait3A_344 = tpu.memref_squeeze %dma_wait3A_343 : memref<1x16x128xf32, #tpu.memory_space<vmem>> -> memref<16x128xf32, #tpu.memory_space<vmem>>
    %dma_wait3A_345 = arith.constant 32 : i32
    %dma_wait3A_346 = tpu.memref_slice %arg2[%dma_wait3A_345, %add3A_39] : memref<64x16384xf32, #tpu.memory_space<hbm>> -> memref<16x128xf32, #tpu.memory_space<hbm>>
    tpu.wait_dma2 semaphore(%dma_wait3A_340 : memref<!tpu.dma_semaphore, #tpu.memory_space<semaphore_mem>>) src(%dma_wait3A_346 : memref<16x128xf32, #tpu.memory_space<hbm>>) dst(%dma_wait3A_344 : memref<16x128xf32, #tpu.memory_space<vmem>>)
    %dma_wait3A_347 = arith.constant 0 : i32
    %dma_wait3A_348 = arith.constant 3 : i32
    %dma_wait3A_349 = arith.constant 48 : i32
    %dma_wait3A_350 = arith.constant 0 : i32
    %dma_wait3A_351 = tpu.memref_slice %arg5[%dma_wait3A_347, %dma_wait3A_349, %dma_wait3A_350] : memref<4x64x128xf32, #tpu.memory_space<vmem>> -> memref<1x16x128xf32, #tpu.memory_space<vmem>>
    %dma_wait3A_352 = tpu.memref_squeeze %dma_wait3A_351 : memref<1x16x128xf32, #tpu.memory_space<vmem>> -> memref<16x128xf32, #tpu.memory_space<vmem>>
    %dma_wait3A_353 = arith.constant 48 : i32
    %dma_wait3A_354 = tpu.memref_slice %arg2[%dma_wait3A_353, %add3A_57] : memref<64x16384xf32, #tpu.memory_space<hbm>> -> memref<16x128xf32, #tpu.memory_space<hbm>>
    %dma_wait3A_355 = tpu.memref_slice %arg8[%dma_wait3A_348] : memref<16x!tpu.dma_semaphore, #tpu.memory_space<semaphore_mem>> -> memref<1x!tpu.dma_semaphore, #tpu.memory_space<semaphore_mem>>
    %dma_wait3A_356 = tpu.memref_squeeze %dma_wait3A_355 : memref<1x!tpu.dma_semaphore, #tpu.memory_space<semaphore_mem>> -> memref<!tpu.dma_semaphore, #tpu.memory_space<semaphore_mem>>
    %dma_wait3A_357 = arith.constant 48 : i32
    %dma_wait3A_358 = arith.constant 0 : i32
    %dma_wait3A_359 = tpu.memref_slice %arg5[%dma_wait3A_347, %dma_wait3A_357, %dma_wait3A_358] : memref<4x64x128xf32, #tpu.memory_space<vmem>> -> memref<1x16x128xf32, #tpu.memory_space<vmem>>
    %dma_wait3A_360 = tpu.memref_squeeze %dma_wait3A_359 : memref<1x16x128xf32, #tpu.memory_space<vmem>> -> memref<16x128xf32, #tpu.memory_space<vmem>>
    %dma_wait3A_361 = arith.constant 48 : i32
    %dma_wait3A_362 = tpu.memref_slice %arg2[%dma_wait3A_361, %add3A_57] : memref<64x16384xf32, #tpu.memory_space<hbm>> -> memref<16x128xf32, #tpu.memory_space<hbm>>
    tpu.wait_dma2 semaphore(%dma_wait3A_356 : memref<!tpu.dma_semaphore, #tpu.memory_space<semaphore_mem>>) src(%dma_wait3A_362 : memref<16x128xf32, #tpu.memory_space<hbm>>) dst(%dma_wait3A_360 : memref<16x128xf32, #tpu.memory_space<vmem>>)
    %scan3A = arith.constant 0 : i32
    %scan3A_363 = arith.constant 8 : i32
    %scan3A_364 = arith.addi %scan3A, %scan3A_363 : i32
    %scan3A_365 = arith.constant 1 : i32
    %scan3A_366 = scf.for %scan3A_580 = %scan3A to %scan3A_364 step %scan3A_365 iter_args(%scan3A_581 = %broadcast_in_dim3A_290) -> (vector<16xf32>)  : i32 {
      %mul3A_582 = arith.constant 16 : i32
      %mul3A_583 = arith.muli %scan3A_580, %mul3A_582 : i32
      %get3A = arith.constant 0 : i32
      %get3A_584 = arith.constant 0 : i32
      %get3A_585 = arith.index_cast %get3A : i32 to index
      %get3A_586 = arith.index_cast %get3A_584 : i32 to index
      %get3A_587 = arith.index_cast %mul3A_583 : i32 to index
      %get3A_588 = tpu.vector_load %arg5[%get3A_585, %get3A_586, %get3A_587] {strides = array<i32>} : memref<4x64x128xf32, #tpu.memory_space<vmem>>, vector<16xf32>,
      %broadcast_in_dim3A_589 = arith.constant 0 : i32
      %broadcast_in_dim3A_590 = vector.broadcast %broadcast_in_dim3A_589 : i32 to vector<16xi32>
      %get3A_591 = arith.constant 0 : i32
      %get3A_592 = arith.constant 1 : i32
      %get3A_593 = arith.index_cast %get3A_591 : i32 to index
      %get3A_594 = arith.index_cast %get3A_592 : i32 to index
      %get3A_595 = arith.index_cast %mul3A_583 : i32 to index
      %get3A_596 = tpu.vector_load %arg5[%get3A_593, %get3A_594, %get3A_595] {strides = array<i32>} : memref<4x64x128xf32, #tpu.memory_space<vmem>>, vector<16xf32>,
      %gt3A = arith.cmpf ogt, %get3A_596, %get3A_588 : vector<16xf32>
      %jit3A = arith.constant 1 : i32
      %broadcast_in_dim3A_597 = vector.broadcast %jit3A : i32 to vector<16xi32>
      %select_n3A = arith.select %gt3A, %broadcast_in_dim3A_597, %broadcast_in_dim3A_590 : vector<16xi1>, vector<16xi32>
      %max3A = arith.maximumf %get3A_588, %get3A_596 : vector<16xf32>
      %get3A_598 = arith.constant 0 : i32
      %get3A_599 = arith.constant 2 : i32
      %get3A_600 = arith.index_cast %get3A_598 : i32 to index
      %get3A_601 = arith.index_cast %get3A_599 : i32 to index
      %get3A_602 = arith.index_cast %mul3A_583 : i32 to index
      %get3A_603 = tpu.vector_load %arg5[%get3A_600, %get3A_601, %get3A_602] {strides = array<i32>} : memref<4x64x128xf32, #tpu.memory_space<vmem>>, vector<16xf32>,
      %gt3A_604 = arith.cmpf ogt, %get3A_603, %max3A : vector<16xf32>
      %jit3A_605 = arith.constant 2 : i32
      %broadcast_in_dim3A_606 = vector.broadcast %jit3A_605 : i32 to vector<16xi32>
      %select_n3A_607 = arith.select %gt3A_604, %broadcast_in_dim3A_606, %select_n3A : vector<16xi1>, vector<16xi32>
      %max3A_608 = arith.maximumf %max3A, %get3A_603 : vector<16xf32>
      %get3A_609 = arith.constant 0 : i32
      %get3A_610 = arith.constant 3 : i32
      %get3A_611 = arith.index_cast %get3A_609 : i32 to index
      %get3A_612 = arith.index_cast %get3A_610 : i32 to index
      %get3A_613 = arith.index_cast %mul3A_583 : i32 to index
      %get3A_614 = tpu.vector_load %arg5[%get3A_611, %get3A_612, %get3A_613] {strides = array<i32>} : memref<4x64x128xf32, #tpu.memory_space<vmem>>, vector<16xf32>,
      %gt3A_615 = arith.cmpf ogt, %get3A_614, %max3A_608 : vector<16xf32>
      %jit3A_616 = arith.constant 3 : i32
      %broadcast_in_dim3A_617 = vector.broadcast %jit3A_616 : i32 to vector<16xi32>
      %select_n3A_618 = arith.select %gt3A_615, %broadcast_in_dim3A_617, %select_n3A_607 : vector<16xi1>, vector<16xi32>
      %max3A_619 = arith.maximumf %max3A_608, %get3A_614 : vector<16xf32>
      %get3A_620 = arith.constant 0 : i32
      %get3A_621 = arith.constant 4 : i32
      %get3A_622 = arith.index_cast %get3A_620 : i32 to index
      %get3A_623 = arith.index_cast %get3A_621 : i32 to index
      %get3A_624 = arith.index_cast %mul3A_583 : i32 to index
      %get3A_625 = tpu.vector_load %arg5[%get3A_622, %get3A_623, %get3A_624] {strides = array<i32>} : memref<4x64x128xf32, #tpu.memory_space<vmem>>, vector<16xf32>,
      %gt3A_626 = arith.cmpf ogt, %get3A_625, %max3A_619 : vector<16xf32>
      %jit3A_627 = arith.constant 4 : i32
      %broadcast_in_dim3A_628 = vector.broadcast %jit3A_627 : i32 to vector<16xi32>
      %select_n3A_629 = arith.select %gt3A_626, %broadcast_in_dim3A_628, %select_n3A_618 : vector<16xi1>, vector<16xi32>
      %max3A_630 = arith.maximumf %max3A_619, %get3A_625 : vector<16xf32>
      %get3A_631 = arith.constant 0 : i32
      %get3A_632 = arith.constant 5 : i32
      %get3A_633 = arith.index_cast %get3A_631 : i32 to index
      %get3A_634 = arith.index_cast %get3A_632 : i32 to index
      %get3A_635 = arith.index_cast %mul3A_583 : i32 to index
      %get3A_636 = tpu.vector_load %arg5[%get3A_633, %get3A_634, %get3A_635] {strides = array<i32>} : memref<4x64x128xf32, #tpu.memory_space<vmem>>, vector<16xf32>,
      %gt3A_637 = arith.cmpf ogt, %get3A_636, %max3A_630 : vector<16xf32>
      %jit3A_638 = arith.constant 5 : i32
      %broadcast_in_dim3A_639 = vector.broadcast %jit3A_638 : i32 to vector<16xi32>
      %select_n3A_640 = arith.select %gt3A_637, %broadcast_in_dim3A_639, %select_n3A_629 : vector<16xi1>, vector<16xi32>
      %max3A_641 = arith.maximumf %max3A_630, %get3A_636 : vector<16xf32>
      %get3A_642 = arith.constant 0 : i32
      %get3A_643 = arith.constant 6 : i32
      %get3A_644 = arith.index_cast %get3A_642 : i32 to index
      %get3A_645 = arith.index_cast %get3A_643 : i32 to index
      %get3A_646 = arith.index_cast %mul3A_583 : i32 to index
      %get3A_647 = tpu.vector_load %arg5[%get3A_644, %get3A_645, %get3A_646] {strides = array<i32>} : memref<4x64x128xf32, #tpu.memory_space<vmem>>, vector<16xf32>,
      %gt3A_648 = arith.cmpf ogt, %get3A_647, %max3A_641 : vector<16xf32>
      %jit3A_649 = arith.constant 6 : i32
      %broadcast_in_dim3A_650 = vector.broadcast %jit3A_649 : i32 to vector<16xi32>
      %select_n3A_651 = arith.select %gt3A_648, %broadcast_in_dim3A_650, %select_n3A_640 : vector<16xi1>, vector<16xi32>
      %max3A_652 = arith.maximumf %max3A_641, %get3A_647 : vector<16xf32>
      %get3A_653 = arith.constant 0 : i32
      %get3A_654 = arith.constant 7 : i32
      %get3A_655 = arith.index_cast %get3A_653 : i32 to index
      %get3A_656 = arith.index_cast %get3A_654 : i32 to index
      %get3A_657 = arith.index_cast %mul3A_583 : i32 to index
      %get3A_658 = tpu.vector_load %arg5[%get3A_655, %get3A_656, %get3A_657] {strides = array<i32>} : memref<4x64x128xf32, #tpu.memory_space<vmem>>, vector<16xf32>,
      %gt3A_659 = arith.cmpf ogt, %get3A_658, %max3A_652 : vector<16xf32>
      %jit3A_660 = arith.constant 7 : i32
      %broadcast_in_dim3A_661 = vector.broadcast %jit3A_660 : i32 to vector<16xi32>
      %select_n3A_662 = arith.select %gt3A_659, %broadcast_in_dim3A_661, %select_n3A_651 : vector<16xi1>, vector<16xi32>
      %max3A_663 = arith.maximumf %max3A_652, %get3A_658 : vector<16xf32>
      %get3A_664 = arith.constant 0 : i32
      %get3A_665 = arith.constant 8 : i32
      %get3A_666 = arith.index_cast %get3A_664 : i32 to index
      %get3A_667 = arith.index_cast %get3A_665 : i32 to index
      %get3A_668 = arith.index_cast %mul3A_583 : i32 to index
      %get3A_669 = tpu.vector_load %arg5[%get3A_666, %get3A_667, %get3A_668] {strides = array<i32>} : memref<4x64x128xf32, #tpu.memory_space<vmem>>, vector<16xf32>,
      %gt3A_670 = arith.cmpf ogt, %get3A_669, %max3A_663 : vector<16xf32>
      %jit3A_671 = arith.constant 8 : i32
      %broadcast_in_dim3A_672 = vector.broadcast %jit3A_671 : i32 to vector<16xi32>
      %select_n3A_673 = arith.select %gt3A_670, %broadcast_in_dim3A_672, %select_n3A_662 : vector<16xi1>, vector<16xi32>
      %max3A_674 = arith.maximumf %max3A_663, %get3A_669 : vector<16xf32>
      %get3A_675 = arith.constant 0 : i32
      %get3A_676 = arith.constant 9 : i32
      %get3A_677 = arith.index_cast %get3A_675 : i32 to index
      %get3A_678 = arith.index_cast %get3A_676 : i32 to index
      %get3A_679 = arith.index_cast %mul3A_583 : i32 to index
      %get3A_680 = tpu.vector_load %arg5[%get3A_677, %get3A_678, %get3A_679] {strides = array<i32>} : memref<4x64x128xf32, #tpu.memory_space<vmem>>, vector<16xf32>,
      %gt3A_681 = arith.cmpf ogt, %get3A_680, %max3A_674 : vector<16xf32>
      %jit3A_682 = arith.constant 9 : i32
      %broadcast_in_dim3A_683 = vector.broadcast %jit3A_682 : i32 to vector<16xi32>
      %select_n3A_684 = arith.select %gt3A_681, %broadcast_in_dim3A_683, %select_n3A_673 : vector<16xi1>, vector<16xi32>
      %max3A_685 = arith.maximumf %max3A_674, %get3A_680 : vector<16xf32>
      %get3A_686 = arith.constant 0 : i32
      %get3A_687 = arith.constant 10 : i32
      %get3A_688 = arith.index_cast %get3A_686 : i32 to index
      %get3A_689 = arith.index_cast %get3A_687 : i32 to index
      %get3A_690 = arith.index_cast %mul3A_583 : i32 to index
      %get3A_691 = tpu.vector_load %arg5[%get3A_688, %get3A_689, %get3A_690] {strides = array<i32>} : memref<4x64x128xf32, #tpu.memory_space<vmem>>, vector<16xf32>,
      %gt3A_692 = arith.cmpf ogt, %get3A_691, %max3A_685 : vector<16xf32>
      %jit3A_693 = arith.constant 10 : i32
      %broadcast_in_dim3A_694 = vector.broadcast %jit3A_693 : i32 to vector<16xi32>
      %select_n3A_695 = arith.select %gt3A_692, %broadcast_in_dim3A_694, %select_n3A_684 : vector<16xi1>, vector<16xi32>
      %max3A_696 = arith.maximumf %max3A_685, %get3A_691 : vector<16xf32>
      %get3A_697 = arith.constant 0 : i32
      %get3A_698 = arith.constant 11 : i32
      %get3A_699 = arith.index_cast %get3A_697 : i32 to index
      %get3A_700 = arith.index_cast %get3A_698 : i32 to index
      %get3A_701 = arith.index_cast %mul3A_583 : i32 to index
      %get3A_702 = tpu.vector_load %arg5[%get3A_699, %get3A_700, %get3A_701] {strides = array<i32>} : memref<4x64x128xf32, #tpu.memory_space<vmem>>, vector<16xf32>,
      %gt3A_703 = arith.cmpf ogt, %get3A_702, %max3A_696 : vector<16xf32>
      %jit3A_704 = arith.constant 11 : i32
      %broadcast_in_dim3A_705 = vector.broadcast %jit3A_704 : i32 to vector<16xi32>
      %select_n3A_706 = arith.select %gt3A_703, %broadcast_in_dim3A_705, %select_n3A_695 : vector<16xi1>, vector<16xi32>
      %max3A_707 = arith.maximumf %max3A_696, %get3A_702 : vector<16xf32>
      %get3A_708 = arith.constant 0 : i32
      %get3A_709 = arith.constant 12 : i32
      %get3A_710 = arith.index_cast %get3A_708 : i32 to index
      %get3A_711 = arith.index_cast %get3A_709 : i32 to index
      %get3A_712 = arith.index_cast %mul3A_583 : i32 to index
      %get3A_713 = tpu.vector_load %arg5[%get3A_710, %get3A_711, %get3A_712] {strides = array<i32>} : memref<4x64x128xf32, #tpu.memory_space<vmem>>, vector<16xf32>,
      %gt3A_714 = arith.cmpf ogt, %get3A_713, %max3A_707 : vector<16xf32>
      %jit3A_715 = arith.constant 12 : i32
      %broadcast_in_dim3A_716 = vector.broadcast %jit3A_715 : i32 to vector<16xi32>
      %select_n3A_717 = arith.select %gt3A_714, %broadcast_in_dim3A_716, %select_n3A_706 : vector<16xi1>, vector<16xi32>
      %max3A_718 = arith.maximumf %max3A_707, %get3A_713 : vector<16xf32>
      %get3A_719 = arith.constant 0 : i32
      %get3A_720 = arith.constant 13 : i32
      %get3A_721 = arith.index_cast %get3A_719 : i32 to index
      %get3A_722 = arith.index_cast %get3A_720 : i32 to index
      %get3A_723 = arith.index_cast %mul3A_583 : i32 to index
      %get3A_724 = tpu.vector_load %arg5[%get3A_721, %get3A_722, %get3A_723] {strides = array<i32>} : memref<4x64x128xf32, #tpu.memory_space<vmem>>, vector<16xf32>,
      %gt3A_725 = arith.cmpf ogt, %get3A_724, %max3A_718 : vector<16xf32>
      %jit3A_726 = arith.constant 13 : i32
      %broadcast_in_dim3A_727 = vector.broadcast %jit3A_726 : i32 to vector<16xi32>
      %select_n3A_728 = arith.select %gt3A_725, %broadcast_in_dim3A_727, %select_n3A_717 : vector<16xi1>, vector<16xi32>
      %max3A_729 = arith.maximumf %max3A_718, %get3A_724 : vector<16xf32>
      %get3A_730 = arith.constant 0 : i32
      %get3A_731 = arith.constant 14 : i32
      %get3A_732 = arith.index_cast %get3A_730 : i32 to index
      %get3A_733 = arith.index_cast %get3A_731 : i32 to index
      %get3A_734 = arith.index_cast %mul3A_583 : i32 to index
      %get3A_735 = tpu.vector_load %arg5[%get3A_732, %get3A_733, %get3A_734] {strides = array<i32>} : memref<4x64x128xf32, #tpu.memory_space<vmem>>, vector<16xf32>,
      %gt3A_736 = arith.cmpf ogt, %get3A_735, %max3A_729 : vector<16xf32>
      %jit3A_737 = arith.constant 14 : i32
      %broadcast_in_dim3A_738 = vector.broadcast %jit3A_737 : i32 to vector<16xi32>
      %select_n3A_739 = arith.select %gt3A_736, %broadcast_in_dim3A_738, %select_n3A_728 : vector<16xi1>, vector<16xi32>
      %max3A_740 = arith.maximumf %max3A_729, %get3A_735 : vector<16xf32>
      %get3A_741 = arith.constant 0 : i32
      %get3A_742 = arith.constant 15 : i32
      %get3A_743 = arith.index_cast %get3A_741 : i32 to index
      %get3A_744 = arith.index_cast %get3A_742 : i32 to index
      %get3A_745 = arith.index_cast %mul3A_583 : i32 to index
      %get3A_746 = tpu.vector_load %arg5[%get3A_743, %get3A_744, %get3A_745] {strides = array<i32>} : memref<4x64x128xf32, #tpu.memory_space<vmem>>, vector<16xf32>,
      %gt3A_747 = arith.cmpf ogt, %get3A_746, %max3A_740 : vector<16xf32>
      %jit3A_748 = arith.constant 15 : i32
      %broadcast_in_dim3A_749 = vector.broadcast %jit3A_748 : i32 to vector<16xi32>
      %select_n3A_750 = arith.select %gt3A_747, %broadcast_in_dim3A_749, %select_n3A_739 : vector<16xi1>, vector<16xi32>
      %max3A_751 = arith.maximumf %max3A_740, %get3A_746 : vector<16xf32>
      %get3A_752 = arith.constant 0 : i32
      %get3A_753 = arith.constant 16 : i32
      %get3A_754 = arith.index_cast %get3A_752 : i32 to index
      %get3A_755 = arith.index_cast %get3A_753 : i32 to index
      %get3A_756 = arith.index_cast %mul3A_583 : i32 to index
      %get3A_757 = tpu.vector_load %arg5[%get3A_754, %get3A_755, %get3A_756] {strides = array<i32>} : memref<4x64x128xf32, #tpu.memory_space<vmem>>, vector<16xf32>,
      %broadcast_in_dim3A_758 = arith.constant 16 : i32
      %broadcast_in_dim3A_759 = vector.broadcast %broadcast_in_dim3A_758 : i32 to vector<16xi32>
      %get3A_760 = arith.constant 0 : i32
      %get3A_761 = arith.constant 17 : i32
      %get3A_762 = arith.index_cast %get3A_760 : i32 to index
      %get3A_763 = arith.index_cast %get3A_761 : i32 to index
      %get3A_764 = arith.index_cast %mul3A_583 : i32 to index
      %get3A_765 = tpu.vector_load %arg5[%get3A_762, %get3A_763, %get3A_764] {strides = array<i32>} : memref<4x64x128xf32, #tpu.memory_space<vmem>>, vector<16xf32>,
      %gt3A_766 = arith.cmpf ogt, %get3A_765, %get3A_757 : vector<16xf32>
      %jit3A_767 = arith.constant 17 : i32
      %broadcast_in_dim3A_768 = vector.broadcast %jit3A_767 : i32 to vector<16xi32>
      %select_n3A_769 = arith.select %gt3A_766, %broadcast_in_dim3A_768, %broadcast_in_dim3A_759 : vector<16xi1>, vector<16xi32>
      %max3A_770 = arith.maximumf %get3A_757, %get3A_765 : vector<16xf32>
      %get3A_771 = arith.constant 0 : i32
      %get3A_772 = arith.constant 18 : i32
      %get3A_773 = arith.index_cast %get3A_771 : i32 to index
      %get3A_774 = arith.index_cast %get3A_772 : i32 to index
      %get3A_775 = arith.index_cast %mul3A_583 : i32 to index
      %get3A_776 = tpu.vector_load %arg5[%get3A_773, %get3A_774, %get3A_775] {strides = array<i32>} : memref<4x64x128xf32, #tpu.memory_space<vmem>>, vector<16xf32>,
      %gt3A_777 = arith.cmpf ogt, %get3A_776, %max3A_770 : vector<16xf32>
      %jit3A_778 = arith.constant 18 : i32
      %broadcast_in_dim3A_779 = vector.broadcast %jit3A_778 : i32 to vector<16xi32>
      %select_n3A_780 = arith.select %gt3A_777, %broadcast_in_dim3A_779, %select_n3A_769 : vector<16xi1>, vector<16xi32>
      %max3A_781 = arith.maximumf %max3A_770, %get3A_776 : vector<16xf32>
      %get3A_782 = arith.constant 0 : i32
      %get3A_783 = arith.constant 19 : i32
      %get3A_784 = arith.index_cast %get3A_782 : i32 to index
      %get3A_785 = arith.index_cast %get3A_783 : i32 to index
      %get3A_786 = arith.index_cast %mul3A_583 : i32 to index
      %get3A_787 = tpu.vector_load %arg5[%get3A_784, %get3A_785, %get3A_786] {strides = array<i32>} : memref<4x64x128xf32, #tpu.memory_space<vmem>>, vector<16xf32>,
      %gt3A_788 = arith.cmpf ogt, %get3A_787, %max3A_781 : vector<16xf32>
      %jit3A_789 = arith.constant 19 : i32
      %broadcast_in_dim3A_790 = vector.broadcast %jit3A_789 : i32 to vector<16xi32>
      %select_n3A_791 = arith.select %gt3A_788, %broadcast_in_dim3A_790, %select_n3A_780 : vector<16xi1>, vector<16xi32>
      %max3A_792 = arith.maximumf %max3A_781, %get3A_787 : vector<16xf32>
      %get3A_793 = arith.constant 0 : i32
      %get3A_794 = arith.constant 20 : i32
      %get3A_795 = arith.index_cast %get3A_793 : i32 to index
      %get3A_796 = arith.index_cast %get3A_794 : i32 to index
      %get3A_797 = arith.index_cast %mul3A_583 : i32 to index
      %get3A_798 = tpu.vector_load %arg5[%get3A_795, %get3A_796, %get3A_797] {strides = array<i32>} : memref<4x64x128xf32, #tpu.memory_space<vmem>>, vector<16xf32>,
      %gt3A_799 = arith.cmpf ogt, %get3A_798, %max3A_792 : vector<16xf32>
      %jit3A_800 = arith.constant 20 : i32
      %broadcast_in_dim3A_801 = vector.broadcast %jit3A_800 : i32 to vector<16xi32>
      %select_n3A_802 = arith.select %gt3A_799, %broadcast_in_dim3A_801, %select_n3A_791 : vector<16xi1>, vector<16xi32>
      %max3A_803 = arith.maximumf %max3A_792, %get3A_798 : vector<16xf32>
      %get3A_804 = arith.constant 0 : i32
      %get3A_805 = arith.constant 21 : i32
      %get3A_806 = arith.index_cast %get3A_804 : i32 to index
      %get3A_807 = arith.index_cast %get3A_805 : i32 to index
      %get3A_808 = arith.index_cast %mul3A_583 : i32 to index
      %get3A_809 = tpu.vector_load %arg5[%get3A_806, %get3A_807, %get3A_808] {strides = array<i32>} : memref<4x64x128xf32, #tpu.memory_space<vmem>>, vector<16xf32>,
      %gt3A_810 = arith.cmpf ogt, %get3A_809, %max3A_803 : vector<16xf32>
      %jit3A_811 = arith.constant 21 : i32
      %broadcast_in_dim3A_812 = vector.broadcast %jit3A_811 : i32 to vector<16xi32>
      %select_n3A_813 = arith.select %gt3A_810, %broadcast_in_dim3A_812, %select_n3A_802 : vector<16xi1>, vector<16xi32>
      %max3A_814 = arith.maximumf %max3A_803, %get3A_809 : vector<16xf32>
      %get3A_815 = arith.constant 0 : i32
      %get3A_816 = arith.constant 22 : i32
      %get3A_817 = arith.index_cast %get3A_815 : i32 to index
      %get3A_818 = arith.index_cast %get3A_816 : i32 to index
      %get3A_819 = arith.index_cast %mul3A_583 : i32 to index
      %get3A_820 = tpu.vector_load %arg5[%get3A_817, %get3A_818, %get3A_819] {strides = array<i32>} : memref<4x64x128xf32, #tpu.memory_space<vmem>>, vector<16xf32>,
      %gt3A_821 = arith.cmpf ogt, %get3A_820, %max3A_814 : vector<16xf32>
      %jit3A_822 = arith.constant 22 : i32
      %broadcast_in_dim3A_823 = vector.broadcast %jit3A_822 : i32 to vector<16xi32>
      %select_n3A_824 = arith.select %gt3A_821, %broadcast_in_dim3A_823, %select_n3A_813 : vector<16xi1>, vector<16xi32>
      %max3A_825 = arith.maximumf %max3A_814, %get3A_820 : vector<16xf32>
      %get3A_826 = arith.constant 0 : i32
      %get3A_827 = arith.constant 23 : i32
      %get3A_828 = arith.index_cast %get3A_826 : i32 to index
      %get3A_829 = arith.index_cast %get3A_827 : i32 to index
      %get3A_830 = arith.index_cast %mul3A_583 : i32 to index
      %get3A_831 = tpu.vector_load %arg5[%get3A_828, %get3A_829, %get3A_830] {strides = array<i32>} : memref<4x64x128xf32, #tpu.memory_space<vmem>>, vector<16xf32>,
      %gt3A_832 = arith.cmpf ogt, %get3A_831, %max3A_825 : vector<16xf32>
      %jit3A_833 = arith.constant 23 : i32
      %broadcast_in_dim3A_834 = vector.broadcast %jit3A_833 : i32 to vector<16xi32>
      %select_n3A_835 = arith.select %gt3A_832, %broadcast_in_dim3A_834, %select_n3A_824 : vector<16xi1>, vector<16xi32>
      %max3A_836 = arith.maximumf %max3A_825, %get3A_831 : vector<16xf32>
      %get3A_837 = arith.constant 0 : i32
      %get3A_838 = arith.constant 24 : i32
      %get3A_839 = arith.index_cast %get3A_837 : i32 to index
      %get3A_840 = arith.index_cast %get3A_838 : i32 to index
      %get3A_841 = arith.index_cast %mul3A_583 : i32 to index
      %get3A_842 = tpu.vector_load %arg5[%get3A_839, %get3A_840, %get3A_841] {strides = array<i32>} : memref<4x64x128xf32, #tpu.memory_space<vmem>>, vector<16xf32>,
      %gt3A_843 = arith.cmpf ogt, %get3A_842, %max3A_836 : vector<16xf32>
      %jit3A_844 = arith.constant 24 : i32
      %broadcast_in_dim3A_845 = vector.broadcast %jit3A_844 : i32 to vector<16xi32>
      %select_n3A_846 = arith.select %gt3A_843, %broadcast_in_dim3A_845, %select_n3A_835 : vector<16xi1>, vector<16xi32>
      %max3A_847 = arith.maximumf %max3A_836, %get3A_842 : vector<16xf32>
      %get3A_848 = arith.constant 0 : i32
      %get3A_849 = arith.constant 25 : i32
      %get3A_850 = arith.index_cast %get3A_848 : i32 to index
      %get3A_851 = arith.index_cast %get3A_849 : i32 to index
      %get3A_852 = arith.index_cast %mul3A_583 : i32 to index
      %get3A_853 = tpu.vector_load %arg5[%get3A_850, %get3A_851, %get3A_852] {strides = array<i32>} : memref<4x64x128xf32, #tpu.memory_space<vmem>>, vector<16xf32>,
      %gt3A_854 = arith.cmpf ogt, %get3A_853, %max3A_847 : vector<16xf32>
      %jit3A_855 = arith.constant 25 : i32
      %broadcast_in_dim3A_856 = vector.broadcast %jit3A_855 : i32 to vector<16xi32>
      %select_n3A_857 = arith.select %gt3A_854, %broadcast_in_dim3A_856, %select_n3A_846 : vector<16xi1>, vector<16xi32>
      %max3A_858 = arith.maximumf %max3A_847, %get3A_853 : vector<16xf32>
      %get3A_859 = arith.constant 0 : i32
      %get3A_860 = arith.constant 26 : i32
      %get3A_861 = arith.index_cast %get3A_859 : i32 to index
      %get3A_862 = arith.index_cast %get3A_860 : i32 to index
      %get3A_863 = arith.index_cast %mul3A_583 : i32 to index
      %get3A_864 = tpu.vector_load %arg5[%get3A_861, %get3A_862, %get3A_863] {strides = array<i32>} : memref<4x64x128xf32, #tpu.memory_space<vmem>>, vector<16xf32>,
      %gt3A_865 = arith.cmpf ogt, %get3A_864, %max3A_858 : vector<16xf32>
      %jit3A_866 = arith.constant 26 : i32
      %broadcast_in_dim3A_867 = vector.broadcast %jit3A_866 : i32 to vector<16xi32>
      %select_n3A_868 = arith.select %gt3A_865, %broadcast_in_dim3A_867, %select_n3A_857 : vector<16xi1>, vector<16xi32>
      %max3A_869 = arith.maximumf %max3A_858, %get3A_864 : vector<16xf32>
      %get3A_870 = arith.constant 0 : i32
      %get3A_871 = arith.constant 27 : i32
      %get3A_872 = arith.index_cast %get3A_870 : i32 to index
      %get3A_873 = arith.index_cast %get3A_871 : i32 to index
      %get3A_874 = arith.index_cast %mul3A_583 : i32 to index
      %get3A_875 = tpu.vector_load %arg5[%get3A_872, %get3A_873, %get3A_874] {strides = array<i32>} : memref<4x64x128xf32, #tpu.memory_space<vmem>>, vector<16xf32>,
      %gt3A_876 = arith.cmpf ogt, %get3A_875, %max3A_869 : vector<16xf32>
      %jit3A_877 = arith.constant 27 : i32
      %broadcast_in_dim3A_878 = vector.broadcast %jit3A_877 : i32 to vector<16xi32>
      %select_n3A_879 = arith.select %gt3A_876, %broadcast_in_dim3A_878, %select_n3A_868 : vector<16xi1>, vector<16xi32>
      %max3A_880 = arith.maximumf %max3A_869, %get3A_875 : vector<16xf32>
      %get3A_881 = arith.constant 0 : i32
      %get3A_882 = arith.constant 28 : i32
      %get3A_883 = arith.index_cast %get3A_881 : i32 to index
      %get3A_884 = arith.index_cast %get3A_882 : i32 to index
      %get3A_885 = arith.index_cast %mul3A_583 : i32 to index
      %get3A_886 = tpu.vector_load %arg5[%get3A_883, %get3A_884, %get3A_885] {strides = array<i32>} : memref<4x64x128xf32, #tpu.memory_space<vmem>>, vector<16xf32>,
      %gt3A_887 = arith.cmpf ogt, %get3A_886, %max3A_880 : vector<16xf32>
      %jit3A_888 = arith.constant 28 : i32
      %broadcast_in_dim3A_889 = vector.broadcast %jit3A_888 : i32 to vector<16xi32>
      %select_n3A_890 = arith.select %gt3A_887, %broadcast_in_dim3A_889, %select_n3A_879 : vector<16xi1>, vector<16xi32>
      %max3A_891 = arith.maximumf %max3A_880, %get3A_886 : vector<16xf32>
      %get3A_892 = arith.constant 0 : i32
      %get3A_893 = arith.constant 29 : i32
      %get3A_894 = arith.index_cast %get3A_892 : i32 to index
      %get3A_895 = arith.index_cast %get3A_893 : i32 to index
      %get3A_896 = arith.index_cast %mul3A_583 : i32 to index
      %get3A_897 = tpu.vector_load %arg5[%get3A_894, %get3A_895, %get3A_896] {strides = array<i32>} : memref<4x64x128xf32, #tpu.memory_space<vmem>>, vector<16xf32>,
      %gt3A_898 = arith.cmpf ogt, %get3A_897, %max3A_891 : vector<16xf32>
      %jit3A_899 = arith.constant 29 : i32
      %broadcast_in_dim3A_900 = vector.broadcast %jit3A_899 : i32 to vector<16xi32>
      %select_n3A_901 = arith.select %gt3A_898, %broadcast_in_dim3A_900, %select_n3A_890 : vector<16xi1>, vector<16xi32>
      %max3A_902 = arith.maximumf %max3A_891, %get3A_897 : vector<16xf32>
      %get3A_903 = arith.constant 0 : i32
      %get3A_904 = arith.constant 30 : i32
      %get3A_905 = arith.index_cast %get3A_903 : i32 to index
      %get3A_906 = arith.index_cast %get3A_904 : i32 to index
      %get3A_907 = arith.index_cast %mul3A_583 : i32 to index
      %get3A_908 = tpu.vector_load %arg5[%get3A_905, %get3A_906, %get3A_907] {strides = array<i32>} : memref<4x64x128xf32, #tpu.memory_space<vmem>>, vector<16xf32>,
      %gt3A_909 = arith.cmpf ogt, %get3A_908, %max3A_902 : vector<16xf32>
      %jit3A_910 = arith.constant 30 : i32
      %broadcast_in_dim3A_911 = vector.broadcast %jit3A_910 : i32 to vector<16xi32>
      %select_n3A_912 = arith.select %gt3A_909, %broadcast_in_dim3A_911, %select_n3A_901 : vector<16xi1>, vector<16xi32>
      %max3A_913 = arith.maximumf %max3A_902, %get3A_908 : vector<16xf32>
      %get3A_914 = arith.constant 0 : i32
      %get3A_915 = arith.constant 31 : i32
      %get3A_916 = arith.index_cast %get3A_914 : i32 to index
      %get3A_917 = arith.index_cast %get3A_915 : i32 to index
      %get3A_918 = arith.index_cast %mul3A_583 : i32 to index
      %get3A_919 = tpu.vector_load %arg5[%get3A_916, %get3A_917, %get3A_918] {strides = array<i32>} : memref<4x64x128xf32, #tpu.memory_space<vmem>>, vector<16xf32>,
      %gt3A_920 = arith.cmpf ogt, %get3A_919, %max3A_913 : vector<16xf32>
      %jit3A_921 = arith.constant 31 : i32
      %broadcast_in_dim3A_922 = vector.broadcast %jit3A_921 : i32 to vector<16xi32>
      %select_n3A_923 = arith.select %gt3A_920, %broadcast_in_dim3A_922, %select_n3A_912 : vector<16xi1>, vector<16xi32>
      %max3A_924 = arith.maximumf %max3A_913, %get3A_919 : vector<16xf32>
      %get3A_925 = arith.constant 0 : i32
      %get3A_926 = arith.constant 32 : i32
      %get3A_927 = arith.index_cast %get3A_925 : i32 to index
      %get3A_928 = arith.index_cast %get3A_926 : i32 to index
      %get3A_929 = arith.index_cast %mul3A_583 : i32 to index
      %get3A_930 = tpu.vector_load %arg5[%get3A_927, %get3A_928, %get3A_929] {strides = array<i32>} : memref<4x64x128xf32, #tpu.memory_space<vmem>>, vector<16xf32>,
      %broadcast_in_dim3A_931 = arith.constant 32 : i32
      %broadcast_in_dim3A_932 = vector.broadcast %broadcast_in_dim3A_931 : i32 to vector<16xi32>
      %get3A_933 = arith.constant 0 : i32
      %get3A_934 = arith.constant 33 : i32
      %get3A_935 = arith.index_cast %get3A_933 : i32 to index
      %get3A_936 = arith.index_cast %get3A_934 : i32 to index
      %get3A_937 = arith.index_cast %mul3A_583 : i32 to index
      %get3A_938 = tpu.vector_load %arg5[%get3A_935, %get3A_936, %get3A_937] {strides = array<i32>} : memref<4x64x128xf32, #tpu.memory_space<vmem>>, vector<16xf32>,
      %gt3A_939 = arith.cmpf ogt, %get3A_938, %get3A_930 : vector<16xf32>
      %jit3A_940 = arith.constant 33 : i32
      %broadcast_in_dim3A_941 = vector.broadcast %jit3A_940 : i32 to vector<16xi32>
      %select_n3A_942 = arith.select %gt3A_939, %broadcast_in_dim3A_941, %broadcast_in_dim3A_932 : vector<16xi1>, vector<16xi32>
      %max3A_943 = arith.maximumf %get3A_930, %get3A_938 : vector<16xf32>
      %get3A_944 = arith.constant 0 : i32
      %get3A_945 = arith.constant 34 : i32
      %get3A_946 = arith.index_cast %get3A_944 : i32 to index
      %get3A_947 = arith.index_cast %get3A_945 : i32 to index
      %get3A_948 = arith.index_cast %mul3A_583 : i32 to index
      %get3A_949 = tpu.vector_load %arg5[%get3A_946, %get3A_947, %get3A_948] {strides = array<i32>} : memref<4x64x128xf32, #tpu.memory_space<vmem>>, vector<16xf32>,
      %gt3A_950 = arith.cmpf ogt, %get3A_949, %max3A_943 : vector<16xf32>
      %jit3A_951 = arith.constant 34 : i32
      %broadcast_in_dim3A_952 = vector.broadcast %jit3A_951 : i32 to vector<16xi32>
      %select_n3A_953 = arith.select %gt3A_950, %broadcast_in_dim3A_952, %select_n3A_942 : vector<16xi1>, vector<16xi32>
      %max3A_954 = arith.maximumf %max3A_943, %get3A_949 : vector<16xf32>
      %get3A_955 = arith.constant 0 : i32
      %get3A_956 = arith.constant 35 : i32
      %get3A_957 = arith.index_cast %get3A_955 : i32 to index
      %get3A_958 = arith.index_cast %get3A_956 : i32 to index
      %get3A_959 = arith.index_cast %mul3A_583 : i32 to index
      %get3A_960 = tpu.vector_load %arg5[%get3A_957, %get3A_958, %get3A_959] {strides = array<i32>} : memref<4x64x128xf32, #tpu.memory_space<vmem>>, vector<16xf32>,
      %gt3A_961 = arith.cmpf ogt, %get3A_960, %max3A_954 : vector<16xf32>
      %jit3A_962 = arith.constant 35 : i32
      %broadcast_in_dim3A_963 = vector.broadcast %jit3A_962 : i32 to vector<16xi32>
      %select_n3A_964 = arith.select %gt3A_961, %broadcast_in_dim3A_963, %select_n3A_953 : vector<16xi1>, vector<16xi32>
      %max3A_965 = arith.maximumf %max3A_954, %get3A_960 : vector<16xf32>
      %get3A_966 = arith.constant 0 : i32
      %get3A_967 = arith.constant 36 : i32
      %get3A_968 = arith.index_cast %get3A_966 : i32 to index
      %get3A_969 = arith.index_cast %get3A_967 : i32 to index
      %get3A_970 = arith.index_cast %mul3A_583 : i32 to index
      %get3A_971 = tpu.vector_load %arg5[%get3A_968, %get3A_969, %get3A_970] {strides = array<i32>} : memref<4x64x128xf32, #tpu.memory_space<vmem>>, vector<16xf32>,
      %gt3A_972 = arith.cmpf ogt, %get3A_971, %max3A_965 : vector<16xf32>
      %jit3A_973 = arith.constant 36 : i32
      %broadcast_in_dim3A_974 = vector.broadcast %jit3A_973 : i32 to vector<16xi32>
      %select_n3A_975 = arith.select %gt3A_972, %broadcast_in_dim3A_974, %select_n3A_964 : vector<16xi1>, vector<16xi32>
      %max3A_976 = arith.maximumf %max3A_965, %get3A_971 : vector<16xf32>
      %get3A_977 = arith.constant 0 : i32
      %get3A_978 = arith.constant 37 : i32
      %get3A_979 = arith.index_cast %get3A_977 : i32 to index
      %get3A_980 = arith.index_cast %get3A_978 : i32 to index
      %get3A_981 = arith.index_cast %mul3A_583 : i32 to index
      %get3A_982 = tpu.vector_load %arg5[%get3A_979, %get3A_980, %get3A_981] {strides = array<i32>} : memref<4x64x128xf32, #tpu.memory_space<vmem>>, vector<16xf32>,
      %gt3A_983 = arith.cmpf ogt, %get3A_982, %max3A_976 : vector<16xf32>
      %jit3A_984 = arith.constant 37 : i32
      %broadcast_in_dim3A_985 = vector.broadcast %jit3A_984 : i32 to vector<16xi32>
      %select_n3A_986 = arith.select %gt3A_983, %broadcast_in_dim3A_985, %select_n3A_975 : vector<16xi1>, vector<16xi32>
      %max3A_987 = arith.maximumf %max3A_976, %get3A_982 : vector<16xf32>
      %get3A_988 = arith.constant 0 : i32
      %get3A_989 = arith.constant 38 : i32
      %get3A_990 = arith.index_cast %get3A_988 : i32 to index
      %get3A_991 = arith.index_cast %get3A_989 : i32 to index
      %get3A_992 = arith.index_cast %mul3A_583 : i32 to index
      %get3A_993 = tpu.vector_load %arg5[%get3A_990, %get3A_991, %get3A_992] {strides = array<i32>} : memref<4x64x128xf32, #tpu.memory_space<vmem>>, vector<16xf32>,
      %gt3A_994 = arith.cmpf ogt, %get3A_993, %max3A_987 : vector<16xf32>
      %jit3A_995 = arith.constant 38 : i32
      %broadcast_in_dim3A_996 = vector.broadcast %jit3A_995 : i32 to vector<16xi32>
      %select_n3A_997 = arith.select %gt3A_994, %broadcast_in_dim3A_996, %select_n3A_986 : vector<16xi1>, vector<16xi32>
      %max3A_998 = arith.maximumf %max3A_987, %get3A_993 : vector<16xf32>
      %get3A_999 = arith.constant 0 : i32
      %get3A_1000 = arith.constant 39 : i32
      %get3A_1001 = arith.index_cast %get3A_999 : i32 to index
      %get3A_1002 = arith.index_cast %get3A_1000 : i32 to index
      %get3A_1003 = arith.index_cast %mul3A_583 : i32 to index
      %get3A_1004 = tpu.vector_load %arg5[%get3A_1001, %get3A_1002, %get3A_1003] {strides = array<i32>} : memref<4x64x128xf32, #tpu.memory_space<vmem>>, vector<16xf32>,
      %gt3A_1005 = arith.cmpf ogt, %get3A_1004, %max3A_998 : vector<16xf32>
      %jit3A_1006 = arith.constant 39 : i32
      %broadcast_in_dim3A_1007 = vector.broadcast %jit3A_1006 : i32 to vector<16xi32>
      %select_n3A_1008 = arith.select %gt3A_1005, %broadcast_in_dim3A_1007, %select_n3A_997 : vector<16xi1>, vector<16xi32>
      %max3A_1009 = arith.maximumf %max3A_998, %get3A_1004 : vector<16xf32>
      %get3A_1010 = arith.constant 0 : i32
      %get3A_1011 = arith.constant 40 : i32
      %get3A_1012 = arith.index_cast %get3A_1010 : i32 to index
      %get3A_1013 = arith.index_cast %get3A_1011 : i32 to index
      %get3A_1014 = arith.index_cast %mul3A_583 : i32 to index
      %get3A_1015 = tpu.vector_load %arg5[%get3A_1012, %get3A_1013, %get3A_1014] {strides = array<i32>} : memref<4x64x128xf32, #tpu.memory_space<vmem>>, vector<16xf32>,
      %gt3A_1016 = arith.cmpf ogt, %get3A_1015, %max3A_1009 : vector<16xf32>
      %jit3A_1017 = arith.constant 40 : i32
      %broadcast_in_dim3A_1018 = vector.broadcast %jit3A_1017 : i32 to vector<16xi32>
      %select_n3A_1019 = arith.select %gt3A_1016, %broadcast_in_dim3A_1018, %select_n3A_1008 : vector<16xi1>, vector<16xi32>
      %max3A_1020 = arith.maximumf %max3A_1009, %get3A_1015 : vector<16xf32>
      %get3A_1021 = arith.constant 0 : i32
      %get3A_1022 = arith.constant 41 : i32
      %get3A_1023 = arith.index_cast %get3A_1021 : i32 to index
      %get3A_1024 = arith.index_cast %get3A_1022 : i32 to index
      %get3A_1025 = arith.index_cast %mul3A_583 : i32 to index
      %get3A_1026 = tpu.vector_load %arg5[%get3A_1023, %get3A_1024, %get3A_1025] {strides = array<i32>} : memref<4x64x128xf32, #tpu.memory_space<vmem>>, vector<16xf32>,
      %gt3A_1027 = arith.cmpf ogt, %get3A_1026, %max3A_1020 : vector<16xf32>
      %jit3A_1028 = arith.constant 41 : i32
      %broadcast_in_dim3A_1029 = vector.broadcast %jit3A_1028 : i32 to vector<16xi32>
      %select_n3A_1030 = arith.select %gt3A_1027, %broadcast_in_dim3A_1029, %select_n3A_1019 : vector<16xi1>, vector<16xi32>
      %max3A_1031 = arith.maximumf %max3A_1020, %get3A_1026 : vector<16xf32>
      %get3A_1032 = arith.constant 0 : i32
      %get3A_1033 = arith.constant 42 : i32
      %get3A_1034 = arith.index_cast %get3A_1032 : i32 to index
      %get3A_1035 = arith.index_cast %get3A_1033 : i32 to index
      %get3A_1036 = arith.index_cast %mul3A_583 : i32 to index
      %get3A_1037 = tpu.vector_load %arg5[%get3A_1034, %get3A_1035, %get3A_1036] {strides = array<i32>} : memref<4x64x128xf32, #tpu.memory_space<vmem>>, vector<16xf32>,
      %gt3A_1038 = arith.cmpf ogt, %get3A_1037, %max3A_1031 : vector<16xf32>
      %jit3A_1039 = arith.constant 42 : i32
      %broadcast_in_dim3A_1040 = vector.broadcast %jit3A_1039 : i32 to vector<16xi32>
      %select_n3A_1041 = arith.select %gt3A_1038, %broadcast_in_dim3A_1040, %select_n3A_1030 : vector<16xi1>, vector<16xi32>
      %max3A_1042 = arith.maximumf %max3A_1031, %get3A_1037 : vector<16xf32>
      %get3A_1043 = arith.constant 0 : i32
      %get3A_1044 = arith.constant 43 : i32
      %get3A_1045 = arith.index_cast %get3A_1043 : i32 to index
      %get3A_1046 = arith.index_cast %get3A_1044 : i32 to index
      %get3A_1047 = arith.index_cast %mul3A_583 : i32 to index
      %get3A_1048 = tpu.vector_load %arg5[%get3A_1045, %get3A_1046, %get3A_1047] {strides = array<i32>} : memref<4x64x128xf32, #tpu.memory_space<vmem>>, vector<16xf32>,
      %gt3A_1049 = arith.cmpf ogt, %get3A_1048, %max3A_1042 : vector<16xf32>
      %jit3A_1050 = arith.constant 43 : i32
      %broadcast_in_dim3A_1051 = vector.broadcast %jit3A_1050 : i32 to vector<16xi32>
      %select_n3A_1052 = arith.select %gt3A_1049, %broadcast_in_dim3A_1051, %select_n3A_1041 : vector<16xi1>, vector<16xi32>
      %max3A_1053 = arith.maximumf %max3A_1042, %get3A_1048 : vector<16xf32>
      %get3A_1054 = arith.constant 0 : i32
      %get3A_1055 = arith.constant 44 : i32
      %get3A_1056 = arith.index_cast %get3A_1054 : i32 to index
      %get3A_1057 = arith.index_cast %get3A_1055 : i32 to index
      %get3A_1058 = arith.index_cast %mul3A_583 : i32 to index
      %get3A_1059 = tpu.vector_load %arg5[%get3A_1056, %get3A_1057, %get3A_1058] {strides = array<i32>} : memref<4x64x128xf32, #tpu.memory_space<vmem>>, vector<16xf32>,
      %gt3A_1060 = arith.cmpf ogt, %get3A_1059, %max3A_1053 : vector<16xf32>
      %jit3A_1061 = arith.constant 44 : i32
      %broadcast_in_dim3A_1062 = vector.broadcast %jit3A_1061 : i32 to vector<16xi32>
      %select_n3A_1063 = arith.select %gt3A_1060, %broadcast_in_dim3A_1062, %select_n3A_1052 : vector<16xi1>, vector<16xi32>
      %max3A_1064 = arith.maximumf %max3A_1053, %get3A_1059 : vector<16xf32>
      %get3A_1065 = arith.constant 0 : i32
      %get3A_1066 = arith.constant 45 : i32
      %get3A_1067 = arith.index_cast %get3A_1065 : i32 to index
      %get3A_1068 = arith.index_cast %get3A_1066 : i32 to index
      %get3A_1069 = arith.index_cast %mul3A_583 : i32 to index
      %get3A_1070 = tpu.vector_load %arg5[%get3A_1067, %get3A_1068, %get3A_1069] {strides = array<i32>} : memref<4x64x128xf32, #tpu.memory_space<vmem>>, vector<16xf32>,
      %gt3A_1071 = arith.cmpf ogt, %get3A_1070, %max3A_1064 : vector<16xf32>
      %jit3A_1072 = arith.constant 45 : i32
      %broadcast_in_dim3A_1073 = vector.broadcast %jit3A_1072 : i32 to vector<16xi32>
      %select_n3A_1074 = arith.select %gt3A_1071, %broadcast_in_dim3A_1073, %select_n3A_1063 : vector<16xi1>, vector<16xi32>
      %max3A_1075 = arith.maximumf %max3A_1064, %get3A_1070 : vector<16xf32>
      %get3A_1076 = arith.constant 0 : i32
      %get3A_1077 = arith.constant 46 : i32
      %get3A_1078 = arith.index_cast %get3A_1076 : i32 to index
      %get3A_1079 = arith.index_cast %get3A_1077 : i32 to index
      %get3A_1080 = arith.index_cast %mul3A_583 : i32 to index
      %get3A_1081 = tpu.vector_load %arg5[%get3A_1078, %get3A_1079, %get3A_1080] {strides = array<i32>} : memref<4x64x128xf32, #tpu.memory_space<vmem>>, vector<16xf32>,
      %gt3A_1082 = arith.cmpf ogt, %get3A_1081, %max3A_1075 : vector<16xf32>
      %jit3A_1083 = arith.constant 46 : i32
      %broadcast_in_dim3A_1084 = vector.broadcast %jit3A_1083 : i32 to vector<16xi32>
      %select_n3A_1085 = arith.select %gt3A_1082, %broadcast_in_dim3A_1084, %select_n3A_1074 : vector<16xi1>, vector<16xi32>
      %max3A_1086 = arith.maximumf %max3A_1075, %get3A_1081 : vector<16xf32>
      %get3A_1087 = arith.constant 0 : i32
      %get3A_1088 = arith.constant 47 : i32
      %get3A_1089 = arith.index_cast %get3A_1087 : i32 to index
      %get3A_1090 = arith.index_cast %get3A_1088 : i32 to index
      %get3A_1091 = arith.index_cast %mul3A_583 : i32 to index
      %get3A_1092 = tpu.vector_load %arg5[%get3A_1089, %get3A_1090, %get3A_1091] {strides = array<i32>} : memref<4x64x128xf32, #tpu.memory_space<vmem>>, vector<16xf32>,
      %gt3A_1093 = arith.cmpf ogt, %get3A_1092, %max3A_1086 : vector<16xf32>
      %jit3A_1094 = arith.constant 47 : i32
      %broadcast_in_dim3A_1095 = vector.broadcast %jit3A_1094 : i32 to vector<16xi32>
      %select_n3A_1096 = arith.select %gt3A_1093, %broadcast_in_dim3A_1095, %select_n3A_1085 : vector<16xi1>, vector<16xi32>
      %max3A_1097 = arith.maximumf %max3A_1086, %get3A_1092 : vector<16xf32>
      %get3A_1098 = arith.constant 0 : i32
      %get3A_1099 = arith.constant 48 : i32
      %get3A_1100 = arith.index_cast %get3A_1098 : i32 to index
      %get3A_1101 = arith.index_cast %get3A_1099 : i32 to index
      %get3A_1102 = arith.index_cast %mul3A_583 : i32 to index
      %get3A_1103 = tpu.vector_load %arg5[%get3A_1100, %get3A_1101, %get3A_1102] {strides = array<i32>} : memref<4x64x128xf32, #tpu.memory_space<vmem>>, vector<16xf32>,
      %broadcast_in_dim3A_1104 = arith.constant 48 : i32
      %broadcast_in_dim3A_1105 = vector.broadcast %broadcast_in_dim3A_1104 : i32 to vector<16xi32>
      %get3A_1106 = arith.constant 0 : i32
      %get3A_1107 = arith.constant 49 : i32
      %get3A_1108 = arith.index_cast %get3A_1106 : i32 to index
      %get3A_1109 = arith.index_cast %get3A_1107 : i32 to index
      %get3A_1110 = arith.index_cast %mul3A_583 : i32 to index
      %get3A_1111 = tpu.vector_load %arg5[%get3A_1108, %get3A_1109, %get3A_1110] {strides = array<i32>} : memref<4x64x128xf32, #tpu.memory_space<vmem>>, vector<16xf32>,
      %gt3A_1112 = arith.cmpf ogt, %get3A_1111, %get3A_1103 : vector<16xf32>
      %jit3A_1113 = arith.constant 49 : i32
      %broadcast_in_dim3A_1114 = vector.broadcast %jit3A_1113 : i32 to vector<16xi32>
      %select_n3A_1115 = arith.select %gt3A_1112, %broadcast_in_dim3A_1114, %broadcast_in_dim3A_1105 : vector<16xi1>, vector<16xi32>
      %max3A_1116 = arith.maximumf %get3A_1103, %get3A_1111 : vector<16xf32>
      %get3A_1117 = arith.constant 0 : i32
      %get3A_1118 = arith.constant 50 : i32
      %get3A_1119 = arith.index_cast %get3A_1117 : i32 to index
      %get3A_1120 = arith.index_cast %get3A_1118 : i32 to index
      %get3A_1121 = arith.index_cast %mul3A_583 : i32 to index
      %get3A_1122 = tpu.vector_load %arg5[%get3A_1119, %get3A_1120, %get3A_1121] {strides = array<i32>} : memref<4x64x128xf32, #tpu.memory_space<vmem>>, vector<16xf32>,
      %gt3A_1123 = arith.cmpf ogt, %get3A_1122, %max3A_1116 : vector<16xf32>
      %jit3A_1124 = arith.constant 50 : i32
      %broadcast_in_dim3A_1125 = vector.broadcast %jit3A_1124 : i32 to vector<16xi32>
      %select_n3A_1126 = arith.select %gt3A_1123, %broadcast_in_dim3A_1125, %select_n3A_1115 : vector<16xi1>, vector<16xi32>
      %max3A_1127 = arith.maximumf %max3A_1116, %get3A_1122 : vector<16xf32>
      %get3A_1128 = arith.constant 0 : i32
      %get3A_1129 = arith.constant 51 : i32
      %get3A_1130 = arith.index_cast %get3A_1128 : i32 to index
      %get3A_1131 = arith.index_cast %get3A_1129 : i32 to index
      %get3A_1132 = arith.index_cast %mul3A_583 : i32 to index
      %get3A_1133 = tpu.vector_load %arg5[%get3A_1130, %get3A_1131, %get3A_1132] {strides = array<i32>} : memref<4x64x128xf32, #tpu.memory_space<vmem>>, vector<16xf32>,
      %gt3A_1134 = arith.cmpf ogt, %get3A_1133, %max3A_1127 : vector<16xf32>
      %jit3A_1135 = arith.constant 51 : i32
      %broadcast_in_dim3A_1136 = vector.broadcast %jit3A_1135 : i32 to vector<16xi32>
      %select_n3A_1137 = arith.select %gt3A_1134, %broadcast_in_dim3A_1136, %select_n3A_1126 : vector<16xi1>, vector<16xi32>
      %max3A_1138 = arith.maximumf %max3A_1127, %get3A_1133 : vector<16xf32>
      %get3A_1139 = arith.constant 0 : i32
      %get3A_1140 = arith.constant 52 : i32
      %get3A_1141 = arith.index_cast %get3A_1139 : i32 to index
      %get3A_1142 = arith.index_cast %get3A_1140 : i32 to index
      %get3A_1143 = arith.index_cast %mul3A_583 : i32 to index
      %get3A_1144 = tpu.vector_load %arg5[%get3A_1141, %get3A_1142, %get3A_1143] {strides = array<i32>} : memref<4x64x128xf32, #tpu.memory_space<vmem>>, vector<16xf32>,
      %gt3A_1145 = arith.cmpf ogt, %get3A_1144, %max3A_1138 : vector<16xf32>
      %jit3A_1146 = arith.constant 52 : i32
      %broadcast_in_dim3A_1147 = vector.broadcast %jit3A_1146 : i32 to vector<16xi32>
      %select_n3A_1148 = arith.select %gt3A_1145, %broadcast_in_dim3A_1147, %select_n3A_1137 : vector<16xi1>, vector<16xi32>
      %max3A_1149 = arith.maximumf %max3A_1138, %get3A_1144 : vector<16xf32>
      %get3A_1150 = arith.constant 0 : i32
      %get3A_1151 = arith.constant 53 : i32
      %get3A_1152 = arith.index_cast %get3A_1150 : i32 to index
      %get3A_1153 = arith.index_cast %get3A_1151 : i32 to index
      %get3A_1154 = arith.index_cast %mul3A_583 : i32 to index
      %get3A_1155 = tpu.vector_load %arg5[%get3A_1152, %get3A_1153, %get3A_1154] {strides = array<i32>} : memref<4x64x128xf32, #tpu.memory_space<vmem>>, vector<16xf32>,
      %gt3A_1156 = arith.cmpf ogt, %get3A_1155, %max3A_1149 : vector<16xf32>
      %jit3A_1157 = arith.constant 53 : i32
      %broadcast_in_dim3A_1158 = vector.broadcast %jit3A_1157 : i32 to vector<16xi32>
      %select_n3A_1159 = arith.select %gt3A_1156, %broadcast_in_dim3A_1158, %select_n3A_1148 : vector<16xi1>, vector<16xi32>
      %max3A_1160 = arith.maximumf %max3A_1149, %get3A_1155 : vector<16xf32>
      %get3A_1161 = arith.constant 0 : i32
      %get3A_1162 = arith.constant 54 : i32
      %get3A_1163 = arith.index_cast %get3A_1161 : i32 to index
      %get3A_1164 = arith.index_cast %get3A_1162 : i32 to index
      %get3A_1165 = arith.index_cast %mul3A_583 : i32 to index
      %get3A_1166 = tpu.vector_load %arg5[%get3A_1163, %get3A_1164, %get3A_1165] {strides = array<i32>} : memref<4x64x128xf32, #tpu.memory_space<vmem>>, vector<16xf32>,
      %gt3A_1167 = arith.cmpf ogt, %get3A_1166, %max3A_1160 : vector<16xf32>
      %jit3A_1168 = arith.constant 54 : i32
      %broadcast_in_dim3A_1169 = vector.broadcast %jit3A_1168 : i32 to vector<16xi32>
      %select_n3A_1170 = arith.select %gt3A_1167, %broadcast_in_dim3A_1169, %select_n3A_1159 : vector<16xi1>, vector<16xi32>
      %max3A_1171 = arith.maximumf %max3A_1160, %get3A_1166 : vector<16xf32>
      %get3A_1172 = arith.constant 0 : i32
      %get3A_1173 = arith.constant 55 : i32
      %get3A_1174 = arith.index_cast %get3A_1172 : i32 to index
      %get3A_1175 = arith.index_cast %get3A_1173 : i32 to index
      %get3A_1176 = arith.index_cast %mul3A_583 : i32 to index
      %get3A_1177 = tpu.vector_load %arg5[%get3A_1174, %get3A_1175, %get3A_1176] {strides = array<i32>} : memref<4x64x128xf32, #tpu.memory_space<vmem>>, vector<16xf32>,
      %gt3A_1178 = arith.cmpf ogt, %get3A_1177, %max3A_1171 : vector<16xf32>
      %jit3A_1179 = arith.constant 55 : i32
      %broadcast_in_dim3A_1180 = vector.broadcast %jit3A_1179 : i32 to vector<16xi32>
      %select_n3A_1181 = arith.select %gt3A_1178, %broadcast_in_dim3A_1180, %select_n3A_1170 : vector<16xi1>, vector<16xi32>
      %max3A_1182 = arith.maximumf %max3A_1171, %get3A_1177 : vector<16xf32>
      %get3A_1183 = arith.constant 0 : i32
      %get3A_1184 = arith.constant 56 : i32
      %get3A_1185 = arith.index_cast %get3A_1183 : i32 to index
      %get3A_1186 = arith.index_cast %get3A_1184 : i32 to index
      %get3A_1187 = arith.index_cast %mul3A_583 : i32 to index
      %get3A_1188 = tpu.vector_load %arg5[%get3A_1185, %get3A_1186, %get3A_1187] {strides = array<i32>} : memref<4x64x128xf32, #tpu.memory_space<vmem>>, vector<16xf32>,
      %gt3A_1189 = arith.cmpf ogt, %get3A_1188, %max3A_1182 : vector<16xf32>
      %jit3A_1190 = arith.constant 56 : i32
      %broadcast_in_dim3A_1191 = vector.broadcast %jit3A_1190 : i32 to vector<16xi32>
      %select_n3A_1192 = arith.select %gt3A_1189, %broadcast_in_dim3A_1191, %select_n3A_1181 : vector<16xi1>, vector<16xi32>
      %max3A_1193 = arith.maximumf %max3A_1182, %get3A_1188 : vector<16xf32>
      %get3A_1194 = arith.constant 0 : i32
      %get3A_1195 = arith.constant 57 : i32
      %get3A_1196 = arith.index_cast %get3A_1194 : i32 to index
      %get3A_1197 = arith.index_cast %get3A_1195 : i32 to index
      %get3A_1198 = arith.index_cast %mul3A_583 : i32 to index
      %get3A_1199 = tpu.vector_load %arg5[%get3A_1196, %get3A_1197, %get3A_1198] {strides = array<i32>} : memref<4x64x128xf32, #tpu.memory_space<vmem>>, vector<16xf32>,
      %gt3A_1200 = arith.cmpf ogt, %get3A_1199, %max3A_1193 : vector<16xf32>
      %jit3A_1201 = arith.constant 57 : i32
      %broadcast_in_dim3A_1202 = vector.broadcast %jit3A_1201 : i32 to vector<16xi32>
      %select_n3A_1203 = arith.select %gt3A_1200, %broadcast_in_dim3A_1202, %select_n3A_1192 : vector<16xi1>, vector<16xi32>
      %max3A_1204 = arith.maximumf %max3A_1193, %get3A_1199 : vector<16xf32>
      %get3A_1205 = arith.constant 0 : i32
      %get3A_1206 = arith.constant 58 : i32
      %get3A_1207 = arith.index_cast %get3A_1205 : i32 to index
      %get3A_1208 = arith.index_cast %get3A_1206 : i32 to index
      %get3A_1209 = arith.index_cast %mul3A_583 : i32 to index
      %get3A_1210 = tpu.vector_load %arg5[%get3A_1207, %get3A_1208, %get3A_1209] {strides = array<i32>} : memref<4x64x128xf32, #tpu.memory_space<vmem>>, vector<16xf32>,
      %gt3A_1211 = arith.cmpf ogt, %get3A_1210, %max3A_1204 : vector<16xf32>
      %jit3A_1212 = arith.constant 58 : i32
      %broadcast_in_dim3A_1213 = vector.broadcast %jit3A_1212 : i32 to vector<16xi32>
      %select_n3A_1214 = arith.select %gt3A_1211, %broadcast_in_dim3A_1213, %select_n3A_1203 : vector<16xi1>, vector<16xi32>
      %max3A_1215 = arith.maximumf %max3A_1204, %get3A_1210 : vector<16xf32>
      %get3A_1216 = arith.constant 0 : i32
      %get3A_1217 = arith.constant 59 : i32
      %get3A_1218 = arith.index_cast %get3A_1216 : i32 to index
      %get3A_1219 = arith.index_cast %get3A_1217 : i32 to index
      %get3A_1220 = arith.index_cast %mul3A_583 : i32 to index
      %get3A_1221 = tpu.vector_load %arg5[%get3A_1218, %get3A_1219, %get3A_1220] {strides = array<i32>} : memref<4x64x128xf32, #tpu.memory_space<vmem>>, vector<16xf32>,
      %gt3A_1222 = arith.cmpf ogt, %get3A_1221, %max3A_1215 : vector<16xf32>
      %jit3A_1223 = arith.constant 59 : i32
      %broadcast_in_dim3A_1224 = vector.broadcast %jit3A_1223 : i32 to vector<16xi32>
      %select_n3A_1225 = arith.select %gt3A_1222, %broadcast_in_dim3A_1224, %select_n3A_1214 : vector<16xi1>, vector<16xi32>
      %max3A_1226 = arith.maximumf %max3A_1215, %get3A_1221 : vector<16xf32>
      %get3A_1227 = arith.constant 0 : i32
      %get3A_1228 = arith.constant 60 : i32
      %get3A_1229 = arith.index_cast %get3A_1227 : i32 to index
      %get3A_1230 = arith.index_cast %get3A_1228 : i32 to index
      %get3A_1231 = arith.index_cast %mul3A_583 : i32 to index
      %get3A_1232 = tpu.vector_load %arg5[%get3A_1229, %get3A_1230, %get3A_1231] {strides = array<i32>} : memref<4x64x128xf32, #tpu.memory_space<vmem>>, vector<16xf32>,
      %gt3A_1233 = arith.cmpf ogt, %get3A_1232, %max3A_1226 : vector<16xf32>
      %jit3A_1234 = arith.constant 60 : i32
      %broadcast_in_dim3A_1235 = vector.broadcast %jit3A_1234 : i32 to vector<16xi32>
      %select_n3A_1236 = arith.select %gt3A_1233, %broadcast_in_dim3A_1235, %select_n3A_1225 : vector<16xi1>, vector<16xi32>
      %max3A_1237 = arith.maximumf %max3A_1226, %get3A_1232 : vector<16xf32>
      %get3A_1238 = arith.constant 0 : i32
      %get3A_1239 = arith.constant 61 : i32
      %get3A_1240 = arith.index_cast %get3A_1238 : i32 to index
      %get3A_1241 = arith.index_cast %get3A_1239 : i32 to index
      %get3A_1242 = arith.index_cast %mul3A_583 : i32 to index
      %get3A_1243 = tpu.vector_load %arg5[%get3A_1240, %get3A_1241, %get3A_1242] {strides = array<i32>} : memref<4x64x128xf32, #tpu.memory_space<vmem>>, vector<16xf32>,
      %gt3A_1244 = arith.cmpf ogt, %get3A_1243, %max3A_1237 : vector<16xf32>
      %jit3A_1245 = arith.constant 61 : i32
      %broadcast_in_dim3A_1246 = vector.broadcast %jit3A_1245 : i32 to vector<16xi32>
      %select_n3A_1247 = arith.select %gt3A_1244, %broadcast_in_dim3A_1246, %select_n3A_1236 : vector<16xi1>, vector<16xi32>
      %max3A_1248 = arith.maximumf %max3A_1237, %get3A_1243 : vector<16xf32>
      %get3A_1249 = arith.constant 0 : i32
      %get3A_1250 = arith.constant 62 : i32
      %get3A_1251 = arith.index_cast %get3A_1249 : i32 to index
      %get3A_1252 = arith.index_cast %get3A_1250 : i32 to index
      %get3A_1253 = arith.index_cast %mul3A_583 : i32 to index
      %get3A_1254 = tpu.vector_load %arg5[%get3A_1251, %get3A_1252, %get3A_1253] {strides = array<i32>} : memref<4x64x128xf32, #tpu.memory_space<vmem>>, vector<16xf32>,
      %gt3A_1255 = arith.cmpf ogt, %get3A_1254, %max3A_1248 : vector<16xf32>
      %jit3A_1256 = arith.constant 62 : i32
      %broadcast_in_dim3A_1257 = vector.broadcast %jit3A_1256 : i32 to vector<16xi32>
      %select_n3A_1258 = arith.select %gt3A_1255, %broadcast_in_dim3A_1257, %select_n3A_1247 : vector<16xi1>, vector<16xi32>
      %max3A_1259 = arith.maximumf %max3A_1248, %get3A_1254 : vector<16xf32>
      %get3A_1260 = arith.constant 0 : i32
      %get3A_1261 = arith.constant 63 : i32
      %get3A_1262 = arith.index_cast %get3A_1260 : i32 to index
      %get3A_1263 = arith.index_cast %get3A_1261 : i32 to index
      %get3A_1264 = arith.index_cast %mul3A_583 : i32 to index
      %get3A_1265 = tpu.vector_load %arg5[%get3A_1262, %get3A_1263, %get3A_1264] {strides = array<i32>} : memref<4x64x128xf32, #tpu.memory_space<vmem>>, vector<16xf32>,
      %gt3A_1266 = arith.cmpf ogt, %get3A_1265, %max3A_1259 : vector<16xf32>
      %jit3A_1267 = arith.constant 63 : i32
      %broadcast_in_dim3A_1268 = vector.broadcast %jit3A_1267 : i32 to vector<16xi32>
      %select_n3A_1269 = arith.select %gt3A_1266, %broadcast_in_dim3A_1268, %select_n3A_1258 : vector<16xi1>, vector<16xi32>
      %max3A_1270 = arith.maximumf %max3A_1259, %get3A_1265 : vector<16xf32>
      %gt3A_1271 = arith.cmpf ogt, %max3A_924, %max3A_751 : vector<16xf32>
      %select_n3A_1272 = arith.select %gt3A_1271, %select_n3A_923, %select_n3A_750 : vector<16xi1>, vector<16xi32>
      %max3A_1273 = arith.maximumf %max3A_751, %max3A_924 : vector<16xf32>
      %gt3A_1274 = arith.cmpf ogt, %max3A_1097, %max3A_1273 : vector<16xf32>
      %select_n3A_1275 = arith.select %gt3A_1274, %select_n3A_1096, %select_n3A_1272 : vector<16xi1>, vector<16xi32>
      %max3A_1276 = arith.maximumf %max3A_1273, %max3A_1097 : vector<16xf32>
      %gt3A_1277 = arith.cmpf ogt, %max3A_1270, %max3A_1276 : vector<16xf32>
      %select_n3A_1278 = arith.select %gt3A_1277, %select_n3A_1269, %select_n3A_1275 : vector<16xi1>, vector<16xi32>
      %max3A_1279 = arith.maximumf %max3A_1276, %max3A_1270 : vector<16xf32>
      tpu.vector_store_idx %arg6[%select_n3A_1278], %broadcast_in_dim3A_292 : memref<64xf32, #tpu.memory_space<vmem>>[vector<16xi32>], vector<16xf32>,
      %add3A_1280 = arith.addf %scan3A_581, %max3A_1279 : vector<16xf32>
      scf.yield %add3A_1280 : vector<16xf32>
    }
    %scan3A_367 = arith.constant 8 : i32
    %dma_wait3A_368 = arith.constant 1 : i32
    %dma_wait3A_369 = arith.constant 4 : i32
    %dma_wait3A_370 = arith.constant 0 : i32
    %dma_wait3A_371 = arith.constant 0 : i32
    %dma_wait3A_372 = tpu.memref_slice %arg5[%dma_wait3A_368, %dma_wait3A_370, %dma_wait3A_371] : memref<4x64x128xf32, #tpu.memory_space<vmem>> -> memref<1x16x128xf32, #tpu.memory_space<vmem>>
    %dma_wait3A_373 = tpu.memref_squeeze %dma_wait3A_372 : memref<1x16x128xf32, #tpu.memory_space<vmem>> -> memref<16x128xf32, #tpu.memory_space<vmem>>
    %dma_wait3A_374 = arith.constant 0 : i32
    %dma_wait3A_375 = tpu.memref_slice %arg2[%dma_wait3A_374, %add3A_75] : memref<64x16384xf32, #tpu.memory_space<hbm>> -> memref<16x128xf32, #tpu.memory_space<hbm>>
    %dma_wait3A_376 = tpu.memref_slice %arg8[%dma_wait3A_369] : memref<16x!tpu.dma_semaphore, #tpu.memory_space<semaphore_mem>> -> memref<1x!tpu.dma_semaphore, #tpu.memory_space<semaphore_mem>>
    %dma_wait3A_377 = tpu.memref_squeeze %dma_wait3A_376 : memref<1x!tpu.dma_semaphore, #tpu.memory_space<semaphore_mem>> -> memref<!tpu.dma_semaphore, #tpu.memory_space<semaphore_mem>>
    %dma_wait3A_378 = arith.constant 0 : i32
    %dma_wait3A_379 = arith.constant 0 : i32
    %dma_wait3A_380 = tpu.memref_slice %arg5[%dma_wait3A_368, %dma_wait3A_378, %dma_wait3A_379] : memref<4x64x128xf32, #tpu.memory_space<vmem>> -> memref<1x16x128xf32, #tpu.memory_space<vmem>>
    %dma_wait3A_381 = tpu.memref_squeeze %dma_wait3A_380 : memref<1x16x128xf32, #tpu.memory_space<vmem>> -> memref<16x128xf32, #tpu.memory_space<vmem>>
    %dma_wait3A_382 = arith.constant 0 : i32
    %dma_wait3A_383 = tpu.memref_slice %arg2[%dma_wait3A_382, %add3A_75] : memref<64x16384xf32, #tpu.memory_space<hbm>> -> memref<16x128xf32, #tpu.memory_space<hbm>>
    tpu.wait_dma2 semaphore(%dma_wait3A_377 : memref<!tpu.dma_semaphore, #tpu.memory_space<semaphore_mem>>) src(%dma_wait3A_383 : memref<16x128xf32, #tpu.memory_space<hbm>>) dst(%dma_wait3A_381 : memref<16x128xf32, #tpu.memory_space<vmem>>)
    %dma_wait3A_384 = arith.constant 1 : i32
    %dma_wait3A_385 = arith.constant 5 : i32
    %dma_wait3A_386 = arith.constant 16 : i32
    %dma_wait3A_387 = arith.constant 0 : i32
    %dma_wait3A_388 = tpu.memref_slice %arg5[%dma_wait3A_384, %dma_wait3A_386, %dma_wait3A_387] : memref<4x64x128xf32, #tpu.memory_space<vmem>> -> memref<1x16x128xf32, #tpu.memory_space<vmem>>
    %dma_wait3A_389 = tpu.memref_squeeze %dma_wait3A_388 : memref<1x16x128xf32, #tpu.memory_space<vmem>> -> memref<16x128xf32, #tpu.memory_space<vmem>>
    %dma_wait3A_390 = arith.constant 16 : i32
    %dma_wait3A_391 = tpu.memref_slice %arg2[%dma_wait3A_390, %add3A_93] : memref<64x16384xf32, #tpu.memory_space<hbm>> -> memref<16x128xf32, #tpu.memory_space<hbm>>
    %dma_wait3A_392 = tpu.memref_slice %arg8[%dma_wait3A_385] : memref<16x!tpu.dma_semaphore, #tpu.memory_space<semaphore_mem>> -> memref<1x!tpu.dma_semaphore, #tpu.memory_space<semaphore_mem>>
    %dma_wait3A_393 = tpu.memref_squeeze %dma_wait3A_392 : memref<1x!tpu.dma_semaphore, #tpu.memory_space<semaphore_mem>> -> memref<!tpu.dma_semaphore, #tpu.memory_space<semaphore_mem>>
    %dma_wait3A_394 = arith.constant 16 : i32
    %dma_wait3A_395 = arith.constant 0 : i32
    %dma_wait3A_396 = tpu.memref_slice %arg5[%dma_wait3A_384, %dma_wait3A_394, %dma_wait3A_395] : memref<4x64x128xf32, #tpu.memory_space<vmem>> -> memref<1x16x128xf32, #tpu.memory_space<vmem>>
    %dma_wait3A_397 = tpu.memref_squeeze %dma_wait3A_396 : memref<1x16x128xf32, #tpu.memory_space<vmem>> -> memref<16x128xf32, #tpu.memory_space<vmem>>
    %dma_wait3A_398 = arith.constant 16 : i32
    %dma_wait3A_399 = tpu.memref_slice %arg2[%dma_wait3A_398, %add3A_93] : memref<64x16384xf32, #tpu.memory_space<hbm>> -> memref<16x128xf32, #tpu.memory_space<hbm>>
    tpu.wait_dma2 semaphore(%dma_wait3A_393 : memref<!tpu.dma_semaphore, #tpu.memory_space<semaphore_mem>>) src(%dma_wait3A_399 : memref<16x128xf32, #tpu.memory_space<hbm>>) dst(%dma_wait3A_397 : memref<16x128xf32, #tpu.memory_space<vmem>>)
    %dma_wait3A_400 = arith.constant 1 : i32
    %dma_wait3A_401 = arith.constant 6 : i32
    %dma_wait3A_402 = arith.constant 32 : i32
    %dma_wait3A_403 = arith.constant 0 : i32
    %dma_wait3A_404 = tpu.memref_slice %arg5[%dma_wait3A_400, %dma_wait3A_402, %dma_wait3A_403] : memref<4x64x128xf32, #tpu.memory_space<vmem>> -> memref<1x16x128xf32, #tpu.memory_space<vmem>>
    %dma_wait3A_405 = tpu.memref_squeeze %dma_wait3A_404 : memref<1x16x128xf32, #tpu.memory_space<vmem>> -> memref<16x128xf32, #tpu.memory_space<vmem>>
    %dma_wait3A_406 = arith.constant 32 : i32
    %dma_wait3A_407 = tpu.memref_slice %arg2[%dma_wait3A_406, %add3A_111] : memref<64x16384xf32, #tpu.memory_space<hbm>> -> memref<16x128xf32, #tpu.memory_space<hbm>>
    %dma_wait3A_408 = tpu.memref_slice %arg8[%dma_wait3A_401] : memref<16x!tpu.dma_semaphore, #tpu.memory_space<semaphore_mem>> -> memref<1x!tpu.dma_semaphore, #tpu.memory_space<semaphore_mem>>
    %dma_wait3A_409 = tpu.memref_squeeze %dma_wait3A_408 : memref<1x!tpu.dma_semaphore, #tpu.memory_space<semaphore_mem>> -> memref<!tpu.dma_semaphore, #tpu.memory_space<semaphore_mem>>
    %dma_wait3A_410 = arith.constant 32 : i32
    %dma_wait3A_411 = arith.constant 0 : i32
    %dma_wait3A_412 = tpu.memref_slice %arg5[%dma_wait3A_400, %dma_wait3A_410, %dma_wait3A_411] : memref<4x64x128xf32, #tpu.memory_space<vmem>> -> memref<1x16x128xf32, #tpu.memory_space<vmem>>
    %dma_wait3A_413 = tpu.memref_squeeze %dma_wait3A_412 : memref<1x16x128xf32, #tpu.memory_space<vmem>> -> memref<16x128xf32, #tpu.memory_space<vmem>>
    %dma_wait3A_414 = arith.constant 32 : i32
    %dma_wait3A_415 = tpu.memref_slice %arg2[%dma_wait3A_414, %add3A_111] : memref<64x16384xf32, #tpu.memory_space<hbm>> -> memref<16x128xf32, #tpu.memory_space<hbm>>
    tpu.wait_dma2 semaphore(%dma_wait3A_409 : memref<!tpu.dma_semaphore, #tpu.memory_space<semaphore_mem>>) src(%dma_wait3A_415 : memref<16x128xf32, #tpu.memory_space<hbm>>) dst(%dma_wait3A_413 : memref<16x128xf32, #tpu.memory_space<vmem>>)
    %dma_wait3A_416 = arith.constant 1 : i32
    %dma_wait3A_417 = arith.constant 7 : i32
    %dma_wait3A_418 = arith.constant 48 : i32
    %dma_wait3A_419 = arith.constant 0 : i32
    %dma_wait3A_420 = tpu.memref_slice %arg5[%dma_wait3A_416, %dma_wait3A_418, %dma_wait3A_419] : memref<4x64x128xf32, #tpu.memory_space<vmem>> -> memref<1x16x128xf32, #tpu.memory_space<vmem>>
    %dma_wait3A_421 = tpu.memref_squeeze %dma_wait3A_420 : memref<1x16x128xf32, #tpu.memory_space<vmem>> -> memref<16x128xf32, #tpu.memory_space<vmem>>
    %dma_wait3A_422 = arith.constant 48 : i32
    %dma_wait3A_423 = tpu.memref_slice %arg2[%dma_wait3A_422, %add3A_129] : memref<64x16384xf32, #tpu.memory_space<hbm>> -> memref<16x128xf32, #tpu.memory_space<hbm>>
    %dma_wait3A_424 = tpu.memref_slice %arg8[%dma_wait3A_417] : memref<16x!tpu.dma_semaphore, #tpu.memory_space<semaphore_mem>> -> memref<1x!tpu.dma_semaphore, #tpu.memory_space<semaphore_mem>>
    %dma_wait3A_425 = tpu.memref_squeeze %dma_wait3A_424 : memref<1x!tpu.dma_semaphore, #tpu.memory_space<semaphore_mem>> -> memref<!tpu.dma_semaphore, #tpu.memory_space<semaphore_mem>>
    %dma_wait3A_426 = arith.constant 48 : i32
    %dma_wait3A_427 = arith.constant 0 : i32
    %dma_wait3A_428 = tpu.memref_slice %arg5[%dma_wait3A_416, %dma_wait3A_426, %dma_wait3A_427] : memref<4x64x128xf32, #tpu.memory_space<vmem>> -> memref<1x16x128xf32, #tpu.memory_space<vmem>>
    %dma_wait3A_429 = tpu.memref_squeeze %dma_wait3A_428 : memref<1x16x128xf32, #tpu.memory_space<vmem>> -> memref<16x128xf32, #tpu.memory_space<vmem>>
    %dma_wait3A_430 = arith.constant 48 : i32
    %dma_wait3A_431 = tpu.memref_slice %arg2[%dma_wait3A_430, %add3A_129] : memref<64x16384xf32, #tpu.memory_space<hbm>> -> memref<16x128xf32, #tpu.memory_space<hbm>>
    tpu.wait_dma2 semaphore(%dma_wait3A_425 : memref<!tpu.dma_semaphore, #tpu.memory_space<semaphore_mem>>) src(%dma_wait3A_431 : memref<16x128xf32, #tpu.memory_space<hbm>>) dst(%dma_wait3A_429 : memref<16x128xf32, #tpu.memory_space<vmem>>)
    %scan3A_432 = arith.constant 0 : i32
    %scan3A_433 = arith.constant 8 : i32
    %scan3A_434 = arith.addi %scan3A_432, %scan3A_433 : i32
    %scan3A_435 = arith.constant 1 : i32
    %scan3A_436 = scf.for %scan3A_580 = %scan3A_432 to %scan3A_434 step %scan3A_435 iter_args(%scan3A_581 = %scan3A_366) -> (vector<16xf32>)  : i32 {
      %mul3A_582 = arith.constant 16 : i32
      %mul3A_583 = arith.muli %scan3A_580, %mul3A_582 : i32
      %get3A = arith.constant 1 : i32
      %get3A_584 = arith.constant 0 : i32
      %get3A_585 = arith.index_cast %get3A : i32 to index
      %get3A_586 = arith.index_cast %get3A_584 : i32 to index
      %get3A_587 = arith.index_cast %mul3A_583 : i32 to index
      %get3A_588 = tpu.vector_load %arg5[%get3A_585, %get3A_586, %get3A_587] {strides = array<i32>} : memref<4x64x128xf32, #tpu.memory_space<vmem>>, vector<16xf32>,
      %broadcast_in_dim3A_589 = arith.constant 0 : i32
      %broadcast_in_dim3A_590 = vector.broadcast %broadcast_in_dim3A_589 : i32 to vector<16xi32>
      %get3A_591 = arith.constant 1 : i32
      %get3A_592 = arith.constant 1 : i32
      %get3A_593 = arith.index_cast %get3A_591 : i32 to index
      %get3A_594 = arith.index_cast %get3A_592 : i32 to index
      %get3A_595 = arith.index_cast %mul3A_583 : i32 to index
      %get3A_596 = tpu.vector_load %arg5[%get3A_593, %get3A_594, %get3A_595] {strides = array<i32>} : memref<4x64x128xf32, #tpu.memory_space<vmem>>, vector<16xf32>,
      %gt3A = arith.cmpf ogt, %get3A_596, %get3A_588 : vector<16xf32>
      %jit3A = arith.constant 1 : i32
      %broadcast_in_dim3A_597 = vector.broadcast %jit3A : i32 to vector<16xi32>
      %select_n3A = arith.select %gt3A, %broadcast_in_dim3A_597, %broadcast_in_dim3A_590 : vector<16xi1>, vector<16xi32>
      %max3A = arith.maximumf %get3A_588, %get3A_596 : vector<16xf32>
      %get3A_598 = arith.constant 1 : i32
      %get3A_599 = arith.constant 2 : i32
      %get3A_600 = arith.index_cast %get3A_598 : i32 to index
      %get3A_601 = arith.index_cast %get3A_599 : i32 to index
      %get3A_602 = arith.index_cast %mul3A_583 : i32 to index
      %get3A_603 = tpu.vector_load %arg5[%get3A_600, %get3A_601, %get3A_602] {strides = array<i32>} : memref<4x64x128xf32, #tpu.memory_space<vmem>>, vector<16xf32>,
      %gt3A_604 = arith.cmpf ogt, %get3A_603, %max3A : vector<16xf32>
      %jit3A_605 = arith.constant 2 : i32
      %broadcast_in_dim3A_606 = vector.broadcast %jit3A_605 : i32 to vector<16xi32>
      %select_n3A_607 = arith.select %gt3A_604, %broadcast_in_dim3A_606, %select_n3A : vector<16xi1>, vector<16xi32>
      %max3A_608 = arith.maximumf %max3A, %get3A_603 : vector<16xf32>
      %get3A_609 = arith.constant 1 : i32
      %get3A_610 = arith.constant 3 : i32
      %get3A_611 = arith.index_cast %get3A_609 : i32 to index
      %get3A_612 = arith.index_cast %get3A_610 : i32 to index
      %get3A_613 = arith.index_cast %mul3A_583 : i32 to index
      %get3A_614 = tpu.vector_load %arg5[%get3A_611, %get3A_612, %get3A_613] {strides = array<i32>} : memref<4x64x128xf32, #tpu.memory_space<vmem>>, vector<16xf32>,
      %gt3A_615 = arith.cmpf ogt, %get3A_614, %max3A_608 : vector<16xf32>
      %jit3A_616 = arith.constant 3 : i32
      %broadcast_in_dim3A_617 = vector.broadcast %jit3A_616 : i32 to vector<16xi32>
      %select_n3A_618 = arith.select %gt3A_615, %broadcast_in_dim3A_617, %select_n3A_607 : vector<16xi1>, vector<16xi32>
      %max3A_619 = arith.maximumf %max3A_608, %get3A_614 : vector<16xf32>
      %get3A_620 = arith.constant 1 : i32
      %get3A_621 = arith.constant 4 : i32
      %get3A_622 = arith.index_cast %get3A_620 : i32 to index
      %get3A_623 = arith.index_cast %get3A_621 : i32 to index
      %get3A_624 = arith.index_cast %mul3A_583 : i32 to index
      %get3A_625 = tpu.vector_load %arg5[%get3A_622, %get3A_623, %get3A_624] {strides = array<i32>} : memref<4x64x128xf32, #tpu.memory_space<vmem>>, vector<16xf32>,
      %gt3A_626 = arith.cmpf ogt, %get3A_625, %max3A_619 : vector<16xf32>
      %jit3A_627 = arith.constant 4 : i32
      %broadcast_in_dim3A_628 = vector.broadcast %jit3A_627 : i32 to vector<16xi32>
      %select_n3A_629 = arith.select %gt3A_626, %broadcast_in_dim3A_628, %select_n3A_618 : vector<16xi1>, vector<16xi32>
      %max3A_630 = arith.maximumf %max3A_619, %get3A_625 : vector<16xf32>
      %get3A_631 = arith.constant 1 : i32
      %get3A_632 = arith.constant 5 : i32
      %get3A_633 = arith.index_cast %get3A_631 : i32 to index
      %get3A_634 = arith.index_cast %get3A_632 : i32 to index
      %get3A_635 = arith.index_cast %mul3A_583 : i32 to index
      %get3A_636 = tpu.vector_load %arg5[%get3A_633, %get3A_634, %get3A_635] {strides = array<i32>} : memref<4x64x128xf32, #tpu.memory_space<vmem>>, vector<16xf32>,
      %gt3A_637 = arith.cmpf ogt, %get3A_636, %max3A_630 : vector<16xf32>
      %jit3A_638 = arith.constant 5 : i32
      %broadcast_in_dim3A_639 = vector.broadcast %jit3A_638 : i32 to vector<16xi32>
      %select_n3A_640 = arith.select %gt3A_637, %broadcast_in_dim3A_639, %select_n3A_629 : vector<16xi1>, vector<16xi32>
      %max3A_641 = arith.maximumf %max3A_630, %get3A_636 : vector<16xf32>
      %get3A_642 = arith.constant 1 : i32
      %get3A_643 = arith.constant 6 : i32
      %get3A_644 = arith.index_cast %get3A_642 : i32 to index
      %get3A_645 = arith.index_cast %get3A_643 : i32 to index
      %get3A_646 = arith.index_cast %mul3A_583 : i32 to index
      %get3A_647 = tpu.vector_load %arg5[%get3A_644, %get3A_645, %get3A_646] {strides = array<i32>} : memref<4x64x128xf32, #tpu.memory_space<vmem>>, vector<16xf32>,
      %gt3A_648 = arith.cmpf ogt, %get3A_647, %max3A_641 : vector<16xf32>
      %jit3A_649 = arith.constant 6 : i32
      %broadcast_in_dim3A_650 = vector.broadcast %jit3A_649 : i32 to vector<16xi32>
      %select_n3A_651 = arith.select %gt3A_648, %broadcast_in_dim3A_650, %select_n3A_640 : vector<16xi1>, vector<16xi32>
      %max3A_652 = arith.maximumf %max3A_641, %get3A_647 : vector<16xf32>
      %get3A_653 = arith.constant 1 : i32
      %get3A_654 = arith.constant 7 : i32
      %get3A_655 = arith.index_cast %get3A_653 : i32 to index
      %get3A_656 = arith.index_cast %get3A_654 : i32 to index
      %get3A_657 = arith.index_cast %mul3A_583 : i32 to index
      %get3A_658 = tpu.vector_load %arg5[%get3A_655, %get3A_656, %get3A_657] {strides = array<i32>} : memref<4x64x128xf32, #tpu.memory_space<vmem>>, vector<16xf32>,
      %gt3A_659 = arith.cmpf ogt, %get3A_658, %max3A_652 : vector<16xf32>
      %jit3A_660 = arith.constant 7 : i32
      %broadcast_in_dim3A_661 = vector.broadcast %jit3A_660 : i32 to vector<16xi32>
      %select_n3A_662 = arith.select %gt3A_659, %broadcast_in_dim3A_661, %select_n3A_651 : vector<16xi1>, vector<16xi32>
      %max3A_663 = arith.maximumf %max3A_652, %get3A_658 : vector<16xf32>
      %get3A_664 = arith.constant 1 : i32
      %get3A_665 = arith.constant 8 : i32
      %get3A_666 = arith.index_cast %get3A_664 : i32 to index
      %get3A_667 = arith.index_cast %get3A_665 : i32 to index
      %get3A_668 = arith.index_cast %mul3A_583 : i32 to index
      %get3A_669 = tpu.vector_load %arg5[%get3A_666, %get3A_667, %get3A_668] {strides = array<i32>} : memref<4x64x128xf32, #tpu.memory_space<vmem>>, vector<16xf32>,
      %gt3A_670 = arith.cmpf ogt, %get3A_669, %max3A_663 : vector<16xf32>
      %jit3A_671 = arith.constant 8 : i32
      %broadcast_in_dim3A_672 = vector.broadcast %jit3A_671 : i32 to vector<16xi32>
      %select_n3A_673 = arith.select %gt3A_670, %broadcast_in_dim3A_672, %select_n3A_662 : vector<16xi1>, vector<16xi32>
      %max3A_674 = arith.maximumf %max3A_663, %get3A_669 : vector<16xf32>
      %get3A_675 = arith.constant 1 : i32
      %get3A_676 = arith.constant 9 : i32
      %get3A_677 = arith.index_cast %get3A_675 : i32 to index
      %get3A_678 = arith.index_cast %get3A_676 : i32 to index
      %get3A_679 = arith.index_cast %mul3A_583 : i32 to index
      %get3A_680 = tpu.vector_load %arg5[%get3A_677, %get3A_678, %get3A_679] {strides = array<i32>} : memref<4x64x128xf32, #tpu.memory_space<vmem>>, vector<16xf32>,
      %gt3A_681 = arith.cmpf ogt, %get3A_680, %max3A_674 : vector<16xf32>
      %jit3A_682 = arith.constant 9 : i32
      %broadcast_in_dim3A_683 = vector.broadcast %jit3A_682 : i32 to vector<16xi32>
      %select_n3A_684 = arith.select %gt3A_681, %broadcast_in_dim3A_683, %select_n3A_673 : vector<16xi1>, vector<16xi32>
      %max3A_685 = arith.maximumf %max3A_674, %get3A_680 : vector<16xf32>
      %get3A_686 = arith.constant 1 : i32
      %get3A_687 = arith.constant 10 : i32
      %get3A_688 = arith.index_cast %get3A_686 : i32 to index
      %get3A_689 = arith.index_cast %get3A_687 : i32 to index
      %get3A_690 = arith.index_cast %mul3A_583 : i32 to index
      %get3A_691 = tpu.vector_load %arg5[%get3A_688, %get3A_689, %get3A_690] {strides = array<i32>} : memref<4x64x128xf32, #tpu.memory_space<vmem>>, vector<16xf32>,
      %gt3A_692 = arith.cmpf ogt, %get3A_691, %max3A_685 : vector<16xf32>
      %jit3A_693 = arith.constant 10 : i32
      %broadcast_in_dim3A_694 = vector.broadcast %jit3A_693 : i32 to vector<16xi32>
      %select_n3A_695 = arith.select %gt3A_692, %broadcast_in_dim3A_694, %select_n3A_684 : vector<16xi1>, vector<16xi32>
      %max3A_696 = arith.maximumf %max3A_685, %get3A_691 : vector<16xf32>
      %get3A_697 = arith.constant 1 : i32
      %get3A_698 = arith.constant 11 : i32
      %get3A_699 = arith.index_cast %get3A_697 : i32 to index
      %get3A_700 = arith.index_cast %get3A_698 : i32 to index
      %get3A_701 = arith.index_cast %mul3A_583 : i32 to index
      %get3A_702 = tpu.vector_load %arg5[%get3A_699, %get3A_700, %get3A_701] {strides = array<i32>} : memref<4x64x128xf32, #tpu.memory_space<vmem>>, vector<16xf32>,
      %gt3A_703 = arith.cmpf ogt, %get3A_702, %max3A_696 : vector<16xf32>
      %jit3A_704 = arith.constant 11 : i32
      %broadcast_in_dim3A_705 = vector.broadcast %jit3A_704 : i32 to vector<16xi32>
      %select_n3A_706 = arith.select %gt3A_703, %broadcast_in_dim3A_705, %select_n3A_695 : vector<16xi1>, vector<16xi32>
      %max3A_707 = arith.maximumf %max3A_696, %get3A_702 : vector<16xf32>
      %get3A_708 = arith.constant 1 : i32
      %get3A_709 = arith.constant 12 : i32
      %get3A_710 = arith.index_cast %get3A_708 : i32 to index
      %get3A_711 = arith.index_cast %get3A_709 : i32 to index
      %get3A_712 = arith.index_cast %mul3A_583 : i32 to index
      %get3A_713 = tpu.vector_load %arg5[%get3A_710, %get3A_711, %get3A_712] {strides = array<i32>} : memref<4x64x128xf32, #tpu.memory_space<vmem>>, vector<16xf32>,
      %gt3A_714 = arith.cmpf ogt, %get3A_713, %max3A_707 : vector<16xf32>
      %jit3A_715 = arith.constant 12 : i32
      %broadcast_in_dim3A_716 = vector.broadcast %jit3A_715 : i32 to vector<16xi32>
      %select_n3A_717 = arith.select %gt3A_714, %broadcast_in_dim3A_716, %select_n3A_706 : vector<16xi1>, vector<16xi32>
      %max3A_718 = arith.maximumf %max3A_707, %get3A_713 : vector<16xf32>
      %get3A_719 = arith.constant 1 : i32
      %get3A_720 = arith.constant 13 : i32
      %get3A_721 = arith.index_cast %get3A_719 : i32 to index
      %get3A_722 = arith.index_cast %get3A_720 : i32 to index
      %get3A_723 = arith.index_cast %mul3A_583 : i32 to index
      %get3A_724 = tpu.vector_load %arg5[%get3A_721, %get3A_722, %get3A_723] {strides = array<i32>} : memref<4x64x128xf32, #tpu.memory_space<vmem>>, vector<16xf32>,
      %gt3A_725 = arith.cmpf ogt, %get3A_724, %max3A_718 : vector<16xf32>
      %jit3A_726 = arith.constant 13 : i32
      %broadcast_in_dim3A_727 = vector.broadcast %jit3A_726 : i32 to vector<16xi32>
      %select_n3A_728 = arith.select %gt3A_725, %broadcast_in_dim3A_727, %select_n3A_717 : vector<16xi1>, vector<16xi32>
      %max3A_729 = arith.maximumf %max3A_718, %get3A_724 : vector<16xf32>
      %get3A_730 = arith.constant 1 : i32
      %get3A_731 = arith.constant 14 : i32
      %get3A_732 = arith.index_cast %get3A_730 : i32 to index
      %get3A_733 = arith.index_cast %get3A_731 : i32 to index
      %get3A_734 = arith.index_cast %mul3A_583 : i32 to index
      %get3A_735 = tpu.vector_load %arg5[%get3A_732, %get3A_733, %get3A_734] {strides = array<i32>} : memref<4x64x128xf32, #tpu.memory_space<vmem>>, vector<16xf32>,
      %gt3A_736 = arith.cmpf ogt, %get3A_735, %max3A_729 : vector<16xf32>
      %jit3A_737 = arith.constant 14 : i32
      %broadcast_in_dim3A_738 = vector.broadcast %jit3A_737 : i32 to vector<16xi32>
      %select_n3A_739 = arith.select %gt3A_736, %broadcast_in_dim3A_738, %select_n3A_728 : vector<16xi1>, vector<16xi32>
      %max3A_740 = arith.maximumf %max3A_729, %get3A_735 : vector<16xf32>
      %get3A_741 = arith.constant 1 : i32
      %get3A_742 = arith.constant 15 : i32
      %get3A_743 = arith.index_cast %get3A_741 : i32 to index
      %get3A_744 = arith.index_cast %get3A_742 : i32 to index
      %get3A_745 = arith.index_cast %mul3A_583 : i32 to index
      %get3A_746 = tpu.vector_load %arg5[%get3A_743, %get3A_744, %get3A_745] {strides = array<i32>} : memref<4x64x128xf32, #tpu.memory_space<vmem>>, vector<16xf32>,
      %gt3A_747 = arith.cmpf ogt, %get3A_746, %max3A_740 : vector<16xf32>
      %jit3A_748 = arith.constant 15 : i32
      %broadcast_in_dim3A_749 = vector.broadcast %jit3A_748 : i32 to vector<16xi32>
      %select_n3A_750 = arith.select %gt3A_747, %broadcast_in_dim3A_749, %select_n3A_739 : vector<16xi1>, vector<16xi32>
      %max3A_751 = arith.maximumf %max3A_740, %get3A_746 : vector<16xf32>
      %get3A_752 = arith.constant 1 : i32
      %get3A_753 = arith.constant 16 : i32
      %get3A_754 = arith.index_cast %get3A_752 : i32 to index
      %get3A_755 = arith.index_cast %get3A_753 : i32 to index
      %get3A_756 = arith.index_cast %mul3A_583 : i32 to index
      %get3A_757 = tpu.vector_load %arg5[%get3A_754, %get3A_755, %get3A_756] {strides = array<i32>} : memref<4x64x128xf32, #tpu.memory_space<vmem>>, vector<16xf32>,
      %broadcast_in_dim3A_758 = arith.constant 16 : i32
      %broadcast_in_dim3A_759 = vector.broadcast %broadcast_in_dim3A_758 : i32 to vector<16xi32>
      %get3A_760 = arith.constant 1 : i32
      %get3A_761 = arith.constant 17 : i32
      %get3A_762 = arith.index_cast %get3A_760 : i32 to index
      %get3A_763 = arith.index_cast %get3A_761 : i32 to index
      %get3A_764 = arith.index_cast %mul3A_583 : i32 to index
      %get3A_765 = tpu.vector_load %arg5[%get3A_762, %get3A_763, %get3A_764] {strides = array<i32>} : memref<4x64x128xf32, #tpu.memory_space<vmem>>, vector<16xf32>,
      %gt3A_766 = arith.cmpf ogt, %get3A_765, %get3A_757 : vector<16xf32>
      %jit3A_767 = arith.constant 17 : i32
      %broadcast_in_dim3A_768 = vector.broadcast %jit3A_767 : i32 to vector<16xi32>
      %select_n3A_769 = arith.select %gt3A_766, %broadcast_in_dim3A_768, %broadcast_in_dim3A_759 : vector<16xi1>, vector<16xi32>
      %max3A_770 = arith.maximumf %get3A_757, %get3A_765 : vector<16xf32>
      %get3A_771 = arith.constant 1 : i32
      %get3A_772 = arith.constant 18 : i32
      %get3A_773 = arith.index_cast %get3A_771 : i32 to index
      %get3A_774 = arith.index_cast %get3A_772 : i32 to index
      %get3A_775 = arith.index_cast %mul3A_583 : i32 to index
      %get3A_776 = tpu.vector_load %arg5[%get3A_773, %get3A_774, %get3A_775] {strides = array<i32>} : memref<4x64x128xf32, #tpu.memory_space<vmem>>, vector<16xf32>,
      %gt3A_777 = arith.cmpf ogt, %get3A_776, %max3A_770 : vector<16xf32>
      %jit3A_778 = arith.constant 18 : i32
      %broadcast_in_dim3A_779 = vector.broadcast %jit3A_778 : i32 to vector<16xi32>
      %select_n3A_780 = arith.select %gt3A_777, %broadcast_in_dim3A_779, %select_n3A_769 : vector<16xi1>, vector<16xi32>
      %max3A_781 = arith.maximumf %max3A_770, %get3A_776 : vector<16xf32>
      %get3A_782 = arith.constant 1 : i32
      %get3A_783 = arith.constant 19 : i32
      %get3A_784 = arith.index_cast %get3A_782 : i32 to index
      %get3A_785 = arith.index_cast %get3A_783 : i32 to index
      %get3A_786 = arith.index_cast %mul3A_583 : i32 to index
      %get3A_787 = tpu.vector_load %arg5[%get3A_784, %get3A_785, %get3A_786] {strides = array<i32>} : memref<4x64x128xf32, #tpu.memory_space<vmem>>, vector<16xf32>,
      %gt3A_788 = arith.cmpf ogt, %get3A_787, %max3A_781 : vector<16xf32>
      %jit3A_789 = arith.constant 19 : i32
      %broadcast_in_dim3A_790 = vector.broadcast %jit3A_789 : i32 to vector<16xi32>
      %select_n3A_791 = arith.select %gt3A_788, %broadcast_in_dim3A_790, %select_n3A_780 : vector<16xi1>, vector<16xi32>
      %max3A_792 = arith.maximumf %max3A_781, %get3A_787 : vector<16xf32>
      %get3A_793 = arith.constant 1 : i32
      %get3A_794 = arith.constant 20 : i32
      %get3A_795 = arith.index_cast %get3A_793 : i32 to index
      %get3A_796 = arith.index_cast %get3A_794 : i32 to index
      %get3A_797 = arith.index_cast %mul3A_583 : i32 to index
      %get3A_798 = tpu.vector_load %arg5[%get3A_795, %get3A_796, %get3A_797] {strides = array<i32>} : memref<4x64x128xf32, #tpu.memory_space<vmem>>, vector<16xf32>,
      %gt3A_799 = arith.cmpf ogt, %get3A_798, %max3A_792 : vector<16xf32>
      %jit3A_800 = arith.constant 20 : i32
      %broadcast_in_dim3A_801 = vector.broadcast %jit3A_800 : i32 to vector<16xi32>
      %select_n3A_802 = arith.select %gt3A_799, %broadcast_in_dim3A_801, %select_n3A_791 : vector<16xi1>, vector<16xi32>
      %max3A_803 = arith.maximumf %max3A_792, %get3A_798 : vector<16xf32>
      %get3A_804 = arith.constant 1 : i32
      %get3A_805 = arith.constant 21 : i32
      %get3A_806 = arith.index_cast %get3A_804 : i32 to index
      %get3A_807 = arith.index_cast %get3A_805 : i32 to index
      %get3A_808 = arith.index_cast %mul3A_583 : i32 to index
      %get3A_809 = tpu.vector_load %arg5[%get3A_806, %get3A_807, %get3A_808] {strides = array<i32>} : memref<4x64x128xf32, #tpu.memory_space<vmem>>, vector<16xf32>,
      %gt3A_810 = arith.cmpf ogt, %get3A_809, %max3A_803 : vector<16xf32>
      %jit3A_811 = arith.constant 21 : i32
      %broadcast_in_dim3A_812 = vector.broadcast %jit3A_811 : i32 to vector<16xi32>
      %select_n3A_813 = arith.select %gt3A_810, %broadcast_in_dim3A_812, %select_n3A_802 : vector<16xi1>, vector<16xi32>
      %max3A_814 = arith.maximumf %max3A_803, %get3A_809 : vector<16xf32>
      %get3A_815 = arith.constant 1 : i32
      %get3A_816 = arith.constant 22 : i32
      %get3A_817 = arith.index_cast %get3A_815 : i32 to index
      %get3A_818 = arith.index_cast %get3A_816 : i32 to index
      %get3A_819 = arith.index_cast %mul3A_583 : i32 to index
      %get3A_820 = tpu.vector_load %arg5[%get3A_817, %get3A_818, %get3A_819] {strides = array<i32>} : memref<4x64x128xf32, #tpu.memory_space<vmem>>, vector<16xf32>,
      %gt3A_821 = arith.cmpf ogt, %get3A_820, %max3A_814 : vector<16xf32>
      %jit3A_822 = arith.constant 22 : i32
      %broadcast_in_dim3A_823 = vector.broadcast %jit3A_822 : i32 to vector<16xi32>
      %select_n3A_824 = arith.select %gt3A_821, %broadcast_in_dim3A_823, %select_n3A_813 : vector<16xi1>, vector<16xi32>
      %max3A_825 = arith.maximumf %max3A_814, %get3A_820 : vector<16xf32>
      %get3A_826 = arith.constant 1 : i32
      %get3A_827 = arith.constant 23 : i32
      %get3A_828 = arith.index_cast %get3A_826 : i32 to index
      %get3A_829 = arith.index_cast %get3A_827 : i32 to index
      %get3A_830 = arith.index_cast %mul3A_583 : i32 to index
      %get3A_831 = tpu.vector_load %arg5[%get3A_828, %get3A_829, %get3A_830] {strides = array<i32>} : memref<4x64x128xf32, #tpu.memory_space<vmem>>, vector<16xf32>,
      %gt3A_832 = arith.cmpf ogt, %get3A_831, %max3A_825 : vector<16xf32>
      %jit3A_833 = arith.constant 23 : i32
      %broadcast_in_dim3A_834 = vector.broadcast %jit3A_833 : i32 to vector<16xi32>
      %select_n3A_835 = arith.select %gt3A_832, %broadcast_in_dim3A_834, %select_n3A_824 : vector<16xi1>, vector<16xi32>
      %max3A_836 = arith.maximumf %max3A_825, %get3A_831 : vector<16xf32>
      %get3A_837 = arith.constant 1 : i32
      %get3A_838 = arith.constant 24 : i32
      %get3A_839 = arith.index_cast %get3A_837 : i32 to index
      %get3A_840 = arith.index_cast %get3A_838 : i32 to index
      %get3A_841 = arith.index_cast %mul3A_583 : i32 to index
      %get3A_842 = tpu.vector_load %arg5[%get3A_839, %get3A_840, %get3A_841] {strides = array<i32>} : memref<4x64x128xf32, #tpu.memory_space<vmem>>, vector<16xf32>,
      %gt3A_843 = arith.cmpf ogt, %get3A_842, %max3A_836 : vector<16xf32>
      %jit3A_844 = arith.constant 24 : i32
      %broadcast_in_dim3A_845 = vector.broadcast %jit3A_844 : i32 to vector<16xi32>
      %select_n3A_846 = arith.select %gt3A_843, %broadcast_in_dim3A_845, %select_n3A_835 : vector<16xi1>, vector<16xi32>
      %max3A_847 = arith.maximumf %max3A_836, %get3A_842 : vector<16xf32>
      %get3A_848 = arith.constant 1 : i32
      %get3A_849 = arith.constant 25 : i32
      %get3A_850 = arith.index_cast %get3A_848 : i32 to index
      %get3A_851 = arith.index_cast %get3A_849 : i32 to index
      %get3A_852 = arith.index_cast %mul3A_583 : i32 to index
      %get3A_853 = tpu.vector_load %arg5[%get3A_850, %get3A_851, %get3A_852] {strides = array<i32>} : memref<4x64x128xf32, #tpu.memory_space<vmem>>, vector<16xf32>,
      %gt3A_854 = arith.cmpf ogt, %get3A_853, %max3A_847 : vector<16xf32>
      %jit3A_855 = arith.constant 25 : i32
      %broadcast_in_dim3A_856 = vector.broadcast %jit3A_855 : i32 to vector<16xi32>
      %select_n3A_857 = arith.select %gt3A_854, %broadcast_in_dim3A_856, %select_n3A_846 : vector<16xi1>, vector<16xi32>
      %max3A_858 = arith.maximumf %max3A_847, %get3A_853 : vector<16xf32>
      %get3A_859 = arith.constant 1 : i32
      %get3A_860 = arith.constant 26 : i32
      %get3A_861 = arith.index_cast %get3A_859 : i32 to index
      %get3A_862 = arith.index_cast %get3A_860 : i32 to index
      %get3A_863 = arith.index_cast %mul3A_583 : i32 to index
      %get3A_864 = tpu.vector_load %arg5[%get3A_861, %get3A_862, %get3A_863] {strides = array<i32>} : memref<4x64x128xf32, #tpu.memory_space<vmem>>, vector<16xf32>,
      %gt3A_865 = arith.cmpf ogt, %get3A_864, %max3A_858 : vector<16xf32>
      %jit3A_866 = arith.constant 26 : i32
      %broadcast_in_dim3A_867 = vector.broadcast %jit3A_866 : i32 to vector<16xi32>
      %select_n3A_868 = arith.select %gt3A_865, %broadcast_in_dim3A_867, %select_n3A_857 : vector<16xi1>, vector<16xi32>
      %max3A_869 = arith.maximumf %max3A_858, %get3A_864 : vector<16xf32>
      %get3A_870 = arith.constant 1 : i32
      %get3A_871 = arith.constant 27 : i32
      %get3A_872 = arith.index_cast %get3A_870 : i32 to index
      %get3A_873 = arith.index_cast %get3A_871 : i32 to index
      %get3A_874 = arith.index_cast %mul3A_583 : i32 to index
      %get3A_875 = tpu.vector_load %arg5[%get3A_872, %get3A_873, %get3A_874] {strides = array<i32>} : memref<4x64x128xf32, #tpu.memory_space<vmem>>, vector<16xf32>,
      %gt3A_876 = arith.cmpf ogt, %get3A_875, %max3A_869 : vector<16xf32>
      %jit3A_877 = arith.constant 27 : i32
      %broadcast_in_dim3A_878 = vector.broadcast %jit3A_877 : i32 to vector<16xi32>
      %select_n3A_879 = arith.select %gt3A_876, %broadcast_in_dim3A_878, %select_n3A_868 : vector<16xi1>, vector<16xi32>
      %max3A_880 = arith.maximumf %max3A_869, %get3A_875 : vector<16xf32>
      %get3A_881 = arith.constant 1 : i32
      %get3A_882 = arith.constant 28 : i32
      %get3A_883 = arith.index_cast %get3A_881 : i32 to index
      %get3A_884 = arith.index_cast %get3A_882 : i32 to index
      %get3A_885 = arith.index_cast %mul3A_583 : i32 to index
      %get3A_886 = tpu.vector_load %arg5[%get3A_883, %get3A_884, %get3A_885] {strides = array<i32>} : memref<4x64x128xf32, #tpu.memory_space<vmem>>, vector<16xf32>,
      %gt3A_887 = arith.cmpf ogt, %get3A_886, %max3A_880 : vector<16xf32>
      %jit3A_888 = arith.constant 28 : i32
      %broadcast_in_dim3A_889 = vector.broadcast %jit3A_888 : i32 to vector<16xi32>
      %select_n3A_890 = arith.select %gt3A_887, %broadcast_in_dim3A_889, %select_n3A_879 : vector<16xi1>, vector<16xi32>
      %max3A_891 = arith.maximumf %max3A_880, %get3A_886 : vector<16xf32>
      %get3A_892 = arith.constant 1 : i32
      %get3A_893 = arith.constant 29 : i32
      %get3A_894 = arith.index_cast %get3A_892 : i32 to index
      %get3A_895 = arith.index_cast %get3A_893 : i32 to index
      %get3A_896 = arith.index_cast %mul3A_583 : i32 to index
      %get3A_897 = tpu.vector_load %arg5[%get3A_894, %get3A_895, %get3A_896] {strides = array<i32>} : memref<4x64x128xf32, #tpu.memory_space<vmem>>, vector<16xf32>,
      %gt3A_898 = arith.cmpf ogt, %get3A_897, %max3A_891 : vector<16xf32>
      %jit3A_899 = arith.constant 29 : i32
      %broadcast_in_dim3A_900 = vector.broadcast %jit3A_899 : i32 to vector<16xi32>
      %select_n3A_901 = arith.select %gt3A_898, %broadcast_in_dim3A_900, %select_n3A_890 : vector<16xi1>, vector<16xi32>
      %max3A_902 = arith.maximumf %max3A_891, %get3A_897 : vector<16xf32>
      %get3A_903 = arith.constant 1 : i32
      %get3A_904 = arith.constant 30 : i32
      %get3A_905 = arith.index_cast %get3A_903 : i32 to index
      %get3A_906 = arith.index_cast %get3A_904 : i32 to index
      %get3A_907 = arith.index_cast %mul3A_583 : i32 to index
      %get3A_908 = tpu.vector_load %arg5[%get3A_905, %get3A_906, %get3A_907] {strides = array<i32>} : memref<4x64x128xf32, #tpu.memory_space<vmem>>, vector<16xf32>,
      %gt3A_909 = arith.cmpf ogt, %get3A_908, %max3A_902 : vector<16xf32>
      %jit3A_910 = arith.constant 30 : i32
      %broadcast_in_dim3A_911 = vector.broadcast %jit3A_910 : i32 to vector<16xi32>
      %select_n3A_912 = arith.select %gt3A_909, %broadcast_in_dim3A_911, %select_n3A_901 : vector<16xi1>, vector<16xi32>
      %max3A_913 = arith.maximumf %max3A_902, %get3A_908 : vector<16xf32>
      %get3A_914 = arith.constant 1 : i32
      %get3A_915 = arith.constant 31 : i32
      %get3A_916 = arith.index_cast %get3A_914 : i32 to index
      %get3A_917 = arith.index_cast %get3A_915 : i32 to index
      %get3A_918 = arith.index_cast %mul3A_583 : i32 to index
      %get3A_919 = tpu.vector_load %arg5[%get3A_916, %get3A_917, %get3A_918] {strides = array<i32>} : memref<4x64x128xf32, #tpu.memory_space<vmem>>, vector<16xf32>,
      %gt3A_920 = arith.cmpf ogt, %get3A_919, %max3A_913 : vector<16xf32>
      %jit3A_921 = arith.constant 31 : i32
      %broadcast_in_dim3A_922 = vector.broadcast %jit3A_921 : i32 to vector<16xi32>
      %select_n3A_923 = arith.select %gt3A_920, %broadcast_in_dim3A_922, %select_n3A_912 : vector<16xi1>, vector<16xi32>
      %max3A_924 = arith.maximumf %max3A_913, %get3A_919 : vector<16xf32>
      %get3A_925 = arith.constant 1 : i32
      %get3A_926 = arith.constant 32 : i32
      %get3A_927 = arith.index_cast %get3A_925 : i32 to index
      %get3A_928 = arith.index_cast %get3A_926 : i32 to index
      %get3A_929 = arith.index_cast %mul3A_583 : i32 to index
      %get3A_930 = tpu.vector_load %arg5[%get3A_927, %get3A_928, %get3A_929] {strides = array<i32>} : memref<4x64x128xf32, #tpu.memory_space<vmem>>, vector<16xf32>,
      %broadcast_in_dim3A_931 = arith.constant 32 : i32
      %broadcast_in_dim3A_932 = vector.broadcast %broadcast_in_dim3A_931 : i32 to vector<16xi32>
      %get3A_933 = arith.constant 1 : i32
      %get3A_934 = arith.constant 33 : i32
      %get3A_935 = arith.index_cast %get3A_933 : i32 to index
      %get3A_936 = arith.index_cast %get3A_934 : i32 to index
      %get3A_937 = arith.index_cast %mul3A_583 : i32 to index
      %get3A_938 = tpu.vector_load %arg5[%get3A_935, %get3A_936, %get3A_937] {strides = array<i32>} : memref<4x64x128xf32, #tpu.memory_space<vmem>>, vector<16xf32>,
      %gt3A_939 = arith.cmpf ogt, %get3A_938, %get3A_930 : vector<16xf32>
      %jit3A_940 = arith.constant 33 : i32
      %broadcast_in_dim3A_941 = vector.broadcast %jit3A_940 : i32 to vector<16xi32>
      %select_n3A_942 = arith.select %gt3A_939, %broadcast_in_dim3A_941, %broadcast_in_dim3A_932 : vector<16xi1>, vector<16xi32>
      %max3A_943 = arith.maximumf %get3A_930, %get3A_938 : vector<16xf32>
      %get3A_944 = arith.constant 1 : i32
      %get3A_945 = arith.constant 34 : i32
      %get3A_946 = arith.index_cast %get3A_944 : i32 to index
      %get3A_947 = arith.index_cast %get3A_945 : i32 to index
      %get3A_948 = arith.index_cast %mul3A_583 : i32 to index
      %get3A_949 = tpu.vector_load %arg5[%get3A_946, %get3A_947, %get3A_948] {strides = array<i32>} : memref<4x64x128xf32, #tpu.memory_space<vmem>>, vector<16xf32>,
      %gt3A_950 = arith.cmpf ogt, %get3A_949, %max3A_943 : vector<16xf32>
      %jit3A_951 = arith.constant 34 : i32
      %broadcast_in_dim3A_952 = vector.broadcast %jit3A_951 : i32 to vector<16xi32>
      %select_n3A_953 = arith.select %gt3A_950, %broadcast_in_dim3A_952, %select_n3A_942 : vector<16xi1>, vector<16xi32>
      %max3A_954 = arith.maximumf %max3A_943, %get3A_949 : vector<16xf32>
      %get3A_955 = arith.constant 1 : i32
      %get3A_956 = arith.constant 35 : i32
      %get3A_957 = arith.index_cast %get3A_955 : i32 to index
      %get3A_958 = arith.index_cast %get3A_956 : i32 to index
      %get3A_959 = arith.index_cast %mul3A_583 : i32 to index
      %get3A_960 = tpu.vector_load %arg5[%get3A_957, %get3A_958, %get3A_959] {strides = array<i32>} : memref<4x64x128xf32, #tpu.memory_space<vmem>>, vector<16xf32>,
      %gt3A_961 = arith.cmpf ogt, %get3A_960, %max3A_954 : vector<16xf32>
      %jit3A_962 = arith.constant 35 : i32
      %broadcast_in_dim3A_963 = vector.broadcast %jit3A_962 : i32 to vector<16xi32>
      %select_n3A_964 = arith.select %gt3A_961, %broadcast_in_dim3A_963, %select_n3A_953 : vector<16xi1>, vector<16xi32>
      %max3A_965 = arith.maximumf %max3A_954, %get3A_960 : vector<16xf32>
      %get3A_966 = arith.constant 1 : i32
      %get3A_967 = arith.constant 36 : i32
      %get3A_968 = arith.index_cast %get3A_966 : i32 to index
      %get3A_969 = arith.index_cast %get3A_967 : i32 to index
      %get3A_970 = arith.index_cast %mul3A_583 : i32 to index
      %get3A_971 = tpu.vector_load %arg5[%get3A_968, %get3A_969, %get3A_970] {strides = array<i32>} : memref<4x64x128xf32, #tpu.memory_space<vmem>>, vector<16xf32>,
      %gt3A_972 = arith.cmpf ogt, %get3A_971, %max3A_965 : vector<16xf32>
      %jit3A_973 = arith.constant 36 : i32
      %broadcast_in_dim3A_974 = vector.broadcast %jit3A_973 : i32 to vector<16xi32>
      %select_n3A_975 = arith.select %gt3A_972, %broadcast_in_dim3A_974, %select_n3A_964 : vector<16xi1>, vector<16xi32>
      %max3A_976 = arith.maximumf %max3A_965, %get3A_971 : vector<16xf32>
      %get3A_977 = arith.constant 1 : i32
      %get3A_978 = arith.constant 37 : i32
      %get3A_979 = arith.index_cast %get3A_977 : i32 to index
      %get3A_980 = arith.index_cast %get3A_978 : i32 to index
      %get3A_981 = arith.index_cast %mul3A_583 : i32 to index
      %get3A_982 = tpu.vector_load %arg5[%get3A_979, %get3A_980, %get3A_981] {strides = array<i32>} : memref<4x64x128xf32, #tpu.memory_space<vmem>>, vector<16xf32>,
      %gt3A_983 = arith.cmpf ogt, %get3A_982, %max3A_976 : vector<16xf32>
      %jit3A_984 = arith.constant 37 : i32
      %broadcast_in_dim3A_985 = vector.broadcast %jit3A_984 : i32 to vector<16xi32>
      %select_n3A_986 = arith.select %gt3A_983, %broadcast_in_dim3A_985, %select_n3A_975 : vector<16xi1>, vector<16xi32>
      %max3A_987 = arith.maximumf %max3A_976, %get3A_982 : vector<16xf32>
      %get3A_988 = arith.constant 1 : i32
      %get3A_989 = arith.constant 38 : i32
      %get3A_990 = arith.index_cast %get3A_988 : i32 to index
      %get3A_991 = arith.index_cast %get3A_989 : i32 to index
      %get3A_992 = arith.index_cast %mul3A_583 : i32 to index
      %get3A_993 = tpu.vector_load %arg5[%get3A_990, %get3A_991, %get3A_992] {strides = array<i32>} : memref<4x64x128xf32, #tpu.memory_space<vmem>>, vector<16xf32>,
      %gt3A_994 = arith.cmpf ogt, %get3A_993, %max3A_987 : vector<16xf32>
      %jit3A_995 = arith.constant 38 : i32
      %broadcast_in_dim3A_996 = vector.broadcast %jit3A_995 : i32 to vector<16xi32>
      %select_n3A_997 = arith.select %gt3A_994, %broadcast_in_dim3A_996, %select_n3A_986 : vector<16xi1>, vector<16xi32>
      %max3A_998 = arith.maximumf %max3A_987, %get3A_993 : vector<16xf32>
      %get3A_999 = arith.constant 1 : i32
      %get3A_1000 = arith.constant 39 : i32
      %get3A_1001 = arith.index_cast %get3A_999 : i32 to index
      %get3A_1002 = arith.index_cast %get3A_1000 : i32 to index
      %get3A_1003 = arith.index_cast %mul3A_583 : i32 to index
      %get3A_1004 = tpu.vector_load %arg5[%get3A_1001, %get3A_1002, %get3A_1003] {strides = array<i32>} : memref<4x64x128xf32, #tpu.memory_space<vmem>>, vector<16xf32>,
      %gt3A_1005 = arith.cmpf ogt, %get3A_1004, %max3A_998 : vector<16xf32>
      %jit3A_1006 = arith.constant 39 : i32
      %broadcast_in_dim3A_1007 = vector.broadcast %jit3A_1006 : i32 to vector<16xi32>
      %select_n3A_1008 = arith.select %gt3A_1005, %broadcast_in_dim3A_1007, %select_n3A_997 : vector<16xi1>, vector<16xi32>
      %max3A_1009 = arith.maximumf %max3A_998, %get3A_1004 : vector<16xf32>
      %get3A_1010 = arith.constant 1 : i32
      %get3A_1011 = arith.constant 40 : i32
      %get3A_1012 = arith.index_cast %get3A_1010 : i32 to index
      %get3A_1013 = arith.index_cast %get3A_1011 : i32 to index
      %get3A_1014 = arith.index_cast %mul3A_583 : i32 to index
      %get3A_1015 = tpu.vector_load %arg5[%get3A_1012, %get3A_1013, %get3A_1014] {strides = array<i32>} : memref<4x64x128xf32, #tpu.memory_space<vmem>>, vector<16xf32>,
      %gt3A_1016 = arith.cmpf ogt, %get3A_1015, %max3A_1009 : vector<16xf32>
      %jit3A_1017 = arith.constant 40 : i32
      %broadcast_in_dim3A_1018 = vector.broadcast %jit3A_1017 : i32 to vector<16xi32>
      %select_n3A_1019 = arith.select %gt3A_1016, %broadcast_in_dim3A_1018, %select_n3A_1008 : vector<16xi1>, vector<16xi32>
      %max3A_1020 = arith.maximumf %max3A_1009, %get3A_1015 : vector<16xf32>
      %get3A_1021 = arith.constant 1 : i32
      %get3A_1022 = arith.constant 41 : i32
      %get3A_1023 = arith.index_cast %get3A_1021 : i32 to index
      %get3A_1024 = arith.index_cast %get3A_1022 : i32 to index
      %get3A_1025 = arith.index_cast %mul3A_583 : i32 to index
      %get3A_1026 = tpu.vector_load %arg5[%get3A_1023, %get3A_1024, %get3A_1025] {strides = array<i32>} : memref<4x64x128xf32, #tpu.memory_space<vmem>>, vector<16xf32>,
      %gt3A_1027 = arith.cmpf ogt, %get3A_1026, %max3A_1020 : vector<16xf32>
      %jit3A_1028 = arith.constant 41 : i32
      %broadcast_in_dim3A_1029 = vector.broadcast %jit3A_1028 : i32 to vector<16xi32>
      %select_n3A_1030 = arith.select %gt3A_1027, %broadcast_in_dim3A_1029, %select_n3A_1019 : vector<16xi1>, vector<16xi32>
      %max3A_1031 = arith.maximumf %max3A_1020, %get3A_1026 : vector<16xf32>
      %get3A_1032 = arith.constant 1 : i32
      %get3A_1033 = arith.constant 42 : i32
      %get3A_1034 = arith.index_cast %get3A_1032 : i32 to index
      %get3A_1035 = arith.index_cast %get3A_1033 : i32 to index
      %get3A_1036 = arith.index_cast %mul3A_583 : i32 to index
      %get3A_1037 = tpu.vector_load %arg5[%get3A_1034, %get3A_1035, %get3A_1036] {strides = array<i32>} : memref<4x64x128xf32, #tpu.memory_space<vmem>>, vector<16xf32>,
      %gt3A_1038 = arith.cmpf ogt, %get3A_1037, %max3A_1031 : vector<16xf32>
      %jit3A_1039 = arith.constant 42 : i32
      %broadcast_in_dim3A_1040 = vector.broadcast %jit3A_1039 : i32 to vector<16xi32>
      %select_n3A_1041 = arith.select %gt3A_1038, %broadcast_in_dim3A_1040, %select_n3A_1030 : vector<16xi1>, vector<16xi32>
      %max3A_1042 = arith.maximumf %max3A_1031, %get3A_1037 : vector<16xf32>
      %get3A_1043 = arith.constant 1 : i32
      %get3A_1044 = arith.constant 43 : i32
      %get3A_1045 = arith.index_cast %get3A_1043 : i32 to index
      %get3A_1046 = arith.index_cast %get3A_1044 : i32 to index
      %get3A_1047 = arith.index_cast %mul3A_583 : i32 to index
      %get3A_1048 = tpu.vector_load %arg5[%get3A_1045, %get3A_1046, %get3A_1047] {strides = array<i32>} : memref<4x64x128xf32, #tpu.memory_space<vmem>>, vector<16xf32>,
      %gt3A_1049 = arith.cmpf ogt, %get3A_1048, %max3A_1042 : vector<16xf32>
      %jit3A_1050 = arith.constant 43 : i32
      %broadcast_in_dim3A_1051 = vector.broadcast %jit3A_1050 : i32 to vector<16xi32>
      %select_n3A_1052 = arith.select %gt3A_1049, %broadcast_in_dim3A_1051, %select_n3A_1041 : vector<16xi1>, vector<16xi32>
      %max3A_1053 = arith.maximumf %max3A_1042, %get3A_1048 : vector<16xf32>
      %get3A_1054 = arith.constant 1 : i32
      %get3A_1055 = arith.constant 44 : i32
      %get3A_1056 = arith.index_cast %get3A_1054 : i32 to index
      %get3A_1057 = arith.index_cast %get3A_1055 : i32 to index
      %get3A_1058 = arith.index_cast %mul3A_583 : i32 to index
      %get3A_1059 = tpu.vector_load %arg5[%get3A_1056, %get3A_1057, %get3A_1058] {strides = array<i32>} : memref<4x64x128xf32, #tpu.memory_space<vmem>>, vector<16xf32>,
      %gt3A_1060 = arith.cmpf ogt, %get3A_1059, %max3A_1053 : vector<16xf32>
      %jit3A_1061 = arith.constant 44 : i32
      %broadcast_in_dim3A_1062 = vector.broadcast %jit3A_1061 : i32 to vector<16xi32>
      %select_n3A_1063 = arith.select %gt3A_1060, %broadcast_in_dim3A_1062, %select_n3A_1052 : vector<16xi1>, vector<16xi32>
      %max3A_1064 = arith.maximumf %max3A_1053, %get3A_1059 : vector<16xf32>
      %get3A_1065 = arith.constant 1 : i32
      %get3A_1066 = arith.constant 45 : i32
      %get3A_1067 = arith.index_cast %get3A_1065 : i32 to index
      %get3A_1068 = arith.index_cast %get3A_1066 : i32 to index
      %get3A_1069 = arith.index_cast %mul3A_583 : i32 to index
      %get3A_1070 = tpu.vector_load %arg5[%get3A_1067, %get3A_1068, %get3A_1069] {strides = array<i32>} : memref<4x64x128xf32, #tpu.memory_space<vmem>>, vector<16xf32>,
      %gt3A_1071 = arith.cmpf ogt, %get3A_1070, %max3A_1064 : vector<16xf32>
      %jit3A_1072 = arith.constant 45 : i32
      %broadcast_in_dim3A_1073 = vector.broadcast %jit3A_1072 : i32 to vector<16xi32>
      %select_n3A_1074 = arith.select %gt3A_1071, %broadcast_in_dim3A_1073, %select_n3A_1063 : vector<16xi1>, vector<16xi32>
      %max3A_1075 = arith.maximumf %max3A_1064, %get3A_1070 : vector<16xf32>
      %get3A_1076 = arith.constant 1 : i32
      %get3A_1077 = arith.constant 46 : i32
      %get3A_1078 = arith.index_cast %get3A_1076 : i32 to index
      %get3A_1079 = arith.index_cast %get3A_1077 : i32 to index
      %get3A_1080 = arith.index_cast %mul3A_583 : i32 to index
      %get3A_1081 = tpu.vector_load %arg5[%get3A_1078, %get3A_1079, %get3A_1080] {strides = array<i32>} : memref<4x64x128xf32, #tpu.memory_space<vmem>>, vector<16xf32>,
      %gt3A_1082 = arith.cmpf ogt, %get3A_1081, %max3A_1075 : vector<16xf32>
      %jit3A_1083 = arith.constant 46 : i32
      %broadcast_in_dim3A_1084 = vector.broadcast %jit3A_1083 : i32 to vector<16xi32>
      %select_n3A_1085 = arith.select %gt3A_1082, %broadcast_in_dim3A_1084, %select_n3A_1074 : vector<16xi1>, vector<16xi32>
      %max3A_1086 = arith.maximumf %max3A_1075, %get3A_1081 : vector<16xf32>
      %get3A_1087 = arith.constant 1 : i32
      %get3A_1088 = arith.constant 47 : i32
      %get3A_1089 = arith.index_cast %get3A_1087 : i32 to index
      %get3A_1090 = arith.index_cast %get3A_1088 : i32 to index
      %get3A_1091 = arith.index_cast %mul3A_583 : i32 to index
      %get3A_1092 = tpu.vector_load %arg5[%get3A_1089, %get3A_1090, %get3A_1091] {strides = array<i32>} : memref<4x64x128xf32, #tpu.memory_space<vmem>>, vector<16xf32>,
      %gt3A_1093 = arith.cmpf ogt, %get3A_1092, %max3A_1086 : vector<16xf32>
      %jit3A_1094 = arith.constant 47 : i32
      %broadcast_in_dim3A_1095 = vector.broadcast %jit3A_1094 : i32 to vector<16xi32>
      %select_n3A_1096 = arith.select %gt3A_1093, %broadcast_in_dim3A_1095, %select_n3A_1085 : vector<16xi1>, vector<16xi32>
      %max3A_1097 = arith.maximumf %max3A_1086, %get3A_1092 : vector<16xf32>
      %get3A_1098 = arith.constant 1 : i32
      %get3A_1099 = arith.constant 48 : i32
      %get3A_1100 = arith.index_cast %get3A_1098 : i32 to index
      %get3A_1101 = arith.index_cast %get3A_1099 : i32 to index
      %get3A_1102 = arith.index_cast %mul3A_583 : i32 to index
      %get3A_1103 = tpu.vector_load %arg5[%get3A_1100, %get3A_1101, %get3A_1102] {strides = array<i32>} : memref<4x64x128xf32, #tpu.memory_space<vmem>>, vector<16xf32>,
      %broadcast_in_dim3A_1104 = arith.constant 48 : i32
      %broadcast_in_dim3A_1105 = vector.broadcast %broadcast_in_dim3A_1104 : i32 to vector<16xi32>
      %get3A_1106 = arith.constant 1 : i32
      %get3A_1107 = arith.constant 49 : i32
      %get3A_1108 = arith.index_cast %get3A_1106 : i32 to index
      %get3A_1109 = arith.index_cast %get3A_1107 : i32 to index
      %get3A_1110 = arith.index_cast %mul3A_583 : i32 to index
      %get3A_1111 = tpu.vector_load %arg5[%get3A_1108, %get3A_1109, %get3A_1110] {strides = array<i32>} : memref<4x64x128xf32, #tpu.memory_space<vmem>>, vector<16xf32>,
      %gt3A_1112 = arith.cmpf ogt, %get3A_1111, %get3A_1103 : vector<16xf32>
      %jit3A_1113 = arith.constant 49 : i32
      %broadcast_in_dim3A_1114 = vector.broadcast %jit3A_1113 : i32 to vector<16xi32>
      %select_n3A_1115 = arith.select %gt3A_1112, %broadcast_in_dim3A_1114, %broadcast_in_dim3A_1105 : vector<16xi1>, vector<16xi32>
      %max3A_1116 = arith.maximumf %get3A_1103, %get3A_1111 : vector<16xf32>
      %get3A_1117 = arith.constant 1 : i32
      %get3A_1118 = arith.constant 50 : i32
      %get3A_1119 = arith.index_cast %get3A_1117 : i32 to index
      %get3A_1120 = arith.index_cast %get3A_1118 : i32 to index
      %get3A_1121 = arith.index_cast %mul3A_583 : i32 to index
      %get3A_1122 = tpu.vector_load %arg5[%get3A_1119, %get3A_1120, %get3A_1121] {strides = array<i32>} : memref<4x64x128xf32, #tpu.memory_space<vmem>>, vector<16xf32>,
      %gt3A_1123 = arith.cmpf ogt, %get3A_1122, %max3A_1116 : vector<16xf32>
      %jit3A_1124 = arith.constant 50 : i32
      %broadcast_in_dim3A_1125 = vector.broadcast %jit3A_1124 : i32 to vector<16xi32>
      %select_n3A_1126 = arith.select %gt3A_1123, %broadcast_in_dim3A_1125, %select_n3A_1115 : vector<16xi1>, vector<16xi32>
      %max3A_1127 = arith.maximumf %max3A_1116, %get3A_1122 : vector<16xf32>
      %get3A_1128 = arith.constant 1 : i32
      %get3A_1129 = arith.constant 51 : i32
      %get3A_1130 = arith.index_cast %get3A_1128 : i32 to index
      %get3A_1131 = arith.index_cast %get3A_1129 : i32 to index
      %get3A_1132 = arith.index_cast %mul3A_583 : i32 to index
      %get3A_1133 = tpu.vector_load %arg5[%get3A_1130, %get3A_1131, %get3A_1132] {strides = array<i32>} : memref<4x64x128xf32, #tpu.memory_space<vmem>>, vector<16xf32>,
      %gt3A_1134 = arith.cmpf ogt, %get3A_1133, %max3A_1127 : vector<16xf32>
      %jit3A_1135 = arith.constant 51 : i32
      %broadcast_in_dim3A_1136 = vector.broadcast %jit3A_1135 : i32 to vector<16xi32>
      %select_n3A_1137 = arith.select %gt3A_1134, %broadcast_in_dim3A_1136, %select_n3A_1126 : vector<16xi1>, vector<16xi32>
      %max3A_1138 = arith.maximumf %max3A_1127, %get3A_1133 : vector<16xf32>
      %get3A_1139 = arith.constant 1 : i32
      %get3A_1140 = arith.constant 52 : i32
      %get3A_1141 = arith.index_cast %get3A_1139 : i32 to index
      %get3A_1142 = arith.index_cast %get3A_1140 : i32 to index
      %get3A_1143 = arith.index_cast %mul3A_583 : i32 to index
      %get3A_1144 = tpu.vector_load %arg5[%get3A_1141, %get3A_1142, %get3A_1143] {strides = array<i32>} : memref<4x64x128xf32, #tpu.memory_space<vmem>>, vector<16xf32>,
      %gt3A_1145 = arith.cmpf ogt, %get3A_1144, %max3A_1138 : vector<16xf32>
      %jit3A_1146 = arith.constant 52 : i32
      %broadcast_in_dim3A_1147 = vector.broadcast %jit3A_1146 : i32 to vector<16xi32>
      %select_n3A_1148 = arith.select %gt3A_1145, %broadcast_in_dim3A_1147, %select_n3A_1137 : vector<16xi1>, vector<16xi32>
      %max3A_1149 = arith.maximumf %max3A_1138, %get3A_1144 : vector<16xf32>
      %get3A_1150 = arith.constant 1 : i32
      %get3A_1151 = arith.constant 53 : i32
      %get3A_1152 = arith.index_cast %get3A_1150 : i32 to index
      %get3A_1153 = arith.index_cast %get3A_1151 : i32 to index
      %get3A_1154 = arith.index_cast %mul3A_583 : i32 to index
      %get3A_1155 = tpu.vector_load %arg5[%get3A_1152, %get3A_1153, %get3A_1154] {strides = array<i32>} : memref<4x64x128xf32, #tpu.memory_space<vmem>>, vector<16xf32>,
      %gt3A_1156 = arith.cmpf ogt, %get3A_1155, %max3A_1149 : vector<16xf32>
      %jit3A_1157 = arith.constant 53 : i32
      %broadcast_in_dim3A_1158 = vector.broadcast %jit3A_1157 : i32 to vector<16xi32>
      %select_n3A_1159 = arith.select %gt3A_1156, %broadcast_in_dim3A_1158, %select_n3A_1148 : vector<16xi1>, vector<16xi32>
      %max3A_1160 = arith.maximumf %max3A_1149, %get3A_1155 : vector<16xf32>
      %get3A_1161 = arith.constant 1 : i32
      %get3A_1162 = arith.constant 54 : i32
      %get3A_1163 = arith.index_cast %get3A_1161 : i32 to index
      %get3A_1164 = arith.index_cast %get3A_1162 : i32 to index
      %get3A_1165 = arith.index_cast %mul3A_583 : i32 to index
      %get3A_1166 = tpu.vector_load %arg5[%get3A_1163, %get3A_1164, %get3A_1165] {strides = array<i32>} : memref<4x64x128xf32, #tpu.memory_space<vmem>>, vector<16xf32>,
      %gt3A_1167 = arith.cmpf ogt, %get3A_1166, %max3A_1160 : vector<16xf32>
      %jit3A_1168 = arith.constant 54 : i32
      %broadcast_in_dim3A_1169 = vector.broadcast %jit3A_1168 : i32 to vector<16xi32>
      %select_n3A_1170 = arith.select %gt3A_1167, %broadcast_in_dim3A_1169, %select_n3A_1159 : vector<16xi1>, vector<16xi32>
      %max3A_1171 = arith.maximumf %max3A_1160, %get3A_1166 : vector<16xf32>
      %get3A_1172 = arith.constant 1 : i32
      %get3A_1173 = arith.constant 55 : i32
      %get3A_1174 = arith.index_cast %get3A_1172 : i32 to index
      %get3A_1175 = arith.index_cast %get3A_1173 : i32 to index
      %get3A_1176 = arith.index_cast %mul3A_583 : i32 to index
      %get3A_1177 = tpu.vector_load %arg5[%get3A_1174, %get3A_1175, %get3A_1176] {strides = array<i32>} : memref<4x64x128xf32, #tpu.memory_space<vmem>>, vector<16xf32>,
      %gt3A_1178 = arith.cmpf ogt, %get3A_1177, %max3A_1171 : vector<16xf32>
      %jit3A_1179 = arith.constant 55 : i32
      %broadcast_in_dim3A_1180 = vector.broadcast %jit3A_1179 : i32 to vector<16xi32>
      %select_n3A_1181 = arith.select %gt3A_1178, %broadcast_in_dim3A_1180, %select_n3A_1170 : vector<16xi1>, vector<16xi32>
      %max3A_1182 = arith.maximumf %max3A_1171, %get3A_1177 : vector<16xf32>
      %get3A_1183 = arith.constant 1 : i32
      %get3A_1184 = arith.constant 56 : i32
      %get3A_1185 = arith.index_cast %get3A_1183 : i32 to index
      %get3A_1186 = arith.index_cast %get3A_1184 : i32 to index
      %get3A_1187 = arith.index_cast %mul3A_583 : i32 to index
      %get3A_1188 = tpu.vector_load %arg5[%get3A_1185, %get3A_1186, %get3A_1187] {strides = array<i32>} : memref<4x64x128xf32, #tpu.memory_space<vmem>>, vector<16xf32>,
      %gt3A_1189 = arith.cmpf ogt, %get3A_1188, %max3A_1182 : vector<16xf32>
      %jit3A_1190 = arith.constant 56 : i32
      %broadcast_in_dim3A_1191 = vector.broadcast %jit3A_1190 : i32 to vector<16xi32>
      %select_n3A_1192 = arith.select %gt3A_1189, %broadcast_in_dim3A_1191, %select_n3A_1181 : vector<16xi1>, vector<16xi32>
      %max3A_1193 = arith.maximumf %max3A_1182, %get3A_1188 : vector<16xf32>
      %get3A_1194 = arith.constant 1 : i32
      %get3A_1195 = arith.constant 57 : i32
      %get3A_1196 = arith.index_cast %get3A_1194 : i32 to index
      %get3A_1197 = arith.index_cast %get3A_1195 : i32 to index
      %get3A_1198 = arith.index_cast %mul3A_583 : i32 to index
      %get3A_1199 = tpu.vector_load %arg5[%get3A_1196, %get3A_1197, %get3A_1198] {strides = array<i32>} : memref<4x64x128xf32, #tpu.memory_space<vmem>>, vector<16xf32>,
      %gt3A_1200 = arith.cmpf ogt, %get3A_1199, %max3A_1193 : vector<16xf32>
      %jit3A_1201 = arith.constant 57 : i32
      %broadcast_in_dim3A_1202 = vector.broadcast %jit3A_1201 : i32 to vector<16xi32>
      %select_n3A_1203 = arith.select %gt3A_1200, %broadcast_in_dim3A_1202, %select_n3A_1192 : vector<16xi1>, vector<16xi32>
      %max3A_1204 = arith.maximumf %max3A_1193, %get3A_1199 : vector<16xf32>
      %get3A_1205 = arith.constant 1 : i32
      %get3A_1206 = arith.constant 58 : i32
      %get3A_1207 = arith.index_cast %get3A_1205 : i32 to index
      %get3A_1208 = arith.index_cast %get3A_1206 : i32 to index
      %get3A_1209 = arith.index_cast %mul3A_583 : i32 to index
      %get3A_1210 = tpu.vector_load %arg5[%get3A_1207, %get3A_1208, %get3A_1209] {strides = array<i32>} : memref<4x64x128xf32, #tpu.memory_space<vmem>>, vector<16xf32>,
      %gt3A_1211 = arith.cmpf ogt, %get3A_1210, %max3A_1204 : vector<16xf32>
      %jit3A_1212 = arith.constant 58 : i32
      %broadcast_in_dim3A_1213 = vector.broadcast %jit3A_1212 : i32 to vector<16xi32>
      %select_n3A_1214 = arith.select %gt3A_1211, %broadcast_in_dim3A_1213, %select_n3A_1203 : vector<16xi1>, vector<16xi32>
      %max3A_1215 = arith.maximumf %max3A_1204, %get3A_1210 : vector<16xf32>
      %get3A_1216 = arith.constant 1 : i32
      %get3A_1217 = arith.constant 59 : i32
      %get3A_1218 = arith.index_cast %get3A_1216 : i32 to index
      %get3A_1219 = arith.index_cast %get3A_1217 : i32 to index
      %get3A_1220 = arith.index_cast %mul3A_583 : i32 to index
      %get3A_1221 = tpu.vector_load %arg5[%get3A_1218, %get3A_1219, %get3A_1220] {strides = array<i32>} : memref<4x64x128xf32, #tpu.memory_space<vmem>>, vector<16xf32>,
      %gt3A_1222 = arith.cmpf ogt, %get3A_1221, %max3A_1215 : vector<16xf32>
      %jit3A_1223 = arith.constant 59 : i32
      %broadcast_in_dim3A_1224 = vector.broadcast %jit3A_1223 : i32 to vector<16xi32>
      %select_n3A_1225 = arith.select %gt3A_1222, %broadcast_in_dim3A_1224, %select_n3A_1214 : vector<16xi1>, vector<16xi32>
      %max3A_1226 = arith.maximumf %max3A_1215, %get3A_1221 : vector<16xf32>
      %get3A_1227 = arith.constant 1 : i32
      %get3A_1228 = arith.constant 60 : i32
      %get3A_1229 = arith.index_cast %get3A_1227 : i32 to index
      %get3A_1230 = arith.index_cast %get3A_1228 : i32 to index
      %get3A_1231 = arith.index_cast %mul3A_583 : i32 to index
      %get3A_1232 = tpu.vector_load %arg5[%get3A_1229, %get3A_1230, %get3A_1231] {strides = array<i32>} : memref<4x64x128xf32, #tpu.memory_space<vmem>>, vector<16xf32>,
      %gt3A_1233 = arith.cmpf ogt, %get3A_1232, %max3A_1226 : vector<16xf32>
      %jit3A_1234 = arith.constant 60 : i32
      %broadcast_in_dim3A_1235 = vector.broadcast %jit3A_1234 : i32 to vector<16xi32>
      %select_n3A_1236 = arith.select %gt3A_1233, %broadcast_in_dim3A_1235, %select_n3A_1225 : vector<16xi1>, vector<16xi32>
      %max3A_1237 = arith.maximumf %max3A_1226, %get3A_1232 : vector<16xf32>
      %get3A_1238 = arith.constant 1 : i32
      %get3A_1239 = arith.constant 61 : i32
      %get3A_1240 = arith.index_cast %get3A_1238 : i32 to index
      %get3A_1241 = arith.index_cast %get3A_1239 : i32 to index
      %get3A_1242 = arith.index_cast %mul3A_583 : i32 to index
      %get3A_1243 = tpu.vector_load %arg5[%get3A_1240, %get3A_1241, %get3A_1242] {strides = array<i32>} : memref<4x64x128xf32, #tpu.memory_space<vmem>>, vector<16xf32>,
      %gt3A_1244 = arith.cmpf ogt, %get3A_1243, %max3A_1237 : vector<16xf32>
      %jit3A_1245 = arith.constant 61 : i32
      %broadcast_in_dim3A_1246 = vector.broadcast %jit3A_1245 : i32 to vector<16xi32>
      %select_n3A_1247 = arith.select %gt3A_1244, %broadcast_in_dim3A_1246, %select_n3A_1236 : vector<16xi1>, vector<16xi32>
      %max3A_1248 = arith.maximumf %max3A_1237, %get3A_1243 : vector<16xf32>
      %get3A_1249 = arith.constant 1 : i32
      %get3A_1250 = arith.constant 62 : i32
      %get3A_1251 = arith.index_cast %get3A_1249 : i32 to index
      %get3A_1252 = arith.index_cast %get3A_1250 : i32 to index
      %get3A_1253 = arith.index_cast %mul3A_583 : i32 to index
      %get3A_1254 = tpu.vector_load %arg5[%get3A_1251, %get3A_1252, %get3A_1253] {strides = array<i32>} : memref<4x64x128xf32, #tpu.memory_space<vmem>>, vector<16xf32>,
      %gt3A_1255 = arith.cmpf ogt, %get3A_1254, %max3A_1248 : vector<16xf32>
      %jit3A_1256 = arith.constant 62 : i32
      %broadcast_in_dim3A_1257 = vector.broadcast %jit3A_1256 : i32 to vector<16xi32>
      %select_n3A_1258 = arith.select %gt3A_1255, %broadcast_in_dim3A_1257, %select_n3A_1247 : vector<16xi1>, vector<16xi32>
      %max3A_1259 = arith.maximumf %max3A_1248, %get3A_1254 : vector<16xf32>
      %get3A_1260 = arith.constant 1 : i32
      %get3A_1261 = arith.constant 63 : i32
      %get3A_1262 = arith.index_cast %get3A_1260 : i32 to index
      %get3A_1263 = arith.index_cast %get3A_1261 : i32 to index
      %get3A_1264 = arith.index_cast %mul3A_583 : i32 to index
      %get3A_1265 = tpu.vector_load %arg5[%get3A_1262, %get3A_1263, %get3A_1264] {strides = array<i32>} : memref<4x64x128xf32, #tpu.memory_space<vmem>>, vector<16xf32>,
      %gt3A_1266 = arith.cmpf ogt, %get3A_1265, %max3A_1259 : vector<16xf32>
      %jit3A_1267 = arith.constant 63 : i32
      %broadcast_in_dim3A_1268 = vector.broadcast %jit3A_1267 : i32 to vector<16xi32>
      %select_n3A_1269 = arith.select %gt3A_1266, %broadcast_in_dim3A_1268, %select_n3A_1258 : vector<16xi1>, vector<16xi32>
      %max3A_1270 = arith.maximumf %max3A_1259, %get3A_1265 : vector<16xf32>
      %gt3A_1271 = arith.cmpf ogt, %max3A_924, %max3A_751 : vector<16xf32>
      %select_n3A_1272 = arith.select %gt3A_1271, %select_n3A_923, %select_n3A_750 : vector<16xi1>, vector<16xi32>
      %max3A_1273 = arith.maximumf %max3A_751, %max3A_924 : vector<16xf32>
      %gt3A_1274 = arith.cmpf ogt, %max3A_1097, %max3A_1273 : vector<16xf32>
      %select_n3A_1275 = arith.select %gt3A_1274, %select_n3A_1096, %select_n3A_1272 : vector<16xi1>, vector<16xi32>
      %max3A_1276 = arith.maximumf %max3A_1273, %max3A_1097 : vector<16xf32>
      %gt3A_1277 = arith.cmpf ogt, %max3A_1270, %max3A_1276 : vector<16xf32>
      %select_n3A_1278 = arith.select %gt3A_1277, %select_n3A_1269, %select_n3A_1275 : vector<16xi1>, vector<16xi32>
      %max3A_1279 = arith.maximumf %max3A_1276, %max3A_1270 : vector<16xf32>
      tpu.vector_store_idx %arg6[%select_n3A_1278], %broadcast_in_dim3A_292 : memref<64xf32, #tpu.memory_space<vmem>>[vector<16xi32>], vector<16xf32>,
      %add3A_1280 = arith.addf %scan3A_581, %max3A_1279 : vector<16xf32>
      scf.yield %add3A_1280 : vector<16xf32>
    }
    %scan3A_437 = arith.constant 8 : i32
    %dma_wait3A_438 = arith.constant 2 : i32
    %dma_wait3A_439 = arith.constant 8 : i32
    %dma_wait3A_440 = arith.constant 0 : i32
    %dma_wait3A_441 = arith.constant 0 : i32
    %dma_wait3A_442 = tpu.memref_slice %arg5[%dma_wait3A_438, %dma_wait3A_440, %dma_wait3A_441] : memref<4x64x128xf32, #tpu.memory_space<vmem>> -> memref<1x16x128xf32, #tpu.memory_space<vmem>>
    %dma_wait3A_443 = tpu.memref_squeeze %dma_wait3A_442 : memref<1x16x128xf32, #tpu.memory_space<vmem>> -> memref<16x128xf32, #tpu.memory_space<vmem>>
    %dma_wait3A_444 = arith.constant 0 : i32
    %dma_wait3A_445 = tpu.memref_slice %arg2[%dma_wait3A_444, %add3A_147] : memref<64x16384xf32, #tpu.memory_space<hbm>> -> memref<16x128xf32, #tpu.memory_space<hbm>>
    %dma_wait3A_446 = tpu.memref_slice %arg8[%dma_wait3A_439] : memref<16x!tpu.dma_semaphore, #tpu.memory_space<semaphore_mem>> -> memref<1x!tpu.dma_semaphore, #tpu.memory_space<semaphore_mem>>
    %dma_wait3A_447 = tpu.memref_squeeze %dma_wait3A_446 : memref<1x!tpu.dma_semaphore, #tpu.memory_space<semaphore_mem>> -> memref<!tpu.dma_semaphore, #tpu.memory_space<semaphore_mem>>
    %dma_wait3A_448 = arith.constant 0 : i32
    %dma_wait3A_449 = arith.constant 0 : i32
    %dma_wait3A_450 = tpu.memref_slice %arg5[%dma_wait3A_438, %dma_wait3A_448, %dma_wait3A_449] : memref<4x64x128xf32, #tpu.memory_space<vmem>> -> memref<1x16x128xf32, #tpu.memory_space<vmem>>
    %dma_wait3A_451 = tpu.memref_squeeze %dma_wait3A_450 : memref<1x16x128xf32, #tpu.memory_space<vmem>> -> memref<16x128xf32, #tpu.memory_space<vmem>>
    %dma_wait3A_452 = arith.constant 0 : i32
    %dma_wait3A_453 = tpu.memref_slice %arg2[%dma_wait3A_452, %add3A_147] : memref<64x16384xf32, #tpu.memory_space<hbm>> -> memref<16x128xf32, #tpu.memory_space<hbm>>
    tpu.wait_dma2 semaphore(%dma_wait3A_447 : memref<!tpu.dma_semaphore, #tpu.memory_space<semaphore_mem>>) src(%dma_wait3A_453 : memref<16x128xf32, #tpu.memory_space<hbm>>) dst(%dma_wait3A_451 : memref<16x128xf32, #tpu.memory_space<vmem>>)
    %dma_wait3A_454 = arith.constant 2 : i32
    %dma_wait3A_455 = arith.constant 9 : i32
    %dma_wait3A_456 = arith.constant 16 : i32
    %dma_wait3A_457 = arith.constant 0 : i32
    %dma_wait3A_458 = tpu.memref_slice %arg5[%dma_wait3A_454, %dma_wait3A_456, %dma_wait3A_457] : memref<4x64x128xf32, #tpu.memory_space<vmem>> -> memref<1x16x128xf32, #tpu.memory_space<vmem>>
    %dma_wait3A_459 = tpu.memref_squeeze %dma_wait3A_458 : memref<1x16x128xf32, #tpu.memory_space<vmem>> -> memref<16x128xf32, #tpu.memory_space<vmem>>
    %dma_wait3A_460 = arith.constant 16 : i32
    %dma_wait3A_461 = tpu.memref_slice %arg2[%dma_wait3A_460, %add3A_165] : memref<64x16384xf32, #tpu.memory_space<hbm>> -> memref<16x128xf32, #tpu.memory_space<hbm>>
    %dma_wait3A_462 = tpu.memref_slice %arg8[%dma_wait3A_455] : memref<16x!tpu.dma_semaphore, #tpu.memory_space<semaphore_mem>> -> memref<1x!tpu.dma_semaphore, #tpu.memory_space<semaphore_mem>>
    %dma_wait3A_463 = tpu.memref_squeeze %dma_wait3A_462 : memref<1x!tpu.dma_semaphore, #tpu.memory_space<semaphore_mem>> -> memref<!tpu.dma_semaphore, #tpu.memory_space<semaphore_mem>>
    %dma_wait3A_464 = arith.constant 16 : i32
    %dma_wait3A_465 = arith.constant 0 : i32
    %dma_wait3A_466 = tpu.memref_slice %arg5[%dma_wait3A_454, %dma_wait3A_464, %dma_wait3A_465] : memref<4x64x128xf32, #tpu.memory_space<vmem>> -> memref<1x16x128xf32, #tpu.memory_space<vmem>>
    %dma_wait3A_467 = tpu.memref_squeeze %dma_wait3A_466 : memref<1x16x128xf32, #tpu.memory_space<vmem>> -> memref<16x128xf32, #tpu.memory_space<vmem>>
    %dma_wait3A_468 = arith.constant 16 : i32
    %dma_wait3A_469 = tpu.memref_slice %arg2[%dma_wait3A_468, %add3A_165] : memref<64x16384xf32, #tpu.memory_space<hbm>> -> memref<16x128xf32, #tpu.memory_space<hbm>>
    tpu.wait_dma2 semaphore(%dma_wait3A_463 : memref<!tpu.dma_semaphore, #tpu.memory_space<semaphore_mem>>) src(%dma_wait3A_469 : memref<16x128xf32, #tpu.memory_space<hbm>>) dst(%dma_wait3A_467 : memref<16x128xf32, #tpu.memory_space<vmem>>)
    %dma_wait3A_470 = arith.constant 2 : i32
    %dma_wait3A_471 = arith.constant 10 : i32
    %dma_wait3A_472 = arith.constant 32 : i32
    %dma_wait3A_473 = arith.constant 0 : i32
    %dma_wait3A_474 = tpu.memref_slice %arg5[%dma_wait3A_470, %dma_wait3A_472, %dma_wait3A_473] : memref<4x64x128xf32, #tpu.memory_space<vmem>> -> memref<1x16x128xf32, #tpu.memory_space<vmem>>
    %dma_wait3A_475 = tpu.memref_squeeze %dma_wait3A_474 : memref<1x16x128xf32, #tpu.memory_space<vmem>> -> memref<16x128xf32, #tpu.memory_space<vmem>>
    %dma_wait3A_476 = arith.constant 32 : i32
    %dma_wait3A_477 = tpu.memref_slice %arg2[%dma_wait3A_476, %add3A_183] : memref<64x16384xf32, #tpu.memory_space<hbm>> -> memref<16x128xf32, #tpu.memory_space<hbm>>
    %dma_wait3A_478 = tpu.memref_slice %arg8[%dma_wait3A_471] : memref<16x!tpu.dma_semaphore, #tpu.memory_space<semaphore_mem>> -> memref<1x!tpu.dma_semaphore, #tpu.memory_space<semaphore_mem>>
    %dma_wait3A_479 = tpu.memref_squeeze %dma_wait3A_478 : memref<1x!tpu.dma_semaphore, #tpu.memory_space<semaphore_mem>> -> memref<!tpu.dma_semaphore, #tpu.memory_space<semaphore_mem>>
    %dma_wait3A_480 = arith.constant 32 : i32
    %dma_wait3A_481 = arith.constant 0 : i32
    %dma_wait3A_482 = tpu.memref_slice %arg5[%dma_wait3A_470, %dma_wait3A_480, %dma_wait3A_481] : memref<4x64x128xf32, #tpu.memory_space<vmem>> -> memref<1x16x128xf32, #tpu.memory_space<vmem>>
    %dma_wait3A_483 = tpu.memref_squeeze %dma_wait3A_482 : memref<1x16x128xf32, #tpu.memory_space<vmem>> -> memref<16x128xf32, #tpu.memory_space<vmem>>
    %dma_wait3A_484 = arith.constant 32 : i32
    %dma_wait3A_485 = tpu.memref_slice %arg2[%dma_wait3A_484, %add3A_183] : memref<64x16384xf32, #tpu.memory_space<hbm>> -> memref<16x128xf32, #tpu.memory_space<hbm>>
    tpu.wait_dma2 semaphore(%dma_wait3A_479 : memref<!tpu.dma_semaphore, #tpu.memory_space<semaphore_mem>>) src(%dma_wait3A_485 : memref<16x128xf32, #tpu.memory_space<hbm>>) dst(%dma_wait3A_483 : memref<16x128xf32, #tpu.memory_space<vmem>>)
    %dma_wait3A_486 = arith.constant 2 : i32
    %dma_wait3A_487 = arith.constant 11 : i32
    %dma_wait3A_488 = arith.constant 48 : i32
    %dma_wait3A_489 = arith.constant 0 : i32
    %dma_wait3A_490 = tpu.memref_slice %arg5[%dma_wait3A_486, %dma_wait3A_488, %dma_wait3A_489] : memref<4x64x128xf32, #tpu.memory_space<vmem>> -> memref<1x16x128xf32, #tpu.memory_space<vmem>>
    %dma_wait3A_491 = tpu.memref_squeeze %dma_wait3A_490 : memref<1x16x128xf32, #tpu.memory_space<vmem>> -> memref<16x128xf32, #tpu.memory_space<vmem>>
    %dma_wait3A_492 = arith.constant 48 : i32
    %dma_wait3A_493 = tpu.memref_slice %arg2[%dma_wait3A_492, %add3A_201] : memref<64x16384xf32, #tpu.memory_space<hbm>> -> memref<16x128xf32, #tpu.memory_space<hbm>>
    %dma_wait3A_494 = tpu.memref_slice %arg8[%dma_wait3A_487] : memref<16x!tpu.dma_semaphore, #tpu.memory_space<semaphore_mem>> -> memref<1x!tpu.dma_semaphore, #tpu.memory_space<semaphore_mem>>
    %dma_wait3A_495 = tpu.memref_squeeze %dma_wait3A_494 : memref<1x!tpu.dma_semaphore, #tpu.memory_space<semaphore_mem>> -> memref<!tpu.dma_semaphore, #tpu.memory_space<semaphore_mem>>
    %dma_wait3A_496 = arith.constant 48 : i32
    %dma_wait3A_497 = arith.constant 0 : i32
    %dma_wait3A_498 = tpu.memref_slice %arg5[%dma_wait3A_486, %dma_wait3A_496, %dma_wait3A_497] : memref<4x64x128xf32, #tpu.memory_space<vmem>> -> memref<1x16x128xf32, #tpu.memory_space<vmem>>
    %dma_wait3A_499 = tpu.memref_squeeze %dma_wait3A_498 : memref<1x16x128xf32, #tpu.memory_space<vmem>> -> memref<16x128xf32, #tpu.memory_space<vmem>>
    %dma_wait3A_500 = arith.constant 48 : i32
    %dma_wait3A_501 = tpu.memref_slice %arg2[%dma_wait3A_500, %add3A_201] : memref<64x16384xf32, #tpu.memory_space<hbm>> -> memref<16x128xf32, #tpu.memory_space<hbm>>
    tpu.wait_dma2 semaphore(%dma_wait3A_495 : memref<!tpu.dma_semaphore, #tpu.memory_space<semaphore_mem>>) src(%dma_wait3A_501 : memref<16x128xf32, #tpu.memory_space<hbm>>) dst(%dma_wait3A_499 : memref<16x128xf32, #tpu.memory_space<vmem>>)
    %scan3A_502 = arith.constant 0 : i32
    %scan3A_503 = arith.constant 8 : i32
    %scan3A_504 = arith.addi %scan3A_502, %scan3A_503 : i32
    %scan3A_505 = arith.constant 1 : i32
    %scan3A_506 = scf.for %scan3A_580 = %scan3A_502 to %scan3A_504 step %scan3A_505 iter_args(%scan3A_581 = %scan3A_436) -> (vector<16xf32>)  : i32 {
      %mul3A_582 = arith.constant 16 : i32
      %mul3A_583 = arith.muli %scan3A_580, %mul3A_582 : i32
      %get3A = arith.constant 2 : i32
      %get3A_584 = arith.constant 0 : i32
      %get3A_585 = arith.index_cast %get3A : i32 to index
      %get3A_586 = arith.index_cast %get3A_584 : i32 to index
      %get3A_587 = arith.index_cast %mul3A_583 : i32 to index
      %get3A_588 = tpu.vector_load %arg5[%get3A_585, %get3A_586, %get3A_587] {strides = array<i32>} : memref<4x64x128xf32, #tpu.memory_space<vmem>>, vector<16xf32>,
      %broadcast_in_dim3A_589 = arith.constant 0 : i32
      %broadcast_in_dim3A_590 = vector.broadcast %broadcast_in_dim3A_589 : i32 to vector<16xi32>
      %get3A_591 = arith.constant 2 : i32
      %get3A_592 = arith.constant 1 : i32
      %get3A_593 = arith.index_cast %get3A_591 : i32 to index
      %get3A_594 = arith.index_cast %get3A_592 : i32 to index
      %get3A_595 = arith.index_cast %mul3A_583 : i32 to index
      %get3A_596 = tpu.vector_load %arg5[%get3A_593, %get3A_594, %get3A_595] {strides = array<i32>} : memref<4x64x128xf32, #tpu.memory_space<vmem>>, vector<16xf32>,
      %gt3A = arith.cmpf ogt, %get3A_596, %get3A_588 : vector<16xf32>
      %jit3A = arith.constant 1 : i32
      %broadcast_in_dim3A_597 = vector.broadcast %jit3A : i32 to vector<16xi32>
      %select_n3A = arith.select %gt3A, %broadcast_in_dim3A_597, %broadcast_in_dim3A_590 : vector<16xi1>, vector<16xi32>
      %max3A = arith.maximumf %get3A_588, %get3A_596 : vector<16xf32>
      %get3A_598 = arith.constant 2 : i32
      %get3A_599 = arith.constant 2 : i32
      %get3A_600 = arith.index_cast %get3A_598 : i32 to index
      %get3A_601 = arith.index_cast %get3A_599 : i32 to index
      %get3A_602 = arith.index_cast %mul3A_583 : i32 to index
      %get3A_603 = tpu.vector_load %arg5[%get3A_600, %get3A_601, %get3A_602] {strides = array<i32>} : memref<4x64x128xf32, #tpu.memory_space<vmem>>, vector<16xf32>,
      %gt3A_604 = arith.cmpf ogt, %get3A_603, %max3A : vector<16xf32>
      %jit3A_605 = arith.constant 2 : i32
      %broadcast_in_dim3A_606 = vector.broadcast %jit3A_605 : i32 to vector<16xi32>
      %select_n3A_607 = arith.select %gt3A_604, %broadcast_in_dim3A_606, %select_n3A : vector<16xi1>, vector<16xi32>
      %max3A_608 = arith.maximumf %max3A, %get3A_603 : vector<16xf32>
      %get3A_609 = arith.constant 2 : i32
      %get3A_610 = arith.constant 3 : i32
      %get3A_611 = arith.index_cast %get3A_609 : i32 to index
      %get3A_612 = arith.index_cast %get3A_610 : i32 to index
      %get3A_613 = arith.index_cast %mul3A_583 : i32 to index
      %get3A_614 = tpu.vector_load %arg5[%get3A_611, %get3A_612, %get3A_613] {strides = array<i32>} : memref<4x64x128xf32, #tpu.memory_space<vmem>>, vector<16xf32>,
      %gt3A_615 = arith.cmpf ogt, %get3A_614, %max3A_608 : vector<16xf32>
      %jit3A_616 = arith.constant 3 : i32
      %broadcast_in_dim3A_617 = vector.broadcast %jit3A_616 : i32 to vector<16xi32>
      %select_n3A_618 = arith.select %gt3A_615, %broadcast_in_dim3A_617, %select_n3A_607 : vector<16xi1>, vector<16xi32>
      %max3A_619 = arith.maximumf %max3A_608, %get3A_614 : vector<16xf32>
      %get3A_620 = arith.constant 2 : i32
      %get3A_621 = arith.constant 4 : i32
      %get3A_622 = arith.index_cast %get3A_620 : i32 to index
      %get3A_623 = arith.index_cast %get3A_621 : i32 to index
      %get3A_624 = arith.index_cast %mul3A_583 : i32 to index
      %get3A_625 = tpu.vector_load %arg5[%get3A_622, %get3A_623, %get3A_624] {strides = array<i32>} : memref<4x64x128xf32, #tpu.memory_space<vmem>>, vector<16xf32>,
      %gt3A_626 = arith.cmpf ogt, %get3A_625, %max3A_619 : vector<16xf32>
      %jit3A_627 = arith.constant 4 : i32
      %broadcast_in_dim3A_628 = vector.broadcast %jit3A_627 : i32 to vector<16xi32>
      %select_n3A_629 = arith.select %gt3A_626, %broadcast_in_dim3A_628, %select_n3A_618 : vector<16xi1>, vector<16xi32>
      %max3A_630 = arith.maximumf %max3A_619, %get3A_625 : vector<16xf32>
      %get3A_631 = arith.constant 2 : i32
      %get3A_632 = arith.constant 5 : i32
      %get3A_633 = arith.index_cast %get3A_631 : i32 to index
      %get3A_634 = arith.index_cast %get3A_632 : i32 to index
      %get3A_635 = arith.index_cast %mul3A_583 : i32 to index
      %get3A_636 = tpu.vector_load %arg5[%get3A_633, %get3A_634, %get3A_635] {strides = array<i32>} : memref<4x64x128xf32, #tpu.memory_space<vmem>>, vector<16xf32>,
      %gt3A_637 = arith.cmpf ogt, %get3A_636, %max3A_630 : vector<16xf32>
      %jit3A_638 = arith.constant 5 : i32
      %broadcast_in_dim3A_639 = vector.broadcast %jit3A_638 : i32 to vector<16xi32>
      %select_n3A_640 = arith.select %gt3A_637, %broadcast_in_dim3A_639, %select_n3A_629 : vector<16xi1>, vector<16xi32>
      %max3A_641 = arith.maximumf %max3A_630, %get3A_636 : vector<16xf32>
      %get3A_642 = arith.constant 2 : i32
      %get3A_643 = arith.constant 6 : i32
      %get3A_644 = arith.index_cast %get3A_642 : i32 to index
      %get3A_645 = arith.index_cast %get3A_643 : i32 to index
      %get3A_646 = arith.index_cast %mul3A_583 : i32 to index
      %get3A_647 = tpu.vector_load %arg5[%get3A_644, %get3A_645, %get3A_646] {strides = array<i32>} : memref<4x64x128xf32, #tpu.memory_space<vmem>>, vector<16xf32>,
      %gt3A_648 = arith.cmpf ogt, %get3A_647, %max3A_641 : vector<16xf32>
      %jit3A_649 = arith.constant 6 : i32
      %broadcast_in_dim3A_650 = vector.broadcast %jit3A_649 : i32 to vector<16xi32>
      %select_n3A_651 = arith.select %gt3A_648, %broadcast_in_dim3A_650, %select_n3A_640 : vector<16xi1>, vector<16xi32>
      %max3A_652 = arith.maximumf %max3A_641, %get3A_647 : vector<16xf32>
      %get3A_653 = arith.constant 2 : i32
      %get3A_654 = arith.constant 7 : i32
      %get3A_655 = arith.index_cast %get3A_653 : i32 to index
      %get3A_656 = arith.index_cast %get3A_654 : i32 to index
      %get3A_657 = arith.index_cast %mul3A_583 : i32 to index
      %get3A_658 = tpu.vector_load %arg5[%get3A_655, %get3A_656, %get3A_657] {strides = array<i32>} : memref<4x64x128xf32, #tpu.memory_space<vmem>>, vector<16xf32>,
      %gt3A_659 = arith.cmpf ogt, %get3A_658, %max3A_652 : vector<16xf32>
      %jit3A_660 = arith.constant 7 : i32
      %broadcast_in_dim3A_661 = vector.broadcast %jit3A_660 : i32 to vector<16xi32>
      %select_n3A_662 = arith.select %gt3A_659, %broadcast_in_dim3A_661, %select_n3A_651 : vector<16xi1>, vector<16xi32>
      %max3A_663 = arith.maximumf %max3A_652, %get3A_658 : vector<16xf32>
      %get3A_664 = arith.constant 2 : i32
      %get3A_665 = arith.constant 8 : i32
      %get3A_666 = arith.index_cast %get3A_664 : i32 to index
      %get3A_667 = arith.index_cast %get3A_665 : i32 to index
      %get3A_668 = arith.index_cast %mul3A_583 : i32 to index
      %get3A_669 = tpu.vector_load %arg5[%get3A_666, %get3A_667, %get3A_668] {strides = array<i32>} : memref<4x64x128xf32, #tpu.memory_space<vmem>>, vector<16xf32>,
      %gt3A_670 = arith.cmpf ogt, %get3A_669, %max3A_663 : vector<16xf32>
      %jit3A_671 = arith.constant 8 : i32
      %broadcast_in_dim3A_672 = vector.broadcast %jit3A_671 : i32 to vector<16xi32>
      %select_n3A_673 = arith.select %gt3A_670, %broadcast_in_dim3A_672, %select_n3A_662 : vector<16xi1>, vector<16xi32>
      %max3A_674 = arith.maximumf %max3A_663, %get3A_669 : vector<16xf32>
      %get3A_675 = arith.constant 2 : i32
      %get3A_676 = arith.constant 9 : i32
      %get3A_677 = arith.index_cast %get3A_675 : i32 to index
      %get3A_678 = arith.index_cast %get3A_676 : i32 to index
      %get3A_679 = arith.index_cast %mul3A_583 : i32 to index
      %get3A_680 = tpu.vector_load %arg5[%get3A_677, %get3A_678, %get3A_679] {strides = array<i32>} : memref<4x64x128xf32, #tpu.memory_space<vmem>>, vector<16xf32>,
      %gt3A_681 = arith.cmpf ogt, %get3A_680, %max3A_674 : vector<16xf32>
      %jit3A_682 = arith.constant 9 : i32
      %broadcast_in_dim3A_683 = vector.broadcast %jit3A_682 : i32 to vector<16xi32>
      %select_n3A_684 = arith.select %gt3A_681, %broadcast_in_dim3A_683, %select_n3A_673 : vector<16xi1>, vector<16xi32>
      %max3A_685 = arith.maximumf %max3A_674, %get3A_680 : vector<16xf32>
      %get3A_686 = arith.constant 2 : i32
      %get3A_687 = arith.constant 10 : i32
      %get3A_688 = arith.index_cast %get3A_686 : i32 to index
      %get3A_689 = arith.index_cast %get3A_687 : i32 to index
      %get3A_690 = arith.index_cast %mul3A_583 : i32 to index
      %get3A_691 = tpu.vector_load %arg5[%get3A_688, %get3A_689, %get3A_690] {strides = array<i32>} : memref<4x64x128xf32, #tpu.memory_space<vmem>>, vector<16xf32>,
      %gt3A_692 = arith.cmpf ogt, %get3A_691, %max3A_685 : vector<16xf32>
      %jit3A_693 = arith.constant 10 : i32
      %broadcast_in_dim3A_694 = vector.broadcast %jit3A_693 : i32 to vector<16xi32>
      %select_n3A_695 = arith.select %gt3A_692, %broadcast_in_dim3A_694, %select_n3A_684 : vector<16xi1>, vector<16xi32>
      %max3A_696 = arith.maximumf %max3A_685, %get3A_691 : vector<16xf32>
      %get3A_697 = arith.constant 2 : i32
      %get3A_698 = arith.constant 11 : i32
      %get3A_699 = arith.index_cast %get3A_697 : i32 to index
      %get3A_700 = arith.index_cast %get3A_698 : i32 to index
      %get3A_701 = arith.index_cast %mul3A_583 : i32 to index
      %get3A_702 = tpu.vector_load %arg5[%get3A_699, %get3A_700, %get3A_701] {strides = array<i32>} : memref<4x64x128xf32, #tpu.memory_space<vmem>>, vector<16xf32>,
      %gt3A_703 = arith.cmpf ogt, %get3A_702, %max3A_696 : vector<16xf32>
      %jit3A_704 = arith.constant 11 : i32
      %broadcast_in_dim3A_705 = vector.broadcast %jit3A_704 : i32 to vector<16xi32>
      %select_n3A_706 = arith.select %gt3A_703, %broadcast_in_dim3A_705, %select_n3A_695 : vector<16xi1>, vector<16xi32>
      %max3A_707 = arith.maximumf %max3A_696, %get3A_702 : vector<16xf32>
      %get3A_708 = arith.constant 2 : i32
      %get3A_709 = arith.constant 12 : i32
      %get3A_710 = arith.index_cast %get3A_708 : i32 to index
      %get3A_711 = arith.index_cast %get3A_709 : i32 to index
      %get3A_712 = arith.index_cast %mul3A_583 : i32 to index
      %get3A_713 = tpu.vector_load %arg5[%get3A_710, %get3A_711, %get3A_712] {strides = array<i32>} : memref<4x64x128xf32, #tpu.memory_space<vmem>>, vector<16xf32>,
      %gt3A_714 = arith.cmpf ogt, %get3A_713, %max3A_707 : vector<16xf32>
      %jit3A_715 = arith.constant 12 : i32
      %broadcast_in_dim3A_716 = vector.broadcast %jit3A_715 : i32 to vector<16xi32>
      %select_n3A_717 = arith.select %gt3A_714, %broadcast_in_dim3A_716, %select_n3A_706 : vector<16xi1>, vector<16xi32>
      %max3A_718 = arith.maximumf %max3A_707, %get3A_713 : vector<16xf32>
      %get3A_719 = arith.constant 2 : i32
      %get3A_720 = arith.constant 13 : i32
      %get3A_721 = arith.index_cast %get3A_719 : i32 to index
      %get3A_722 = arith.index_cast %get3A_720 : i32 to index
      %get3A_723 = arith.index_cast %mul3A_583 : i32 to index
      %get3A_724 = tpu.vector_load %arg5[%get3A_721, %get3A_722, %get3A_723] {strides = array<i32>} : memref<4x64x128xf32, #tpu.memory_space<vmem>>, vector<16xf32>,
      %gt3A_725 = arith.cmpf ogt, %get3A_724, %max3A_718 : vector<16xf32>
      %jit3A_726 = arith.constant 13 : i32
      %broadcast_in_dim3A_727 = vector.broadcast %jit3A_726 : i32 to vector<16xi32>
      %select_n3A_728 = arith.select %gt3A_725, %broadcast_in_dim3A_727, %select_n3A_717 : vector<16xi1>, vector<16xi32>
      %max3A_729 = arith.maximumf %max3A_718, %get3A_724 : vector<16xf32>
      %get3A_730 = arith.constant 2 : i32
      %get3A_731 = arith.constant 14 : i32
      %get3A_732 = arith.index_cast %get3A_730 : i32 to index
      %get3A_733 = arith.index_cast %get3A_731 : i32 to index
      %get3A_734 = arith.index_cast %mul3A_583 : i32 to index
      %get3A_735 = tpu.vector_load %arg5[%get3A_732, %get3A_733, %get3A_734] {strides = array<i32>} : memref<4x64x128xf32, #tpu.memory_space<vmem>>, vector<16xf32>,
      %gt3A_736 = arith.cmpf ogt, %get3A_735, %max3A_729 : vector<16xf32>
      %jit3A_737 = arith.constant 14 : i32
      %broadcast_in_dim3A_738 = vector.broadcast %jit3A_737 : i32 to vector<16xi32>
      %select_n3A_739 = arith.select %gt3A_736, %broadcast_in_dim3A_738, %select_n3A_728 : vector<16xi1>, vector<16xi32>
      %max3A_740 = arith.maximumf %max3A_729, %get3A_735 : vector<16xf32>
      %get3A_741 = arith.constant 2 : i32
      %get3A_742 = arith.constant 15 : i32
      %get3A_743 = arith.index_cast %get3A_741 : i32 to index
      %get3A_744 = arith.index_cast %get3A_742 : i32 to index
      %get3A_745 = arith.index_cast %mul3A_583 : i32 to index
      %get3A_746 = tpu.vector_load %arg5[%get3A_743, %get3A_744, %get3A_745] {strides = array<i32>} : memref<4x64x128xf32, #tpu.memory_space<vmem>>, vector<16xf32>,
      %gt3A_747 = arith.cmpf ogt, %get3A_746, %max3A_740 : vector<16xf32>
      %jit3A_748 = arith.constant 15 : i32
      %broadcast_in_dim3A_749 = vector.broadcast %jit3A_748 : i32 to vector<16xi32>
      %select_n3A_750 = arith.select %gt3A_747, %broadcast_in_dim3A_749, %select_n3A_739 : vector<16xi1>, vector<16xi32>
      %max3A_751 = arith.maximumf %max3A_740, %get3A_746 : vector<16xf32>
      %get3A_752 = arith.constant 2 : i32
      %get3A_753 = arith.constant 16 : i32
      %get3A_754 = arith.index_cast %get3A_752 : i32 to index
      %get3A_755 = arith.index_cast %get3A_753 : i32 to index
      %get3A_756 = arith.index_cast %mul3A_583 : i32 to index
      %get3A_757 = tpu.vector_load %arg5[%get3A_754, %get3A_755, %get3A_756] {strides = array<i32>} : memref<4x64x128xf32, #tpu.memory_space<vmem>>, vector<16xf32>,
      %broadcast_in_dim3A_758 = arith.constant 16 : i32
      %broadcast_in_dim3A_759 = vector.broadcast %broadcast_in_dim3A_758 : i32 to vector<16xi32>
      %get3A_760 = arith.constant 2 : i32
      %get3A_761 = arith.constant 17 : i32
      %get3A_762 = arith.index_cast %get3A_760 : i32 to index
      %get3A_763 = arith.index_cast %get3A_761 : i32 to index
      %get3A_764 = arith.index_cast %mul3A_583 : i32 to index
      %get3A_765 = tpu.vector_load %arg5[%get3A_762, %get3A_763, %get3A_764] {strides = array<i32>} : memref<4x64x128xf32, #tpu.memory_space<vmem>>, vector<16xf32>,
      %gt3A_766 = arith.cmpf ogt, %get3A_765, %get3A_757 : vector<16xf32>
      %jit3A_767 = arith.constant 17 : i32
      %broadcast_in_dim3A_768 = vector.broadcast %jit3A_767 : i32 to vector<16xi32>
      %select_n3A_769 = arith.select %gt3A_766, %broadcast_in_dim3A_768, %broadcast_in_dim3A_759 : vector<16xi1>, vector<16xi32>
      %max3A_770 = arith.maximumf %get3A_757, %get3A_765 : vector<16xf32>
      %get3A_771 = arith.constant 2 : i32
      %get3A_772 = arith.constant 18 : i32
      %get3A_773 = arith.index_cast %get3A_771 : i32 to index
      %get3A_774 = arith.index_cast %get3A_772 : i32 to index
      %get3A_775 = arith.index_cast %mul3A_583 : i32 to index
      %get3A_776 = tpu.vector_load %arg5[%get3A_773, %get3A_774, %get3A_775] {strides = array<i32>} : memref<4x64x128xf32, #tpu.memory_space<vmem>>, vector<16xf32>,
      %gt3A_777 = arith.cmpf ogt, %get3A_776, %max3A_770 : vector<16xf32>
      %jit3A_778 = arith.constant 18 : i32
      %broadcast_in_dim3A_779 = vector.broadcast %jit3A_778 : i32 to vector<16xi32>
      %select_n3A_780 = arith.select %gt3A_777, %broadcast_in_dim3A_779, %select_n3A_769 : vector<16xi1>, vector<16xi32>
      %max3A_781 = arith.maximumf %max3A_770, %get3A_776 : vector<16xf32>
      %get3A_782 = arith.constant 2 : i32
      %get3A_783 = arith.constant 19 : i32
      %get3A_784 = arith.index_cast %get3A_782 : i32 to index
      %get3A_785 = arith.index_cast %get3A_783 : i32 to index
      %get3A_786 = arith.index_cast %mul3A_583 : i32 to index
      %get3A_787 = tpu.vector_load %arg5[%get3A_784, %get3A_785, %get3A_786] {strides = array<i32>} : memref<4x64x128xf32, #tpu.memory_space<vmem>>, vector<16xf32>,
      %gt3A_788 = arith.cmpf ogt, %get3A_787, %max3A_781 : vector<16xf32>
      %jit3A_789 = arith.constant 19 : i32
      %broadcast_in_dim3A_790 = vector.broadcast %jit3A_789 : i32 to vector<16xi32>
      %select_n3A_791 = arith.select %gt3A_788, %broadcast_in_dim3A_790, %select_n3A_780 : vector<16xi1>, vector<16xi32>
      %max3A_792 = arith.maximumf %max3A_781, %get3A_787 : vector<16xf32>
      %get3A_793 = arith.constant 2 : i32
      %get3A_794 = arith.constant 20 : i32
      %get3A_795 = arith.index_cast %get3A_793 : i32 to index
      %get3A_796 = arith.index_cast %get3A_794 : i32 to index
      %get3A_797 = arith.index_cast %mul3A_583 : i32 to index
      %get3A_798 = tpu.vector_load %arg5[%get3A_795, %get3A_796, %get3A_797] {strides = array<i32>} : memref<4x64x128xf32, #tpu.memory_space<vmem>>, vector<16xf32>,
      %gt3A_799 = arith.cmpf ogt, %get3A_798, %max3A_792 : vector<16xf32>
      %jit3A_800 = arith.constant 20 : i32
      %broadcast_in_dim3A_801 = vector.broadcast %jit3A_800 : i32 to vector<16xi32>
      %select_n3A_802 = arith.select %gt3A_799, %broadcast_in_dim3A_801, %select_n3A_791 : vector<16xi1>, vector<16xi32>
      %max3A_803 = arith.maximumf %max3A_792, %get3A_798 : vector<16xf32>
      %get3A_804 = arith.constant 2 : i32
      %get3A_805 = arith.constant 21 : i32
      %get3A_806 = arith.index_cast %get3A_804 : i32 to index
      %get3A_807 = arith.index_cast %get3A_805 : i32 to index
      %get3A_808 = arith.index_cast %mul3A_583 : i32 to index
      %get3A_809 = tpu.vector_load %arg5[%get3A_806, %get3A_807, %get3A_808] {strides = array<i32>} : memref<4x64x128xf32, #tpu.memory_space<vmem>>, vector<16xf32>,
      %gt3A_810 = arith.cmpf ogt, %get3A_809, %max3A_803 : vector<16xf32>
      %jit3A_811 = arith.constant 21 : i32
      %broadcast_in_dim3A_812 = vector.broadcast %jit3A_811 : i32 to vector<16xi32>
      %select_n3A_813 = arith.select %gt3A_810, %broadcast_in_dim3A_812, %select_n3A_802 : vector<16xi1>, vector<16xi32>
      %max3A_814 = arith.maximumf %max3A_803, %get3A_809 : vector<16xf32>
      %get3A_815 = arith.constant 2 : i32
      %get3A_816 = arith.constant 22 : i32
      %get3A_817 = arith.index_cast %get3A_815 : i32 to index
      %get3A_818 = arith.index_cast %get3A_816 : i32 to index
      %get3A_819 = arith.index_cast %mul3A_583 : i32 to index
      %get3A_820 = tpu.vector_load %arg5[%get3A_817, %get3A_818, %get3A_819] {strides = array<i32>} : memref<4x64x128xf32, #tpu.memory_space<vmem>>, vector<16xf32>,
      %gt3A_821 = arith.cmpf ogt, %get3A_820, %max3A_814 : vector<16xf32>
      %jit3A_822 = arith.constant 22 : i32
      %broadcast_in_dim3A_823 = vector.broadcast %jit3A_822 : i32 to vector<16xi32>
      %select_n3A_824 = arith.select %gt3A_821, %broadcast_in_dim3A_823, %select_n3A_813 : vector<16xi1>, vector<16xi32>
      %max3A_825 = arith.maximumf %max3A_814, %get3A_820 : vector<16xf32>
      %get3A_826 = arith.constant 2 : i32
      %get3A_827 = arith.constant 23 : i32
      %get3A_828 = arith.index_cast %get3A_826 : i32 to index
      %get3A_829 = arith.index_cast %get3A_827 : i32 to index
      %get3A_830 = arith.index_cast %mul3A_583 : i32 to index
      %get3A_831 = tpu.vector_load %arg5[%get3A_828, %get3A_829, %get3A_830] {strides = array<i32>} : memref<4x64x128xf32, #tpu.memory_space<vmem>>, vector<16xf32>,
      %gt3A_832 = arith.cmpf ogt, %get3A_831, %max3A_825 : vector<16xf32>
      %jit3A_833 = arith.constant 23 : i32
      %broadcast_in_dim3A_834 = vector.broadcast %jit3A_833 : i32 to vector<16xi32>
      %select_n3A_835 = arith.select %gt3A_832, %broadcast_in_dim3A_834, %select_n3A_824 : vector<16xi1>, vector<16xi32>
      %max3A_836 = arith.maximumf %max3A_825, %get3A_831 : vector<16xf32>
      %get3A_837 = arith.constant 2 : i32
      %get3A_838 = arith.constant 24 : i32
      %get3A_839 = arith.index_cast %get3A_837 : i32 to index
      %get3A_840 = arith.index_cast %get3A_838 : i32 to index
      %get3A_841 = arith.index_cast %mul3A_583 : i32 to index
      %get3A_842 = tpu.vector_load %arg5[%get3A_839, %get3A_840, %get3A_841] {strides = array<i32>} : memref<4x64x128xf32, #tpu.memory_space<vmem>>, vector<16xf32>,
      %gt3A_843 = arith.cmpf ogt, %get3A_842, %max3A_836 : vector<16xf32>
      %jit3A_844 = arith.constant 24 : i32
      %broadcast_in_dim3A_845 = vector.broadcast %jit3A_844 : i32 to vector<16xi32>
      %select_n3A_846 = arith.select %gt3A_843, %broadcast_in_dim3A_845, %select_n3A_835 : vector<16xi1>, vector<16xi32>
      %max3A_847 = arith.maximumf %max3A_836, %get3A_842 : vector<16xf32>
      %get3A_848 = arith.constant 2 : i32
      %get3A_849 = arith.constant 25 : i32
      %get3A_850 = arith.index_cast %get3A_848 : i32 to index
      %get3A_851 = arith.index_cast %get3A_849 : i32 to index
      %get3A_852 = arith.index_cast %mul3A_583 : i32 to index
      %get3A_853 = tpu.vector_load %arg5[%get3A_850, %get3A_851, %get3A_852] {strides = array<i32>} : memref<4x64x128xf32, #tpu.memory_space<vmem>>, vector<16xf32>,
      %gt3A_854 = arith.cmpf ogt, %get3A_853, %max3A_847 : vector<16xf32>
      %jit3A_855 = arith.constant 25 : i32
      %broadcast_in_dim3A_856 = vector.broadcast %jit3A_855 : i32 to vector<16xi32>
      %select_n3A_857 = arith.select %gt3A_854, %broadcast_in_dim3A_856, %select_n3A_846 : vector<16xi1>, vector<16xi32>
      %max3A_858 = arith.maximumf %max3A_847, %get3A_853 : vector<16xf32>
      %get3A_859 = arith.constant 2 : i32
      %get3A_860 = arith.constant 26 : i32
      %get3A_861 = arith.index_cast %get3A_859 : i32 to index
      %get3A_862 = arith.index_cast %get3A_860 : i32 to index
      %get3A_863 = arith.index_cast %mul3A_583 : i32 to index
      %get3A_864 = tpu.vector_load %arg5[%get3A_861, %get3A_862, %get3A_863] {strides = array<i32>} : memref<4x64x128xf32, #tpu.memory_space<vmem>>, vector<16xf32>,
      %gt3A_865 = arith.cmpf ogt, %get3A_864, %max3A_858 : vector<16xf32>
      %jit3A_866 = arith.constant 26 : i32
      %broadcast_in_dim3A_867 = vector.broadcast %jit3A_866 : i32 to vector<16xi32>
      %select_n3A_868 = arith.select %gt3A_865, %broadcast_in_dim3A_867, %select_n3A_857 : vector<16xi1>, vector<16xi32>
      %max3A_869 = arith.maximumf %max3A_858, %get3A_864 : vector<16xf32>
      %get3A_870 = arith.constant 2 : i32
      %get3A_871 = arith.constant 27 : i32
      %get3A_872 = arith.index_cast %get3A_870 : i32 to index
      %get3A_873 = arith.index_cast %get3A_871 : i32 to index
      %get3A_874 = arith.index_cast %mul3A_583 : i32 to index
      %get3A_875 = tpu.vector_load %arg5[%get3A_872, %get3A_873, %get3A_874] {strides = array<i32>} : memref<4x64x128xf32, #tpu.memory_space<vmem>>, vector<16xf32>,
      %gt3A_876 = arith.cmpf ogt, %get3A_875, %max3A_869 : vector<16xf32>
      %jit3A_877 = arith.constant 27 : i32
      %broadcast_in_dim3A_878 = vector.broadcast %jit3A_877 : i32 to vector<16xi32>
      %select_n3A_879 = arith.select %gt3A_876, %broadcast_in_dim3A_878, %select_n3A_868 : vector<16xi1>, vector<16xi32>
      %max3A_880 = arith.maximumf %max3A_869, %get3A_875 : vector<16xf32>
      %get3A_881 = arith.constant 2 : i32
      %get3A_882 = arith.constant 28 : i32
      %get3A_883 = arith.index_cast %get3A_881 : i32 to index
      %get3A_884 = arith.index_cast %get3A_882 : i32 to index
      %get3A_885 = arith.index_cast %mul3A_583 : i32 to index
      %get3A_886 = tpu.vector_load %arg5[%get3A_883, %get3A_884, %get3A_885] {strides = array<i32>} : memref<4x64x128xf32, #tpu.memory_space<vmem>>, vector<16xf32>,
      %gt3A_887 = arith.cmpf ogt, %get3A_886, %max3A_880 : vector<16xf32>
      %jit3A_888 = arith.constant 28 : i32
      %broadcast_in_dim3A_889 = vector.broadcast %jit3A_888 : i32 to vector<16xi32>
      %select_n3A_890 = arith.select %gt3A_887, %broadcast_in_dim3A_889, %select_n3A_879 : vector<16xi1>, vector<16xi32>
      %max3A_891 = arith.maximumf %max3A_880, %get3A_886 : vector<16xf32>
      %get3A_892 = arith.constant 2 : i32
      %get3A_893 = arith.constant 29 : i32
      %get3A_894 = arith.index_cast %get3A_892 : i32 to index
      %get3A_895 = arith.index_cast %get3A_893 : i32 to index
      %get3A_896 = arith.index_cast %mul3A_583 : i32 to index
      %get3A_897 = tpu.vector_load %arg5[%get3A_894, %get3A_895, %get3A_896] {strides = array<i32>} : memref<4x64x128xf32, #tpu.memory_space<vmem>>, vector<16xf32>,
      %gt3A_898 = arith.cmpf ogt, %get3A_897, %max3A_891 : vector<16xf32>
      %jit3A_899 = arith.constant 29 : i32
      %broadcast_in_dim3A_900 = vector.broadcast %jit3A_899 : i32 to vector<16xi32>
      %select_n3A_901 = arith.select %gt3A_898, %broadcast_in_dim3A_900, %select_n3A_890 : vector<16xi1>, vector<16xi32>
      %max3A_902 = arith.maximumf %max3A_891, %get3A_897 : vector<16xf32>
      %get3A_903 = arith.constant 2 : i32
      %get3A_904 = arith.constant 30 : i32
      %get3A_905 = arith.index_cast %get3A_903 : i32 to index
      %get3A_906 = arith.index_cast %get3A_904 : i32 to index
      %get3A_907 = arith.index_cast %mul3A_583 : i32 to index
      %get3A_908 = tpu.vector_load %arg5[%get3A_905, %get3A_906, %get3A_907] {strides = array<i32>} : memref<4x64x128xf32, #tpu.memory_space<vmem>>, vector<16xf32>,
      %gt3A_909 = arith.cmpf ogt, %get3A_908, %max3A_902 : vector<16xf32>
      %jit3A_910 = arith.constant 30 : i32
      %broadcast_in_dim3A_911 = vector.broadcast %jit3A_910 : i32 to vector<16xi32>
      %select_n3A_912 = arith.select %gt3A_909, %broadcast_in_dim3A_911, %select_n3A_901 : vector<16xi1>, vector<16xi32>
      %max3A_913 = arith.maximumf %max3A_902, %get3A_908 : vector<16xf32>
      %get3A_914 = arith.constant 2 : i32
      %get3A_915 = arith.constant 31 : i32
      %get3A_916 = arith.index_cast %get3A_914 : i32 to index
      %get3A_917 = arith.index_cast %get3A_915 : i32 to index
      %get3A_918 = arith.index_cast %mul3A_583 : i32 to index
      %get3A_919 = tpu.vector_load %arg5[%get3A_916, %get3A_917, %get3A_918] {strides = array<i32>} : memref<4x64x128xf32, #tpu.memory_space<vmem>>, vector<16xf32>,
      %gt3A_920 = arith.cmpf ogt, %get3A_919, %max3A_913 : vector<16xf32>
      %jit3A_921 = arith.constant 31 : i32
      %broadcast_in_dim3A_922 = vector.broadcast %jit3A_921 : i32 to vector<16xi32>
      %select_n3A_923 = arith.select %gt3A_920, %broadcast_in_dim3A_922, %select_n3A_912 : vector<16xi1>, vector<16xi32>
      %max3A_924 = arith.maximumf %max3A_913, %get3A_919 : vector<16xf32>
      %get3A_925 = arith.constant 2 : i32
      %get3A_926 = arith.constant 32 : i32
      %get3A_927 = arith.index_cast %get3A_925 : i32 to index
      %get3A_928 = arith.index_cast %get3A_926 : i32 to index
      %get3A_929 = arith.index_cast %mul3A_583 : i32 to index
      %get3A_930 = tpu.vector_load %arg5[%get3A_927, %get3A_928, %get3A_929] {strides = array<i32>} : memref<4x64x128xf32, #tpu.memory_space<vmem>>, vector<16xf32>,
      %broadcast_in_dim3A_931 = arith.constant 32 : i32
      %broadcast_in_dim3A_932 = vector.broadcast %broadcast_in_dim3A_931 : i32 to vector<16xi32>
      %get3A_933 = arith.constant 2 : i32
      %get3A_934 = arith.constant 33 : i32
      %get3A_935 = arith.index_cast %get3A_933 : i32 to index
      %get3A_936 = arith.index_cast %get3A_934 : i32 to index
      %get3A_937 = arith.index_cast %mul3A_583 : i32 to index
      %get3A_938 = tpu.vector_load %arg5[%get3A_935, %get3A_936, %get3A_937] {strides = array<i32>} : memref<4x64x128xf32, #tpu.memory_space<vmem>>, vector<16xf32>,
      %gt3A_939 = arith.cmpf ogt, %get3A_938, %get3A_930 : vector<16xf32>
      %jit3A_940 = arith.constant 33 : i32
      %broadcast_in_dim3A_941 = vector.broadcast %jit3A_940 : i32 to vector<16xi32>
      %select_n3A_942 = arith.select %gt3A_939, %broadcast_in_dim3A_941, %broadcast_in_dim3A_932 : vector<16xi1>, vector<16xi32>
      %max3A_943 = arith.maximumf %get3A_930, %get3A_938 : vector<16xf32>
      %get3A_944 = arith.constant 2 : i32
      %get3A_945 = arith.constant 34 : i32
      %get3A_946 = arith.index_cast %get3A_944 : i32 to index
      %get3A_947 = arith.index_cast %get3A_945 : i32 to index
      %get3A_948 = arith.index_cast %mul3A_583 : i32 to index
      %get3A_949 = tpu.vector_load %arg5[%get3A_946, %get3A_947, %get3A_948] {strides = array<i32>} : memref<4x64x128xf32, #tpu.memory_space<vmem>>, vector<16xf32>,
      %gt3A_950 = arith.cmpf ogt, %get3A_949, %max3A_943 : vector<16xf32>
      %jit3A_951 = arith.constant 34 : i32
      %broadcast_in_dim3A_952 = vector.broadcast %jit3A_951 : i32 to vector<16xi32>
      %select_n3A_953 = arith.select %gt3A_950, %broadcast_in_dim3A_952, %select_n3A_942 : vector<16xi1>, vector<16xi32>
      %max3A_954 = arith.maximumf %max3A_943, %get3A_949 : vector<16xf32>
      %get3A_955 = arith.constant 2 : i32
      %get3A_956 = arith.constant 35 : i32
      %get3A_957 = arith.index_cast %get3A_955 : i32 to index
      %get3A_958 = arith.index_cast %get3A_956 : i32 to index
      %get3A_959 = arith.index_cast %mul3A_583 : i32 to index
      %get3A_960 = tpu.vector_load %arg5[%get3A_957, %get3A_958, %get3A_959] {strides = array<i32>} : memref<4x64x128xf32, #tpu.memory_space<vmem>>, vector<16xf32>,
      %gt3A_961 = arith.cmpf ogt, %get3A_960, %max3A_954 : vector<16xf32>
      %jit3A_962 = arith.constant 35 : i32
      %broadcast_in_dim3A_963 = vector.broadcast %jit3A_962 : i32 to vector<16xi32>
      %select_n3A_964 = arith.select %gt3A_961, %broadcast_in_dim3A_963, %select_n3A_953 : vector<16xi1>, vector<16xi32>
      %max3A_965 = arith.maximumf %max3A_954, %get3A_960 : vector<16xf32>
      %get3A_966 = arith.constant 2 : i32
      %get3A_967 = arith.constant 36 : i32
      %get3A_968 = arith.index_cast %get3A_966 : i32 to index
      %get3A_969 = arith.index_cast %get3A_967 : i32 to index
      %get3A_970 = arith.index_cast %mul3A_583 : i32 to index
      %get3A_971 = tpu.vector_load %arg5[%get3A_968, %get3A_969, %get3A_970] {strides = array<i32>} : memref<4x64x128xf32, #tpu.memory_space<vmem>>, vector<16xf32>,
      %gt3A_972 = arith.cmpf ogt, %get3A_971, %max3A_965 : vector<16xf32>
      %jit3A_973 = arith.constant 36 : i32
      %broadcast_in_dim3A_974 = vector.broadcast %jit3A_973 : i32 to vector<16xi32>
      %select_n3A_975 = arith.select %gt3A_972, %broadcast_in_dim3A_974, %select_n3A_964 : vector<16xi1>, vector<16xi32>
      %max3A_976 = arith.maximumf %max3A_965, %get3A_971 : vector<16xf32>
      %get3A_977 = arith.constant 2 : i32
      %get3A_978 = arith.constant 37 : i32
      %get3A_979 = arith.index_cast %get3A_977 : i32 to index
      %get3A_980 = arith.index_cast %get3A_978 : i32 to index
      %get3A_981 = arith.index_cast %mul3A_583 : i32 to index
      %get3A_982 = tpu.vector_load %arg5[%get3A_979, %get3A_980, %get3A_981] {strides = array<i32>} : memref<4x64x128xf32, #tpu.memory_space<vmem>>, vector<16xf32>,
      %gt3A_983 = arith.cmpf ogt, %get3A_982, %max3A_976 : vector<16xf32>
      %jit3A_984 = arith.constant 37 : i32
      %broadcast_in_dim3A_985 = vector.broadcast %jit3A_984 : i32 to vector<16xi32>
      %select_n3A_986 = arith.select %gt3A_983, %broadcast_in_dim3A_985, %select_n3A_975 : vector<16xi1>, vector<16xi32>
      %max3A_987 = arith.maximumf %max3A_976, %get3A_982 : vector<16xf32>
      %get3A_988 = arith.constant 2 : i32
      %get3A_989 = arith.constant 38 : i32
      %get3A_990 = arith.index_cast %get3A_988 : i32 to index
      %get3A_991 = arith.index_cast %get3A_989 : i32 to index
      %get3A_992 = arith.index_cast %mul3A_583 : i32 to index
      %get3A_993 = tpu.vector_load %arg5[%get3A_990, %get3A_991, %get3A_992] {strides = array<i32>} : memref<4x64x128xf32, #tpu.memory_space<vmem>>, vector<16xf32>,
      %gt3A_994 = arith.cmpf ogt, %get3A_993, %max3A_987 : vector<16xf32>
      %jit3A_995 = arith.constant 38 : i32
      %broadcast_in_dim3A_996 = vector.broadcast %jit3A_995 : i32 to vector<16xi32>
      %select_n3A_997 = arith.select %gt3A_994, %broadcast_in_dim3A_996, %select_n3A_986 : vector<16xi1>, vector<16xi32>
      %max3A_998 = arith.maximumf %max3A_987, %get3A_993 : vector<16xf32>
      %get3A_999 = arith.constant 2 : i32
      %get3A_1000 = arith.constant 39 : i32
      %get3A_1001 = arith.index_cast %get3A_999 : i32 to index
      %get3A_1002 = arith.index_cast %get3A_1000 : i32 to index
      %get3A_1003 = arith.index_cast %mul3A_583 : i32 to index
      %get3A_1004 = tpu.vector_load %arg5[%get3A_1001, %get3A_1002, %get3A_1003] {strides = array<i32>} : memref<4x64x128xf32, #tpu.memory_space<vmem>>, vector<16xf32>,
      %gt3A_1005 = arith.cmpf ogt, %get3A_1004, %max3A_998 : vector<16xf32>
      %jit3A_1006 = arith.constant 39 : i32
      %broadcast_in_dim3A_1007 = vector.broadcast %jit3A_1006 : i32 to vector<16xi32>
      %select_n3A_1008 = arith.select %gt3A_1005, %broadcast_in_dim3A_1007, %select_n3A_997 : vector<16xi1>, vector<16xi32>
      %max3A_1009 = arith.maximumf %max3A_998, %get3A_1004 : vector<16xf32>
      %get3A_1010 = arith.constant 2 : i32
      %get3A_1011 = arith.constant 40 : i32
      %get3A_1012 = arith.index_cast %get3A_1010 : i32 to index
      %get3A_1013 = arith.index_cast %get3A_1011 : i32 to index
      %get3A_1014 = arith.index_cast %mul3A_583 : i32 to index
      %get3A_1015 = tpu.vector_load %arg5[%get3A_1012, %get3A_1013, %get3A_1014] {strides = array<i32>} : memref<4x64x128xf32, #tpu.memory_space<vmem>>, vector<16xf32>,
      %gt3A_1016 = arith.cmpf ogt, %get3A_1015, %max3A_1009 : vector<16xf32>
      %jit3A_1017 = arith.constant 40 : i32
      %broadcast_in_dim3A_1018 = vector.broadcast %jit3A_1017 : i32 to vector<16xi32>
      %select_n3A_1019 = arith.select %gt3A_1016, %broadcast_in_dim3A_1018, %select_n3A_1008 : vector<16xi1>, vector<16xi32>
      %max3A_1020 = arith.maximumf %max3A_1009, %get3A_1015 : vector<16xf32>
      %get3A_1021 = arith.constant 2 : i32
      %get3A_1022 = arith.constant 41 : i32
      %get3A_1023 = arith.index_cast %get3A_1021 : i32 to index
      %get3A_1024 = arith.index_cast %get3A_1022 : i32 to index
      %get3A_1025 = arith.index_cast %mul3A_583 : i32 to index
      %get3A_1026 = tpu.vector_load %arg5[%get3A_1023, %get3A_1024, %get3A_1025] {strides = array<i32>} : memref<4x64x128xf32, #tpu.memory_space<vmem>>, vector<16xf32>,
      %gt3A_1027 = arith.cmpf ogt, %get3A_1026, %max3A_1020 : vector<16xf32>
      %jit3A_1028 = arith.constant 41 : i32
      %broadcast_in_dim3A_1029 = vector.broadcast %jit3A_1028 : i32 to vector<16xi32>
      %select_n3A_1030 = arith.select %gt3A_1027, %broadcast_in_dim3A_1029, %select_n3A_1019 : vector<16xi1>, vector<16xi32>
      %max3A_1031 = arith.maximumf %max3A_1020, %get3A_1026 : vector<16xf32>
      %get3A_1032 = arith.constant 2 : i32
      %get3A_1033 = arith.constant 42 : i32
      %get3A_1034 = arith.index_cast %get3A_1032 : i32 to index
      %get3A_1035 = arith.index_cast %get3A_1033 : i32 to index
      %get3A_1036 = arith.index_cast %mul3A_583 : i32 to index
      %get3A_1037 = tpu.vector_load %arg5[%get3A_1034, %get3A_1035, %get3A_1036] {strides = array<i32>} : memref<4x64x128xf32, #tpu.memory_space<vmem>>, vector<16xf32>,
      %gt3A_1038 = arith.cmpf ogt, %get3A_1037, %max3A_1031 : vector<16xf32>
      %jit3A_1039 = arith.constant 42 : i32
      %broadcast_in_dim3A_1040 = vector.broadcast %jit3A_1039 : i32 to vector<16xi32>
      %select_n3A_1041 = arith.select %gt3A_1038, %broadcast_in_dim3A_1040, %select_n3A_1030 : vector<16xi1>, vector<16xi32>
      %max3A_1042 = arith.maximumf %max3A_1031, %get3A_1037 : vector<16xf32>
      %get3A_1043 = arith.constant 2 : i32
      %get3A_1044 = arith.constant 43 : i32
      %get3A_1045 = arith.index_cast %get3A_1043 : i32 to index
      %get3A_1046 = arith.index_cast %get3A_1044 : i32 to index
      %get3A_1047 = arith.index_cast %mul3A_583 : i32 to index
      %get3A_1048 = tpu.vector_load %arg5[%get3A_1045, %get3A_1046, %get3A_1047] {strides = array<i32>} : memref<4x64x128xf32, #tpu.memory_space<vmem>>, vector<16xf32>,
      %gt3A_1049 = arith.cmpf ogt, %get3A_1048, %max3A_1042 : vector<16xf32>
      %jit3A_1050 = arith.constant 43 : i32
      %broadcast_in_dim3A_1051 = vector.broadcast %jit3A_1050 : i32 to vector<16xi32>
      %select_n3A_1052 = arith.select %gt3A_1049, %broadcast_in_dim3A_1051, %select_n3A_1041 : vector<16xi1>, vector<16xi32>
      %max3A_1053 = arith.maximumf %max3A_1042, %get3A_1048 : vector<16xf32>
      %get3A_1054 = arith.constant 2 : i32
      %get3A_1055 = arith.constant 44 : i32
      %get3A_1056 = arith.index_cast %get3A_1054 : i32 to index
      %get3A_1057 = arith.index_cast %get3A_1055 : i32 to index
      %get3A_1058 = arith.index_cast %mul3A_583 : i32 to index
      %get3A_1059 = tpu.vector_load %arg5[%get3A_1056, %get3A_1057, %get3A_1058] {strides = array<i32>} : memref<4x64x128xf32, #tpu.memory_space<vmem>>, vector<16xf32>,
      %gt3A_1060 = arith.cmpf ogt, %get3A_1059, %max3A_1053 : vector<16xf32>
      %jit3A_1061 = arith.constant 44 : i32
      %broadcast_in_dim3A_1062 = vector.broadcast %jit3A_1061 : i32 to vector<16xi32>
      %select_n3A_1063 = arith.select %gt3A_1060, %broadcast_in_dim3A_1062, %select_n3A_1052 : vector<16xi1>, vector<16xi32>
      %max3A_1064 = arith.maximumf %max3A_1053, %get3A_1059 : vector<16xf32>
      %get3A_1065 = arith.constant 2 : i32
      %get3A_1066 = arith.constant 45 : i32
      %get3A_1067 = arith.index_cast %get3A_1065 : i32 to index
      %get3A_1068 = arith.index_cast %get3A_1066 : i32 to index
      %get3A_1069 = arith.index_cast %mul3A_583 : i32 to index
      %get3A_1070 = tpu.vector_load %arg5[%get3A_1067, %get3A_1068, %get3A_1069] {strides = array<i32>} : memref<4x64x128xf32, #tpu.memory_space<vmem>>, vector<16xf32>,
      %gt3A_1071 = arith.cmpf ogt, %get3A_1070, %max3A_1064 : vector<16xf32>
      %jit3A_1072 = arith.constant 45 : i32
      %broadcast_in_dim3A_1073 = vector.broadcast %jit3A_1072 : i32 to vector<16xi32>
      %select_n3A_1074 = arith.select %gt3A_1071, %broadcast_in_dim3A_1073, %select_n3A_1063 : vector<16xi1>, vector<16xi32>
      %max3A_1075 = arith.maximumf %max3A_1064, %get3A_1070 : vector<16xf32>
      %get3A_1076 = arith.constant 2 : i32
      %get3A_1077 = arith.constant 46 : i32
      %get3A_1078 = arith.index_cast %get3A_1076 : i32 to index
      %get3A_1079 = arith.index_cast %get3A_1077 : i32 to index
      %get3A_1080 = arith.index_cast %mul3A_583 : i32 to index
      %get3A_1081 = tpu.vector_load %arg5[%get3A_1078, %get3A_1079, %get3A_1080] {strides = array<i32>} : memref<4x64x128xf32, #tpu.memory_space<vmem>>, vector<16xf32>,
      %gt3A_1082 = arith.cmpf ogt, %get3A_1081, %max3A_1075 : vector<16xf32>
      %jit3A_1083 = arith.constant 46 : i32
      %broadcast_in_dim3A_1084 = vector.broadcast %jit3A_1083 : i32 to vector<16xi32>
      %select_n3A_1085 = arith.select %gt3A_1082, %broadcast_in_dim3A_1084, %select_n3A_1074 : vector<16xi1>, vector<16xi32>
      %max3A_1086 = arith.maximumf %max3A_1075, %get3A_1081 : vector<16xf32>
      %get3A_1087 = arith.constant 2 : i32
      %get3A_1088 = arith.constant 47 : i32
      %get3A_1089 = arith.index_cast %get3A_1087 : i32 to index
      %get3A_1090 = arith.index_cast %get3A_1088 : i32 to index
      %get3A_1091 = arith.index_cast %mul3A_583 : i32 to index
      %get3A_1092 = tpu.vector_load %arg5[%get3A_1089, %get3A_1090, %get3A_1091] {strides = array<i32>} : memref<4x64x128xf32, #tpu.memory_space<vmem>>, vector<16xf32>,
      %gt3A_1093 = arith.cmpf ogt, %get3A_1092, %max3A_1086 : vector<16xf32>
      %jit3A_1094 = arith.constant 47 : i32
      %broadcast_in_dim3A_1095 = vector.broadcast %jit3A_1094 : i32 to vector<16xi32>
      %select_n3A_1096 = arith.select %gt3A_1093, %broadcast_in_dim3A_1095, %select_n3A_1085 : vector<16xi1>, vector<16xi32>
      %max3A_1097 = arith.maximumf %max3A_1086, %get3A_1092 : vector<16xf32>
      %get3A_1098 = arith.constant 2 : i32
      %get3A_1099 = arith.constant 48 : i32
      %get3A_1100 = arith.index_cast %get3A_1098 : i32 to index
      %get3A_1101 = arith.index_cast %get3A_1099 : i32 to index
      %get3A_1102 = arith.index_cast %mul3A_583 : i32 to index
      %get3A_1103 = tpu.vector_load %arg5[%get3A_1100, %get3A_1101, %get3A_1102] {strides = array<i32>} : memref<4x64x128xf32, #tpu.memory_space<vmem>>, vector<16xf32>,
      %broadcast_in_dim3A_1104 = arith.constant 48 : i32
      %broadcast_in_dim3A_1105 = vector.broadcast %broadcast_in_dim3A_1104 : i32 to vector<16xi32>
      %get3A_1106 = arith.constant 2 : i32
      %get3A_1107 = arith.constant 49 : i32
      %get3A_1108 = arith.index_cast %get3A_1106 : i32 to index
      %get3A_1109 = arith.index_cast %get3A_1107 : i32 to index
      %get3A_1110 = arith.index_cast %mul3A_583 : i32 to index
      %get3A_1111 = tpu.vector_load %arg5[%get3A_1108, %get3A_1109, %get3A_1110] {strides = array<i32>} : memref<4x64x128xf32, #tpu.memory_space<vmem>>, vector<16xf32>,
      %gt3A_1112 = arith.cmpf ogt, %get3A_1111, %get3A_1103 : vector<16xf32>
      %jit3A_1113 = arith.constant 49 : i32
      %broadcast_in_dim3A_1114 = vector.broadcast %jit3A_1113 : i32 to vector<16xi32>
      %select_n3A_1115 = arith.select %gt3A_1112, %broadcast_in_dim3A_1114, %broadcast_in_dim3A_1105 : vector<16xi1>, vector<16xi32>
      %max3A_1116 = arith.maximumf %get3A_1103, %get3A_1111 : vector<16xf32>
      %get3A_1117 = arith.constant 2 : i32
      %get3A_1118 = arith.constant 50 : i32
      %get3A_1119 = arith.index_cast %get3A_1117 : i32 to index
      %get3A_1120 = arith.index_cast %get3A_1118 : i32 to index
      %get3A_1121 = arith.index_cast %mul3A_583 : i32 to index
      %get3A_1122 = tpu.vector_load %arg5[%get3A_1119, %get3A_1120, %get3A_1121] {strides = array<i32>} : memref<4x64x128xf32, #tpu.memory_space<vmem>>, vector<16xf32>,
      %gt3A_1123 = arith.cmpf ogt, %get3A_1122, %max3A_1116 : vector<16xf32>
      %jit3A_1124 = arith.constant 50 : i32
      %broadcast_in_dim3A_1125 = vector.broadcast %jit3A_1124 : i32 to vector<16xi32>
      %select_n3A_1126 = arith.select %gt3A_1123, %broadcast_in_dim3A_1125, %select_n3A_1115 : vector<16xi1>, vector<16xi32>
      %max3A_1127 = arith.maximumf %max3A_1116, %get3A_1122 : vector<16xf32>
      %get3A_1128 = arith.constant 2 : i32
      %get3A_1129 = arith.constant 51 : i32
      %get3A_1130 = arith.index_cast %get3A_1128 : i32 to index
      %get3A_1131 = arith.index_cast %get3A_1129 : i32 to index
      %get3A_1132 = arith.index_cast %mul3A_583 : i32 to index
      %get3A_1133 = tpu.vector_load %arg5[%get3A_1130, %get3A_1131, %get3A_1132] {strides = array<i32>} : memref<4x64x128xf32, #tpu.memory_space<vmem>>, vector<16xf32>,
      %gt3A_1134 = arith.cmpf ogt, %get3A_1133, %max3A_1127 : vector<16xf32>
      %jit3A_1135 = arith.constant 51 : i32
      %broadcast_in_dim3A_1136 = vector.broadcast %jit3A_1135 : i32 to vector<16xi32>
      %select_n3A_1137 = arith.select %gt3A_1134, %broadcast_in_dim3A_1136, %select_n3A_1126 : vector<16xi1>, vector<16xi32>
      %max3A_1138 = arith.maximumf %max3A_1127, %get3A_1133 : vector<16xf32>
      %get3A_1139 = arith.constant 2 : i32
      %get3A_1140 = arith.constant 52 : i32
      %get3A_1141 = arith.index_cast %get3A_1139 : i32 to index
      %get3A_1142 = arith.index_cast %get3A_1140 : i32 to index
      %get3A_1143 = arith.index_cast %mul3A_583 : i32 to index
      %get3A_1144 = tpu.vector_load %arg5[%get3A_1141, %get3A_1142, %get3A_1143] {strides = array<i32>} : memref<4x64x128xf32, #tpu.memory_space<vmem>>, vector<16xf32>,
      %gt3A_1145 = arith.cmpf ogt, %get3A_1144, %max3A_1138 : vector<16xf32>
      %jit3A_1146 = arith.constant 52 : i32
      %broadcast_in_dim3A_1147 = vector.broadcast %jit3A_1146 : i32 to vector<16xi32>
      %select_n3A_1148 = arith.select %gt3A_1145, %broadcast_in_dim3A_1147, %select_n3A_1137 : vector<16xi1>, vector<16xi32>
      %max3A_1149 = arith.maximumf %max3A_1138, %get3A_1144 : vector<16xf32>
      %get3A_1150 = arith.constant 2 : i32
      %get3A_1151 = arith.constant 53 : i32
      %get3A_1152 = arith.index_cast %get3A_1150 : i32 to index
      %get3A_1153 = arith.index_cast %get3A_1151 : i32 to index
      %get3A_1154 = arith.index_cast %mul3A_583 : i32 to index
      %get3A_1155 = tpu.vector_load %arg5[%get3A_1152, %get3A_1153, %get3A_1154] {strides = array<i32>} : memref<4x64x128xf32, #tpu.memory_space<vmem>>, vector<16xf32>,
      %gt3A_1156 = arith.cmpf ogt, %get3A_1155, %max3A_1149 : vector<16xf32>
      %jit3A_1157 = arith.constant 53 : i32
      %broadcast_in_dim3A_1158 = vector.broadcast %jit3A_1157 : i32 to vector<16xi32>
      %select_n3A_1159 = arith.select %gt3A_1156, %broadcast_in_dim3A_1158, %select_n3A_1148 : vector<16xi1>, vector<16xi32>
      %max3A_1160 = arith.maximumf %max3A_1149, %get3A_1155 : vector<16xf32>
      %get3A_1161 = arith.constant 2 : i32
      %get3A_1162 = arith.constant 54 : i32
      %get3A_1163 = arith.index_cast %get3A_1161 : i32 to index
      %get3A_1164 = arith.index_cast %get3A_1162 : i32 to index
      %get3A_1165 = arith.index_cast %mul3A_583 : i32 to index
      %get3A_1166 = tpu.vector_load %arg5[%get3A_1163, %get3A_1164, %get3A_1165] {strides = array<i32>} : memref<4x64x128xf32, #tpu.memory_space<vmem>>, vector<16xf32>,
      %gt3A_1167 = arith.cmpf ogt, %get3A_1166, %max3A_1160 : vector<16xf32>
      %jit3A_1168 = arith.constant 54 : i32
      %broadcast_in_dim3A_1169 = vector.broadcast %jit3A_1168 : i32 to vector<16xi32>
      %select_n3A_1170 = arith.select %gt3A_1167, %broadcast_in_dim3A_1169, %select_n3A_1159 : vector<16xi1>, vector<16xi32>
      %max3A_1171 = arith.maximumf %max3A_1160, %get3A_1166 : vector<16xf32>
      %get3A_1172 = arith.constant 2 : i32
      %get3A_1173 = arith.constant 55 : i32
      %get3A_1174 = arith.index_cast %get3A_1172 : i32 to index
      %get3A_1175 = arith.index_cast %get3A_1173 : i32 to index
      %get3A_1176 = arith.index_cast %mul3A_583 : i32 to index
      %get3A_1177 = tpu.vector_load %arg5[%get3A_1174, %get3A_1175, %get3A_1176] {strides = array<i32>} : memref<4x64x128xf32, #tpu.memory_space<vmem>>, vector<16xf32>,
      %gt3A_1178 = arith.cmpf ogt, %get3A_1177, %max3A_1171 : vector<16xf32>
      %jit3A_1179 = arith.constant 55 : i32
      %broadcast_in_dim3A_1180 = vector.broadcast %jit3A_1179 : i32 to vector<16xi32>
      %select_n3A_1181 = arith.select %gt3A_1178, %broadcast_in_dim3A_1180, %select_n3A_1170 : vector<16xi1>, vector<16xi32>
      %max3A_1182 = arith.maximumf %max3A_1171, %get3A_1177 : vector<16xf32>
      %get3A_1183 = arith.constant 2 : i32
      %get3A_1184 = arith.constant 56 : i32
      %get3A_1185 = arith.index_cast %get3A_1183 : i32 to index
      %get3A_1186 = arith.index_cast %get3A_1184 : i32 to index
      %get3A_1187 = arith.index_cast %mul3A_583 : i32 to index
      %get3A_1188 = tpu.vector_load %arg5[%get3A_1185, %get3A_1186, %get3A_1187] {strides = array<i32>} : memref<4x64x128xf32, #tpu.memory_space<vmem>>, vector<16xf32>,
      %gt3A_1189 = arith.cmpf ogt, %get3A_1188, %max3A_1182 : vector<16xf32>
      %jit3A_1190 = arith.constant 56 : i32
      %broadcast_in_dim3A_1191 = vector.broadcast %jit3A_1190 : i32 to vector<16xi32>
      %select_n3A_1192 = arith.select %gt3A_1189, %broadcast_in_dim3A_1191, %select_n3A_1181 : vector<16xi1>, vector<16xi32>
      %max3A_1193 = arith.maximumf %max3A_1182, %get3A_1188 : vector<16xf32>
      %get3A_1194 = arith.constant 2 : i32
      %get3A_1195 = arith.constant 57 : i32
      %get3A_1196 = arith.index_cast %get3A_1194 : i32 to index
      %get3A_1197 = arith.index_cast %get3A_1195 : i32 to index
      %get3A_1198 = arith.index_cast %mul3A_583 : i32 to index
      %get3A_1199 = tpu.vector_load %arg5[%get3A_1196, %get3A_1197, %get3A_1198] {strides = array<i32>} : memref<4x64x128xf32, #tpu.memory_space<vmem>>, vector<16xf32>,
      %gt3A_1200 = arith.cmpf ogt, %get3A_1199, %max3A_1193 : vector<16xf32>
      %jit3A_1201 = arith.constant 57 : i32
      %broadcast_in_dim3A_1202 = vector.broadcast %jit3A_1201 : i32 to vector<16xi32>
      %select_n3A_1203 = arith.select %gt3A_1200, %broadcast_in_dim3A_1202, %select_n3A_1192 : vector<16xi1>, vector<16xi32>
      %max3A_1204 = arith.maximumf %max3A_1193, %get3A_1199 : vector<16xf32>
      %get3A_1205 = arith.constant 2 : i32
      %get3A_1206 = arith.constant 58 : i32
      %get3A_1207 = arith.index_cast %get3A_1205 : i32 to index
      %get3A_1208 = arith.index_cast %get3A_1206 : i32 to index
      %get3A_1209 = arith.index_cast %mul3A_583 : i32 to index
      %get3A_1210 = tpu.vector_load %arg5[%get3A_1207, %get3A_1208, %get3A_1209] {strides = array<i32>} : memref<4x64x128xf32, #tpu.memory_space<vmem>>, vector<16xf32>,
      %gt3A_1211 = arith.cmpf ogt, %get3A_1210, %max3A_1204 : vector<16xf32>
      %jit3A_1212 = arith.constant 58 : i32
      %broadcast_in_dim3A_1213 = vector.broadcast %jit3A_1212 : i32 to vector<16xi32>
      %select_n3A_1214 = arith.select %gt3A_1211, %broadcast_in_dim3A_1213, %select_n3A_1203 : vector<16xi1>, vector<16xi32>
      %max3A_1215 = arith.maximumf %max3A_1204, %get3A_1210 : vector<16xf32>
      %get3A_1216 = arith.constant 2 : i32
      %get3A_1217 = arith.constant 59 : i32
      %get3A_1218 = arith.index_cast %get3A_1216 : i32 to index
      %get3A_1219 = arith.index_cast %get3A_1217 : i32 to index
      %get3A_1220 = arith.index_cast %mul3A_583 : i32 to index
      %get3A_1221 = tpu.vector_load %arg5[%get3A_1218, %get3A_1219, %get3A_1220] {strides = array<i32>} : memref<4x64x128xf32, #tpu.memory_space<vmem>>, vector<16xf32>,
      %gt3A_1222 = arith.cmpf ogt, %get3A_1221, %max3A_1215 : vector<16xf32>
      %jit3A_1223 = arith.constant 59 : i32
      %broadcast_in_dim3A_1224 = vector.broadcast %jit3A_1223 : i32 to vector<16xi32>
      %select_n3A_1225 = arith.select %gt3A_1222, %broadcast_in_dim3A_1224, %select_n3A_1214 : vector<16xi1>, vector<16xi32>
      %max3A_1226 = arith.maximumf %max3A_1215, %get3A_1221 : vector<16xf32>
      %get3A_1227 = arith.constant 2 : i32
      %get3A_1228 = arith.constant 60 : i32
      %get3A_1229 = arith.index_cast %get3A_1227 : i32 to index
      %get3A_1230 = arith.index_cast %get3A_1228 : i32 to index
      %get3A_1231 = arith.index_cast %mul3A_583 : i32 to index
      %get3A_1232 = tpu.vector_load %arg5[%get3A_1229, %get3A_1230, %get3A_1231] {strides = array<i32>} : memref<4x64x128xf32, #tpu.memory_space<vmem>>, vector<16xf32>,
      %gt3A_1233 = arith.cmpf ogt, %get3A_1232, %max3A_1226 : vector<16xf32>
      %jit3A_1234 = arith.constant 60 : i32
      %broadcast_in_dim3A_1235 = vector.broadcast %jit3A_1234 : i32 to vector<16xi32>
      %select_n3A_1236 = arith.select %gt3A_1233, %broadcast_in_dim3A_1235, %select_n3A_1225 : vector<16xi1>, vector<16xi32>
      %max3A_1237 = arith.maximumf %max3A_1226, %get3A_1232 : vector<16xf32>
      %get3A_1238 = arith.constant 2 : i32
      %get3A_1239 = arith.constant 61 : i32
      %get3A_1240 = arith.index_cast %get3A_1238 : i32 to index
      %get3A_1241 = arith.index_cast %get3A_1239 : i32 to index
      %get3A_1242 = arith.index_cast %mul3A_583 : i32 to index
      %get3A_1243 = tpu.vector_load %arg5[%get3A_1240, %get3A_1241, %get3A_1242] {strides = array<i32>} : memref<4x64x128xf32, #tpu.memory_space<vmem>>, vector<16xf32>,
      %gt3A_1244 = arith.cmpf ogt, %get3A_1243, %max3A_1237 : vector<16xf32>
      %jit3A_1245 = arith.constant 61 : i32
      %broadcast_in_dim3A_1246 = vector.broadcast %jit3A_1245 : i32 to vector<16xi32>
      %select_n3A_1247 = arith.select %gt3A_1244, %broadcast_in_dim3A_1246, %select_n3A_1236 : vector<16xi1>, vector<16xi32>
      %max3A_1248 = arith.maximumf %max3A_1237, %get3A_1243 : vector<16xf32>
      %get3A_1249 = arith.constant 2 : i32
      %get3A_1250 = arith.constant 62 : i32
      %get3A_1251 = arith.index_cast %get3A_1249 : i32 to index
      %get3A_1252 = arith.index_cast %get3A_1250 : i32 to index
      %get3A_1253 = arith.index_cast %mul3A_583 : i32 to index
      %get3A_1254 = tpu.vector_load %arg5[%get3A_1251, %get3A_1252, %get3A_1253] {strides = array<i32>} : memref<4x64x128xf32, #tpu.memory_space<vmem>>, vector<16xf32>,
      %gt3A_1255 = arith.cmpf ogt, %get3A_1254, %max3A_1248 : vector<16xf32>
      %jit3A_1256 = arith.constant 62 : i32
      %broadcast_in_dim3A_1257 = vector.broadcast %jit3A_1256 : i32 to vector<16xi32>
      %select_n3A_1258 = arith.select %gt3A_1255, %broadcast_in_dim3A_1257, %select_n3A_1247 : vector<16xi1>, vector<16xi32>
      %max3A_1259 = arith.maximumf %max3A_1248, %get3A_1254 : vector<16xf32>
      %get3A_1260 = arith.constant 2 : i32
      %get3A_1261 = arith.constant 63 : i32
      %get3A_1262 = arith.index_cast %get3A_1260 : i32 to index
      %get3A_1263 = arith.index_cast %get3A_1261 : i32 to index
      %get3A_1264 = arith.index_cast %mul3A_583 : i32 to index
      %get3A_1265 = tpu.vector_load %arg5[%get3A_1262, %get3A_1263, %get3A_1264] {strides = array<i32>} : memref<4x64x128xf32, #tpu.memory_space<vmem>>, vector<16xf32>,
      %gt3A_1266 = arith.cmpf ogt, %get3A_1265, %max3A_1259 : vector<16xf32>
      %jit3A_1267 = arith.constant 63 : i32
      %broadcast_in_dim3A_1268 = vector.broadcast %jit3A_1267 : i32 to vector<16xi32>
      %select_n3A_1269 = arith.select %gt3A_1266, %broadcast_in_dim3A_1268, %select_n3A_1258 : vector<16xi1>, vector<16xi32>
      %max3A_1270 = arith.maximumf %max3A_1259, %get3A_1265 : vector<16xf32>
      %gt3A_1271 = arith.cmpf ogt, %max3A_924, %max3A_751 : vector<16xf32>
      %select_n3A_1272 = arith.select %gt3A_1271, %select_n3A_923, %select_n3A_750 : vector<16xi1>, vector<16xi32>
      %max3A_1273 = arith.maximumf %max3A_751, %max3A_924 : vector<16xf32>
      %gt3A_1274 = arith.cmpf ogt, %max3A_1097, %max3A_1273 : vector<16xf32>
      %select_n3A_1275 = arith.select %gt3A_1274, %select_n3A_1096, %select_n3A_1272 : vector<16xi1>, vector<16xi32>
      %max3A_1276 = arith.maximumf %max3A_1273, %max3A_1097 : vector<16xf32>
      %gt3A_1277 = arith.cmpf ogt, %max3A_1270, %max3A_1276 : vector<16xf32>
      %select_n3A_1278 = arith.select %gt3A_1277, %select_n3A_1269, %select_n3A_1275 : vector<16xi1>, vector<16xi32>
      %max3A_1279 = arith.maximumf %max3A_1276, %max3A_1270 : vector<16xf32>
      tpu.vector_store_idx %arg6[%select_n3A_1278], %broadcast_in_dim3A_292 : memref<64xf32, #tpu.memory_space<vmem>>[vector<16xi32>], vector<16xf32>,
      %add3A_1280 = arith.addf %scan3A_581, %max3A_1279 : vector<16xf32>
      scf.yield %add3A_1280 : vector<16xf32>
    }
    %scan3A_507 = arith.constant 8 : i32
    %dma_wait3A_508 = arith.constant 3 : i32
    %dma_wait3A_509 = arith.constant 12 : i32
    %dma_wait3A_510 = arith.constant 0 : i32
    %dma_wait3A_511 = arith.constant 0 : i32
    %dma_wait3A_512 = tpu.memref_slice %arg5[%dma_wait3A_508, %dma_wait3A_510, %dma_wait3A_511] : memref<4x64x128xf32, #tpu.memory_space<vmem>> -> memref<1x16x128xf32, #tpu.memory_space<vmem>>
    %dma_wait3A_513 = tpu.memref_squeeze %dma_wait3A_512 : memref<1x16x128xf32, #tpu.memory_space<vmem>> -> memref<16x128xf32, #tpu.memory_space<vmem>>
    %dma_wait3A_514 = arith.constant 0 : i32
    %dma_wait3A_515 = tpu.memref_slice %arg2[%dma_wait3A_514, %add3A_219] : memref<64x16384xf32, #tpu.memory_space<hbm>> -> memref<16x128xf32, #tpu.memory_space<hbm>>
    %dma_wait3A_516 = tpu.memref_slice %arg8[%dma_wait3A_509] : memref<16x!tpu.dma_semaphore, #tpu.memory_space<semaphore_mem>> -> memref<1x!tpu.dma_semaphore, #tpu.memory_space<semaphore_mem>>
    %dma_wait3A_517 = tpu.memref_squeeze %dma_wait3A_516 : memref<1x!tpu.dma_semaphore, #tpu.memory_space<semaphore_mem>> -> memref<!tpu.dma_semaphore, #tpu.memory_space<semaphore_mem>>
    %dma_wait3A_518 = arith.constant 0 : i32
    %dma_wait3A_519 = arith.constant 0 : i32
    %dma_wait3A_520 = tpu.memref_slice %arg5[%dma_wait3A_508, %dma_wait3A_518, %dma_wait3A_519] : memref<4x64x128xf32, #tpu.memory_space<vmem>> -> memref<1x16x128xf32, #tpu.memory_space<vmem>>
    %dma_wait3A_521 = tpu.memref_squeeze %dma_wait3A_520 : memref<1x16x128xf32, #tpu.memory_space<vmem>> -> memref<16x128xf32, #tpu.memory_space<vmem>>
    %dma_wait3A_522 = arith.constant 0 : i32
    %dma_wait3A_523 = tpu.memref_slice %arg2[%dma_wait3A_522, %add3A_219] : memref<64x16384xf32, #tpu.memory_space<hbm>> -> memref<16x128xf32, #tpu.memory_space<hbm>>
    tpu.wait_dma2 semaphore(%dma_wait3A_517 : memref<!tpu.dma_semaphore, #tpu.memory_space<semaphore_mem>>) src(%dma_wait3A_523 : memref<16x128xf32, #tpu.memory_space<hbm>>) dst(%dma_wait3A_521 : memref<16x128xf32, #tpu.memory_space<vmem>>)
    %dma_wait3A_524 = arith.constant 3 : i32
    %dma_wait3A_525 = arith.constant 13 : i32
    %dma_wait3A_526 = arith.constant 16 : i32
    %dma_wait3A_527 = arith.constant 0 : i32
    %dma_wait3A_528 = tpu.memref_slice %arg5[%dma_wait3A_524, %dma_wait3A_526, %dma_wait3A_527] : memref<4x64x128xf32, #tpu.memory_space<vmem>> -> memref<1x16x128xf32, #tpu.memory_space<vmem>>
    %dma_wait3A_529 = tpu.memref_squeeze %dma_wait3A_528 : memref<1x16x128xf32, #tpu.memory_space<vmem>> -> memref<16x128xf32, #tpu.memory_space<vmem>>
    %dma_wait3A_530 = arith.constant 16 : i32
    %dma_wait3A_531 = tpu.memref_slice %arg2[%dma_wait3A_530, %add3A_237] : memref<64x16384xf32, #tpu.memory_space<hbm>> -> memref<16x128xf32, #tpu.memory_space<hbm>>
    %dma_wait3A_532 = tpu.memref_slice %arg8[%dma_wait3A_525] : memref<16x!tpu.dma_semaphore, #tpu.memory_space<semaphore_mem>> -> memref<1x!tpu.dma_semaphore, #tpu.memory_space<semaphore_mem>>
    %dma_wait3A_533 = tpu.memref_squeeze %dma_wait3A_532 : memref<1x!tpu.dma_semaphore, #tpu.memory_space<semaphore_mem>> -> memref<!tpu.dma_semaphore, #tpu.memory_space<semaphore_mem>>
    %dma_wait3A_534 = arith.constant 16 : i32
    %dma_wait3A_535 = arith.constant 0 : i32
    %dma_wait3A_536 = tpu.memref_slice %arg5[%dma_wait3A_524, %dma_wait3A_534, %dma_wait3A_535] : memref<4x64x128xf32, #tpu.memory_space<vmem>> -> memref<1x16x128xf32, #tpu.memory_space<vmem>>
    %dma_wait3A_537 = tpu.memref_squeeze %dma_wait3A_536 : memref<1x16x128xf32, #tpu.memory_space<vmem>> -> memref<16x128xf32, #tpu.memory_space<vmem>>
    %dma_wait3A_538 = arith.constant 16 : i32
    %dma_wait3A_539 = tpu.memref_slice %arg2[%dma_wait3A_538, %add3A_237] : memref<64x16384xf32, #tpu.memory_space<hbm>> -> memref<16x128xf32, #tpu.memory_space<hbm>>
    tpu.wait_dma2 semaphore(%dma_wait3A_533 : memref<!tpu.dma_semaphore, #tpu.memory_space<semaphore_mem>>) src(%dma_wait3A_539 : memref<16x128xf32, #tpu.memory_space<hbm>>) dst(%dma_wait3A_537 : memref<16x128xf32, #tpu.memory_space<vmem>>)
    %dma_wait3A_540 = arith.constant 3 : i32
    %dma_wait3A_541 = arith.constant 14 : i32
    %dma_wait3A_542 = arith.constant 32 : i32
    %dma_wait3A_543 = arith.constant 0 : i32
    %dma_wait3A_544 = tpu.memref_slice %arg5[%dma_wait3A_540, %dma_wait3A_542, %dma_wait3A_543] : memref<4x64x128xf32, #tpu.memory_space<vmem>> -> memref<1x16x128xf32, #tpu.memory_space<vmem>>
    %dma_wait3A_545 = tpu.memref_squeeze %dma_wait3A_544 : memref<1x16x128xf32, #tpu.memory_space<vmem>> -> memref<16x128xf32, #tpu.memory_space<vmem>>
    %dma_wait3A_546 = arith.constant 32 : i32
    %dma_wait3A_547 = tpu.memref_slice %arg2[%dma_wait3A_546, %add3A_255] : memref<64x16384xf32, #tpu.memory_space<hbm>> -> memref<16x128xf32, #tpu.memory_space<hbm>>
    %dma_wait3A_548 = tpu.memref_slice %arg8[%dma_wait3A_541] : memref<16x!tpu.dma_semaphore, #tpu.memory_space<semaphore_mem>> -> memref<1x!tpu.dma_semaphore, #tpu.memory_space<semaphore_mem>>
    %dma_wait3A_549 = tpu.memref_squeeze %dma_wait3A_548 : memref<1x!tpu.dma_semaphore, #tpu.memory_space<semaphore_mem>> -> memref<!tpu.dma_semaphore, #tpu.memory_space<semaphore_mem>>
    %dma_wait3A_550 = arith.constant 32 : i32
    %dma_wait3A_551 = arith.constant 0 : i32
    %dma_wait3A_552 = tpu.memref_slice %arg5[%dma_wait3A_540, %dma_wait3A_550, %dma_wait3A_551] : memref<4x64x128xf32, #tpu.memory_space<vmem>> -> memref<1x16x128xf32, #tpu.memory_space<vmem>>
    %dma_wait3A_553 = tpu.memref_squeeze %dma_wait3A_552 : memref<1x16x128xf32, #tpu.memory_space<vmem>> -> memref<16x128xf32, #tpu.memory_space<vmem>>
    %dma_wait3A_554 = arith.constant 32 : i32
    %dma_wait3A_555 = tpu.memref_slice %arg2[%dma_wait3A_554, %add3A_255] : memref<64x16384xf32, #tpu.memory_space<hbm>> -> memref<16x128xf32, #tpu.memory_space<hbm>>
    tpu.wait_dma2 semaphore(%dma_wait3A_549 : memref<!tpu.dma_semaphore, #tpu.memory_space<semaphore_mem>>) src(%dma_wait3A_555 : memref<16x128xf32, #tpu.memory_space<hbm>>) dst(%dma_wait3A_553 : memref<16x128xf32, #tpu.memory_space<vmem>>)
    %dma_wait3A_556 = arith.constant 3 : i32
    %dma_wait3A_557 = arith.constant 15 : i32
    %dma_wait3A_558 = arith.constant 48 : i32
    %dma_wait3A_559 = arith.constant 0 : i32
    %dma_wait3A_560 = tpu.memref_slice %arg5[%dma_wait3A_556, %dma_wait3A_558, %dma_wait3A_559] : memref<4x64x128xf32, #tpu.memory_space<vmem>> -> memref<1x16x128xf32, #tpu.memory_space<vmem>>
    %dma_wait3A_561 = tpu.memref_squeeze %dma_wait3A_560 : memref<1x16x128xf32, #tpu.memory_space<vmem>> -> memref<16x128xf32, #tpu.memory_space<vmem>>
    %dma_wait3A_562 = arith.constant 48 : i32
    %dma_wait3A_563 = tpu.memref_slice %arg2[%dma_wait3A_562, %add3A_273] : memref<64x16384xf32, #tpu.memory_space<hbm>> -> memref<16x128xf32, #tpu.memory_space<hbm>>
    %dma_wait3A_564 = tpu.memref_slice %arg8[%dma_wait3A_557] : memref<16x!tpu.dma_semaphore, #tpu.memory_space<semaphore_mem>> -> memref<1x!tpu.dma_semaphore, #tpu.memory_space<semaphore_mem>>
    %dma_wait3A_565 = tpu.memref_squeeze %dma_wait3A_564 : memref<1x!tpu.dma_semaphore, #tpu.memory_space<semaphore_mem>> -> memref<!tpu.dma_semaphore, #tpu.memory_space<semaphore_mem>>
    %dma_wait3A_566 = arith.constant 48 : i32
    %dma_wait3A_567 = arith.constant 0 : i32
    %dma_wait3A_568 = tpu.memref_slice %arg5[%dma_wait3A_556, %dma_wait3A_566, %dma_wait3A_567] : memref<4x64x128xf32, #tpu.memory_space<vmem>> -> memref<1x16x128xf32, #tpu.memory_space<vmem>>
    %dma_wait3A_569 = tpu.memref_squeeze %dma_wait3A_568 : memref<1x16x128xf32, #tpu.memory_space<vmem>> -> memref<16x128xf32, #tpu.memory_space<vmem>>
    %dma_wait3A_570 = arith.constant 48 : i32
    %dma_wait3A_571 = tpu.memref_slice %arg2[%dma_wait3A_570, %add3A_273] : memref<64x16384xf32, #tpu.memory_space<hbm>> -> memref<16x128xf32, #tpu.memory_space<hbm>>
    tpu.wait_dma2 semaphore(%dma_wait3A_565 : memref<!tpu.dma_semaphore, #tpu.memory_space<semaphore_mem>>) src(%dma_wait3A_571 : memref<16x128xf32, #tpu.memory_space<hbm>>) dst(%dma_wait3A_569 : memref<16x128xf32, #tpu.memory_space<vmem>>)
    %scan3A_572 = arith.constant 0 : i32
    %scan3A_573 = arith.constant 8 : i32
    %scan3A_574 = arith.addi %scan3A_572, %scan3A_573 : i32
    %scan3A_575 = arith.constant 1 : i32
    %scan3A_576 = scf.for %scan3A_580 = %scan3A_572 to %scan3A_574 step %scan3A_575 iter_args(%scan3A_581 = %scan3A_506) -> (vector<16xf32>)  : i32 {
      %mul3A_582 = arith.constant 16 : i32
      %mul3A_583 = arith.muli %scan3A_580, %mul3A_582 : i32
      %get3A = arith.constant 3 : i32
      %get3A_584 = arith.constant 0 : i32
      %get3A_585 = arith.index_cast %get3A : i32 to index
      %get3A_586 = arith.index_cast %get3A_584 : i32 to index
      %get3A_587 = arith.index_cast %mul3A_583 : i32 to index
      %get3A_588 = tpu.vector_load %arg5[%get3A_585, %get3A_586, %get3A_587] {strides = array<i32>} : memref<4x64x128xf32, #tpu.memory_space<vmem>>, vector<16xf32>,
      %broadcast_in_dim3A_589 = arith.constant 0 : i32
      %broadcast_in_dim3A_590 = vector.broadcast %broadcast_in_dim3A_589 : i32 to vector<16xi32>
      %get3A_591 = arith.constant 3 : i32
      %get3A_592 = arith.constant 1 : i32
      %get3A_593 = arith.index_cast %get3A_591 : i32 to index
      %get3A_594 = arith.index_cast %get3A_592 : i32 to index
      %get3A_595 = arith.index_cast %mul3A_583 : i32 to index
      %get3A_596 = tpu.vector_load %arg5[%get3A_593, %get3A_594, %get3A_595] {strides = array<i32>} : memref<4x64x128xf32, #tpu.memory_space<vmem>>, vector<16xf32>,
      %gt3A = arith.cmpf ogt, %get3A_596, %get3A_588 : vector<16xf32>
      %jit3A = arith.constant 1 : i32
      %broadcast_in_dim3A_597 = vector.broadcast %jit3A : i32 to vector<16xi32>
      %select_n3A = arith.select %gt3A, %broadcast_in_dim3A_597, %broadcast_in_dim3A_590 : vector<16xi1>, vector<16xi32>
      %max3A = arith.maximumf %get3A_588, %get3A_596 : vector<16xf32>
      %get3A_598 = arith.constant 3 : i32
      %get3A_599 = arith.constant 2 : i32
      %get3A_600 = arith.index_cast %get3A_598 : i32 to index
      %get3A_601 = arith.index_cast %get3A_599 : i32 to index
      %get3A_602 = arith.index_cast %mul3A_583 : i32 to index
      %get3A_603 = tpu.vector_load %arg5[%get3A_600, %get3A_601, %get3A_602] {strides = array<i32>} : memref<4x64x128xf32, #tpu.memory_space<vmem>>, vector<16xf32>,
      %gt3A_604 = arith.cmpf ogt, %get3A_603, %max3A : vector<16xf32>
      %jit3A_605 = arith.constant 2 : i32
      %broadcast_in_dim3A_606 = vector.broadcast %jit3A_605 : i32 to vector<16xi32>
      %select_n3A_607 = arith.select %gt3A_604, %broadcast_in_dim3A_606, %select_n3A : vector<16xi1>, vector<16xi32>
      %max3A_608 = arith.maximumf %max3A, %get3A_603 : vector<16xf32>
      %get3A_609 = arith.constant 3 : i32
      %get3A_610 = arith.constant 3 : i32
      %get3A_611 = arith.index_cast %get3A_609 : i32 to index
      %get3A_612 = arith.index_cast %get3A_610 : i32 to index
      %get3A_613 = arith.index_cast %mul3A_583 : i32 to index
      %get3A_614 = tpu.vector_load %arg5[%get3A_611, %get3A_612, %get3A_613] {strides = array<i32>} : memref<4x64x128xf32, #tpu.memory_space<vmem>>, vector<16xf32>,
      %gt3A_615 = arith.cmpf ogt, %get3A_614, %max3A_608 : vector<16xf32>
      %jit3A_616 = arith.constant 3 : i32
      %broadcast_in_dim3A_617 = vector.broadcast %jit3A_616 : i32 to vector<16xi32>
      %select_n3A_618 = arith.select %gt3A_615, %broadcast_in_dim3A_617, %select_n3A_607 : vector<16xi1>, vector<16xi32>
      %max3A_619 = arith.maximumf %max3A_608, %get3A_614 : vector<16xf32>
      %get3A_620 = arith.constant 3 : i32
      %get3A_621 = arith.constant 4 : i32
      %get3A_622 = arith.index_cast %get3A_620 : i32 to index
      %get3A_623 = arith.index_cast %get3A_621 : i32 to index
      %get3A_624 = arith.index_cast %mul3A_583 : i32 to index
      %get3A_625 = tpu.vector_load %arg5[%get3A_622, %get3A_623, %get3A_624] {strides = array<i32>} : memref<4x64x128xf32, #tpu.memory_space<vmem>>, vector<16xf32>,
      %gt3A_626 = arith.cmpf ogt, %get3A_625, %max3A_619 : vector<16xf32>
      %jit3A_627 = arith.constant 4 : i32
      %broadcast_in_dim3A_628 = vector.broadcast %jit3A_627 : i32 to vector<16xi32>
      %select_n3A_629 = arith.select %gt3A_626, %broadcast_in_dim3A_628, %select_n3A_618 : vector<16xi1>, vector<16xi32>
      %max3A_630 = arith.maximumf %max3A_619, %get3A_625 : vector<16xf32>
      %get3A_631 = arith.constant 3 : i32
      %get3A_632 = arith.constant 5 : i32
      %get3A_633 = arith.index_cast %get3A_631 : i32 to index
      %get3A_634 = arith.index_cast %get3A_632 : i32 to index
      %get3A_635 = arith.index_cast %mul3A_583 : i32 to index
      %get3A_636 = tpu.vector_load %arg5[%get3A_633, %get3A_634, %get3A_635] {strides = array<i32>} : memref<4x64x128xf32, #tpu.memory_space<vmem>>, vector<16xf32>,
      %gt3A_637 = arith.cmpf ogt, %get3A_636, %max3A_630 : vector<16xf32>
      %jit3A_638 = arith.constant 5 : i32
      %broadcast_in_dim3A_639 = vector.broadcast %jit3A_638 : i32 to vector<16xi32>
      %select_n3A_640 = arith.select %gt3A_637, %broadcast_in_dim3A_639, %select_n3A_629 : vector<16xi1>, vector<16xi32>
      %max3A_641 = arith.maximumf %max3A_630, %get3A_636 : vector<16xf32>
      %get3A_642 = arith.constant 3 : i32
      %get3A_643 = arith.constant 6 : i32
      %get3A_644 = arith.index_cast %get3A_642 : i32 to index
      %get3A_645 = arith.index_cast %get3A_643 : i32 to index
      %get3A_646 = arith.index_cast %mul3A_583 : i32 to index
      %get3A_647 = tpu.vector_load %arg5[%get3A_644, %get3A_645, %get3A_646] {strides = array<i32>} : memref<4x64x128xf32, #tpu.memory_space<vmem>>, vector<16xf32>,
      %gt3A_648 = arith.cmpf ogt, %get3A_647, %max3A_641 : vector<16xf32>
      %jit3A_649 = arith.constant 6 : i32
      %broadcast_in_dim3A_650 = vector.broadcast %jit3A_649 : i32 to vector<16xi32>
      %select_n3A_651 = arith.select %gt3A_648, %broadcast_in_dim3A_650, %select_n3A_640 : vector<16xi1>, vector<16xi32>
      %max3A_652 = arith.maximumf %max3A_641, %get3A_647 : vector<16xf32>
      %get3A_653 = arith.constant 3 : i32
      %get3A_654 = arith.constant 7 : i32
      %get3A_655 = arith.index_cast %get3A_653 : i32 to index
      %get3A_656 = arith.index_cast %get3A_654 : i32 to index
      %get3A_657 = arith.index_cast %mul3A_583 : i32 to index
      %get3A_658 = tpu.vector_load %arg5[%get3A_655, %get3A_656, %get3A_657] {strides = array<i32>} : memref<4x64x128xf32, #tpu.memory_space<vmem>>, vector<16xf32>,
      %gt3A_659 = arith.cmpf ogt, %get3A_658, %max3A_652 : vector<16xf32>
      %jit3A_660 = arith.constant 7 : i32
      %broadcast_in_dim3A_661 = vector.broadcast %jit3A_660 : i32 to vector<16xi32>
      %select_n3A_662 = arith.select %gt3A_659, %broadcast_in_dim3A_661, %select_n3A_651 : vector<16xi1>, vector<16xi32>
      %max3A_663 = arith.maximumf %max3A_652, %get3A_658 : vector<16xf32>
      %get3A_664 = arith.constant 3 : i32
      %get3A_665 = arith.constant 8 : i32
      %get3A_666 = arith.index_cast %get3A_664 : i32 to index
      %get3A_667 = arith.index_cast %get3A_665 : i32 to index
      %get3A_668 = arith.index_cast %mul3A_583 : i32 to index
      %get3A_669 = tpu.vector_load %arg5[%get3A_666, %get3A_667, %get3A_668] {strides = array<i32>} : memref<4x64x128xf32, #tpu.memory_space<vmem>>, vector<16xf32>,
      %gt3A_670 = arith.cmpf ogt, %get3A_669, %max3A_663 : vector<16xf32>
      %jit3A_671 = arith.constant 8 : i32
      %broadcast_in_dim3A_672 = vector.broadcast %jit3A_671 : i32 to vector<16xi32>
      %select_n3A_673 = arith.select %gt3A_670, %broadcast_in_dim3A_672, %select_n3A_662 : vector<16xi1>, vector<16xi32>
      %max3A_674 = arith.maximumf %max3A_663, %get3A_669 : vector<16xf32>
      %get3A_675 = arith.constant 3 : i32
      %get3A_676 = arith.constant 9 : i32
      %get3A_677 = arith.index_cast %get3A_675 : i32 to index
      %get3A_678 = arith.index_cast %get3A_676 : i32 to index
      %get3A_679 = arith.index_cast %mul3A_583 : i32 to index
      %get3A_680 = tpu.vector_load %arg5[%get3A_677, %get3A_678, %get3A_679] {strides = array<i32>} : memref<4x64x128xf32, #tpu.memory_space<vmem>>, vector<16xf32>,
      %gt3A_681 = arith.cmpf ogt, %get3A_680, %max3A_674 : vector<16xf32>
      %jit3A_682 = arith.constant 9 : i32
      %broadcast_in_dim3A_683 = vector.broadcast %jit3A_682 : i32 to vector<16xi32>
      %select_n3A_684 = arith.select %gt3A_681, %broadcast_in_dim3A_683, %select_n3A_673 : vector<16xi1>, vector<16xi32>
      %max3A_685 = arith.maximumf %max3A_674, %get3A_680 : vector<16xf32>
      %get3A_686 = arith.constant 3 : i32
      %get3A_687 = arith.constant 10 : i32
      %get3A_688 = arith.index_cast %get3A_686 : i32 to index
      %get3A_689 = arith.index_cast %get3A_687 : i32 to index
      %get3A_690 = arith.index_cast %mul3A_583 : i32 to index
      %get3A_691 = tpu.vector_load %arg5[%get3A_688, %get3A_689, %get3A_690] {strides = array<i32>} : memref<4x64x128xf32, #tpu.memory_space<vmem>>, vector<16xf32>,
      %gt3A_692 = arith.cmpf ogt, %get3A_691, %max3A_685 : vector<16xf32>
      %jit3A_693 = arith.constant 10 : i32
      %broadcast_in_dim3A_694 = vector.broadcast %jit3A_693 : i32 to vector<16xi32>
      %select_n3A_695 = arith.select %gt3A_692, %broadcast_in_dim3A_694, %select_n3A_684 : vector<16xi1>, vector<16xi32>
      %max3A_696 = arith.maximumf %max3A_685, %get3A_691 : vector<16xf32>
      %get3A_697 = arith.constant 3 : i32
      %get3A_698 = arith.constant 11 : i32
      %get3A_699 = arith.index_cast %get3A_697 : i32 to index
      %get3A_700 = arith.index_cast %get3A_698 : i32 to index
      %get3A_701 = arith.index_cast %mul3A_583 : i32 to index
      %get3A_702 = tpu.vector_load %arg5[%get3A_699, %get3A_700, %get3A_701] {strides = array<i32>} : memref<4x64x128xf32, #tpu.memory_space<vmem>>, vector<16xf32>,
      %gt3A_703 = arith.cmpf ogt, %get3A_702, %max3A_696 : vector<16xf32>
      %jit3A_704 = arith.constant 11 : i32
      %broadcast_in_dim3A_705 = vector.broadcast %jit3A_704 : i32 to vector<16xi32>
      %select_n3A_706 = arith.select %gt3A_703, %broadcast_in_dim3A_705, %select_n3A_695 : vector<16xi1>, vector<16xi32>
      %max3A_707 = arith.maximumf %max3A_696, %get3A_702 : vector<16xf32>
      %get3A_708 = arith.constant 3 : i32
      %get3A_709 = arith.constant 12 : i32
      %get3A_710 = arith.index_cast %get3A_708 : i32 to index
      %get3A_711 = arith.index_cast %get3A_709 : i32 to index
      %get3A_712 = arith.index_cast %mul3A_583 : i32 to index
      %get3A_713 = tpu.vector_load %arg5[%get3A_710, %get3A_711, %get3A_712] {strides = array<i32>} : memref<4x64x128xf32, #tpu.memory_space<vmem>>, vector<16xf32>,
      %gt3A_714 = arith.cmpf ogt, %get3A_713, %max3A_707 : vector<16xf32>
      %jit3A_715 = arith.constant 12 : i32
      %broadcast_in_dim3A_716 = vector.broadcast %jit3A_715 : i32 to vector<16xi32>
      %select_n3A_717 = arith.select %gt3A_714, %broadcast_in_dim3A_716, %select_n3A_706 : vector<16xi1>, vector<16xi32>
      %max3A_718 = arith.maximumf %max3A_707, %get3A_713 : vector<16xf32>
      %get3A_719 = arith.constant 3 : i32
      %get3A_720 = arith.constant 13 : i32
      %get3A_721 = arith.index_cast %get3A_719 : i32 to index
      %get3A_722 = arith.index_cast %get3A_720 : i32 to index
      %get3A_723 = arith.index_cast %mul3A_583 : i32 to index
      %get3A_724 = tpu.vector_load %arg5[%get3A_721, %get3A_722, %get3A_723] {strides = array<i32>} : memref<4x64x128xf32, #tpu.memory_space<vmem>>, vector<16xf32>,
      %gt3A_725 = arith.cmpf ogt, %get3A_724, %max3A_718 : vector<16xf32>
      %jit3A_726 = arith.constant 13 : i32
      %broadcast_in_dim3A_727 = vector.broadcast %jit3A_726 : i32 to vector<16xi32>
      %select_n3A_728 = arith.select %gt3A_725, %broadcast_in_dim3A_727, %select_n3A_717 : vector<16xi1>, vector<16xi32>
      %max3A_729 = arith.maximumf %max3A_718, %get3A_724 : vector<16xf32>
      %get3A_730 = arith.constant 3 : i32
      %get3A_731 = arith.constant 14 : i32
      %get3A_732 = arith.index_cast %get3A_730 : i32 to index
      %get3A_733 = arith.index_cast %get3A_731 : i32 to index
      %get3A_734 = arith.index_cast %mul3A_583 : i32 to index
      %get3A_735 = tpu.vector_load %arg5[%get3A_732, %get3A_733, %get3A_734] {strides = array<i32>} : memref<4x64x128xf32, #tpu.memory_space<vmem>>, vector<16xf32>,
      %gt3A_736 = arith.cmpf ogt, %get3A_735, %max3A_729 : vector<16xf32>
      %jit3A_737 = arith.constant 14 : i32
      %broadcast_in_dim3A_738 = vector.broadcast %jit3A_737 : i32 to vector<16xi32>
      %select_n3A_739 = arith.select %gt3A_736, %broadcast_in_dim3A_738, %select_n3A_728 : vector<16xi1>, vector<16xi32>
      %max3A_740 = arith.maximumf %max3A_729, %get3A_735 : vector<16xf32>
      %get3A_741 = arith.constant 3 : i32
      %get3A_742 = arith.constant 15 : i32
      %get3A_743 = arith.index_cast %get3A_741 : i32 to index
      %get3A_744 = arith.index_cast %get3A_742 : i32 to index
      %get3A_745 = arith.index_cast %mul3A_583 : i32 to index
      %get3A_746 = tpu.vector_load %arg5[%get3A_743, %get3A_744, %get3A_745] {strides = array<i32>} : memref<4x64x128xf32, #tpu.memory_space<vmem>>, vector<16xf32>,
      %gt3A_747 = arith.cmpf ogt, %get3A_746, %max3A_740 : vector<16xf32>
      %jit3A_748 = arith.constant 15 : i32
      %broadcast_in_dim3A_749 = vector.broadcast %jit3A_748 : i32 to vector<16xi32>
      %select_n3A_750 = arith.select %gt3A_747, %broadcast_in_dim3A_749, %select_n3A_739 : vector<16xi1>, vector<16xi32>
      %max3A_751 = arith.maximumf %max3A_740, %get3A_746 : vector<16xf32>
      %get3A_752 = arith.constant 3 : i32
      %get3A_753 = arith.constant 16 : i32
      %get3A_754 = arith.index_cast %get3A_752 : i32 to index
      %get3A_755 = arith.index_cast %get3A_753 : i32 to index
      %get3A_756 = arith.index_cast %mul3A_583 : i32 to index
      %get3A_757 = tpu.vector_load %arg5[%get3A_754, %get3A_755, %get3A_756] {strides = array<i32>} : memref<4x64x128xf32, #tpu.memory_space<vmem>>, vector<16xf32>,
      %broadcast_in_dim3A_758 = arith.constant 16 : i32
      %broadcast_in_dim3A_759 = vector.broadcast %broadcast_in_dim3A_758 : i32 to vector<16xi32>
      %get3A_760 = arith.constant 3 : i32
      %get3A_761 = arith.constant 17 : i32
      %get3A_762 = arith.index_cast %get3A_760 : i32 to index
      %get3A_763 = arith.index_cast %get3A_761 : i32 to index
      %get3A_764 = arith.index_cast %mul3A_583 : i32 to index
      %get3A_765 = tpu.vector_load %arg5[%get3A_762, %get3A_763, %get3A_764] {strides = array<i32>} : memref<4x64x128xf32, #tpu.memory_space<vmem>>, vector<16xf32>,
      %gt3A_766 = arith.cmpf ogt, %get3A_765, %get3A_757 : vector<16xf32>
      %jit3A_767 = arith.constant 17 : i32
      %broadcast_in_dim3A_768 = vector.broadcast %jit3A_767 : i32 to vector<16xi32>
      %select_n3A_769 = arith.select %gt3A_766, %broadcast_in_dim3A_768, %broadcast_in_dim3A_759 : vector<16xi1>, vector<16xi32>
      %max3A_770 = arith.maximumf %get3A_757, %get3A_765 : vector<16xf32>
      %get3A_771 = arith.constant 3 : i32
      %get3A_772 = arith.constant 18 : i32
      %get3A_773 = arith.index_cast %get3A_771 : i32 to index
      %get3A_774 = arith.index_cast %get3A_772 : i32 to index
      %get3A_775 = arith.index_cast %mul3A_583 : i32 to index
      %get3A_776 = tpu.vector_load %arg5[%get3A_773, %get3A_774, %get3A_775] {strides = array<i32>} : memref<4x64x128xf32, #tpu.memory_space<vmem>>, vector<16xf32>,
      %gt3A_777 = arith.cmpf ogt, %get3A_776, %max3A_770 : vector<16xf32>
      %jit3A_778 = arith.constant 18 : i32
      %broadcast_in_dim3A_779 = vector.broadcast %jit3A_778 : i32 to vector<16xi32>
      %select_n3A_780 = arith.select %gt3A_777, %broadcast_in_dim3A_779, %select_n3A_769 : vector<16xi1>, vector<16xi32>
      %max3A_781 = arith.maximumf %max3A_770, %get3A_776 : vector<16xf32>
      %get3A_782 = arith.constant 3 : i32
      %get3A_783 = arith.constant 19 : i32
      %get3A_784 = arith.index_cast %get3A_782 : i32 to index
      %get3A_785 = arith.index_cast %get3A_783 : i32 to index
      %get3A_786 = arith.index_cast %mul3A_583 : i32 to index
      %get3A_787 = tpu.vector_load %arg5[%get3A_784, %get3A_785, %get3A_786] {strides = array<i32>} : memref<4x64x128xf32, #tpu.memory_space<vmem>>, vector<16xf32>,
      %gt3A_788 = arith.cmpf ogt, %get3A_787, %max3A_781 : vector<16xf32>
      %jit3A_789 = arith.constant 19 : i32
      %broadcast_in_dim3A_790 = vector.broadcast %jit3A_789 : i32 to vector<16xi32>
      %select_n3A_791 = arith.select %gt3A_788, %broadcast_in_dim3A_790, %select_n3A_780 : vector<16xi1>, vector<16xi32>
      %max3A_792 = arith.maximumf %max3A_781, %get3A_787 : vector<16xf32>
      %get3A_793 = arith.constant 3 : i32
      %get3A_794 = arith.constant 20 : i32
      %get3A_795 = arith.index_cast %get3A_793 : i32 to index
      %get3A_796 = arith.index_cast %get3A_794 : i32 to index
      %get3A_797 = arith.index_cast %mul3A_583 : i32 to index
      %get3A_798 = tpu.vector_load %arg5[%get3A_795, %get3A_796, %get3A_797] {strides = array<i32>} : memref<4x64x128xf32, #tpu.memory_space<vmem>>, vector<16xf32>,
      %gt3A_799 = arith.cmpf ogt, %get3A_798, %max3A_792 : vector<16xf32>
      %jit3A_800 = arith.constant 20 : i32
      %broadcast_in_dim3A_801 = vector.broadcast %jit3A_800 : i32 to vector<16xi32>
      %select_n3A_802 = arith.select %gt3A_799, %broadcast_in_dim3A_801, %select_n3A_791 : vector<16xi1>, vector<16xi32>
      %max3A_803 = arith.maximumf %max3A_792, %get3A_798 : vector<16xf32>
      %get3A_804 = arith.constant 3 : i32
      %get3A_805 = arith.constant 21 : i32
      %get3A_806 = arith.index_cast %get3A_804 : i32 to index
      %get3A_807 = arith.index_cast %get3A_805 : i32 to index
      %get3A_808 = arith.index_cast %mul3A_583 : i32 to index
      %get3A_809 = tpu.vector_load %arg5[%get3A_806, %get3A_807, %get3A_808] {strides = array<i32>} : memref<4x64x128xf32, #tpu.memory_space<vmem>>, vector<16xf32>,
      %gt3A_810 = arith.cmpf ogt, %get3A_809, %max3A_803 : vector<16xf32>
      %jit3A_811 = arith.constant 21 : i32
      %broadcast_in_dim3A_812 = vector.broadcast %jit3A_811 : i32 to vector<16xi32>
      %select_n3A_813 = arith.select %gt3A_810, %broadcast_in_dim3A_812, %select_n3A_802 : vector<16xi1>, vector<16xi32>
      %max3A_814 = arith.maximumf %max3A_803, %get3A_809 : vector<16xf32>
      %get3A_815 = arith.constant 3 : i32
      %get3A_816 = arith.constant 22 : i32
      %get3A_817 = arith.index_cast %get3A_815 : i32 to index
      %get3A_818 = arith.index_cast %get3A_816 : i32 to index
      %get3A_819 = arith.index_cast %mul3A_583 : i32 to index
      %get3A_820 = tpu.vector_load %arg5[%get3A_817, %get3A_818, %get3A_819] {strides = array<i32>} : memref<4x64x128xf32, #tpu.memory_space<vmem>>, vector<16xf32>,
      %gt3A_821 = arith.cmpf ogt, %get3A_820, %max3A_814 : vector<16xf32>
      %jit3A_822 = arith.constant 22 : i32
      %broadcast_in_dim3A_823 = vector.broadcast %jit3A_822 : i32 to vector<16xi32>
      %select_n3A_824 = arith.select %gt3A_821, %broadcast_in_dim3A_823, %select_n3A_813 : vector<16xi1>, vector<16xi32>
      %max3A_825 = arith.maximumf %max3A_814, %get3A_820 : vector<16xf32>
      %get3A_826 = arith.constant 3 : i32
      %get3A_827 = arith.constant 23 : i32
      %get3A_828 = arith.index_cast %get3A_826 : i32 to index
      %get3A_829 = arith.index_cast %get3A_827 : i32 to index
      %get3A_830 = arith.index_cast %mul3A_583 : i32 to index
      %get3A_831 = tpu.vector_load %arg5[%get3A_828, %get3A_829, %get3A_830] {strides = array<i32>} : memref<4x64x128xf32, #tpu.memory_space<vmem>>, vector<16xf32>,
      %gt3A_832 = arith.cmpf ogt, %get3A_831, %max3A_825 : vector<16xf32>
      %jit3A_833 = arith.constant 23 : i32
      %broadcast_in_dim3A_834 = vector.broadcast %jit3A_833 : i32 to vector<16xi32>
      %select_n3A_835 = arith.select %gt3A_832, %broadcast_in_dim3A_834, %select_n3A_824 : vector<16xi1>, vector<16xi32>
      %max3A_836 = arith.maximumf %max3A_825, %get3A_831 : vector<16xf32>
      %get3A_837 = arith.constant 3 : i32
      %get3A_838 = arith.constant 24 : i32
      %get3A_839 = arith.index_cast %get3A_837 : i32 to index
      %get3A_840 = arith.index_cast %get3A_838 : i32 to index
      %get3A_841 = arith.index_cast %mul3A_583 : i32 to index
      %get3A_842 = tpu.vector_load %arg5[%get3A_839, %get3A_840, %get3A_841] {strides = array<i32>} : memref<4x64x128xf32, #tpu.memory_space<vmem>>, vector<16xf32>,
      %gt3A_843 = arith.cmpf ogt, %get3A_842, %max3A_836 : vector<16xf32>
      %jit3A_844 = arith.constant 24 : i32
      %broadcast_in_dim3A_845 = vector.broadcast %jit3A_844 : i32 to vector<16xi32>
      %select_n3A_846 = arith.select %gt3A_843, %broadcast_in_dim3A_845, %select_n3A_835 : vector<16xi1>, vector<16xi32>
      %max3A_847 = arith.maximumf %max3A_836, %get3A_842 : vector<16xf32>
      %get3A_848 = arith.constant 3 : i32
      %get3A_849 = arith.constant 25 : i32
      %get3A_850 = arith.index_cast %get3A_848 : i32 to index
      %get3A_851 = arith.index_cast %get3A_849 : i32 to index
      %get3A_852 = arith.index_cast %mul3A_583 : i32 to index
      %get3A_853 = tpu.vector_load %arg5[%get3A_850, %get3A_851, %get3A_852] {strides = array<i32>} : memref<4x64x128xf32, #tpu.memory_space<vmem>>, vector<16xf32>,
      %gt3A_854 = arith.cmpf ogt, %get3A_853, %max3A_847 : vector<16xf32>
      %jit3A_855 = arith.constant 25 : i32
      %broadcast_in_dim3A_856 = vector.broadcast %jit3A_855 : i32 to vector<16xi32>
      %select_n3A_857 = arith.select %gt3A_854, %broadcast_in_dim3A_856, %select_n3A_846 : vector<16xi1>, vector<16xi32>
      %max3A_858 = arith.maximumf %max3A_847, %get3A_853 : vector<16xf32>
      %get3A_859 = arith.constant 3 : i32
      %get3A_860 = arith.constant 26 : i32
      %get3A_861 = arith.index_cast %get3A_859 : i32 to index
      %get3A_862 = arith.index_cast %get3A_860 : i32 to index
      %get3A_863 = arith.index_cast %mul3A_583 : i32 to index
      %get3A_864 = tpu.vector_load %arg5[%get3A_861, %get3A_862, %get3A_863] {strides = array<i32>} : memref<4x64x128xf32, #tpu.memory_space<vmem>>, vector<16xf32>,
      %gt3A_865 = arith.cmpf ogt, %get3A_864, %max3A_858 : vector<16xf32>
      %jit3A_866 = arith.constant 26 : i32
      %broadcast_in_dim3A_867 = vector.broadcast %jit3A_866 : i32 to vector<16xi32>
      %select_n3A_868 = arith.select %gt3A_865, %broadcast_in_dim3A_867, %select_n3A_857 : vector<16xi1>, vector<16xi32>
      %max3A_869 = arith.maximumf %max3A_858, %get3A_864 : vector<16xf32>
      %get3A_870 = arith.constant 3 : i32
      %get3A_871 = arith.constant 27 : i32
      %get3A_872 = arith.index_cast %get3A_870 : i32 to index
      %get3A_873 = arith.index_cast %get3A_871 : i32 to index
      %get3A_874 = arith.index_cast %mul3A_583 : i32 to index
      %get3A_875 = tpu.vector_load %arg5[%get3A_872, %get3A_873, %get3A_874] {strides = array<i32>} : memref<4x64x128xf32, #tpu.memory_space<vmem>>, vector<16xf32>,
      %gt3A_876 = arith.cmpf ogt, %get3A_875, %max3A_869 : vector<16xf32>
      %jit3A_877 = arith.constant 27 : i32
      %broadcast_in_dim3A_878 = vector.broadcast %jit3A_877 : i32 to vector<16xi32>
      %select_n3A_879 = arith.select %gt3A_876, %broadcast_in_dim3A_878, %select_n3A_868 : vector<16xi1>, vector<16xi32>
      %max3A_880 = arith.maximumf %max3A_869, %get3A_875 : vector<16xf32>
      %get3A_881 = arith.constant 3 : i32
      %get3A_882 = arith.constant 28 : i32
      %get3A_883 = arith.index_cast %get3A_881 : i32 to index
      %get3A_884 = arith.index_cast %get3A_882 : i32 to index
      %get3A_885 = arith.index_cast %mul3A_583 : i32 to index
      %get3A_886 = tpu.vector_load %arg5[%get3A_883, %get3A_884, %get3A_885] {strides = array<i32>} : memref<4x64x128xf32, #tpu.memory_space<vmem>>, vector<16xf32>,
      %gt3A_887 = arith.cmpf ogt, %get3A_886, %max3A_880 : vector<16xf32>
      %jit3A_888 = arith.constant 28 : i32
      %broadcast_in_dim3A_889 = vector.broadcast %jit3A_888 : i32 to vector<16xi32>
      %select_n3A_890 = arith.select %gt3A_887, %broadcast_in_dim3A_889, %select_n3A_879 : vector<16xi1>, vector<16xi32>
      %max3A_891 = arith.maximumf %max3A_880, %get3A_886 : vector<16xf32>
      %get3A_892 = arith.constant 3 : i32
      %get3A_893 = arith.constant 29 : i32
      %get3A_894 = arith.index_cast %get3A_892 : i32 to index
      %get3A_895 = arith.index_cast %get3A_893 : i32 to index
      %get3A_896 = arith.index_cast %mul3A_583 : i32 to index
      %get3A_897 = tpu.vector_load %arg5[%get3A_894, %get3A_895, %get3A_896] {strides = array<i32>} : memref<4x64x128xf32, #tpu.memory_space<vmem>>, vector<16xf32>,
      %gt3A_898 = arith.cmpf ogt, %get3A_897, %max3A_891 : vector<16xf32>
      %jit3A_899 = arith.constant 29 : i32
      %broadcast_in_dim3A_900 = vector.broadcast %jit3A_899 : i32 to vector<16xi32>
      %select_n3A_901 = arith.select %gt3A_898, %broadcast_in_dim3A_900, %select_n3A_890 : vector<16xi1>, vector<16xi32>
      %max3A_902 = arith.maximumf %max3A_891, %get3A_897 : vector<16xf32>
      %get3A_903 = arith.constant 3 : i32
      %get3A_904 = arith.constant 30 : i32
      %get3A_905 = arith.index_cast %get3A_903 : i32 to index
      %get3A_906 = arith.index_cast %get3A_904 : i32 to index
      %get3A_907 = arith.index_cast %mul3A_583 : i32 to index
      %get3A_908 = tpu.vector_load %arg5[%get3A_905, %get3A_906, %get3A_907] {strides = array<i32>} : memref<4x64x128xf32, #tpu.memory_space<vmem>>, vector<16xf32>,
      %gt3A_909 = arith.cmpf ogt, %get3A_908, %max3A_902 : vector<16xf32>
      %jit3A_910 = arith.constant 30 : i32
      %broadcast_in_dim3A_911 = vector.broadcast %jit3A_910 : i32 to vector<16xi32>
      %select_n3A_912 = arith.select %gt3A_909, %broadcast_in_dim3A_911, %select_n3A_901 : vector<16xi1>, vector<16xi32>
      %max3A_913 = arith.maximumf %max3A_902, %get3A_908 : vector<16xf32>
      %get3A_914 = arith.constant 3 : i32
      %get3A_915 = arith.constant 31 : i32
      %get3A_916 = arith.index_cast %get3A_914 : i32 to index
      %get3A_917 = arith.index_cast %get3A_915 : i32 to index
      %get3A_918 = arith.index_cast %mul3A_583 : i32 to index
      %get3A_919 = tpu.vector_load %arg5[%get3A_916, %get3A_917, %get3A_918] {strides = array<i32>} : memref<4x64x128xf32, #tpu.memory_space<vmem>>, vector<16xf32>,
      %gt3A_920 = arith.cmpf ogt, %get3A_919, %max3A_913 : vector<16xf32>
      %jit3A_921 = arith.constant 31 : i32
      %broadcast_in_dim3A_922 = vector.broadcast %jit3A_921 : i32 to vector<16xi32>
      %select_n3A_923 = arith.select %gt3A_920, %broadcast_in_dim3A_922, %select_n3A_912 : vector<16xi1>, vector<16xi32>
      %max3A_924 = arith.maximumf %max3A_913, %get3A_919 : vector<16xf32>
      %get3A_925 = arith.constant 3 : i32
      %get3A_926 = arith.constant 32 : i32
      %get3A_927 = arith.index_cast %get3A_925 : i32 to index
      %get3A_928 = arith.index_cast %get3A_926 : i32 to index
      %get3A_929 = arith.index_cast %mul3A_583 : i32 to index
      %get3A_930 = tpu.vector_load %arg5[%get3A_927, %get3A_928, %get3A_929] {strides = array<i32>} : memref<4x64x128xf32, #tpu.memory_space<vmem>>, vector<16xf32>,
      %broadcast_in_dim3A_931 = arith.constant 32 : i32
      %broadcast_in_dim3A_932 = vector.broadcast %broadcast_in_dim3A_931 : i32 to vector<16xi32>
      %get3A_933 = arith.constant 3 : i32
      %get3A_934 = arith.constant 33 : i32
      %get3A_935 = arith.index_cast %get3A_933 : i32 to index
      %get3A_936 = arith.index_cast %get3A_934 : i32 to index
      %get3A_937 = arith.index_cast %mul3A_583 : i32 to index
      %get3A_938 = tpu.vector_load %arg5[%get3A_935, %get3A_936, %get3A_937] {strides = array<i32>} : memref<4x64x128xf32, #tpu.memory_space<vmem>>, vector<16xf32>,
      %gt3A_939 = arith.cmpf ogt, %get3A_938, %get3A_930 : vector<16xf32>
      %jit3A_940 = arith.constant 33 : i32
      %broadcast_in_dim3A_941 = vector.broadcast %jit3A_940 : i32 to vector<16xi32>
      %select_n3A_942 = arith.select %gt3A_939, %broadcast_in_dim3A_941, %broadcast_in_dim3A_932 : vector<16xi1>, vector<16xi32>
      %max3A_943 = arith.maximumf %get3A_930, %get3A_938 : vector<16xf32>
      %get3A_944 = arith.constant 3 : i32
      %get3A_945 = arith.constant 34 : i32
      %get3A_946 = arith.index_cast %get3A_944 : i32 to index
      %get3A_947 = arith.index_cast %get3A_945 : i32 to index
      %get3A_948 = arith.index_cast %mul3A_583 : i32 to index
      %get3A_949 = tpu.vector_load %arg5[%get3A_946, %get3A_947, %get3A_948] {strides = array<i32>} : memref<4x64x128xf32, #tpu.memory_space<vmem>>, vector<16xf32>,
      %gt3A_950 = arith.cmpf ogt, %get3A_949, %max3A_943 : vector<16xf32>
      %jit3A_951 = arith.constant 34 : i32
      %broadcast_in_dim3A_952 = vector.broadcast %jit3A_951 : i32 to vector<16xi32>
      %select_n3A_953 = arith.select %gt3A_950, %broadcast_in_dim3A_952, %select_n3A_942 : vector<16xi1>, vector<16xi32>
      %max3A_954 = arith.maximumf %max3A_943, %get3A_949 : vector<16xf32>
      %get3A_955 = arith.constant 3 : i32
      %get3A_956 = arith.constant 35 : i32
      %get3A_957 = arith.index_cast %get3A_955 : i32 to index
      %get3A_958 = arith.index_cast %get3A_956 : i32 to index
      %get3A_959 = arith.index_cast %mul3A_583 : i32 to index
      %get3A_960 = tpu.vector_load %arg5[%get3A_957, %get3A_958, %get3A_959] {strides = array<i32>} : memref<4x64x128xf32, #tpu.memory_space<vmem>>, vector<16xf32>,
      %gt3A_961 = arith.cmpf ogt, %get3A_960, %max3A_954 : vector<16xf32>
      %jit3A_962 = arith.constant 35 : i32
      %broadcast_in_dim3A_963 = vector.broadcast %jit3A_962 : i32 to vector<16xi32>
      %select_n3A_964 = arith.select %gt3A_961, %broadcast_in_dim3A_963, %select_n3A_953 : vector<16xi1>, vector<16xi32>
      %max3A_965 = arith.maximumf %max3A_954, %get3A_960 : vector<16xf32>
      %get3A_966 = arith.constant 3 : i32
      %get3A_967 = arith.constant 36 : i32
      %get3A_968 = arith.index_cast %get3A_966 : i32 to index
      %get3A_969 = arith.index_cast %get3A_967 : i32 to index
      %get3A_970 = arith.index_cast %mul3A_583 : i32 to index
      %get3A_971 = tpu.vector_load %arg5[%get3A_968, %get3A_969, %get3A_970] {strides = array<i32>} : memref<4x64x128xf32, #tpu.memory_space<vmem>>, vector<16xf32>,
      %gt3A_972 = arith.cmpf ogt, %get3A_971, %max3A_965 : vector<16xf32>
      %jit3A_973 = arith.constant 36 : i32
      %broadcast_in_dim3A_974 = vector.broadcast %jit3A_973 : i32 to vector<16xi32>
      %select_n3A_975 = arith.select %gt3A_972, %broadcast_in_dim3A_974, %select_n3A_964 : vector<16xi1>, vector<16xi32>
      %max3A_976 = arith.maximumf %max3A_965, %get3A_971 : vector<16xf32>
      %get3A_977 = arith.constant 3 : i32
      %get3A_978 = arith.constant 37 : i32
      %get3A_979 = arith.index_cast %get3A_977 : i32 to index
      %get3A_980 = arith.index_cast %get3A_978 : i32 to index
      %get3A_981 = arith.index_cast %mul3A_583 : i32 to index
      %get3A_982 = tpu.vector_load %arg5[%get3A_979, %get3A_980, %get3A_981] {strides = array<i32>} : memref<4x64x128xf32, #tpu.memory_space<vmem>>, vector<16xf32>,
      %gt3A_983 = arith.cmpf ogt, %get3A_982, %max3A_976 : vector<16xf32>
      %jit3A_984 = arith.constant 37 : i32
      %broadcast_in_dim3A_985 = vector.broadcast %jit3A_984 : i32 to vector<16xi32>
      %select_n3A_986 = arith.select %gt3A_983, %broadcast_in_dim3A_985, %select_n3A_975 : vector<16xi1>, vector<16xi32>
      %max3A_987 = arith.maximumf %max3A_976, %get3A_982 : vector<16xf32>
      %get3A_988 = arith.constant 3 : i32
      %get3A_989 = arith.constant 38 : i32
      %get3A_990 = arith.index_cast %get3A_988 : i32 to index
      %get3A_991 = arith.index_cast %get3A_989 : i32 to index
      %get3A_992 = arith.index_cast %mul3A_583 : i32 to index
      %get3A_993 = tpu.vector_load %arg5[%get3A_990, %get3A_991, %get3A_992] {strides = array<i32>} : memref<4x64x128xf32, #tpu.memory_space<vmem>>, vector<16xf32>,
      %gt3A_994 = arith.cmpf ogt, %get3A_993, %max3A_987 : vector<16xf32>
      %jit3A_995 = arith.constant 38 : i32
      %broadcast_in_dim3A_996 = vector.broadcast %jit3A_995 : i32 to vector<16xi32>
      %select_n3A_997 = arith.select %gt3A_994, %broadcast_in_dim3A_996, %select_n3A_986 : vector<16xi1>, vector<16xi32>
      %max3A_998 = arith.maximumf %max3A_987, %get3A_993 : vector<16xf32>
      %get3A_999 = arith.constant 3 : i32
      %get3A_1000 = arith.constant 39 : i32
      %get3A_1001 = arith.index_cast %get3A_999 : i32 to index
      %get3A_1002 = arith.index_cast %get3A_1000 : i32 to index
      %get3A_1003 = arith.index_cast %mul3A_583 : i32 to index
      %get3A_1004 = tpu.vector_load %arg5[%get3A_1001, %get3A_1002, %get3A_1003] {strides = array<i32>} : memref<4x64x128xf32, #tpu.memory_space<vmem>>, vector<16xf32>,
      %gt3A_1005 = arith.cmpf ogt, %get3A_1004, %max3A_998 : vector<16xf32>
      %jit3A_1006 = arith.constant 39 : i32
      %broadcast_in_dim3A_1007 = vector.broadcast %jit3A_1006 : i32 to vector<16xi32>
      %select_n3A_1008 = arith.select %gt3A_1005, %broadcast_in_dim3A_1007, %select_n3A_997 : vector<16xi1>, vector<16xi32>
      %max3A_1009 = arith.maximumf %max3A_998, %get3A_1004 : vector<16xf32>
      %get3A_1010 = arith.constant 3 : i32
      %get3A_1011 = arith.constant 40 : i32
      %get3A_1012 = arith.index_cast %get3A_1010 : i32 to index
      %get3A_1013 = arith.index_cast %get3A_1011 : i32 to index
      %get3A_1014 = arith.index_cast %mul3A_583 : i32 to index
      %get3A_1015 = tpu.vector_load %arg5[%get3A_1012, %get3A_1013, %get3A_1014] {strides = array<i32>} : memref<4x64x128xf32, #tpu.memory_space<vmem>>, vector<16xf32>,
      %gt3A_1016 = arith.cmpf ogt, %get3A_1015, %max3A_1009 : vector<16xf32>
      %jit3A_1017 = arith.constant 40 : i32
      %broadcast_in_dim3A_1018 = vector.broadcast %jit3A_1017 : i32 to vector<16xi32>
      %select_n3A_1019 = arith.select %gt3A_1016, %broadcast_in_dim3A_1018, %select_n3A_1008 : vector<16xi1>, vector<16xi32>
      %max3A_1020 = arith.maximumf %max3A_1009, %get3A_1015 : vector<16xf32>
      %get3A_1021 = arith.constant 3 : i32
      %get3A_1022 = arith.constant 41 : i32
      %get3A_1023 = arith.index_cast %get3A_1021 : i32 to index
      %get3A_1024 = arith.index_cast %get3A_1022 : i32 to index
      %get3A_1025 = arith.index_cast %mul3A_583 : i32 to index
      %get3A_1026 = tpu.vector_load %arg5[%get3A_1023, %get3A_1024, %get3A_1025] {strides = array<i32>} : memref<4x64x128xf32, #tpu.memory_space<vmem>>, vector<16xf32>,
      %gt3A_1027 = arith.cmpf ogt, %get3A_1026, %max3A_1020 : vector<16xf32>
      %jit3A_1028 = arith.constant 41 : i32
      %broadcast_in_dim3A_1029 = vector.broadcast %jit3A_1028 : i32 to vector<16xi32>
      %select_n3A_1030 = arith.select %gt3A_1027, %broadcast_in_dim3A_1029, %select_n3A_1019 : vector<16xi1>, vector<16xi32>
      %max3A_1031 = arith.maximumf %max3A_1020, %get3A_1026 : vector<16xf32>
      %get3A_1032 = arith.constant 3 : i32
      %get3A_1033 = arith.constant 42 : i32
      %get3A_1034 = arith.index_cast %get3A_1032 : i32 to index
      %get3A_1035 = arith.index_cast %get3A_1033 : i32 to index
      %get3A_1036 = arith.index_cast %mul3A_583 : i32 to index
      %get3A_1037 = tpu.vector_load %arg5[%get3A_1034, %get3A_1035, %get3A_1036] {strides = array<i32>} : memref<4x64x128xf32, #tpu.memory_space<vmem>>, vector<16xf32>,
      %gt3A_1038 = arith.cmpf ogt, %get3A_1037, %max3A_1031 : vector<16xf32>
      %jit3A_1039 = arith.constant 42 : i32
      %broadcast_in_dim3A_1040 = vector.broadcast %jit3A_1039 : i32 to vector<16xi32>
      %select_n3A_1041 = arith.select %gt3A_1038, %broadcast_in_dim3A_1040, %select_n3A_1030 : vector<16xi1>, vector<16xi32>
      %max3A_1042 = arith.maximumf %max3A_1031, %get3A_1037 : vector<16xf32>
      %get3A_1043 = arith.constant 3 : i32
      %get3A_1044 = arith.constant 43 : i32
      %get3A_1045 = arith.index_cast %get3A_1043 : i32 to index
      %get3A_1046 = arith.index_cast %get3A_1044 : i32 to index
      %get3A_1047 = arith.index_cast %mul3A_583 : i32 to index
      %get3A_1048 = tpu.vector_load %arg5[%get3A_1045, %get3A_1046, %get3A_1047] {strides = array<i32>} : memref<4x64x128xf32, #tpu.memory_space<vmem>>, vector<16xf32>,
      %gt3A_1049 = arith.cmpf ogt, %get3A_1048, %max3A_1042 : vector<16xf32>
      %jit3A_1050 = arith.constant 43 : i32
      %broadcast_in_dim3A_1051 = vector.broadcast %jit3A_1050 : i32 to vector<16xi32>
      %select_n3A_1052 = arith.select %gt3A_1049, %broadcast_in_dim3A_1051, %select_n3A_1041 : vector<16xi1>, vector<16xi32>
      %max3A_1053 = arith.maximumf %max3A_1042, %get3A_1048 : vector<16xf32>
      %get3A_1054 = arith.constant 3 : i32
      %get3A_1055 = arith.constant 44 : i32
      %get3A_1056 = arith.index_cast %get3A_1054 : i32 to index
      %get3A_1057 = arith.index_cast %get3A_1055 : i32 to index
      %get3A_1058 = arith.index_cast %mul3A_583 : i32 to index
      %get3A_1059 = tpu.vector_load %arg5[%get3A_1056, %get3A_1057, %get3A_1058] {strides = array<i32>} : memref<4x64x128xf32, #tpu.memory_space<vmem>>, vector<16xf32>,
      %gt3A_1060 = arith.cmpf ogt, %get3A_1059, %max3A_1053 : vector<16xf32>
      %jit3A_1061 = arith.constant 44 : i32
      %broadcast_in_dim3A_1062 = vector.broadcast %jit3A_1061 : i32 to vector<16xi32>
      %select_n3A_1063 = arith.select %gt3A_1060, %broadcast_in_dim3A_1062, %select_n3A_1052 : vector<16xi1>, vector<16xi32>
      %max3A_1064 = arith.maximumf %max3A_1053, %get3A_1059 : vector<16xf32>
      %get3A_1065 = arith.constant 3 : i32
      %get3A_1066 = arith.constant 45 : i32
      %get3A_1067 = arith.index_cast %get3A_1065 : i32 to index
      %get3A_1068 = arith.index_cast %get3A_1066 : i32 to index
      %get3A_1069 = arith.index_cast %mul3A_583 : i32 to index
      %get3A_1070 = tpu.vector_load %arg5[%get3A_1067, %get3A_1068, %get3A_1069] {strides = array<i32>} : memref<4x64x128xf32, #tpu.memory_space<vmem>>, vector<16xf32>,
      %gt3A_1071 = arith.cmpf ogt, %get3A_1070, %max3A_1064 : vector<16xf32>
      %jit3A_1072 = arith.constant 45 : i32
      %broadcast_in_dim3A_1073 = vector.broadcast %jit3A_1072 : i32 to vector<16xi32>
      %select_n3A_1074 = arith.select %gt3A_1071, %broadcast_in_dim3A_1073, %select_n3A_1063 : vector<16xi1>, vector<16xi32>
      %max3A_1075 = arith.maximumf %max3A_1064, %get3A_1070 : vector<16xf32>
      %get3A_1076 = arith.constant 3 : i32
      %get3A_1077 = arith.constant 46 : i32
      %get3A_1078 = arith.index_cast %get3A_1076 : i32 to index
      %get3A_1079 = arith.index_cast %get3A_1077 : i32 to index
      %get3A_1080 = arith.index_cast %mul3A_583 : i32 to index
      %get3A_1081 = tpu.vector_load %arg5[%get3A_1078, %get3A_1079, %get3A_1080] {strides = array<i32>} : memref<4x64x128xf32, #tpu.memory_space<vmem>>, vector<16xf32>,
      %gt3A_1082 = arith.cmpf ogt, %get3A_1081, %max3A_1075 : vector<16xf32>
      %jit3A_1083 = arith.constant 46 : i32
      %broadcast_in_dim3A_1084 = vector.broadcast %jit3A_1083 : i32 to vector<16xi32>
      %select_n3A_1085 = arith.select %gt3A_1082, %broadcast_in_dim3A_1084, %select_n3A_1074 : vector<16xi1>, vector<16xi32>
      %max3A_1086 = arith.maximumf %max3A_1075, %get3A_1081 : vector<16xf32>
      %get3A_1087 = arith.constant 3 : i32
      %get3A_1088 = arith.constant 47 : i32
      %get3A_1089 = arith.index_cast %get3A_1087 : i32 to index
      %get3A_1090 = arith.index_cast %get3A_1088 : i32 to index
      %get3A_1091 = arith.index_cast %mul3A_583 : i32 to index
      %get3A_1092 = tpu.vector_load %arg5[%get3A_1089, %get3A_1090, %get3A_1091] {strides = array<i32>} : memref<4x64x128xf32, #tpu.memory_space<vmem>>, vector<16xf32>,
      %gt3A_1093 = arith.cmpf ogt, %get3A_1092, %max3A_1086 : vector<16xf32>
      %jit3A_1094 = arith.constant 47 : i32
      %broadcast_in_dim3A_1095 = vector.broadcast %jit3A_1094 : i32 to vector<16xi32>
      %select_n3A_1096 = arith.select %gt3A_1093, %broadcast_in_dim3A_1095, %select_n3A_1085 : vector<16xi1>, vector<16xi32>
      %max3A_1097 = arith.maximumf %max3A_1086, %get3A_1092 : vector<16xf32>
      %get3A_1098 = arith.constant 3 : i32
      %get3A_1099 = arith.constant 48 : i32
      %get3A_1100 = arith.index_cast %get3A_1098 : i32 to index
      %get3A_1101 = arith.index_cast %get3A_1099 : i32 to index
      %get3A_1102 = arith.index_cast %mul3A_583 : i32 to index
      %get3A_1103 = tpu.vector_load %arg5[%get3A_1100, %get3A_1101, %get3A_1102] {strides = array<i32>} : memref<4x64x128xf32, #tpu.memory_space<vmem>>, vector<16xf32>,
      %broadcast_in_dim3A_1104 = arith.constant 48 : i32
      %broadcast_in_dim3A_1105 = vector.broadcast %broadcast_in_dim3A_1104 : i32 to vector<16xi32>
      %get3A_1106 = arith.constant 3 : i32
      %get3A_1107 = arith.constant 49 : i32
      %get3A_1108 = arith.index_cast %get3A_1106 : i32 to index
      %get3A_1109 = arith.index_cast %get3A_1107 : i32 to index
      %get3A_1110 = arith.index_cast %mul3A_583 : i32 to index
      %get3A_1111 = tpu.vector_load %arg5[%get3A_1108, %get3A_1109, %get3A_1110] {strides = array<i32>} : memref<4x64x128xf32, #tpu.memory_space<vmem>>, vector<16xf32>,
      %gt3A_1112 = arith.cmpf ogt, %get3A_1111, %get3A_1103 : vector<16xf32>
      %jit3A_1113 = arith.constant 49 : i32
      %broadcast_in_dim3A_1114 = vector.broadcast %jit3A_1113 : i32 to vector<16xi32>
      %select_n3A_1115 = arith.select %gt3A_1112, %broadcast_in_dim3A_1114, %broadcast_in_dim3A_1105 : vector<16xi1>, vector<16xi32>
      %max3A_1116 = arith.maximumf %get3A_1103, %get3A_1111 : vector<16xf32>
      %get3A_1117 = arith.constant 3 : i32
      %get3A_1118 = arith.constant 50 : i32
      %get3A_1119 = arith.index_cast %get3A_1117 : i32 to index
      %get3A_1120 = arith.index_cast %get3A_1118 : i32 to index
      %get3A_1121 = arith.index_cast %mul3A_583 : i32 to index
      %get3A_1122 = tpu.vector_load %arg5[%get3A_1119, %get3A_1120, %get3A_1121] {strides = array<i32>} : memref<4x64x128xf32, #tpu.memory_space<vmem>>, vector<16xf32>,
      %gt3A_1123 = arith.cmpf ogt, %get3A_1122, %max3A_1116 : vector<16xf32>
      %jit3A_1124 = arith.constant 50 : i32
      %broadcast_in_dim3A_1125 = vector.broadcast %jit3A_1124 : i32 to vector<16xi32>
      %select_n3A_1126 = arith.select %gt3A_1123, %broadcast_in_dim3A_1125, %select_n3A_1115 : vector<16xi1>, vector<16xi32>
      %max3A_1127 = arith.maximumf %max3A_1116, %get3A_1122 : vector<16xf32>
      %get3A_1128 = arith.constant 3 : i32
      %get3A_1129 = arith.constant 51 : i32
      %get3A_1130 = arith.index_cast %get3A_1128 : i32 to index
      %get3A_1131 = arith.index_cast %get3A_1129 : i32 to index
      %get3A_1132 = arith.index_cast %mul3A_583 : i32 to index
      %get3A_1133 = tpu.vector_load %arg5[%get3A_1130, %get3A_1131, %get3A_1132] {strides = array<i32>} : memref<4x64x128xf32, #tpu.memory_space<vmem>>, vector<16xf32>,
      %gt3A_1134 = arith.cmpf ogt, %get3A_1133, %max3A_1127 : vector<16xf32>
      %jit3A_1135 = arith.constant 51 : i32
      %broadcast_in_dim3A_1136 = vector.broadcast %jit3A_1135 : i32 to vector<16xi32>
      %select_n3A_1137 = arith.select %gt3A_1134, %broadcast_in_dim3A_1136, %select_n3A_1126 : vector<16xi1>, vector<16xi32>
      %max3A_1138 = arith.maximumf %max3A_1127, %get3A_1133 : vector<16xf32>
      %get3A_1139 = arith.constant 3 : i32
      %get3A_1140 = arith.constant 52 : i32
      %get3A_1141 = arith.index_cast %get3A_1139 : i32 to index
      %get3A_1142 = arith.index_cast %get3A_1140 : i32 to index
      %get3A_1143 = arith.index_cast %mul3A_583 : i32 to index
      %get3A_1144 = tpu.vector_load %arg5[%get3A_1141, %get3A_1142, %get3A_1143] {strides = array<i32>} : memref<4x64x128xf32, #tpu.memory_space<vmem>>, vector<16xf32>,
      %gt3A_1145 = arith.cmpf ogt, %get3A_1144, %max3A_1138 : vector<16xf32>
      %jit3A_1146 = arith.constant 52 : i32
      %broadcast_in_dim3A_1147 = vector.broadcast %jit3A_1146 : i32 to vector<16xi32>
      %select_n3A_1148 = arith.select %gt3A_1145, %broadcast_in_dim3A_1147, %select_n3A_1137 : vector<16xi1>, vector<16xi32>
      %max3A_1149 = arith.maximumf %max3A_1138, %get3A_1144 : vector<16xf32>
      %get3A_1150 = arith.constant 3 : i32
      %get3A_1151 = arith.constant 53 : i32
      %get3A_1152 = arith.index_cast %get3A_1150 : i32 to index
      %get3A_1153 = arith.index_cast %get3A_1151 : i32 to index
      %get3A_1154 = arith.index_cast %mul3A_583 : i32 to index
      %get3A_1155 = tpu.vector_load %arg5[%get3A_1152, %get3A_1153, %get3A_1154] {strides = array<i32>} : memref<4x64x128xf32, #tpu.memory_space<vmem>>, vector<16xf32>,
      %gt3A_1156 = arith.cmpf ogt, %get3A_1155, %max3A_1149 : vector<16xf32>
      %jit3A_1157 = arith.constant 53 : i32
      %broadcast_in_dim3A_1158 = vector.broadcast %jit3A_1157 : i32 to vector<16xi32>
      %select_n3A_1159 = arith.select %gt3A_1156, %broadcast_in_dim3A_1158, %select_n3A_1148 : vector<16xi1>, vector<16xi32>
      %max3A_1160 = arith.maximumf %max3A_1149, %get3A_1155 : vector<16xf32>
      %get3A_1161 = arith.constant 3 : i32
      %get3A_1162 = arith.constant 54 : i32
      %get3A_1163 = arith.index_cast %get3A_1161 : i32 to index
      %get3A_1164 = arith.index_cast %get3A_1162 : i32 to index
      %get3A_1165 = arith.index_cast %mul3A_583 : i32 to index
      %get3A_1166 = tpu.vector_load %arg5[%get3A_1163, %get3A_1164, %get3A_1165] {strides = array<i32>} : memref<4x64x128xf32, #tpu.memory_space<vmem>>, vector<16xf32>,
      %gt3A_1167 = arith.cmpf ogt, %get3A_1166, %max3A_1160 : vector<16xf32>
      %jit3A_1168 = arith.constant 54 : i32
      %broadcast_in_dim3A_1169 = vector.broadcast %jit3A_1168 : i32 to vector<16xi32>
      %select_n3A_1170 = arith.select %gt3A_1167, %broadcast_in_dim3A_1169, %select_n3A_1159 : vector<16xi1>, vector<16xi32>
      %max3A_1171 = arith.maximumf %max3A_1160, %get3A_1166 : vector<16xf32>
      %get3A_1172 = arith.constant 3 : i32
      %get3A_1173 = arith.constant 55 : i32
      %get3A_1174 = arith.index_cast %get3A_1172 : i32 to index
      %get3A_1175 = arith.index_cast %get3A_1173 : i32 to index
      %get3A_1176 = arith.index_cast %mul3A_583 : i32 to index
      %get3A_1177 = tpu.vector_load %arg5[%get3A_1174, %get3A_1175, %get3A_1176] {strides = array<i32>} : memref<4x64x128xf32, #tpu.memory_space<vmem>>, vector<16xf32>,
      %gt3A_1178 = arith.cmpf ogt, %get3A_1177, %max3A_1171 : vector<16xf32>
      %jit3A_1179 = arith.constant 55 : i32
      %broadcast_in_dim3A_1180 = vector.broadcast %jit3A_1179 : i32 to vector<16xi32>
      %select_n3A_1181 = arith.select %gt3A_1178, %broadcast_in_dim3A_1180, %select_n3A_1170 : vector<16xi1>, vector<16xi32>
      %max3A_1182 = arith.maximumf %max3A_1171, %get3A_1177 : vector<16xf32>
      %get3A_1183 = arith.constant 3 : i32
      %get3A_1184 = arith.constant 56 : i32
      %get3A_1185 = arith.index_cast %get3A_1183 : i32 to index
      %get3A_1186 = arith.index_cast %get3A_1184 : i32 to index
      %get3A_1187 = arith.index_cast %mul3A_583 : i32 to index
      %get3A_1188 = tpu.vector_load %arg5[%get3A_1185, %get3A_1186, %get3A_1187] {strides = array<i32>} : memref<4x64x128xf32, #tpu.memory_space<vmem>>, vector<16xf32>,
      %gt3A_1189 = arith.cmpf ogt, %get3A_1188, %max3A_1182 : vector<16xf32>
      %jit3A_1190 = arith.constant 56 : i32
      %broadcast_in_dim3A_1191 = vector.broadcast %jit3A_1190 : i32 to vector<16xi32>
      %select_n3A_1192 = arith.select %gt3A_1189, %broadcast_in_dim3A_1191, %select_n3A_1181 : vector<16xi1>, vector<16xi32>
      %max3A_1193 = arith.maximumf %max3A_1182, %get3A_1188 : vector<16xf32>
      %get3A_1194 = arith.constant 3 : i32
      %get3A_1195 = arith.constant 57 : i32
      %get3A_1196 = arith.index_cast %get3A_1194 : i32 to index
      %get3A_1197 = arith.index_cast %get3A_1195 : i32 to index
      %get3A_1198 = arith.index_cast %mul3A_583 : i32 to index
      %get3A_1199 = tpu.vector_load %arg5[%get3A_1196, %get3A_1197, %get3A_1198] {strides = array<i32>} : memref<4x64x128xf32, #tpu.memory_space<vmem>>, vector<16xf32>,
      %gt3A_1200 = arith.cmpf ogt, %get3A_1199, %max3A_1193 : vector<16xf32>
      %jit3A_1201 = arith.constant 57 : i32
      %broadcast_in_dim3A_1202 = vector.broadcast %jit3A_1201 : i32 to vector<16xi32>
      %select_n3A_1203 = arith.select %gt3A_1200, %broadcast_in_dim3A_1202, %select_n3A_1192 : vector<16xi1>, vector<16xi32>
      %max3A_1204 = arith.maximumf %max3A_1193, %get3A_1199 : vector<16xf32>
      %get3A_1205 = arith.constant 3 : i32
      %get3A_1206 = arith.constant 58 : i32
      %get3A_1207 = arith.index_cast %get3A_1205 : i32 to index
      %get3A_1208 = arith.index_cast %get3A_1206 : i32 to index
      %get3A_1209 = arith.index_cast %mul3A_583 : i32 to index
      %get3A_1210 = tpu.vector_load %arg5[%get3A_1207, %get3A_1208, %get3A_1209] {strides = array<i32>} : memref<4x64x128xf32, #tpu.memory_space<vmem>>, vector<16xf32>,
      %gt3A_1211 = arith.cmpf ogt, %get3A_1210, %max3A_1204 : vector<16xf32>
      %jit3A_1212 = arith.constant 58 : i32
      %broadcast_in_dim3A_1213 = vector.broadcast %jit3A_1212 : i32 to vector<16xi32>
      %select_n3A_1214 = arith.select %gt3A_1211, %broadcast_in_dim3A_1213, %select_n3A_1203 : vector<16xi1>, vector<16xi32>
      %max3A_1215 = arith.maximumf %max3A_1204, %get3A_1210 : vector<16xf32>
      %get3A_1216 = arith.constant 3 : i32
      %get3A_1217 = arith.constant 59 : i32
      %get3A_1218 = arith.index_cast %get3A_1216 : i32 to index
      %get3A_1219 = arith.index_cast %get3A_1217 : i32 to index
      %get3A_1220 = arith.index_cast %mul3A_583 : i32 to index
      %get3A_1221 = tpu.vector_load %arg5[%get3A_1218, %get3A_1219, %get3A_1220] {strides = array<i32>} : memref<4x64x128xf32, #tpu.memory_space<vmem>>, vector<16xf32>,
      %gt3A_1222 = arith.cmpf ogt, %get3A_1221, %max3A_1215 : vector<16xf32>
      %jit3A_1223 = arith.constant 59 : i32
      %broadcast_in_dim3A_1224 = vector.broadcast %jit3A_1223 : i32 to vector<16xi32>
      %select_n3A_1225 = arith.select %gt3A_1222, %broadcast_in_dim3A_1224, %select_n3A_1214 : vector<16xi1>, vector<16xi32>
      %max3A_1226 = arith.maximumf %max3A_1215, %get3A_1221 : vector<16xf32>
      %get3A_1227 = arith.constant 3 : i32
      %get3A_1228 = arith.constant 60 : i32
      %get3A_1229 = arith.index_cast %get3A_1227 : i32 to index
      %get3A_1230 = arith.index_cast %get3A_1228 : i32 to index
      %get3A_1231 = arith.index_cast %mul3A_583 : i32 to index
      %get3A_1232 = tpu.vector_load %arg5[%get3A_1229, %get3A_1230, %get3A_1231] {strides = array<i32>} : memref<4x64x128xf32, #tpu.memory_space<vmem>>, vector<16xf32>,
      %gt3A_1233 = arith.cmpf ogt, %get3A_1232, %max3A_1226 : vector<16xf32>
      %jit3A_1234 = arith.constant 60 : i32
      %broadcast_in_dim3A_1235 = vector.broadcast %jit3A_1234 : i32 to vector<16xi32>
      %select_n3A_1236 = arith.select %gt3A_1233, %broadcast_in_dim3A_1235, %select_n3A_1225 : vector<16xi1>, vector<16xi32>
      %max3A_1237 = arith.maximumf %max3A_1226, %get3A_1232 : vector<16xf32>
      %get3A_1238 = arith.constant 3 : i32
      %get3A_1239 = arith.constant 61 : i32
      %get3A_1240 = arith.index_cast %get3A_1238 : i32 to index
      %get3A_1241 = arith.index_cast %get3A_1239 : i32 to index
      %get3A_1242 = arith.index_cast %mul3A_583 : i32 to index
      %get3A_1243 = tpu.vector_load %arg5[%get3A_1240, %get3A_1241, %get3A_1242] {strides = array<i32>} : memref<4x64x128xf32, #tpu.memory_space<vmem>>, vector<16xf32>,
      %gt3A_1244 = arith.cmpf ogt, %get3A_1243, %max3A_1237 : vector<16xf32>
      %jit3A_1245 = arith.constant 61 : i32
      %broadcast_in_dim3A_1246 = vector.broadcast %jit3A_1245 : i32 to vector<16xi32>
      %select_n3A_1247 = arith.select %gt3A_1244, %broadcast_in_dim3A_1246, %select_n3A_1236 : vector<16xi1>, vector<16xi32>
      %max3A_1248 = arith.maximumf %max3A_1237, %get3A_1243 : vector<16xf32>
      %get3A_1249 = arith.constant 3 : i32
      %get3A_1250 = arith.constant 62 : i32
      %get3A_1251 = arith.index_cast %get3A_1249 : i32 to index
      %get3A_1252 = arith.index_cast %get3A_1250 : i32 to index
      %get3A_1253 = arith.index_cast %mul3A_583 : i32 to index
      %get3A_1254 = tpu.vector_load %arg5[%get3A_1251, %get3A_1252, %get3A_1253] {strides = array<i32>} : memref<4x64x128xf32, #tpu.memory_space<vmem>>, vector<16xf32>,
      %gt3A_1255 = arith.cmpf ogt, %get3A_1254, %max3A_1248 : vector<16xf32>
      %jit3A_1256 = arith.constant 62 : i32
      %broadcast_in_dim3A_1257 = vector.broadcast %jit3A_1256 : i32 to vector<16xi32>
      %select_n3A_1258 = arith.select %gt3A_1255, %broadcast_in_dim3A_1257, %select_n3A_1247 : vector<16xi1>, vector<16xi32>
      %max3A_1259 = arith.maximumf %max3A_1248, %get3A_1254 : vector<16xf32>
      %get3A_1260 = arith.constant 3 : i32
      %get3A_1261 = arith.constant 63 : i32
      %get3A_1262 = arith.index_cast %get3A_1260 : i32 to index
      %get3A_1263 = arith.index_cast %get3A_1261 : i32 to index
      %get3A_1264 = arith.index_cast %mul3A_583 : i32 to index
      %get3A_1265 = tpu.vector_load %arg5[%get3A_1262, %get3A_1263, %get3A_1264] {strides = array<i32>} : memref<4x64x128xf32, #tpu.memory_space<vmem>>, vector<16xf32>,
      %gt3A_1266 = arith.cmpf ogt, %get3A_1265, %max3A_1259 : vector<16xf32>
      %jit3A_1267 = arith.constant 63 : i32
      %broadcast_in_dim3A_1268 = vector.broadcast %jit3A_1267 : i32 to vector<16xi32>
      %select_n3A_1269 = arith.select %gt3A_1266, %broadcast_in_dim3A_1268, %select_n3A_1258 : vector<16xi1>, vector<16xi32>
      %max3A_1270 = arith.maximumf %max3A_1259, %get3A_1265 : vector<16xf32>
      %gt3A_1271 = arith.cmpf ogt, %max3A_924, %max3A_751 : vector<16xf32>
      %select_n3A_1272 = arith.select %gt3A_1271, %select_n3A_923, %select_n3A_750 : vector<16xi1>, vector<16xi32>
      %max3A_1273 = arith.maximumf %max3A_751, %max3A_924 : vector<16xf32>
      %gt3A_1274 = arith.cmpf ogt, %max3A_1097, %max3A_1273 : vector<16xf32>
      %select_n3A_1275 = arith.select %gt3A_1274, %select_n3A_1096, %select_n3A_1272 : vector<16xi1>, vector<16xi32>
      %max3A_1276 = arith.maximumf %max3A_1273, %max3A_1097 : vector<16xf32>
      %gt3A_1277 = arith.cmpf ogt, %max3A_1270, %max3A_1276 : vector<16xf32>
      %select_n3A_1278 = arith.select %gt3A_1277, %select_n3A_1269, %select_n3A_1275 : vector<16xi1>, vector<16xi32>
      %max3A_1279 = arith.maximumf %max3A_1276, %max3A_1270 : vector<16xf32>
      tpu.vector_store_idx %arg6[%select_n3A_1278], %broadcast_in_dim3A_292 : memref<64xf32, #tpu.memory_space<vmem>>[vector<16xi32>], vector<16xf32>,
      %add3A_1280 = arith.addf %scan3A_581, %max3A_1279 : vector<16xf32>
      scf.yield %add3A_1280 : vector<16xf32>
    }
    %scan3A_577 = arith.constant 8 : i32
    %swap3A_578 = arith.constant 0 : index
    %swap3A_579 = tpu.vector_load %arg7[%swap3A_578] {strides = array<i32>} : memref<16xf32, #tpu.memory_space<vmem>>, vector<16xf32>,
    tpu.vector_store %arg7[%swap3A_578], %scan3A_576 {strides = array<i32>} : memref<16xf32, #tpu.memory_space<vmem>>, vector<16xf32>,
    "tpu.region"() ({
      %run_scoped3A = tpu.sem_alloc : memref<!tpu.dma_semaphore, #tpu.memory_space<semaphore_mem>>
      %dma_start3A_580 = arith.constant 0 : i32
      %dma_start3A_581 = tpu.memref_slice %arg3[%add3A, %dma_start3A_580] : memref<32x64xf32, #tpu.memory_space<hbm>> -> memref<1x64xf32, #tpu.memory_space<hbm>>
      %dma_start3A_582 = tpu.memref_squeeze %dma_start3A_581 : memref<1x64xf32, #tpu.memory_space<hbm>> -> memref<64xf32, #tpu.memory_space<hbm>>
      %dma_start3A_583 = arith.constant 0 : i32
      %dma_start3A_584 = tpu.memref_slice %arg3[%add3A, %dma_start3A_583] : memref<32x64xf32, #tpu.memory_space<hbm>> -> memref<1x64xf32, #tpu.memory_space<hbm>>
      %dma_start3A_585 = tpu.memref_squeeze %dma_start3A_584 : memref<1x64xf32, #tpu.memory_space<hbm>> -> memref<64xf32, #tpu.memory_space<hbm>>
      tpu.enqueue_dma source(%arg6 : memref<64xf32, #tpu.memory_space<vmem>>) target(%dma_start3A_585 : memref<64xf32, #tpu.memory_space<hbm>>) target_semaphore(%run_scoped3A : memref<!tpu.dma_semaphore, #tpu.memory_space<semaphore_mem>>)
      %dma_wait3A_586 = arith.constant 0 : i32
      %dma_wait3A_587 = tpu.memref_slice %arg3[%add3A, %dma_wait3A_586] : memref<32x64xf32, #tpu.memory_space<hbm>> -> memref<1x64xf32, #tpu.memory_space<hbm>>
      %dma_wait3A_588 = tpu.memref_squeeze %dma_wait3A_587 : memref<1x64xf32, #tpu.memory_space<hbm>> -> memref<64xf32, #tpu.memory_space<hbm>>
      %dma_wait3A_589 = arith.constant 0 : i32
      %dma_wait3A_590 = tpu.memref_slice %arg3[%add3A, %dma_wait3A_589] : memref<32x64xf32, #tpu.memory_space<hbm>> -> memref<1x64xf32, #tpu.memory_space<hbm>>
      %dma_wait3A_591 = tpu.memref_squeeze %dma_wait3A_590 : memref<1x64xf32, #tpu.memory_space<hbm>> -> memref<64xf32, #tpu.memory_space<hbm>>
      tpu.wait_dma2 semaphore(%run_scoped3A : memref<!tpu.dma_semaphore, #tpu.memory_space<semaphore_mem>>) src(%arg6 : memref<64xf32, #tpu.memory_space<vmem>>) dst(%dma_wait3A_591 : memref<64xf32, #tpu.memory_space<hbm>>)
      tpu.yield
    }) : () -> ()
    "tpu.region"() ({
      %run_scoped3A = tpu.sem_alloc : memref<!tpu.dma_semaphore, #tpu.memory_space<semaphore_mem>>
      %dma_start3A_580 = arith.constant 0 : i32
      %dma_start3A_581 = tpu.memref_slice %arg4[%add3A, %dma_start3A_580] : memref<32x16xf32, #tpu.memory_space<hbm>> -> memref<1x16xf32, #tpu.memory_space<hbm>>
      %dma_start3A_582 = tpu.memref_squeeze %dma_start3A_581 : memref<1x16xf32, #tpu.memory_space<hbm>> -> memref<16xf32, #tpu.memory_space<hbm>>
      %dma_start3A_583 = arith.constant 0 : i32
      %dma_start3A_584 = tpu.memref_slice %arg4[%add3A, %dma_start3A_583] : memref<32x16xf32, #tpu.memory_space<hbm>> -> memref<1x16xf32, #tpu.memory_space<hbm>>
      %dma_start3A_585 = tpu.memref_squeeze %dma_start3A_584 : memref<1x16xf32, #tpu.memory_space<hbm>> -> memref<16xf32, #tpu.memory_space<hbm>>
      tpu.enqueue_dma source(%arg7 : memref<16xf32, #tpu.memory_space<vmem>>) target(%dma_start3A_585 : memref<16xf32, #tpu.memory_space<hbm>>) target_semaphore(%run_scoped3A : memref<!tpu.dma_semaphore, #tpu.memory_space<semaphore_mem>>)
      %dma_wait3A_586 = arith.constant 0 : i32
      %dma_wait3A_587 = tpu.memref_slice %arg4[%add3A, %dma_wait3A_586] : memref<32x16xf32, #tpu.memory_space<hbm>> -> memref<1x16xf32, #tpu.memory_space<hbm>>
      %dma_wait3A_588 = tpu.memref_squeeze %dma_wait3A_587 : memref<1x16xf32, #tpu.memory_space<hbm>> -> memref<16xf32, #tpu.memory_space<hbm>>
      %dma_wait3A_589 = arith.constant 0 : i32
      %dma_wait3A_590 = tpu.memref_slice %arg4[%add3A, %dma_wait3A_589] : memref<32x16xf32, #tpu.memory_space<hbm>> -> memref<1x16xf32, #tpu.memory_space<hbm>>
      %dma_wait3A_591 = tpu.memref_squeeze %dma_wait3A_590 : memref<1x16xf32, #tpu.memory_space<hbm>> -> memref<16xf32, #tpu.memory_space<hbm>>
      tpu.wait_dma2 semaphore(%run_scoped3A : memref<!tpu.dma_semaphore, #tpu.memory_space<semaphore_mem>>) src(%arg7 : memref<16xf32, #tpu.memory_space<vmem>>) dst(%dma_wait3A_591 : memref<16xf32, #tpu.memory_space<hbm>>)
      tpu.yield
    }) : () -> ()
    return
  }
}

module attributes {stable_mosaic.version = 14 : i64} {
  func.func @_reduce_body(%arg0: memref<32x64xf32, #tpu.memory_space<vmem>>, %arg1: memref<32x16xf32, #tpu.memory_space<vmem>>, %arg2: memref<1x1xf32, #tpu.memory_space<vmem>>, %arg3: memref<1x1xf32, #tpu.memory_space<vmem>>) attributes {dimension_semantics = [], scalar_prefetch = 0 : i64, scratch_operands = 0 : i64, tpu.core_type = #tpu.core_type<tc>} {
    %get3A = arith.constant 0 : index
    %get3A_0 = arith.constant 0 : index
    %get3A_1 = vector.load %arg0[%get3A, %get3A_0] : memref<32x64xf32, #tpu.memory_space<vmem>>, vector<32x64xf32>
    %reduce_max3A = arith.constant dense<0xFF800000> : vector<64xf32>
    %reduce_max3A_2 = vector.multi_reduction <maximumf>, %get3A_1, %reduce_max3A [0] : vector<32x64xf32> to vector<64xf32>
    %broadcast_in_dim3A = vector.shape_cast %reduce_max3A_2 : vector<64xf32> to vector<1x64xf32>
    %gt3A = arith.constant 0.000000e+00 : f32
    %gt3A_3 = vector.broadcast %gt3A : f32 to vector<1x64xf32>
    %gt3A_4 = arith.cmpf ogt, %broadcast_in_dim3A, %gt3A_3 : vector<1x64xf32>
    %jit3A = arith.constant 1.000000e+00 : f32
    %jit3A_5 = arith.constant 0.000000e+00 : f32
    %broadcast_in_dim3A_6 = vector.broadcast %jit3A : f32 to vector<1x64xf32>
    %broadcast_in_dim3A_7 = vector.broadcast %jit3A_5 : f32 to vector<1x64xf32>
    %select_n3A = arith.select %gt3A_4, %broadcast_in_dim3A_6, %broadcast_in_dim3A_7 : vector<1x64xi1>, vector<1x64xf32>
    %reduce_sum3A = vector.shape_cast %select_n3A : vector<1x64xf32> to vector<1x1x64xf32>
    %reduce_sum3A_8 = arith.constant dense<0.000000e+00> : vector<1xf32>
    %reduce_sum3A_9 = vector.multi_reduction <add>, %reduce_sum3A, %reduce_sum3A_8 [1, 2] : vector<1x1x64xf32> to vector<1xf32>
    %reduce_sum3A_10 = vector.shape_cast %reduce_sum3A_9 : vector<1xf32> to vector<1x1x1xf32>
    %reduce_sum3A_11 = vector.extract %reduce_sum3A_10[0, 0, 0] : f32 from vector<1x1x1xf32>
    %get3A_12 = arith.constant 0 : index
    %get3A_13 = arith.constant 0 : index
    %get3A_14 = vector.load %arg1[%get3A_12, %get3A_13] : memref<32x16xf32, #tpu.memory_space<vmem>>, vector<32x16xf32>
    %reduce_sum3A_15 = vector.shape_cast %get3A_14 : vector<32x16xf32> to vector<1x32x16xf32>
    %reduce_sum3A_16 = arith.constant dense<0.000000e+00> : vector<1xf32>
    %reduce_sum3A_17 = vector.multi_reduction <add>, %reduce_sum3A_15, %reduce_sum3A_16 [1, 2] : vector<1x32x16xf32> to vector<1xf32>
    %reduce_sum3A_18 = vector.shape_cast %reduce_sum3A_17 : vector<1xf32> to vector<1x1x1xf32>
    %reduce_sum3A_19 = vector.extract %reduce_sum3A_18[0, 0, 0] : f32 from vector<1x1x1xf32>
    %mul3A = arith.constant 6.10351563E-5 : f32
    %mul3A_20 = arith.mulf %reduce_sum3A_19, %mul3A : f32
    %broadcast_in_dim3A_21 = vector.broadcast %reduce_sum3A_11 : f32 to vector<1x1xf32>
    %swap3A = arith.constant 0 : index
    %swap3A_22 = arith.constant 0 : index
    %swap3A_23 = vector.load %arg2[%swap3A, %swap3A_22] : memref<1x1xf32, #tpu.memory_space<vmem>>, vector<1x1xf32>
    tpu.vector_store %arg2[%swap3A, %swap3A_22], %broadcast_in_dim3A_21 {strides = array<i32>} : memref<1x1xf32, #tpu.memory_space<vmem>>, vector<1x1xf32>,
    %broadcast_in_dim3A_24 = vector.broadcast %mul3A_20 : f32 to vector<1x1xf32>
    %swap3A_25 = arith.constant 0 : index
    %swap3A_26 = arith.constant 0 : index
    %swap3A_27 = vector.load %arg3[%swap3A_25, %swap3A_26] : memref<1x1xf32, #tpu.memory_space<vmem>>, vector<1x1xf32>
    tpu.vector_store %arg3[%swap3A_25, %swap3A_26], %broadcast_in_dim3A_24 {strides = array<i32>} : memref<1x1xf32, #tpu.memory_space<vmem>>, vector<1x1xf32>,
    return
  }
}

module attributes {stable_mosaic.version = 14 : i64} {
  func.func @_zcopy_body(%arg0: memref<16384x128xf32, #tpu.memory_space<any>>, %arg1: memref<16384x128xf32, #tpu.memory_space<any>>, %arg2: memref<16x1024x128xf32, #tpu.memory_space<vmem>>, %arg3: memref<16x!tpu.dma_semaphore, #tpu.memory_space<semaphore_mem>>, %arg4: memref<16x!tpu.dma_semaphore, #tpu.memory_space<semaphore_mem>>) attributes {dimension_semantics = [], scalar_prefetch = 0 : i64, scratch_operands = 3 : i64, tpu.core_type = #tpu.core_type<tc>} {
    %dma_start3A = arith.constant 0 : i32
    %dma_start3A_0 = arith.constant 0 : i32
    %dma_start3A_1 = tpu.memref_slice %arg3[%dma_start3A_0] : memref<16x!tpu.dma_semaphore, #tpu.memory_space<semaphore_mem>> -> memref<1x!tpu.dma_semaphore, #tpu.memory_space<semaphore_mem>>
    %dma_start3A_2 = tpu.memref_squeeze %dma_start3A_1 : memref<1x!tpu.dma_semaphore, #tpu.memory_space<semaphore_mem>> -> memref<!tpu.dma_semaphore, #tpu.memory_space<semaphore_mem>>
    %dma_start3A_3 = arith.constant 0 : i32
    %dma_start3A_4 = arith.constant 0 : i32
    %dma_start3A_5 = tpu.memref_slice %arg2[%dma_start3A, %dma_start3A_3, %dma_start3A_4] : memref<16x1024x128xf32, #tpu.memory_space<vmem>> -> memref<1x1024x128xf32, #tpu.memory_space<vmem>>
    %dma_start3A_6 = tpu.memref_squeeze %dma_start3A_5 : memref<1x1024x128xf32, #tpu.memory_space<vmem>> -> memref<1024x128xf32, #tpu.memory_space<vmem>>
    %dma_start3A_7 = arith.constant 0 : i32
    %dma_start3A_8 = arith.constant 0 : i32
    %dma_start3A_9 = tpu.memref_slice %arg0[%dma_start3A_7, %dma_start3A_8] : memref<16384x128xf32, #tpu.memory_space<any>> -> memref<1024x128xf32, #tpu.memory_space<any>>
    tpu.enqueue_dma source(%dma_start3A_9 : memref<1024x128xf32, #tpu.memory_space<any>>) target(%dma_start3A_6 : memref<1024x128xf32, #tpu.memory_space<vmem>>) target_semaphore(%dma_start3A_2 : memref<!tpu.dma_semaphore, #tpu.memory_space<semaphore_mem>>)
    %dma_start3A_10 = arith.constant 1 : i32
    %dma_start3A_11 = arith.constant 1 : i32
    %dma_start3A_12 = tpu.memref_slice %arg3[%dma_start3A_11] : memref<16x!tpu.dma_semaphore, #tpu.memory_space<semaphore_mem>> -> memref<1x!tpu.dma_semaphore, #tpu.memory_space<semaphore_mem>>
    %dma_start3A_13 = tpu.memref_squeeze %dma_start3A_12 : memref<1x!tpu.dma_semaphore, #tpu.memory_space<semaphore_mem>> -> memref<!tpu.dma_semaphore, #tpu.memory_space<semaphore_mem>>
    %dma_start3A_14 = arith.constant 0 : i32
    %dma_start3A_15 = arith.constant 0 : i32
    %dma_start3A_16 = tpu.memref_slice %arg2[%dma_start3A_10, %dma_start3A_14, %dma_start3A_15] : memref<16x1024x128xf32, #tpu.memory_space<vmem>> -> memref<1x1024x128xf32, #tpu.memory_space<vmem>>
    %dma_start3A_17 = tpu.memref_squeeze %dma_start3A_16 : memref<1x1024x128xf32, #tpu.memory_space<vmem>> -> memref<1024x128xf32, #tpu.memory_space<vmem>>
    %dma_start3A_18 = arith.constant 1024 : i32
    %dma_start3A_19 = arith.constant 0 : i32
    %dma_start3A_20 = tpu.memref_slice %arg0[%dma_start3A_18, %dma_start3A_19] : memref<16384x128xf32, #tpu.memory_space<any>> -> memref<1024x128xf32, #tpu.memory_space<any>>
    tpu.enqueue_dma source(%dma_start3A_20 : memref<1024x128xf32, #tpu.memory_space<any>>) target(%dma_start3A_17 : memref<1024x128xf32, #tpu.memory_space<vmem>>) target_semaphore(%dma_start3A_13 : memref<!tpu.dma_semaphore, #tpu.memory_space<semaphore_mem>>)
    %dma_start3A_21 = arith.constant 2 : i32
    %dma_start3A_22 = arith.constant 2 : i32
    %dma_start3A_23 = tpu.memref_slice %arg3[%dma_start3A_22] : memref<16x!tpu.dma_semaphore, #tpu.memory_space<semaphore_mem>> -> memref<1x!tpu.dma_semaphore, #tpu.memory_space<semaphore_mem>>
    %dma_start3A_24 = tpu.memref_squeeze %dma_start3A_23 : memref<1x!tpu.dma_semaphore, #tpu.memory_space<semaphore_mem>> -> memref<!tpu.dma_semaphore, #tpu.memory_space<semaphore_mem>>
    %dma_start3A_25 = arith.constant 0 : i32
    %dma_start3A_26 = arith.constant 0 : i32
    %dma_start3A_27 = tpu.memref_slice %arg2[%dma_start3A_21, %dma_start3A_25, %dma_start3A_26] : memref<16x1024x128xf32, #tpu.memory_space<vmem>> -> memref<1x1024x128xf32, #tpu.memory_space<vmem>>
    %dma_start3A_28 = tpu.memref_squeeze %dma_start3A_27 : memref<1x1024x128xf32, #tpu.memory_space<vmem>> -> memref<1024x128xf32, #tpu.memory_space<vmem>>
    %dma_start3A_29 = arith.constant 2048 : i32
    %dma_start3A_30 = arith.constant 0 : i32
    %dma_start3A_31 = tpu.memref_slice %arg0[%dma_start3A_29, %dma_start3A_30] : memref<16384x128xf32, #tpu.memory_space<any>> -> memref<1024x128xf32, #tpu.memory_space<any>>
    tpu.enqueue_dma source(%dma_start3A_31 : memref<1024x128xf32, #tpu.memory_space<any>>) target(%dma_start3A_28 : memref<1024x128xf32, #tpu.memory_space<vmem>>) target_semaphore(%dma_start3A_24 : memref<!tpu.dma_semaphore, #tpu.memory_space<semaphore_mem>>)
    %dma_start3A_32 = arith.constant 3 : i32
    %dma_start3A_33 = arith.constant 3 : i32
    %dma_start3A_34 = tpu.memref_slice %arg3[%dma_start3A_33] : memref<16x!tpu.dma_semaphore, #tpu.memory_space<semaphore_mem>> -> memref<1x!tpu.dma_semaphore, #tpu.memory_space<semaphore_mem>>
    %dma_start3A_35 = tpu.memref_squeeze %dma_start3A_34 : memref<1x!tpu.dma_semaphore, #tpu.memory_space<semaphore_mem>> -> memref<!tpu.dma_semaphore, #tpu.memory_space<semaphore_mem>>
    %dma_start3A_36 = arith.constant 0 : i32
    %dma_start3A_37 = arith.constant 0 : i32
    %dma_start3A_38 = tpu.memref_slice %arg2[%dma_start3A_32, %dma_start3A_36, %dma_start3A_37] : memref<16x1024x128xf32, #tpu.memory_space<vmem>> -> memref<1x1024x128xf32, #tpu.memory_space<vmem>>
    %dma_start3A_39 = tpu.memref_squeeze %dma_start3A_38 : memref<1x1024x128xf32, #tpu.memory_space<vmem>> -> memref<1024x128xf32, #tpu.memory_space<vmem>>
    %dma_start3A_40 = arith.constant 3072 : i32
    %dma_start3A_41 = arith.constant 0 : i32
    %dma_start3A_42 = tpu.memref_slice %arg0[%dma_start3A_40, %dma_start3A_41] : memref<16384x128xf32, #tpu.memory_space<any>> -> memref<1024x128xf32, #tpu.memory_space<any>>
    tpu.enqueue_dma source(%dma_start3A_42 : memref<1024x128xf32, #tpu.memory_space<any>>) target(%dma_start3A_39 : memref<1024x128xf32, #tpu.memory_space<vmem>>) target_semaphore(%dma_start3A_35 : memref<!tpu.dma_semaphore, #tpu.memory_space<semaphore_mem>>)
    %dma_start3A_43 = arith.constant 4 : i32
    %dma_start3A_44 = arith.constant 4 : i32
    %dma_start3A_45 = tpu.memref_slice %arg3[%dma_start3A_44] : memref<16x!tpu.dma_semaphore, #tpu.memory_space<semaphore_mem>> -> memref<1x!tpu.dma_semaphore, #tpu.memory_space<semaphore_mem>>
    %dma_start3A_46 = tpu.memref_squeeze %dma_start3A_45 : memref<1x!tpu.dma_semaphore, #tpu.memory_space<semaphore_mem>> -> memref<!tpu.dma_semaphore, #tpu.memory_space<semaphore_mem>>
    %dma_start3A_47 = arith.constant 0 : i32
    %dma_start3A_48 = arith.constant 0 : i32
    %dma_start3A_49 = tpu.memref_slice %arg2[%dma_start3A_43, %dma_start3A_47, %dma_start3A_48] : memref<16x1024x128xf32, #tpu.memory_space<vmem>> -> memref<1x1024x128xf32, #tpu.memory_space<vmem>>
    %dma_start3A_50 = tpu.memref_squeeze %dma_start3A_49 : memref<1x1024x128xf32, #tpu.memory_space<vmem>> -> memref<1024x128xf32, #tpu.memory_space<vmem>>
    %dma_start3A_51 = arith.constant 4096 : i32
    %dma_start3A_52 = arith.constant 0 : i32
    %dma_start3A_53 = tpu.memref_slice %arg0[%dma_start3A_51, %dma_start3A_52] : memref<16384x128xf32, #tpu.memory_space<any>> -> memref<1024x128xf32, #tpu.memory_space<any>>
    tpu.enqueue_dma source(%dma_start3A_53 : memref<1024x128xf32, #tpu.memory_space<any>>) target(%dma_start3A_50 : memref<1024x128xf32, #tpu.memory_space<vmem>>) target_semaphore(%dma_start3A_46 : memref<!tpu.dma_semaphore, #tpu.memory_space<semaphore_mem>>)
    %dma_start3A_54 = arith.constant 5 : i32
    %dma_start3A_55 = arith.constant 5 : i32
    %dma_start3A_56 = tpu.memref_slice %arg3[%dma_start3A_55] : memref<16x!tpu.dma_semaphore, #tpu.memory_space<semaphore_mem>> -> memref<1x!tpu.dma_semaphore, #tpu.memory_space<semaphore_mem>>
    %dma_start3A_57 = tpu.memref_squeeze %dma_start3A_56 : memref<1x!tpu.dma_semaphore, #tpu.memory_space<semaphore_mem>> -> memref<!tpu.dma_semaphore, #tpu.memory_space<semaphore_mem>>
    %dma_start3A_58 = arith.constant 0 : i32
    %dma_start3A_59 = arith.constant 0 : i32
    %dma_start3A_60 = tpu.memref_slice %arg2[%dma_start3A_54, %dma_start3A_58, %dma_start3A_59] : memref<16x1024x128xf32, #tpu.memory_space<vmem>> -> memref<1x1024x128xf32, #tpu.memory_space<vmem>>
    %dma_start3A_61 = tpu.memref_squeeze %dma_start3A_60 : memref<1x1024x128xf32, #tpu.memory_space<vmem>> -> memref<1024x128xf32, #tpu.memory_space<vmem>>
    %dma_start3A_62 = arith.constant 5120 : i32
    %dma_start3A_63 = arith.constant 0 : i32
    %dma_start3A_64 = tpu.memref_slice %arg0[%dma_start3A_62, %dma_start3A_63] : memref<16384x128xf32, #tpu.memory_space<any>> -> memref<1024x128xf32, #tpu.memory_space<any>>
    tpu.enqueue_dma source(%dma_start3A_64 : memref<1024x128xf32, #tpu.memory_space<any>>) target(%dma_start3A_61 : memref<1024x128xf32, #tpu.memory_space<vmem>>) target_semaphore(%dma_start3A_57 : memref<!tpu.dma_semaphore, #tpu.memory_space<semaphore_mem>>)
    %dma_start3A_65 = arith.constant 6 : i32
    %dma_start3A_66 = arith.constant 6 : i32
    %dma_start3A_67 = tpu.memref_slice %arg3[%dma_start3A_66] : memref<16x!tpu.dma_semaphore, #tpu.memory_space<semaphore_mem>> -> memref<1x!tpu.dma_semaphore, #tpu.memory_space<semaphore_mem>>
    %dma_start3A_68 = tpu.memref_squeeze %dma_start3A_67 : memref<1x!tpu.dma_semaphore, #tpu.memory_space<semaphore_mem>> -> memref<!tpu.dma_semaphore, #tpu.memory_space<semaphore_mem>>
    %dma_start3A_69 = arith.constant 0 : i32
    %dma_start3A_70 = arith.constant 0 : i32
    %dma_start3A_71 = tpu.memref_slice %arg2[%dma_start3A_65, %dma_start3A_69, %dma_start3A_70] : memref<16x1024x128xf32, #tpu.memory_space<vmem>> -> memref<1x1024x128xf32, #tpu.memory_space<vmem>>
    %dma_start3A_72 = tpu.memref_squeeze %dma_start3A_71 : memref<1x1024x128xf32, #tpu.memory_space<vmem>> -> memref<1024x128xf32, #tpu.memory_space<vmem>>
    %dma_start3A_73 = arith.constant 6144 : i32
    %dma_start3A_74 = arith.constant 0 : i32
    %dma_start3A_75 = tpu.memref_slice %arg0[%dma_start3A_73, %dma_start3A_74] : memref<16384x128xf32, #tpu.memory_space<any>> -> memref<1024x128xf32, #tpu.memory_space<any>>
    tpu.enqueue_dma source(%dma_start3A_75 : memref<1024x128xf32, #tpu.memory_space<any>>) target(%dma_start3A_72 : memref<1024x128xf32, #tpu.memory_space<vmem>>) target_semaphore(%dma_start3A_68 : memref<!tpu.dma_semaphore, #tpu.memory_space<semaphore_mem>>)
    %dma_start3A_76 = arith.constant 7 : i32
    %dma_start3A_77 = arith.constant 7 : i32
    %dma_start3A_78 = tpu.memref_slice %arg3[%dma_start3A_77] : memref<16x!tpu.dma_semaphore, #tpu.memory_space<semaphore_mem>> -> memref<1x!tpu.dma_semaphore, #tpu.memory_space<semaphore_mem>>
    %dma_start3A_79 = tpu.memref_squeeze %dma_start3A_78 : memref<1x!tpu.dma_semaphore, #tpu.memory_space<semaphore_mem>> -> memref<!tpu.dma_semaphore, #tpu.memory_space<semaphore_mem>>
    %dma_start3A_80 = arith.constant 0 : i32
    %dma_start3A_81 = arith.constant 0 : i32
    %dma_start3A_82 = tpu.memref_slice %arg2[%dma_start3A_76, %dma_start3A_80, %dma_start3A_81] : memref<16x1024x128xf32, #tpu.memory_space<vmem>> -> memref<1x1024x128xf32, #tpu.memory_space<vmem>>
    %dma_start3A_83 = tpu.memref_squeeze %dma_start3A_82 : memref<1x1024x128xf32, #tpu.memory_space<vmem>> -> memref<1024x128xf32, #tpu.memory_space<vmem>>
    %dma_start3A_84 = arith.constant 7168 : i32
    %dma_start3A_85 = arith.constant 0 : i32
    %dma_start3A_86 = tpu.memref_slice %arg0[%dma_start3A_84, %dma_start3A_85] : memref<16384x128xf32, #tpu.memory_space<any>> -> memref<1024x128xf32, #tpu.memory_space<any>>
    tpu.enqueue_dma source(%dma_start3A_86 : memref<1024x128xf32, #tpu.memory_space<any>>) target(%dma_start3A_83 : memref<1024x128xf32, #tpu.memory_space<vmem>>) target_semaphore(%dma_start3A_79 : memref<!tpu.dma_semaphore, #tpu.memory_space<semaphore_mem>>)
    %dma_start3A_87 = arith.constant 8 : i32
    %dma_start3A_88 = arith.constant 8 : i32
    %dma_start3A_89 = tpu.memref_slice %arg3[%dma_start3A_88] : memref<16x!tpu.dma_semaphore, #tpu.memory_space<semaphore_mem>> -> memref<1x!tpu.dma_semaphore, #tpu.memory_space<semaphore_mem>>
    %dma_start3A_90 = tpu.memref_squeeze %dma_start3A_89 : memref<1x!tpu.dma_semaphore, #tpu.memory_space<semaphore_mem>> -> memref<!tpu.dma_semaphore, #tpu.memory_space<semaphore_mem>>
    %dma_start3A_91 = arith.constant 0 : i32
    %dma_start3A_92 = arith.constant 0 : i32
    %dma_start3A_93 = tpu.memref_slice %arg2[%dma_start3A_87, %dma_start3A_91, %dma_start3A_92] : memref<16x1024x128xf32, #tpu.memory_space<vmem>> -> memref<1x1024x128xf32, #tpu.memory_space<vmem>>
    %dma_start3A_94 = tpu.memref_squeeze %dma_start3A_93 : memref<1x1024x128xf32, #tpu.memory_space<vmem>> -> memref<1024x128xf32, #tpu.memory_space<vmem>>
    %dma_start3A_95 = arith.constant 8192 : i32
    %dma_start3A_96 = arith.constant 0 : i32
    %dma_start3A_97 = tpu.memref_slice %arg0[%dma_start3A_95, %dma_start3A_96] : memref<16384x128xf32, #tpu.memory_space<any>> -> memref<1024x128xf32, #tpu.memory_space<any>>
    tpu.enqueue_dma source(%dma_start3A_97 : memref<1024x128xf32, #tpu.memory_space<any>>) target(%dma_start3A_94 : memref<1024x128xf32, #tpu.memory_space<vmem>>) target_semaphore(%dma_start3A_90 : memref<!tpu.dma_semaphore, #tpu.memory_space<semaphore_mem>>)
    %dma_start3A_98 = arith.constant 9 : i32
    %dma_start3A_99 = arith.constant 9 : i32
    %dma_start3A_100 = tpu.memref_slice %arg3[%dma_start3A_99] : memref<16x!tpu.dma_semaphore, #tpu.memory_space<semaphore_mem>> -> memref<1x!tpu.dma_semaphore, #tpu.memory_space<semaphore_mem>>
    %dma_start3A_101 = tpu.memref_squeeze %dma_start3A_100 : memref<1x!tpu.dma_semaphore, #tpu.memory_space<semaphore_mem>> -> memref<!tpu.dma_semaphore, #tpu.memory_space<semaphore_mem>>
    %dma_start3A_102 = arith.constant 0 : i32
    %dma_start3A_103 = arith.constant 0 : i32
    %dma_start3A_104 = tpu.memref_slice %arg2[%dma_start3A_98, %dma_start3A_102, %dma_start3A_103] : memref<16x1024x128xf32, #tpu.memory_space<vmem>> -> memref<1x1024x128xf32, #tpu.memory_space<vmem>>
    %dma_start3A_105 = tpu.memref_squeeze %dma_start3A_104 : memref<1x1024x128xf32, #tpu.memory_space<vmem>> -> memref<1024x128xf32, #tpu.memory_space<vmem>>
    %dma_start3A_106 = arith.constant 9216 : i32
    %dma_start3A_107 = arith.constant 0 : i32
    %dma_start3A_108 = tpu.memref_slice %arg0[%dma_start3A_106, %dma_start3A_107] : memref<16384x128xf32, #tpu.memory_space<any>> -> memref<1024x128xf32, #tpu.memory_space<any>>
    tpu.enqueue_dma source(%dma_start3A_108 : memref<1024x128xf32, #tpu.memory_space<any>>) target(%dma_start3A_105 : memref<1024x128xf32, #tpu.memory_space<vmem>>) target_semaphore(%dma_start3A_101 : memref<!tpu.dma_semaphore, #tpu.memory_space<semaphore_mem>>)
    %dma_start3A_109 = arith.constant 10 : i32
    %dma_start3A_110 = arith.constant 10 : i32
    %dma_start3A_111 = tpu.memref_slice %arg3[%dma_start3A_110] : memref<16x!tpu.dma_semaphore, #tpu.memory_space<semaphore_mem>> -> memref<1x!tpu.dma_semaphore, #tpu.memory_space<semaphore_mem>>
    %dma_start3A_112 = tpu.memref_squeeze %dma_start3A_111 : memref<1x!tpu.dma_semaphore, #tpu.memory_space<semaphore_mem>> -> memref<!tpu.dma_semaphore, #tpu.memory_space<semaphore_mem>>
    %dma_start3A_113 = arith.constant 0 : i32
    %dma_start3A_114 = arith.constant 0 : i32
    %dma_start3A_115 = tpu.memref_slice %arg2[%dma_start3A_109, %dma_start3A_113, %dma_start3A_114] : memref<16x1024x128xf32, #tpu.memory_space<vmem>> -> memref<1x1024x128xf32, #tpu.memory_space<vmem>>
    %dma_start3A_116 = tpu.memref_squeeze %dma_start3A_115 : memref<1x1024x128xf32, #tpu.memory_space<vmem>> -> memref<1024x128xf32, #tpu.memory_space<vmem>>
    %dma_start3A_117 = arith.constant 10240 : i32
    %dma_start3A_118 = arith.constant 0 : i32
    %dma_start3A_119 = tpu.memref_slice %arg0[%dma_start3A_117, %dma_start3A_118] : memref<16384x128xf32, #tpu.memory_space<any>> -> memref<1024x128xf32, #tpu.memory_space<any>>
    tpu.enqueue_dma source(%dma_start3A_119 : memref<1024x128xf32, #tpu.memory_space<any>>) target(%dma_start3A_116 : memref<1024x128xf32, #tpu.memory_space<vmem>>) target_semaphore(%dma_start3A_112 : memref<!tpu.dma_semaphore, #tpu.memory_space<semaphore_mem>>)
    %dma_start3A_120 = arith.constant 11 : i32
    %dma_start3A_121 = arith.constant 11 : i32
    %dma_start3A_122 = tpu.memref_slice %arg3[%dma_start3A_121] : memref<16x!tpu.dma_semaphore, #tpu.memory_space<semaphore_mem>> -> memref<1x!tpu.dma_semaphore, #tpu.memory_space<semaphore_mem>>
    %dma_start3A_123 = tpu.memref_squeeze %dma_start3A_122 : memref<1x!tpu.dma_semaphore, #tpu.memory_space<semaphore_mem>> -> memref<!tpu.dma_semaphore, #tpu.memory_space<semaphore_mem>>
    %dma_start3A_124 = arith.constant 0 : i32
    %dma_start3A_125 = arith.constant 0 : i32
    %dma_start3A_126 = tpu.memref_slice %arg2[%dma_start3A_120, %dma_start3A_124, %dma_start3A_125] : memref<16x1024x128xf32, #tpu.memory_space<vmem>> -> memref<1x1024x128xf32, #tpu.memory_space<vmem>>
    %dma_start3A_127 = tpu.memref_squeeze %dma_start3A_126 : memref<1x1024x128xf32, #tpu.memory_space<vmem>> -> memref<1024x128xf32, #tpu.memory_space<vmem>>
    %dma_start3A_128 = arith.constant 11264 : i32
    %dma_start3A_129 = arith.constant 0 : i32
    %dma_start3A_130 = tpu.memref_slice %arg0[%dma_start3A_128, %dma_start3A_129] : memref<16384x128xf32, #tpu.memory_space<any>> -> memref<1024x128xf32, #tpu.memory_space<any>>
    tpu.enqueue_dma source(%dma_start3A_130 : memref<1024x128xf32, #tpu.memory_space<any>>) target(%dma_start3A_127 : memref<1024x128xf32, #tpu.memory_space<vmem>>) target_semaphore(%dma_start3A_123 : memref<!tpu.dma_semaphore, #tpu.memory_space<semaphore_mem>>)
    %dma_start3A_131 = arith.constant 12 : i32
    %dma_start3A_132 = arith.constant 12 : i32
    %dma_start3A_133 = tpu.memref_slice %arg3[%dma_start3A_132] : memref<16x!tpu.dma_semaphore, #tpu.memory_space<semaphore_mem>> -> memref<1x!tpu.dma_semaphore, #tpu.memory_space<semaphore_mem>>
    %dma_start3A_134 = tpu.memref_squeeze %dma_start3A_133 : memref<1x!tpu.dma_semaphore, #tpu.memory_space<semaphore_mem>> -> memref<!tpu.dma_semaphore, #tpu.memory_space<semaphore_mem>>
    %dma_start3A_135 = arith.constant 0 : i32
    %dma_start3A_136 = arith.constant 0 : i32
    %dma_start3A_137 = tpu.memref_slice %arg2[%dma_start3A_131, %dma_start3A_135, %dma_start3A_136] : memref<16x1024x128xf32, #tpu.memory_space<vmem>> -> memref<1x1024x128xf32, #tpu.memory_space<vmem>>
    %dma_start3A_138 = tpu.memref_squeeze %dma_start3A_137 : memref<1x1024x128xf32, #tpu.memory_space<vmem>> -> memref<1024x128xf32, #tpu.memory_space<vmem>>
    %dma_start3A_139 = arith.constant 12288 : i32
    %dma_start3A_140 = arith.constant 0 : i32
    %dma_start3A_141 = tpu.memref_slice %arg0[%dma_start3A_139, %dma_start3A_140] : memref<16384x128xf32, #tpu.memory_space<any>> -> memref<1024x128xf32, #tpu.memory_space<any>>
    tpu.enqueue_dma source(%dma_start3A_141 : memref<1024x128xf32, #tpu.memory_space<any>>) target(%dma_start3A_138 : memref<1024x128xf32, #tpu.memory_space<vmem>>) target_semaphore(%dma_start3A_134 : memref<!tpu.dma_semaphore, #tpu.memory_space<semaphore_mem>>)
    %dma_start3A_142 = arith.constant 13 : i32
    %dma_start3A_143 = arith.constant 13 : i32
    %dma_start3A_144 = tpu.memref_slice %arg3[%dma_start3A_143] : memref<16x!tpu.dma_semaphore, #tpu.memory_space<semaphore_mem>> -> memref<1x!tpu.dma_semaphore, #tpu.memory_space<semaphore_mem>>
    %dma_start3A_145 = tpu.memref_squeeze %dma_start3A_144 : memref<1x!tpu.dma_semaphore, #tpu.memory_space<semaphore_mem>> -> memref<!tpu.dma_semaphore, #tpu.memory_space<semaphore_mem>>
    %dma_start3A_146 = arith.constant 0 : i32
    %dma_start3A_147 = arith.constant 0 : i32
    %dma_start3A_148 = tpu.memref_slice %arg2[%dma_start3A_142, %dma_start3A_146, %dma_start3A_147] : memref<16x1024x128xf32, #tpu.memory_space<vmem>> -> memref<1x1024x128xf32, #tpu.memory_space<vmem>>
    %dma_start3A_149 = tpu.memref_squeeze %dma_start3A_148 : memref<1x1024x128xf32, #tpu.memory_space<vmem>> -> memref<1024x128xf32, #tpu.memory_space<vmem>>
    %dma_start3A_150 = arith.constant 13312 : i32
    %dma_start3A_151 = arith.constant 0 : i32
    %dma_start3A_152 = tpu.memref_slice %arg0[%dma_start3A_150, %dma_start3A_151] : memref<16384x128xf32, #tpu.memory_space<any>> -> memref<1024x128xf32, #tpu.memory_space<any>>
    tpu.enqueue_dma source(%dma_start3A_152 : memref<1024x128xf32, #tpu.memory_space<any>>) target(%dma_start3A_149 : memref<1024x128xf32, #tpu.memory_space<vmem>>) target_semaphore(%dma_start3A_145 : memref<!tpu.dma_semaphore, #tpu.memory_space<semaphore_mem>>)
    %dma_start3A_153 = arith.constant 14 : i32
    %dma_start3A_154 = arith.constant 14 : i32
    %dma_start3A_155 = tpu.memref_slice %arg3[%dma_start3A_154] : memref<16x!tpu.dma_semaphore, #tpu.memory_space<semaphore_mem>> -> memref<1x!tpu.dma_semaphore, #tpu.memory_space<semaphore_mem>>
    %dma_start3A_156 = tpu.memref_squeeze %dma_start3A_155 : memref<1x!tpu.dma_semaphore, #tpu.memory_space<semaphore_mem>> -> memref<!tpu.dma_semaphore, #tpu.memory_space<semaphore_mem>>
    %dma_start3A_157 = arith.constant 0 : i32
    %dma_start3A_158 = arith.constant 0 : i32
    %dma_start3A_159 = tpu.memref_slice %arg2[%dma_start3A_153, %dma_start3A_157, %dma_start3A_158] : memref<16x1024x128xf32, #tpu.memory_space<vmem>> -> memref<1x1024x128xf32, #tpu.memory_space<vmem>>
    %dma_start3A_160 = tpu.memref_squeeze %dma_start3A_159 : memref<1x1024x128xf32, #tpu.memory_space<vmem>> -> memref<1024x128xf32, #tpu.memory_space<vmem>>
    %dma_start3A_161 = arith.constant 14336 : i32
    %dma_start3A_162 = arith.constant 0 : i32
    %dma_start3A_163 = tpu.memref_slice %arg0[%dma_start3A_161, %dma_start3A_162] : memref<16384x128xf32, #tpu.memory_space<any>> -> memref<1024x128xf32, #tpu.memory_space<any>>
    tpu.enqueue_dma source(%dma_start3A_163 : memref<1024x128xf32, #tpu.memory_space<any>>) target(%dma_start3A_160 : memref<1024x128xf32, #tpu.memory_space<vmem>>) target_semaphore(%dma_start3A_156 : memref<!tpu.dma_semaphore, #tpu.memory_space<semaphore_mem>>)
    %dma_start3A_164 = arith.constant 15 : i32
    %dma_start3A_165 = arith.constant 15 : i32
    %dma_start3A_166 = tpu.memref_slice %arg3[%dma_start3A_165] : memref<16x!tpu.dma_semaphore, #tpu.memory_space<semaphore_mem>> -> memref<1x!tpu.dma_semaphore, #tpu.memory_space<semaphore_mem>>
    %dma_start3A_167 = tpu.memref_squeeze %dma_start3A_166 : memref<1x!tpu.dma_semaphore, #tpu.memory_space<semaphore_mem>> -> memref<!tpu.dma_semaphore, #tpu.memory_space<semaphore_mem>>
    %dma_start3A_168 = arith.constant 0 : i32
    %dma_start3A_169 = arith.constant 0 : i32
    %dma_start3A_170 = tpu.memref_slice %arg2[%dma_start3A_164, %dma_start3A_168, %dma_start3A_169] : memref<16x1024x128xf32, #tpu.memory_space<vmem>> -> memref<1x1024x128xf32, #tpu.memory_space<vmem>>
    %dma_start3A_171 = tpu.memref_squeeze %dma_start3A_170 : memref<1x1024x128xf32, #tpu.memory_space<vmem>> -> memref<1024x128xf32, #tpu.memory_space<vmem>>
    %dma_start3A_172 = arith.constant 15360 : i32
    %dma_start3A_173 = arith.constant 0 : i32
    %dma_start3A_174 = tpu.memref_slice %arg0[%dma_start3A_172, %dma_start3A_173] : memref<16384x128xf32, #tpu.memory_space<any>> -> memref<1024x128xf32, #tpu.memory_space<any>>
    tpu.enqueue_dma source(%dma_start3A_174 : memref<1024x128xf32, #tpu.memory_space<any>>) target(%dma_start3A_171 : memref<1024x128xf32, #tpu.memory_space<vmem>>) target_semaphore(%dma_start3A_167 : memref<!tpu.dma_semaphore, #tpu.memory_space<semaphore_mem>>)
    %dma_wait3A = arith.constant 0 : i32
    %dma_wait3A_175 = arith.constant 0 : i32
    %dma_wait3A_176 = tpu.memref_slice %arg3[%dma_wait3A_175] : memref<16x!tpu.dma_semaphore, #tpu.memory_space<semaphore_mem>> -> memref<1x!tpu.dma_semaphore, #tpu.memory_space<semaphore_mem>>
    %dma_wait3A_177 = tpu.memref_squeeze %dma_wait3A_176 : memref<1x!tpu.dma_semaphore, #tpu.memory_space<semaphore_mem>> -> memref<!tpu.dma_semaphore, #tpu.memory_space<semaphore_mem>>
    %dma_wait3A_178 = arith.constant 0 : i32
    %dma_wait3A_179 = arith.constant 0 : i32
    %dma_wait3A_180 = tpu.memref_slice %arg2[%dma_wait3A, %dma_wait3A_178, %dma_wait3A_179] : memref<16x1024x128xf32, #tpu.memory_space<vmem>> -> memref<1x1024x128xf32, #tpu.memory_space<vmem>>
    %dma_wait3A_181 = tpu.memref_squeeze %dma_wait3A_180 : memref<1x1024x128xf32, #tpu.memory_space<vmem>> -> memref<1024x128xf32, #tpu.memory_space<vmem>>
    %dma_wait3A_182 = arith.constant 0 : i32
    %dma_wait3A_183 = arith.constant 0 : i32
    %dma_wait3A_184 = tpu.memref_slice %arg0[%dma_wait3A_182, %dma_wait3A_183] : memref<16384x128xf32, #tpu.memory_space<any>> -> memref<1024x128xf32, #tpu.memory_space<any>>
    tpu.wait_dma2 semaphore(%dma_wait3A_177 : memref<!tpu.dma_semaphore, #tpu.memory_space<semaphore_mem>>) src(%dma_wait3A_184 : memref<1024x128xf32, #tpu.memory_space<any>>) dst(%dma_wait3A_181 : memref<1024x128xf32, #tpu.memory_space<vmem>>)
    %dma_start3A_185 = arith.constant 0 : i32
    %dma_start3A_186 = arith.constant 0 : i32
    %dma_start3A_187 = tpu.memref_slice %arg4[%dma_start3A_186] : memref<16x!tpu.dma_semaphore, #tpu.memory_space<semaphore_mem>> -> memref<1x!tpu.dma_semaphore, #tpu.memory_space<semaphore_mem>>
    %dma_start3A_188 = tpu.memref_squeeze %dma_start3A_187 : memref<1x!tpu.dma_semaphore, #tpu.memory_space<semaphore_mem>> -> memref<!tpu.dma_semaphore, #tpu.memory_space<semaphore_mem>>
    %dma_start3A_189 = arith.constant 0 : i32
    %dma_start3A_190 = arith.constant 0 : i32
    %dma_start3A_191 = tpu.memref_slice %arg1[%dma_start3A_189, %dma_start3A_190] : memref<16384x128xf32, #tpu.memory_space<any>> -> memref<1024x128xf32, #tpu.memory_space<any>>
    %dma_start3A_192 = arith.constant 0 : i32
    %dma_start3A_193 = arith.constant 0 : i32
    %dma_start3A_194 = tpu.memref_slice %arg2[%dma_start3A_185, %dma_start3A_192, %dma_start3A_193] : memref<16x1024x128xf32, #tpu.memory_space<vmem>> -> memref<1x1024x128xf32, #tpu.memory_space<vmem>>
    %dma_start3A_195 = tpu.memref_squeeze %dma_start3A_194 : memref<1x1024x128xf32, #tpu.memory_space<vmem>> -> memref<1024x128xf32, #tpu.memory_space<vmem>>
    tpu.enqueue_dma source(%dma_start3A_195 : memref<1024x128xf32, #tpu.memory_space<vmem>>) target(%dma_start3A_191 : memref<1024x128xf32, #tpu.memory_space<any>>) target_semaphore(%dma_start3A_188 : memref<!tpu.dma_semaphore, #tpu.memory_space<semaphore_mem>>)
    %dma_wait3A_196 = arith.constant 1 : i32
    %dma_wait3A_197 = arith.constant 1 : i32
    %dma_wait3A_198 = tpu.memref_slice %arg3[%dma_wait3A_197] : memref<16x!tpu.dma_semaphore, #tpu.memory_space<semaphore_mem>> -> memref<1x!tpu.dma_semaphore, #tpu.memory_space<semaphore_mem>>
    %dma_wait3A_199 = tpu.memref_squeeze %dma_wait3A_198 : memref<1x!tpu.dma_semaphore, #tpu.memory_space<semaphore_mem>> -> memref<!tpu.dma_semaphore, #tpu.memory_space<semaphore_mem>>
    %dma_wait3A_200 = arith.constant 0 : i32
    %dma_wait3A_201 = arith.constant 0 : i32
    %dma_wait3A_202 = tpu.memref_slice %arg2[%dma_wait3A_196, %dma_wait3A_200, %dma_wait3A_201] : memref<16x1024x128xf32, #tpu.memory_space<vmem>> -> memref<1x1024x128xf32, #tpu.memory_space<vmem>>
    %dma_wait3A_203 = tpu.memref_squeeze %dma_wait3A_202 : memref<1x1024x128xf32, #tpu.memory_space<vmem>> -> memref<1024x128xf32, #tpu.memory_space<vmem>>
    %dma_wait3A_204 = arith.constant 1024 : i32
    %dma_wait3A_205 = arith.constant 0 : i32
    %dma_wait3A_206 = tpu.memref_slice %arg0[%dma_wait3A_204, %dma_wait3A_205] : memref<16384x128xf32, #tpu.memory_space<any>> -> memref<1024x128xf32, #tpu.memory_space<any>>
    tpu.wait_dma2 semaphore(%dma_wait3A_199 : memref<!tpu.dma_semaphore, #tpu.memory_space<semaphore_mem>>) src(%dma_wait3A_206 : memref<1024x128xf32, #tpu.memory_space<any>>) dst(%dma_wait3A_203 : memref<1024x128xf32, #tpu.memory_space<vmem>>)
    %dma_start3A_207 = arith.constant 1 : i32
    %dma_start3A_208 = arith.constant 1 : i32
    %dma_start3A_209 = tpu.memref_slice %arg4[%dma_start3A_208] : memref<16x!tpu.dma_semaphore, #tpu.memory_space<semaphore_mem>> -> memref<1x!tpu.dma_semaphore, #tpu.memory_space<semaphore_mem>>
    %dma_start3A_210 = tpu.memref_squeeze %dma_start3A_209 : memref<1x!tpu.dma_semaphore, #tpu.memory_space<semaphore_mem>> -> memref<!tpu.dma_semaphore, #tpu.memory_space<semaphore_mem>>
    %dma_start3A_211 = arith.constant 1024 : i32
    %dma_start3A_212 = arith.constant 0 : i32
    %dma_start3A_213 = tpu.memref_slice %arg1[%dma_start3A_211, %dma_start3A_212] : memref<16384x128xf32, #tpu.memory_space<any>> -> memref<1024x128xf32, #tpu.memory_space<any>>
    %dma_start3A_214 = arith.constant 0 : i32
    %dma_start3A_215 = arith.constant 0 : i32
    %dma_start3A_216 = tpu.memref_slice %arg2[%dma_start3A_207, %dma_start3A_214, %dma_start3A_215] : memref<16x1024x128xf32, #tpu.memory_space<vmem>> -> memref<1x1024x128xf32, #tpu.memory_space<vmem>>
    %dma_start3A_217 = tpu.memref_squeeze %dma_start3A_216 : memref<1x1024x128xf32, #tpu.memory_space<vmem>> -> memref<1024x128xf32, #tpu.memory_space<vmem>>
    tpu.enqueue_dma source(%dma_start3A_217 : memref<1024x128xf32, #tpu.memory_space<vmem>>) target(%dma_start3A_213 : memref<1024x128xf32, #tpu.memory_space<any>>) target_semaphore(%dma_start3A_210 : memref<!tpu.dma_semaphore, #tpu.memory_space<semaphore_mem>>)
    %dma_wait3A_218 = arith.constant 2 : i32
    %dma_wait3A_219 = arith.constant 2 : i32
    %dma_wait3A_220 = tpu.memref_slice %arg3[%dma_wait3A_219] : memref<16x!tpu.dma_semaphore, #tpu.memory_space<semaphore_mem>> -> memref<1x!tpu.dma_semaphore, #tpu.memory_space<semaphore_mem>>
    %dma_wait3A_221 = tpu.memref_squeeze %dma_wait3A_220 : memref<1x!tpu.dma_semaphore, #tpu.memory_space<semaphore_mem>> -> memref<!tpu.dma_semaphore, #tpu.memory_space<semaphore_mem>>
    %dma_wait3A_222 = arith.constant 0 : i32
    %dma_wait3A_223 = arith.constant 0 : i32
    %dma_wait3A_224 = tpu.memref_slice %arg2[%dma_wait3A_218, %dma_wait3A_222, %dma_wait3A_223] : memref<16x1024x128xf32, #tpu.memory_space<vmem>> -> memref<1x1024x128xf32, #tpu.memory_space<vmem>>
    %dma_wait3A_225 = tpu.memref_squeeze %dma_wait3A_224 : memref<1x1024x128xf32, #tpu.memory_space<vmem>> -> memref<1024x128xf32, #tpu.memory_space<vmem>>
    %dma_wait3A_226 = arith.constant 2048 : i32
    %dma_wait3A_227 = arith.constant 0 : i32
    %dma_wait3A_228 = tpu.memref_slice %arg0[%dma_wait3A_226, %dma_wait3A_227] : memref<16384x128xf32, #tpu.memory_space<any>> -> memref<1024x128xf32, #tpu.memory_space<any>>
    tpu.wait_dma2 semaphore(%dma_wait3A_221 : memref<!tpu.dma_semaphore, #tpu.memory_space<semaphore_mem>>) src(%dma_wait3A_228 : memref<1024x128xf32, #tpu.memory_space<any>>) dst(%dma_wait3A_225 : memref<1024x128xf32, #tpu.memory_space<vmem>>)
    %dma_start3A_229 = arith.constant 2 : i32
    %dma_start3A_230 = arith.constant 2 : i32
    %dma_start3A_231 = tpu.memref_slice %arg4[%dma_start3A_230] : memref<16x!tpu.dma_semaphore, #tpu.memory_space<semaphore_mem>> -> memref<1x!tpu.dma_semaphore, #tpu.memory_space<semaphore_mem>>
    %dma_start3A_232 = tpu.memref_squeeze %dma_start3A_231 : memref<1x!tpu.dma_semaphore, #tpu.memory_space<semaphore_mem>> -> memref<!tpu.dma_semaphore, #tpu.memory_space<semaphore_mem>>
    %dma_start3A_233 = arith.constant 2048 : i32
    %dma_start3A_234 = arith.constant 0 : i32
    %dma_start3A_235 = tpu.memref_slice %arg1[%dma_start3A_233, %dma_start3A_234] : memref<16384x128xf32, #tpu.memory_space<any>> -> memref<1024x128xf32, #tpu.memory_space<any>>
    %dma_start3A_236 = arith.constant 0 : i32
    %dma_start3A_237 = arith.constant 0 : i32
    %dma_start3A_238 = tpu.memref_slice %arg2[%dma_start3A_229, %dma_start3A_236, %dma_start3A_237] : memref<16x1024x128xf32, #tpu.memory_space<vmem>> -> memref<1x1024x128xf32, #tpu.memory_space<vmem>>
    %dma_start3A_239 = tpu.memref_squeeze %dma_start3A_238 : memref<1x1024x128xf32, #tpu.memory_space<vmem>> -> memref<1024x128xf32, #tpu.memory_space<vmem>>
    tpu.enqueue_dma source(%dma_start3A_239 : memref<1024x128xf32, #tpu.memory_space<vmem>>) target(%dma_start3A_235 : memref<1024x128xf32, #tpu.memory_space<any>>) target_semaphore(%dma_start3A_232 : memref<!tpu.dma_semaphore, #tpu.memory_space<semaphore_mem>>)
    %dma_wait3A_240 = arith.constant 3 : i32
    %dma_wait3A_241 = arith.constant 3 : i32
    %dma_wait3A_242 = tpu.memref_slice %arg3[%dma_wait3A_241] : memref<16x!tpu.dma_semaphore, #tpu.memory_space<semaphore_mem>> -> memref<1x!tpu.dma_semaphore, #tpu.memory_space<semaphore_mem>>
    %dma_wait3A_243 = tpu.memref_squeeze %dma_wait3A_242 : memref<1x!tpu.dma_semaphore, #tpu.memory_space<semaphore_mem>> -> memref<!tpu.dma_semaphore, #tpu.memory_space<semaphore_mem>>
    %dma_wait3A_244 = arith.constant 0 : i32
    %dma_wait3A_245 = arith.constant 0 : i32
    %dma_wait3A_246 = tpu.memref_slice %arg2[%dma_wait3A_240, %dma_wait3A_244, %dma_wait3A_245] : memref<16x1024x128xf32, #tpu.memory_space<vmem>> -> memref<1x1024x128xf32, #tpu.memory_space<vmem>>
    %dma_wait3A_247 = tpu.memref_squeeze %dma_wait3A_246 : memref<1x1024x128xf32, #tpu.memory_space<vmem>> -> memref<1024x128xf32, #tpu.memory_space<vmem>>
    %dma_wait3A_248 = arith.constant 3072 : i32
    %dma_wait3A_249 = arith.constant 0 : i32
    %dma_wait3A_250 = tpu.memref_slice %arg0[%dma_wait3A_248, %dma_wait3A_249] : memref<16384x128xf32, #tpu.memory_space<any>> -> memref<1024x128xf32, #tpu.memory_space<any>>
    tpu.wait_dma2 semaphore(%dma_wait3A_243 : memref<!tpu.dma_semaphore, #tpu.memory_space<semaphore_mem>>) src(%dma_wait3A_250 : memref<1024x128xf32, #tpu.memory_space<any>>) dst(%dma_wait3A_247 : memref<1024x128xf32, #tpu.memory_space<vmem>>)
    %dma_start3A_251 = arith.constant 3 : i32
    %dma_start3A_252 = arith.constant 3 : i32
    %dma_start3A_253 = tpu.memref_slice %arg4[%dma_start3A_252] : memref<16x!tpu.dma_semaphore, #tpu.memory_space<semaphore_mem>> -> memref<1x!tpu.dma_semaphore, #tpu.memory_space<semaphore_mem>>
    %dma_start3A_254 = tpu.memref_squeeze %dma_start3A_253 : memref<1x!tpu.dma_semaphore, #tpu.memory_space<semaphore_mem>> -> memref<!tpu.dma_semaphore, #tpu.memory_space<semaphore_mem>>
    %dma_start3A_255 = arith.constant 3072 : i32
    %dma_start3A_256 = arith.constant 0 : i32
    %dma_start3A_257 = tpu.memref_slice %arg1[%dma_start3A_255, %dma_start3A_256] : memref<16384x128xf32, #tpu.memory_space<any>> -> memref<1024x128xf32, #tpu.memory_space<any>>
    %dma_start3A_258 = arith.constant 0 : i32
    %dma_start3A_259 = arith.constant 0 : i32
    %dma_start3A_260 = tpu.memref_slice %arg2[%dma_start3A_251, %dma_start3A_258, %dma_start3A_259] : memref<16x1024x128xf32, #tpu.memory_space<vmem>> -> memref<1x1024x128xf32, #tpu.memory_space<vmem>>
    %dma_start3A_261 = tpu.memref_squeeze %dma_start3A_260 : memref<1x1024x128xf32, #tpu.memory_space<vmem>> -> memref<1024x128xf32, #tpu.memory_space<vmem>>
    tpu.enqueue_dma source(%dma_start3A_261 : memref<1024x128xf32, #tpu.memory_space<vmem>>) target(%dma_start3A_257 : memref<1024x128xf32, #tpu.memory_space<any>>) target_semaphore(%dma_start3A_254 : memref<!tpu.dma_semaphore, #tpu.memory_space<semaphore_mem>>)
    %dma_wait3A_262 = arith.constant 4 : i32
    %dma_wait3A_263 = arith.constant 4 : i32
    %dma_wait3A_264 = tpu.memref_slice %arg3[%dma_wait3A_263] : memref<16x!tpu.dma_semaphore, #tpu.memory_space<semaphore_mem>> -> memref<1x!tpu.dma_semaphore, #tpu.memory_space<semaphore_mem>>
    %dma_wait3A_265 = tpu.memref_squeeze %dma_wait3A_264 : memref<1x!tpu.dma_semaphore, #tpu.memory_space<semaphore_mem>> -> memref<!tpu.dma_semaphore, #tpu.memory_space<semaphore_mem>>
    %dma_wait3A_266 = arith.constant 0 : i32
    %dma_wait3A_267 = arith.constant 0 : i32
    %dma_wait3A_268 = tpu.memref_slice %arg2[%dma_wait3A_262, %dma_wait3A_266, %dma_wait3A_267] : memref<16x1024x128xf32, #tpu.memory_space<vmem>> -> memref<1x1024x128xf32, #tpu.memory_space<vmem>>
    %dma_wait3A_269 = tpu.memref_squeeze %dma_wait3A_268 : memref<1x1024x128xf32, #tpu.memory_space<vmem>> -> memref<1024x128xf32, #tpu.memory_space<vmem>>
    %dma_wait3A_270 = arith.constant 4096 : i32
    %dma_wait3A_271 = arith.constant 0 : i32
    %dma_wait3A_272 = tpu.memref_slice %arg0[%dma_wait3A_270, %dma_wait3A_271] : memref<16384x128xf32, #tpu.memory_space<any>> -> memref<1024x128xf32, #tpu.memory_space<any>>
    tpu.wait_dma2 semaphore(%dma_wait3A_265 : memref<!tpu.dma_semaphore, #tpu.memory_space<semaphore_mem>>) src(%dma_wait3A_272 : memref<1024x128xf32, #tpu.memory_space<any>>) dst(%dma_wait3A_269 : memref<1024x128xf32, #tpu.memory_space<vmem>>)
    %dma_start3A_273 = arith.constant 4 : i32
    %dma_start3A_274 = arith.constant 4 : i32
    %dma_start3A_275 = tpu.memref_slice %arg4[%dma_start3A_274] : memref<16x!tpu.dma_semaphore, #tpu.memory_space<semaphore_mem>> -> memref<1x!tpu.dma_semaphore, #tpu.memory_space<semaphore_mem>>
    %dma_start3A_276 = tpu.memref_squeeze %dma_start3A_275 : memref<1x!tpu.dma_semaphore, #tpu.memory_space<semaphore_mem>> -> memref<!tpu.dma_semaphore, #tpu.memory_space<semaphore_mem>>
    %dma_start3A_277 = arith.constant 4096 : i32
    %dma_start3A_278 = arith.constant 0 : i32
    %dma_start3A_279 = tpu.memref_slice %arg1[%dma_start3A_277, %dma_start3A_278] : memref<16384x128xf32, #tpu.memory_space<any>> -> memref<1024x128xf32, #tpu.memory_space<any>>
    %dma_start3A_280 = arith.constant 0 : i32
    %dma_start3A_281 = arith.constant 0 : i32
    %dma_start3A_282 = tpu.memref_slice %arg2[%dma_start3A_273, %dma_start3A_280, %dma_start3A_281] : memref<16x1024x128xf32, #tpu.memory_space<vmem>> -> memref<1x1024x128xf32, #tpu.memory_space<vmem>>
    %dma_start3A_283 = tpu.memref_squeeze %dma_start3A_282 : memref<1x1024x128xf32, #tpu.memory_space<vmem>> -> memref<1024x128xf32, #tpu.memory_space<vmem>>
    tpu.enqueue_dma source(%dma_start3A_283 : memref<1024x128xf32, #tpu.memory_space<vmem>>) target(%dma_start3A_279 : memref<1024x128xf32, #tpu.memory_space<any>>) target_semaphore(%dma_start3A_276 : memref<!tpu.dma_semaphore, #tpu.memory_space<semaphore_mem>>)
    %dma_wait3A_284 = arith.constant 5 : i32
    %dma_wait3A_285 = arith.constant 5 : i32
    %dma_wait3A_286 = tpu.memref_slice %arg3[%dma_wait3A_285] : memref<16x!tpu.dma_semaphore, #tpu.memory_space<semaphore_mem>> -> memref<1x!tpu.dma_semaphore, #tpu.memory_space<semaphore_mem>>
    %dma_wait3A_287 = tpu.memref_squeeze %dma_wait3A_286 : memref<1x!tpu.dma_semaphore, #tpu.memory_space<semaphore_mem>> -> memref<!tpu.dma_semaphore, #tpu.memory_space<semaphore_mem>>
    %dma_wait3A_288 = arith.constant 0 : i32
    %dma_wait3A_289 = arith.constant 0 : i32
    %dma_wait3A_290 = tpu.memref_slice %arg2[%dma_wait3A_284, %dma_wait3A_288, %dma_wait3A_289] : memref<16x1024x128xf32, #tpu.memory_space<vmem>> -> memref<1x1024x128xf32, #tpu.memory_space<vmem>>
    %dma_wait3A_291 = tpu.memref_squeeze %dma_wait3A_290 : memref<1x1024x128xf32, #tpu.memory_space<vmem>> -> memref<1024x128xf32, #tpu.memory_space<vmem>>
    %dma_wait3A_292 = arith.constant 5120 : i32
    %dma_wait3A_293 = arith.constant 0 : i32
    %dma_wait3A_294 = tpu.memref_slice %arg0[%dma_wait3A_292, %dma_wait3A_293] : memref<16384x128xf32, #tpu.memory_space<any>> -> memref<1024x128xf32, #tpu.memory_space<any>>
    tpu.wait_dma2 semaphore(%dma_wait3A_287 : memref<!tpu.dma_semaphore, #tpu.memory_space<semaphore_mem>>) src(%dma_wait3A_294 : memref<1024x128xf32, #tpu.memory_space<any>>) dst(%dma_wait3A_291 : memref<1024x128xf32, #tpu.memory_space<vmem>>)
    %dma_start3A_295 = arith.constant 5 : i32
    %dma_start3A_296 = arith.constant 5 : i32
    %dma_start3A_297 = tpu.memref_slice %arg4[%dma_start3A_296] : memref<16x!tpu.dma_semaphore, #tpu.memory_space<semaphore_mem>> -> memref<1x!tpu.dma_semaphore, #tpu.memory_space<semaphore_mem>>
    %dma_start3A_298 = tpu.memref_squeeze %dma_start3A_297 : memref<1x!tpu.dma_semaphore, #tpu.memory_space<semaphore_mem>> -> memref<!tpu.dma_semaphore, #tpu.memory_space<semaphore_mem>>
    %dma_start3A_299 = arith.constant 5120 : i32
    %dma_start3A_300 = arith.constant 0 : i32
    %dma_start3A_301 = tpu.memref_slice %arg1[%dma_start3A_299, %dma_start3A_300] : memref<16384x128xf32, #tpu.memory_space<any>> -> memref<1024x128xf32, #tpu.memory_space<any>>
    %dma_start3A_302 = arith.constant 0 : i32
    %dma_start3A_303 = arith.constant 0 : i32
    %dma_start3A_304 = tpu.memref_slice %arg2[%dma_start3A_295, %dma_start3A_302, %dma_start3A_303] : memref<16x1024x128xf32, #tpu.memory_space<vmem>> -> memref<1x1024x128xf32, #tpu.memory_space<vmem>>
    %dma_start3A_305 = tpu.memref_squeeze %dma_start3A_304 : memref<1x1024x128xf32, #tpu.memory_space<vmem>> -> memref<1024x128xf32, #tpu.memory_space<vmem>>
    tpu.enqueue_dma source(%dma_start3A_305 : memref<1024x128xf32, #tpu.memory_space<vmem>>) target(%dma_start3A_301 : memref<1024x128xf32, #tpu.memory_space<any>>) target_semaphore(%dma_start3A_298 : memref<!tpu.dma_semaphore, #tpu.memory_space<semaphore_mem>>)
    %dma_wait3A_306 = arith.constant 6 : i32
    %dma_wait3A_307 = arith.constant 6 : i32
    %dma_wait3A_308 = tpu.memref_slice %arg3[%dma_wait3A_307] : memref<16x!tpu.dma_semaphore, #tpu.memory_space<semaphore_mem>> -> memref<1x!tpu.dma_semaphore, #tpu.memory_space<semaphore_mem>>
    %dma_wait3A_309 = tpu.memref_squeeze %dma_wait3A_308 : memref<1x!tpu.dma_semaphore, #tpu.memory_space<semaphore_mem>> -> memref<!tpu.dma_semaphore, #tpu.memory_space<semaphore_mem>>
    %dma_wait3A_310 = arith.constant 0 : i32
    %dma_wait3A_311 = arith.constant 0 : i32
    %dma_wait3A_312 = tpu.memref_slice %arg2[%dma_wait3A_306, %dma_wait3A_310, %dma_wait3A_311] : memref<16x1024x128xf32, #tpu.memory_space<vmem>> -> memref<1x1024x128xf32, #tpu.memory_space<vmem>>
    %dma_wait3A_313 = tpu.memref_squeeze %dma_wait3A_312 : memref<1x1024x128xf32, #tpu.memory_space<vmem>> -> memref<1024x128xf32, #tpu.memory_space<vmem>>
    %dma_wait3A_314 = arith.constant 6144 : i32
    %dma_wait3A_315 = arith.constant 0 : i32
    %dma_wait3A_316 = tpu.memref_slice %arg0[%dma_wait3A_314, %dma_wait3A_315] : memref<16384x128xf32, #tpu.memory_space<any>> -> memref<1024x128xf32, #tpu.memory_space<any>>
    tpu.wait_dma2 semaphore(%dma_wait3A_309 : memref<!tpu.dma_semaphore, #tpu.memory_space<semaphore_mem>>) src(%dma_wait3A_316 : memref<1024x128xf32, #tpu.memory_space<any>>) dst(%dma_wait3A_313 : memref<1024x128xf32, #tpu.memory_space<vmem>>)
    %dma_start3A_317 = arith.constant 6 : i32
    %dma_start3A_318 = arith.constant 6 : i32
    %dma_start3A_319 = tpu.memref_slice %arg4[%dma_start3A_318] : memref<16x!tpu.dma_semaphore, #tpu.memory_space<semaphore_mem>> -> memref<1x!tpu.dma_semaphore, #tpu.memory_space<semaphore_mem>>
    %dma_start3A_320 = tpu.memref_squeeze %dma_start3A_319 : memref<1x!tpu.dma_semaphore, #tpu.memory_space<semaphore_mem>> -> memref<!tpu.dma_semaphore, #tpu.memory_space<semaphore_mem>>
    %dma_start3A_321 = arith.constant 6144 : i32
    %dma_start3A_322 = arith.constant 0 : i32
    %dma_start3A_323 = tpu.memref_slice %arg1[%dma_start3A_321, %dma_start3A_322] : memref<16384x128xf32, #tpu.memory_space<any>> -> memref<1024x128xf32, #tpu.memory_space<any>>
    %dma_start3A_324 = arith.constant 0 : i32
    %dma_start3A_325 = arith.constant 0 : i32
    %dma_start3A_326 = tpu.memref_slice %arg2[%dma_start3A_317, %dma_start3A_324, %dma_start3A_325] : memref<16x1024x128xf32, #tpu.memory_space<vmem>> -> memref<1x1024x128xf32, #tpu.memory_space<vmem>>
    %dma_start3A_327 = tpu.memref_squeeze %dma_start3A_326 : memref<1x1024x128xf32, #tpu.memory_space<vmem>> -> memref<1024x128xf32, #tpu.memory_space<vmem>>
    tpu.enqueue_dma source(%dma_start3A_327 : memref<1024x128xf32, #tpu.memory_space<vmem>>) target(%dma_start3A_323 : memref<1024x128xf32, #tpu.memory_space<any>>) target_semaphore(%dma_start3A_320 : memref<!tpu.dma_semaphore, #tpu.memory_space<semaphore_mem>>)
    %dma_wait3A_328 = arith.constant 7 : i32
    %dma_wait3A_329 = arith.constant 7 : i32
    %dma_wait3A_330 = tpu.memref_slice %arg3[%dma_wait3A_329] : memref<16x!tpu.dma_semaphore, #tpu.memory_space<semaphore_mem>> -> memref<1x!tpu.dma_semaphore, #tpu.memory_space<semaphore_mem>>
    %dma_wait3A_331 = tpu.memref_squeeze %dma_wait3A_330 : memref<1x!tpu.dma_semaphore, #tpu.memory_space<semaphore_mem>> -> memref<!tpu.dma_semaphore, #tpu.memory_space<semaphore_mem>>
    %dma_wait3A_332 = arith.constant 0 : i32
    %dma_wait3A_333 = arith.constant 0 : i32
    %dma_wait3A_334 = tpu.memref_slice %arg2[%dma_wait3A_328, %dma_wait3A_332, %dma_wait3A_333] : memref<16x1024x128xf32, #tpu.memory_space<vmem>> -> memref<1x1024x128xf32, #tpu.memory_space<vmem>>
    %dma_wait3A_335 = tpu.memref_squeeze %dma_wait3A_334 : memref<1x1024x128xf32, #tpu.memory_space<vmem>> -> memref<1024x128xf32, #tpu.memory_space<vmem>>
    %dma_wait3A_336 = arith.constant 7168 : i32
    %dma_wait3A_337 = arith.constant 0 : i32
    %dma_wait3A_338 = tpu.memref_slice %arg0[%dma_wait3A_336, %dma_wait3A_337] : memref<16384x128xf32, #tpu.memory_space<any>> -> memref<1024x128xf32, #tpu.memory_space<any>>
    tpu.wait_dma2 semaphore(%dma_wait3A_331 : memref<!tpu.dma_semaphore, #tpu.memory_space<semaphore_mem>>) src(%dma_wait3A_338 : memref<1024x128xf32, #tpu.memory_space<any>>) dst(%dma_wait3A_335 : memref<1024x128xf32, #tpu.memory_space<vmem>>)
    %dma_start3A_339 = arith.constant 7 : i32
    %dma_start3A_340 = arith.constant 7 : i32
    %dma_start3A_341 = tpu.memref_slice %arg4[%dma_start3A_340] : memref<16x!tpu.dma_semaphore, #tpu.memory_space<semaphore_mem>> -> memref<1x!tpu.dma_semaphore, #tpu.memory_space<semaphore_mem>>
    %dma_start3A_342 = tpu.memref_squeeze %dma_start3A_341 : memref<1x!tpu.dma_semaphore, #tpu.memory_space<semaphore_mem>> -> memref<!tpu.dma_semaphore, #tpu.memory_space<semaphore_mem>>
    %dma_start3A_343 = arith.constant 7168 : i32
    %dma_start3A_344 = arith.constant 0 : i32
    %dma_start3A_345 = tpu.memref_slice %arg1[%dma_start3A_343, %dma_start3A_344] : memref<16384x128xf32, #tpu.memory_space<any>> -> memref<1024x128xf32, #tpu.memory_space<any>>
    %dma_start3A_346 = arith.constant 0 : i32
    %dma_start3A_347 = arith.constant 0 : i32
    %dma_start3A_348 = tpu.memref_slice %arg2[%dma_start3A_339, %dma_start3A_346, %dma_start3A_347] : memref<16x1024x128xf32, #tpu.memory_space<vmem>> -> memref<1x1024x128xf32, #tpu.memory_space<vmem>>
    %dma_start3A_349 = tpu.memref_squeeze %dma_start3A_348 : memref<1x1024x128xf32, #tpu.memory_space<vmem>> -> memref<1024x128xf32, #tpu.memory_space<vmem>>
    tpu.enqueue_dma source(%dma_start3A_349 : memref<1024x128xf32, #tpu.memory_space<vmem>>) target(%dma_start3A_345 : memref<1024x128xf32, #tpu.memory_space<any>>) target_semaphore(%dma_start3A_342 : memref<!tpu.dma_semaphore, #tpu.memory_space<semaphore_mem>>)
    %dma_wait3A_350 = arith.constant 8 : i32
    %dma_wait3A_351 = arith.constant 8 : i32
    %dma_wait3A_352 = tpu.memref_slice %arg3[%dma_wait3A_351] : memref<16x!tpu.dma_semaphore, #tpu.memory_space<semaphore_mem>> -> memref<1x!tpu.dma_semaphore, #tpu.memory_space<semaphore_mem>>
    %dma_wait3A_353 = tpu.memref_squeeze %dma_wait3A_352 : memref<1x!tpu.dma_semaphore, #tpu.memory_space<semaphore_mem>> -> memref<!tpu.dma_semaphore, #tpu.memory_space<semaphore_mem>>
    %dma_wait3A_354 = arith.constant 0 : i32
    %dma_wait3A_355 = arith.constant 0 : i32
    %dma_wait3A_356 = tpu.memref_slice %arg2[%dma_wait3A_350, %dma_wait3A_354, %dma_wait3A_355] : memref<16x1024x128xf32, #tpu.memory_space<vmem>> -> memref<1x1024x128xf32, #tpu.memory_space<vmem>>
    %dma_wait3A_357 = tpu.memref_squeeze %dma_wait3A_356 : memref<1x1024x128xf32, #tpu.memory_space<vmem>> -> memref<1024x128xf32, #tpu.memory_space<vmem>>
    %dma_wait3A_358 = arith.constant 8192 : i32
    %dma_wait3A_359 = arith.constant 0 : i32
    %dma_wait3A_360 = tpu.memref_slice %arg0[%dma_wait3A_358, %dma_wait3A_359] : memref<16384x128xf32, #tpu.memory_space<any>> -> memref<1024x128xf32, #tpu.memory_space<any>>
    tpu.wait_dma2 semaphore(%dma_wait3A_353 : memref<!tpu.dma_semaphore, #tpu.memory_space<semaphore_mem>>) src(%dma_wait3A_360 : memref<1024x128xf32, #tpu.memory_space<any>>) dst(%dma_wait3A_357 : memref<1024x128xf32, #tpu.memory_space<vmem>>)
    %dma_start3A_361 = arith.constant 8 : i32
    %dma_start3A_362 = arith.constant 8 : i32
    %dma_start3A_363 = tpu.memref_slice %arg4[%dma_start3A_362] : memref<16x!tpu.dma_semaphore, #tpu.memory_space<semaphore_mem>> -> memref<1x!tpu.dma_semaphore, #tpu.memory_space<semaphore_mem>>
    %dma_start3A_364 = tpu.memref_squeeze %dma_start3A_363 : memref<1x!tpu.dma_semaphore, #tpu.memory_space<semaphore_mem>> -> memref<!tpu.dma_semaphore, #tpu.memory_space<semaphore_mem>>
    %dma_start3A_365 = arith.constant 8192 : i32
    %dma_start3A_366 = arith.constant 0 : i32
    %dma_start3A_367 = tpu.memref_slice %arg1[%dma_start3A_365, %dma_start3A_366] : memref<16384x128xf32, #tpu.memory_space<any>> -> memref<1024x128xf32, #tpu.memory_space<any>>
    %dma_start3A_368 = arith.constant 0 : i32
    %dma_start3A_369 = arith.constant 0 : i32
    %dma_start3A_370 = tpu.memref_slice %arg2[%dma_start3A_361, %dma_start3A_368, %dma_start3A_369] : memref<16x1024x128xf32, #tpu.memory_space<vmem>> -> memref<1x1024x128xf32, #tpu.memory_space<vmem>>
    %dma_start3A_371 = tpu.memref_squeeze %dma_start3A_370 : memref<1x1024x128xf32, #tpu.memory_space<vmem>> -> memref<1024x128xf32, #tpu.memory_space<vmem>>
    tpu.enqueue_dma source(%dma_start3A_371 : memref<1024x128xf32, #tpu.memory_space<vmem>>) target(%dma_start3A_367 : memref<1024x128xf32, #tpu.memory_space<any>>) target_semaphore(%dma_start3A_364 : memref<!tpu.dma_semaphore, #tpu.memory_space<semaphore_mem>>)
    %dma_wait3A_372 = arith.constant 9 : i32
    %dma_wait3A_373 = arith.constant 9 : i32
    %dma_wait3A_374 = tpu.memref_slice %arg3[%dma_wait3A_373] : memref<16x!tpu.dma_semaphore, #tpu.memory_space<semaphore_mem>> -> memref<1x!tpu.dma_semaphore, #tpu.memory_space<semaphore_mem>>
    %dma_wait3A_375 = tpu.memref_squeeze %dma_wait3A_374 : memref<1x!tpu.dma_semaphore, #tpu.memory_space<semaphore_mem>> -> memref<!tpu.dma_semaphore, #tpu.memory_space<semaphore_mem>>
    %dma_wait3A_376 = arith.constant 0 : i32
    %dma_wait3A_377 = arith.constant 0 : i32
    %dma_wait3A_378 = tpu.memref_slice %arg2[%dma_wait3A_372, %dma_wait3A_376, %dma_wait3A_377] : memref<16x1024x128xf32, #tpu.memory_space<vmem>> -> memref<1x1024x128xf32, #tpu.memory_space<vmem>>
    %dma_wait3A_379 = tpu.memref_squeeze %dma_wait3A_378 : memref<1x1024x128xf32, #tpu.memory_space<vmem>> -> memref<1024x128xf32, #tpu.memory_space<vmem>>
    %dma_wait3A_380 = arith.constant 9216 : i32
    %dma_wait3A_381 = arith.constant 0 : i32
    %dma_wait3A_382 = tpu.memref_slice %arg0[%dma_wait3A_380, %dma_wait3A_381] : memref<16384x128xf32, #tpu.memory_space<any>> -> memref<1024x128xf32, #tpu.memory_space<any>>
    tpu.wait_dma2 semaphore(%dma_wait3A_375 : memref<!tpu.dma_semaphore, #tpu.memory_space<semaphore_mem>>) src(%dma_wait3A_382 : memref<1024x128xf32, #tpu.memory_space<any>>) dst(%dma_wait3A_379 : memref<1024x128xf32, #tpu.memory_space<vmem>>)
    %dma_start3A_383 = arith.constant 9 : i32
    %dma_start3A_384 = arith.constant 9 : i32
    %dma_start3A_385 = tpu.memref_slice %arg4[%dma_start3A_384] : memref<16x!tpu.dma_semaphore, #tpu.memory_space<semaphore_mem>> -> memref<1x!tpu.dma_semaphore, #tpu.memory_space<semaphore_mem>>
    %dma_start3A_386 = tpu.memref_squeeze %dma_start3A_385 : memref<1x!tpu.dma_semaphore, #tpu.memory_space<semaphore_mem>> -> memref<!tpu.dma_semaphore, #tpu.memory_space<semaphore_mem>>
    %dma_start3A_387 = arith.constant 9216 : i32
    %dma_start3A_388 = arith.constant 0 : i32
    %dma_start3A_389 = tpu.memref_slice %arg1[%dma_start3A_387, %dma_start3A_388] : memref<16384x128xf32, #tpu.memory_space<any>> -> memref<1024x128xf32, #tpu.memory_space<any>>
    %dma_start3A_390 = arith.constant 0 : i32
    %dma_start3A_391 = arith.constant 0 : i32
    %dma_start3A_392 = tpu.memref_slice %arg2[%dma_start3A_383, %dma_start3A_390, %dma_start3A_391] : memref<16x1024x128xf32, #tpu.memory_space<vmem>> -> memref<1x1024x128xf32, #tpu.memory_space<vmem>>
    %dma_start3A_393 = tpu.memref_squeeze %dma_start3A_392 : memref<1x1024x128xf32, #tpu.memory_space<vmem>> -> memref<1024x128xf32, #tpu.memory_space<vmem>>
    tpu.enqueue_dma source(%dma_start3A_393 : memref<1024x128xf32, #tpu.memory_space<vmem>>) target(%dma_start3A_389 : memref<1024x128xf32, #tpu.memory_space<any>>) target_semaphore(%dma_start3A_386 : memref<!tpu.dma_semaphore, #tpu.memory_space<semaphore_mem>>)
    %dma_wait3A_394 = arith.constant 10 : i32
    %dma_wait3A_395 = arith.constant 10 : i32
    %dma_wait3A_396 = tpu.memref_slice %arg3[%dma_wait3A_395] : memref<16x!tpu.dma_semaphore, #tpu.memory_space<semaphore_mem>> -> memref<1x!tpu.dma_semaphore, #tpu.memory_space<semaphore_mem>>
    %dma_wait3A_397 = tpu.memref_squeeze %dma_wait3A_396 : memref<1x!tpu.dma_semaphore, #tpu.memory_space<semaphore_mem>> -> memref<!tpu.dma_semaphore, #tpu.memory_space<semaphore_mem>>
    %dma_wait3A_398 = arith.constant 0 : i32
    %dma_wait3A_399 = arith.constant 0 : i32
    %dma_wait3A_400 = tpu.memref_slice %arg2[%dma_wait3A_394, %dma_wait3A_398, %dma_wait3A_399] : memref<16x1024x128xf32, #tpu.memory_space<vmem>> -> memref<1x1024x128xf32, #tpu.memory_space<vmem>>
    %dma_wait3A_401 = tpu.memref_squeeze %dma_wait3A_400 : memref<1x1024x128xf32, #tpu.memory_space<vmem>> -> memref<1024x128xf32, #tpu.memory_space<vmem>>
    %dma_wait3A_402 = arith.constant 10240 : i32
    %dma_wait3A_403 = arith.constant 0 : i32
    %dma_wait3A_404 = tpu.memref_slice %arg0[%dma_wait3A_402, %dma_wait3A_403] : memref<16384x128xf32, #tpu.memory_space<any>> -> memref<1024x128xf32, #tpu.memory_space<any>>
    tpu.wait_dma2 semaphore(%dma_wait3A_397 : memref<!tpu.dma_semaphore, #tpu.memory_space<semaphore_mem>>) src(%dma_wait3A_404 : memref<1024x128xf32, #tpu.memory_space<any>>) dst(%dma_wait3A_401 : memref<1024x128xf32, #tpu.memory_space<vmem>>)
    %dma_start3A_405 = arith.constant 10 : i32
    %dma_start3A_406 = arith.constant 10 : i32
    %dma_start3A_407 = tpu.memref_slice %arg4[%dma_start3A_406] : memref<16x!tpu.dma_semaphore, #tpu.memory_space<semaphore_mem>> -> memref<1x!tpu.dma_semaphore, #tpu.memory_space<semaphore_mem>>
    %dma_start3A_408 = tpu.memref_squeeze %dma_start3A_407 : memref<1x!tpu.dma_semaphore, #tpu.memory_space<semaphore_mem>> -> memref<!tpu.dma_semaphore, #tpu.memory_space<semaphore_mem>>
    %dma_start3A_409 = arith.constant 10240 : i32
    %dma_start3A_410 = arith.constant 0 : i32
    %dma_start3A_411 = tpu.memref_slice %arg1[%dma_start3A_409, %dma_start3A_410] : memref<16384x128xf32, #tpu.memory_space<any>> -> memref<1024x128xf32, #tpu.memory_space<any>>
    %dma_start3A_412 = arith.constant 0 : i32
    %dma_start3A_413 = arith.constant 0 : i32
    %dma_start3A_414 = tpu.memref_slice %arg2[%dma_start3A_405, %dma_start3A_412, %dma_start3A_413] : memref<16x1024x128xf32, #tpu.memory_space<vmem>> -> memref<1x1024x128xf32, #tpu.memory_space<vmem>>
    %dma_start3A_415 = tpu.memref_squeeze %dma_start3A_414 : memref<1x1024x128xf32, #tpu.memory_space<vmem>> -> memref<1024x128xf32, #tpu.memory_space<vmem>>
    tpu.enqueue_dma source(%dma_start3A_415 : memref<1024x128xf32, #tpu.memory_space<vmem>>) target(%dma_start3A_411 : memref<1024x128xf32, #tpu.memory_space<any>>) target_semaphore(%dma_start3A_408 : memref<!tpu.dma_semaphore, #tpu.memory_space<semaphore_mem>>)
    %dma_wait3A_416 = arith.constant 11 : i32
    %dma_wait3A_417 = arith.constant 11 : i32
    %dma_wait3A_418 = tpu.memref_slice %arg3[%dma_wait3A_417] : memref<16x!tpu.dma_semaphore, #tpu.memory_space<semaphore_mem>> -> memref<1x!tpu.dma_semaphore, #tpu.memory_space<semaphore_mem>>
    %dma_wait3A_419 = tpu.memref_squeeze %dma_wait3A_418 : memref<1x!tpu.dma_semaphore, #tpu.memory_space<semaphore_mem>> -> memref<!tpu.dma_semaphore, #tpu.memory_space<semaphore_mem>>
    %dma_wait3A_420 = arith.constant 0 : i32
    %dma_wait3A_421 = arith.constant 0 : i32
    %dma_wait3A_422 = tpu.memref_slice %arg2[%dma_wait3A_416, %dma_wait3A_420, %dma_wait3A_421] : memref<16x1024x128xf32, #tpu.memory_space<vmem>> -> memref<1x1024x128xf32, #tpu.memory_space<vmem>>
    %dma_wait3A_423 = tpu.memref_squeeze %dma_wait3A_422 : memref<1x1024x128xf32, #tpu.memory_space<vmem>> -> memref<1024x128xf32, #tpu.memory_space<vmem>>
    %dma_wait3A_424 = arith.constant 11264 : i32
    %dma_wait3A_425 = arith.constant 0 : i32
    %dma_wait3A_426 = tpu.memref_slice %arg0[%dma_wait3A_424, %dma_wait3A_425] : memref<16384x128xf32, #tpu.memory_space<any>> -> memref<1024x128xf32, #tpu.memory_space<any>>
    tpu.wait_dma2 semaphore(%dma_wait3A_419 : memref<!tpu.dma_semaphore, #tpu.memory_space<semaphore_mem>>) src(%dma_wait3A_426 : memref<1024x128xf32, #tpu.memory_space<any>>) dst(%dma_wait3A_423 : memref<1024x128xf32, #tpu.memory_space<vmem>>)
    %dma_start3A_427 = arith.constant 11 : i32
    %dma_start3A_428 = arith.constant 11 : i32
    %dma_start3A_429 = tpu.memref_slice %arg4[%dma_start3A_428] : memref<16x!tpu.dma_semaphore, #tpu.memory_space<semaphore_mem>> -> memref<1x!tpu.dma_semaphore, #tpu.memory_space<semaphore_mem>>
    %dma_start3A_430 = tpu.memref_squeeze %dma_start3A_429 : memref<1x!tpu.dma_semaphore, #tpu.memory_space<semaphore_mem>> -> memref<!tpu.dma_semaphore, #tpu.memory_space<semaphore_mem>>
    %dma_start3A_431 = arith.constant 11264 : i32
    %dma_start3A_432 = arith.constant 0 : i32
    %dma_start3A_433 = tpu.memref_slice %arg1[%dma_start3A_431, %dma_start3A_432] : memref<16384x128xf32, #tpu.memory_space<any>> -> memref<1024x128xf32, #tpu.memory_space<any>>
    %dma_start3A_434 = arith.constant 0 : i32
    %dma_start3A_435 = arith.constant 0 : i32
    %dma_start3A_436 = tpu.memref_slice %arg2[%dma_start3A_427, %dma_start3A_434, %dma_start3A_435] : memref<16x1024x128xf32, #tpu.memory_space<vmem>> -> memref<1x1024x128xf32, #tpu.memory_space<vmem>>
    %dma_start3A_437 = tpu.memref_squeeze %dma_start3A_436 : memref<1x1024x128xf32, #tpu.memory_space<vmem>> -> memref<1024x128xf32, #tpu.memory_space<vmem>>
    tpu.enqueue_dma source(%dma_start3A_437 : memref<1024x128xf32, #tpu.memory_space<vmem>>) target(%dma_start3A_433 : memref<1024x128xf32, #tpu.memory_space<any>>) target_semaphore(%dma_start3A_430 : memref<!tpu.dma_semaphore, #tpu.memory_space<semaphore_mem>>)
    %dma_wait3A_438 = arith.constant 12 : i32
    %dma_wait3A_439 = arith.constant 12 : i32
    %dma_wait3A_440 = tpu.memref_slice %arg3[%dma_wait3A_439] : memref<16x!tpu.dma_semaphore, #tpu.memory_space<semaphore_mem>> -> memref<1x!tpu.dma_semaphore, #tpu.memory_space<semaphore_mem>>
    %dma_wait3A_441 = tpu.memref_squeeze %dma_wait3A_440 : memref<1x!tpu.dma_semaphore, #tpu.memory_space<semaphore_mem>> -> memref<!tpu.dma_semaphore, #tpu.memory_space<semaphore_mem>>
    %dma_wait3A_442 = arith.constant 0 : i32
    %dma_wait3A_443 = arith.constant 0 : i32
    %dma_wait3A_444 = tpu.memref_slice %arg2[%dma_wait3A_438, %dma_wait3A_442, %dma_wait3A_443] : memref<16x1024x128xf32, #tpu.memory_space<vmem>> -> memref<1x1024x128xf32, #tpu.memory_space<vmem>>
    %dma_wait3A_445 = tpu.memref_squeeze %dma_wait3A_444 : memref<1x1024x128xf32, #tpu.memory_space<vmem>> -> memref<1024x128xf32, #tpu.memory_space<vmem>>
    %dma_wait3A_446 = arith.constant 12288 : i32
    %dma_wait3A_447 = arith.constant 0 : i32
    %dma_wait3A_448 = tpu.memref_slice %arg0[%dma_wait3A_446, %dma_wait3A_447] : memref<16384x128xf32, #tpu.memory_space<any>> -> memref<1024x128xf32, #tpu.memory_space<any>>
    tpu.wait_dma2 semaphore(%dma_wait3A_441 : memref<!tpu.dma_semaphore, #tpu.memory_space<semaphore_mem>>) src(%dma_wait3A_448 : memref<1024x128xf32, #tpu.memory_space<any>>) dst(%dma_wait3A_445 : memref<1024x128xf32, #tpu.memory_space<vmem>>)
    %dma_start3A_449 = arith.constant 12 : i32
    %dma_start3A_450 = arith.constant 12 : i32
    %dma_start3A_451 = tpu.memref_slice %arg4[%dma_start3A_450] : memref<16x!tpu.dma_semaphore, #tpu.memory_space<semaphore_mem>> -> memref<1x!tpu.dma_semaphore, #tpu.memory_space<semaphore_mem>>
    %dma_start3A_452 = tpu.memref_squeeze %dma_start3A_451 : memref<1x!tpu.dma_semaphore, #tpu.memory_space<semaphore_mem>> -> memref<!tpu.dma_semaphore, #tpu.memory_space<semaphore_mem>>
    %dma_start3A_453 = arith.constant 12288 : i32
    %dma_start3A_454 = arith.constant 0 : i32
    %dma_start3A_455 = tpu.memref_slice %arg1[%dma_start3A_453, %dma_start3A_454] : memref<16384x128xf32, #tpu.memory_space<any>> -> memref<1024x128xf32, #tpu.memory_space<any>>
    %dma_start3A_456 = arith.constant 0 : i32
    %dma_start3A_457 = arith.constant 0 : i32
    %dma_start3A_458 = tpu.memref_slice %arg2[%dma_start3A_449, %dma_start3A_456, %dma_start3A_457] : memref<16x1024x128xf32, #tpu.memory_space<vmem>> -> memref<1x1024x128xf32, #tpu.memory_space<vmem>>
    %dma_start3A_459 = tpu.memref_squeeze %dma_start3A_458 : memref<1x1024x128xf32, #tpu.memory_space<vmem>> -> memref<1024x128xf32, #tpu.memory_space<vmem>>
    tpu.enqueue_dma source(%dma_start3A_459 : memref<1024x128xf32, #tpu.memory_space<vmem>>) target(%dma_start3A_455 : memref<1024x128xf32, #tpu.memory_space<any>>) target_semaphore(%dma_start3A_452 : memref<!tpu.dma_semaphore, #tpu.memory_space<semaphore_mem>>)
    %dma_wait3A_460 = arith.constant 13 : i32
    %dma_wait3A_461 = arith.constant 13 : i32
    %dma_wait3A_462 = tpu.memref_slice %arg3[%dma_wait3A_461] : memref<16x!tpu.dma_semaphore, #tpu.memory_space<semaphore_mem>> -> memref<1x!tpu.dma_semaphore, #tpu.memory_space<semaphore_mem>>
    %dma_wait3A_463 = tpu.memref_squeeze %dma_wait3A_462 : memref<1x!tpu.dma_semaphore, #tpu.memory_space<semaphore_mem>> -> memref<!tpu.dma_semaphore, #tpu.memory_space<semaphore_mem>>
    %dma_wait3A_464 = arith.constant 0 : i32
    %dma_wait3A_465 = arith.constant 0 : i32
    %dma_wait3A_466 = tpu.memref_slice %arg2[%dma_wait3A_460, %dma_wait3A_464, %dma_wait3A_465] : memref<16x1024x128xf32, #tpu.memory_space<vmem>> -> memref<1x1024x128xf32, #tpu.memory_space<vmem>>
    %dma_wait3A_467 = tpu.memref_squeeze %dma_wait3A_466 : memref<1x1024x128xf32, #tpu.memory_space<vmem>> -> memref<1024x128xf32, #tpu.memory_space<vmem>>
    %dma_wait3A_468 = arith.constant 13312 : i32
    %dma_wait3A_469 = arith.constant 0 : i32
    %dma_wait3A_470 = tpu.memref_slice %arg0[%dma_wait3A_468, %dma_wait3A_469] : memref<16384x128xf32, #tpu.memory_space<any>> -> memref<1024x128xf32, #tpu.memory_space<any>>
    tpu.wait_dma2 semaphore(%dma_wait3A_463 : memref<!tpu.dma_semaphore, #tpu.memory_space<semaphore_mem>>) src(%dma_wait3A_470 : memref<1024x128xf32, #tpu.memory_space<any>>) dst(%dma_wait3A_467 : memref<1024x128xf32, #tpu.memory_space<vmem>>)
    %dma_start3A_471 = arith.constant 13 : i32
    %dma_start3A_472 = arith.constant 13 : i32
    %dma_start3A_473 = tpu.memref_slice %arg4[%dma_start3A_472] : memref<16x!tpu.dma_semaphore, #tpu.memory_space<semaphore_mem>> -> memref<1x!tpu.dma_semaphore, #tpu.memory_space<semaphore_mem>>
    %dma_start3A_474 = tpu.memref_squeeze %dma_start3A_473 : memref<1x!tpu.dma_semaphore, #tpu.memory_space<semaphore_mem>> -> memref<!tpu.dma_semaphore, #tpu.memory_space<semaphore_mem>>
    %dma_start3A_475 = arith.constant 13312 : i32
    %dma_start3A_476 = arith.constant 0 : i32
    %dma_start3A_477 = tpu.memref_slice %arg1[%dma_start3A_475, %dma_start3A_476] : memref<16384x128xf32, #tpu.memory_space<any>> -> memref<1024x128xf32, #tpu.memory_space<any>>
    %dma_start3A_478 = arith.constant 0 : i32
    %dma_start3A_479 = arith.constant 0 : i32
    %dma_start3A_480 = tpu.memref_slice %arg2[%dma_start3A_471, %dma_start3A_478, %dma_start3A_479] : memref<16x1024x128xf32, #tpu.memory_space<vmem>> -> memref<1x1024x128xf32, #tpu.memory_space<vmem>>
    %dma_start3A_481 = tpu.memref_squeeze %dma_start3A_480 : memref<1x1024x128xf32, #tpu.memory_space<vmem>> -> memref<1024x128xf32, #tpu.memory_space<vmem>>
    tpu.enqueue_dma source(%dma_start3A_481 : memref<1024x128xf32, #tpu.memory_space<vmem>>) target(%dma_start3A_477 : memref<1024x128xf32, #tpu.memory_space<any>>) target_semaphore(%dma_start3A_474 : memref<!tpu.dma_semaphore, #tpu.memory_space<semaphore_mem>>)
    %dma_wait3A_482 = arith.constant 14 : i32
    %dma_wait3A_483 = arith.constant 14 : i32
    %dma_wait3A_484 = tpu.memref_slice %arg3[%dma_wait3A_483] : memref<16x!tpu.dma_semaphore, #tpu.memory_space<semaphore_mem>> -> memref<1x!tpu.dma_semaphore, #tpu.memory_space<semaphore_mem>>
    %dma_wait3A_485 = tpu.memref_squeeze %dma_wait3A_484 : memref<1x!tpu.dma_semaphore, #tpu.memory_space<semaphore_mem>> -> memref<!tpu.dma_semaphore, #tpu.memory_space<semaphore_mem>>
    %dma_wait3A_486 = arith.constant 0 : i32
    %dma_wait3A_487 = arith.constant 0 : i32
    %dma_wait3A_488 = tpu.memref_slice %arg2[%dma_wait3A_482, %dma_wait3A_486, %dma_wait3A_487] : memref<16x1024x128xf32, #tpu.memory_space<vmem>> -> memref<1x1024x128xf32, #tpu.memory_space<vmem>>
    %dma_wait3A_489 = tpu.memref_squeeze %dma_wait3A_488 : memref<1x1024x128xf32, #tpu.memory_space<vmem>> -> memref<1024x128xf32, #tpu.memory_space<vmem>>
    %dma_wait3A_490 = arith.constant 14336 : i32
    %dma_wait3A_491 = arith.constant 0 : i32
    %dma_wait3A_492 = tpu.memref_slice %arg0[%dma_wait3A_490, %dma_wait3A_491] : memref<16384x128xf32, #tpu.memory_space<any>> -> memref<1024x128xf32, #tpu.memory_space<any>>
    tpu.wait_dma2 semaphore(%dma_wait3A_485 : memref<!tpu.dma_semaphore, #tpu.memory_space<semaphore_mem>>) src(%dma_wait3A_492 : memref<1024x128xf32, #tpu.memory_space<any>>) dst(%dma_wait3A_489 : memref<1024x128xf32, #tpu.memory_space<vmem>>)
    %dma_start3A_493 = arith.constant 14 : i32
    %dma_start3A_494 = arith.constant 14 : i32
    %dma_start3A_495 = tpu.memref_slice %arg4[%dma_start3A_494] : memref<16x!tpu.dma_semaphore, #tpu.memory_space<semaphore_mem>> -> memref<1x!tpu.dma_semaphore, #tpu.memory_space<semaphore_mem>>
    %dma_start3A_496 = tpu.memref_squeeze %dma_start3A_495 : memref<1x!tpu.dma_semaphore, #tpu.memory_space<semaphore_mem>> -> memref<!tpu.dma_semaphore, #tpu.memory_space<semaphore_mem>>
    %dma_start3A_497 = arith.constant 14336 : i32
    %dma_start3A_498 = arith.constant 0 : i32
    %dma_start3A_499 = tpu.memref_slice %arg1[%dma_start3A_497, %dma_start3A_498] : memref<16384x128xf32, #tpu.memory_space<any>> -> memref<1024x128xf32, #tpu.memory_space<any>>
    %dma_start3A_500 = arith.constant 0 : i32
    %dma_start3A_501 = arith.constant 0 : i32
    %dma_start3A_502 = tpu.memref_slice %arg2[%dma_start3A_493, %dma_start3A_500, %dma_start3A_501] : memref<16x1024x128xf32, #tpu.memory_space<vmem>> -> memref<1x1024x128xf32, #tpu.memory_space<vmem>>
    %dma_start3A_503 = tpu.memref_squeeze %dma_start3A_502 : memref<1x1024x128xf32, #tpu.memory_space<vmem>> -> memref<1024x128xf32, #tpu.memory_space<vmem>>
    tpu.enqueue_dma source(%dma_start3A_503 : memref<1024x128xf32, #tpu.memory_space<vmem>>) target(%dma_start3A_499 : memref<1024x128xf32, #tpu.memory_space<any>>) target_semaphore(%dma_start3A_496 : memref<!tpu.dma_semaphore, #tpu.memory_space<semaphore_mem>>)
    %dma_wait3A_504 = arith.constant 15 : i32
    %dma_wait3A_505 = arith.constant 15 : i32
    %dma_wait3A_506 = tpu.memref_slice %arg3[%dma_wait3A_505] : memref<16x!tpu.dma_semaphore, #tpu.memory_space<semaphore_mem>> -> memref<1x!tpu.dma_semaphore, #tpu.memory_space<semaphore_mem>>
    %dma_wait3A_507 = tpu.memref_squeeze %dma_wait3A_506 : memref<1x!tpu.dma_semaphore, #tpu.memory_space<semaphore_mem>> -> memref<!tpu.dma_semaphore, #tpu.memory_space<semaphore_mem>>
    %dma_wait3A_508 = arith.constant 0 : i32
    %dma_wait3A_509 = arith.constant 0 : i32
    %dma_wait3A_510 = tpu.memref_slice %arg2[%dma_wait3A_504, %dma_wait3A_508, %dma_wait3A_509] : memref<16x1024x128xf32, #tpu.memory_space<vmem>> -> memref<1x1024x128xf32, #tpu.memory_space<vmem>>
    %dma_wait3A_511 = tpu.memref_squeeze %dma_wait3A_510 : memref<1x1024x128xf32, #tpu.memory_space<vmem>> -> memref<1024x128xf32, #tpu.memory_space<vmem>>
    %dma_wait3A_512 = arith.constant 15360 : i32
    %dma_wait3A_513 = arith.constant 0 : i32
    %dma_wait3A_514 = tpu.memref_slice %arg0[%dma_wait3A_512, %dma_wait3A_513] : memref<16384x128xf32, #tpu.memory_space<any>> -> memref<1024x128xf32, #tpu.memory_space<any>>
    tpu.wait_dma2 semaphore(%dma_wait3A_507 : memref<!tpu.dma_semaphore, #tpu.memory_space<semaphore_mem>>) src(%dma_wait3A_514 : memref<1024x128xf32, #tpu.memory_space<any>>) dst(%dma_wait3A_511 : memref<1024x128xf32, #tpu.memory_space<vmem>>)
    %dma_start3A_515 = arith.constant 15 : i32
    %dma_start3A_516 = arith.constant 15 : i32
    %dma_start3A_517 = tpu.memref_slice %arg4[%dma_start3A_516] : memref<16x!tpu.dma_semaphore, #tpu.memory_space<semaphore_mem>> -> memref<1x!tpu.dma_semaphore, #tpu.memory_space<semaphore_mem>>
    %dma_start3A_518 = tpu.memref_squeeze %dma_start3A_517 : memref<1x!tpu.dma_semaphore, #tpu.memory_space<semaphore_mem>> -> memref<!tpu.dma_semaphore, #tpu.memory_space<semaphore_mem>>
    %dma_start3A_519 = arith.constant 15360 : i32
    %dma_start3A_520 = arith.constant 0 : i32
    %dma_start3A_521 = tpu.memref_slice %arg1[%dma_start3A_519, %dma_start3A_520] : memref<16384x128xf32, #tpu.memory_space<any>> -> memref<1024x128xf32, #tpu.memory_space<any>>
    %dma_start3A_522 = arith.constant 0 : i32
    %dma_start3A_523 = arith.constant 0 : i32
    %dma_start3A_524 = tpu.memref_slice %arg2[%dma_start3A_515, %dma_start3A_522, %dma_start3A_523] : memref<16x1024x128xf32, #tpu.memory_space<vmem>> -> memref<1x1024x128xf32, #tpu.memory_space<vmem>>
    %dma_start3A_525 = tpu.memref_squeeze %dma_start3A_524 : memref<1x1024x128xf32, #tpu.memory_space<vmem>> -> memref<1024x128xf32, #tpu.memory_space<vmem>>
    tpu.enqueue_dma source(%dma_start3A_525 : memref<1024x128xf32, #tpu.memory_space<vmem>>) target(%dma_start3A_521 : memref<1024x128xf32, #tpu.memory_space<any>>) target_semaphore(%dma_start3A_518 : memref<!tpu.dma_semaphore, #tpu.memory_space<semaphore_mem>>)
    %dma_wait3A_526 = arith.constant 0 : i32
    %dma_wait3A_527 = arith.constant 0 : i32
    %dma_wait3A_528 = tpu.memref_slice %arg4[%dma_wait3A_527] : memref<16x!tpu.dma_semaphore, #tpu.memory_space<semaphore_mem>> -> memref<1x!tpu.dma_semaphore, #tpu.memory_space<semaphore_mem>>
    %dma_wait3A_529 = tpu.memref_squeeze %dma_wait3A_528 : memref<1x!tpu.dma_semaphore, #tpu.memory_space<semaphore_mem>> -> memref<!tpu.dma_semaphore, #tpu.memory_space<semaphore_mem>>
    %dma_wait3A_530 = arith.constant 0 : i32
    %dma_wait3A_531 = arith.constant 0 : i32
    %dma_wait3A_532 = tpu.memref_slice %arg1[%dma_wait3A_530, %dma_wait3A_531] : memref<16384x128xf32, #tpu.memory_space<any>> -> memref<1024x128xf32, #tpu.memory_space<any>>
    %dma_wait3A_533 = arith.constant 0 : i32
    %dma_wait3A_534 = arith.constant 0 : i32
    %dma_wait3A_535 = tpu.memref_slice %arg2[%dma_wait3A_526, %dma_wait3A_533, %dma_wait3A_534] : memref<16x1024x128xf32, #tpu.memory_space<vmem>> -> memref<1x1024x128xf32, #tpu.memory_space<vmem>>
    %dma_wait3A_536 = tpu.memref_squeeze %dma_wait3A_535 : memref<1x1024x128xf32, #tpu.memory_space<vmem>> -> memref<1024x128xf32, #tpu.memory_space<vmem>>
    tpu.wait_dma2 semaphore(%dma_wait3A_529 : memref<!tpu.dma_semaphore, #tpu.memory_space<semaphore_mem>>) src(%dma_wait3A_536 : memref<1024x128xf32, #tpu.memory_space<vmem>>) dst(%dma_wait3A_532 : memref<1024x128xf32, #tpu.memory_space<any>>)
    %dma_wait3A_537 = arith.constant 1 : i32
    %dma_wait3A_538 = arith.constant 1 : i32
    %dma_wait3A_539 = tpu.memref_slice %arg4[%dma_wait3A_538] : memref<16x!tpu.dma_semaphore, #tpu.memory_space<semaphore_mem>> -> memref<1x!tpu.dma_semaphore, #tpu.memory_space<semaphore_mem>>
    %dma_wait3A_540 = tpu.memref_squeeze %dma_wait3A_539 : memref<1x!tpu.dma_semaphore, #tpu.memory_space<semaphore_mem>> -> memref<!tpu.dma_semaphore, #tpu.memory_space<semaphore_mem>>
    %dma_wait3A_541 = arith.constant 1024 : i32
    %dma_wait3A_542 = arith.constant 0 : i32
    %dma_wait3A_543 = tpu.memref_slice %arg1[%dma_wait3A_541, %dma_wait3A_542] : memref<16384x128xf32, #tpu.memory_space<any>> -> memref<1024x128xf32, #tpu.memory_space<any>>
    %dma_wait3A_544 = arith.constant 0 : i32
    %dma_wait3A_545 = arith.constant 0 : i32
    %dma_wait3A_546 = tpu.memref_slice %arg2[%dma_wait3A_537, %dma_wait3A_544, %dma_wait3A_545] : memref<16x1024x128xf32, #tpu.memory_space<vmem>> -> memref<1x1024x128xf32, #tpu.memory_space<vmem>>
    %dma_wait3A_547 = tpu.memref_squeeze %dma_wait3A_546 : memref<1x1024x128xf32, #tpu.memory_space<vmem>> -> memref<1024x128xf32, #tpu.memory_space<vmem>>
    tpu.wait_dma2 semaphore(%dma_wait3A_540 : memref<!tpu.dma_semaphore, #tpu.memory_space<semaphore_mem>>) src(%dma_wait3A_547 : memref<1024x128xf32, #tpu.memory_space<vmem>>) dst(%dma_wait3A_543 : memref<1024x128xf32, #tpu.memory_space<any>>)
    %dma_wait3A_548 = arith.constant 2 : i32
    %dma_wait3A_549 = arith.constant 2 : i32
    %dma_wait3A_550 = tpu.memref_slice %arg4[%dma_wait3A_549] : memref<16x!tpu.dma_semaphore, #tpu.memory_space<semaphore_mem>> -> memref<1x!tpu.dma_semaphore, #tpu.memory_space<semaphore_mem>>
    %dma_wait3A_551 = tpu.memref_squeeze %dma_wait3A_550 : memref<1x!tpu.dma_semaphore, #tpu.memory_space<semaphore_mem>> -> memref<!tpu.dma_semaphore, #tpu.memory_space<semaphore_mem>>
    %dma_wait3A_552 = arith.constant 2048 : i32
    %dma_wait3A_553 = arith.constant 0 : i32
    %dma_wait3A_554 = tpu.memref_slice %arg1[%dma_wait3A_552, %dma_wait3A_553] : memref<16384x128xf32, #tpu.memory_space<any>> -> memref<1024x128xf32, #tpu.memory_space<any>>
    %dma_wait3A_555 = arith.constant 0 : i32
    %dma_wait3A_556 = arith.constant 0 : i32
    %dma_wait3A_557 = tpu.memref_slice %arg2[%dma_wait3A_548, %dma_wait3A_555, %dma_wait3A_556] : memref<16x1024x128xf32, #tpu.memory_space<vmem>> -> memref<1x1024x128xf32, #tpu.memory_space<vmem>>
    %dma_wait3A_558 = tpu.memref_squeeze %dma_wait3A_557 : memref<1x1024x128xf32, #tpu.memory_space<vmem>> -> memref<1024x128xf32, #tpu.memory_space<vmem>>
    tpu.wait_dma2 semaphore(%dma_wait3A_551 : memref<!tpu.dma_semaphore, #tpu.memory_space<semaphore_mem>>) src(%dma_wait3A_558 : memref<1024x128xf32, #tpu.memory_space<vmem>>) dst(%dma_wait3A_554 : memref<1024x128xf32, #tpu.memory_space<any>>)
    %dma_wait3A_559 = arith.constant 3 : i32
    %dma_wait3A_560 = arith.constant 3 : i32
    %dma_wait3A_561 = tpu.memref_slice %arg4[%dma_wait3A_560] : memref<16x!tpu.dma_semaphore, #tpu.memory_space<semaphore_mem>> -> memref<1x!tpu.dma_semaphore, #tpu.memory_space<semaphore_mem>>
    %dma_wait3A_562 = tpu.memref_squeeze %dma_wait3A_561 : memref<1x!tpu.dma_semaphore, #tpu.memory_space<semaphore_mem>> -> memref<!tpu.dma_semaphore, #tpu.memory_space<semaphore_mem>>
    %dma_wait3A_563 = arith.constant 3072 : i32
    %dma_wait3A_564 = arith.constant 0 : i32
    %dma_wait3A_565 = tpu.memref_slice %arg1[%dma_wait3A_563, %dma_wait3A_564] : memref<16384x128xf32, #tpu.memory_space<any>> -> memref<1024x128xf32, #tpu.memory_space<any>>
    %dma_wait3A_566 = arith.constant 0 : i32
    %dma_wait3A_567 = arith.constant 0 : i32
    %dma_wait3A_568 = tpu.memref_slice %arg2[%dma_wait3A_559, %dma_wait3A_566, %dma_wait3A_567] : memref<16x1024x128xf32, #tpu.memory_space<vmem>> -> memref<1x1024x128xf32, #tpu.memory_space<vmem>>
    %dma_wait3A_569 = tpu.memref_squeeze %dma_wait3A_568 : memref<1x1024x128xf32, #tpu.memory_space<vmem>> -> memref<1024x128xf32, #tpu.memory_space<vmem>>
    tpu.wait_dma2 semaphore(%dma_wait3A_562 : memref<!tpu.dma_semaphore, #tpu.memory_space<semaphore_mem>>) src(%dma_wait3A_569 : memref<1024x128xf32, #tpu.memory_space<vmem>>) dst(%dma_wait3A_565 : memref<1024x128xf32, #tpu.memory_space<any>>)
    %dma_wait3A_570 = arith.constant 4 : i32
    %dma_wait3A_571 = arith.constant 4 : i32
    %dma_wait3A_572 = tpu.memref_slice %arg4[%dma_wait3A_571] : memref<16x!tpu.dma_semaphore, #tpu.memory_space<semaphore_mem>> -> memref<1x!tpu.dma_semaphore, #tpu.memory_space<semaphore_mem>>
    %dma_wait3A_573 = tpu.memref_squeeze %dma_wait3A_572 : memref<1x!tpu.dma_semaphore, #tpu.memory_space<semaphore_mem>> -> memref<!tpu.dma_semaphore, #tpu.memory_space<semaphore_mem>>
    %dma_wait3A_574 = arith.constant 4096 : i32
    %dma_wait3A_575 = arith.constant 0 : i32
    %dma_wait3A_576 = tpu.memref_slice %arg1[%dma_wait3A_574, %dma_wait3A_575] : memref<16384x128xf32, #tpu.memory_space<any>> -> memref<1024x128xf32, #tpu.memory_space<any>>
    %dma_wait3A_577 = arith.constant 0 : i32
    %dma_wait3A_578 = arith.constant 0 : i32
    %dma_wait3A_579 = tpu.memref_slice %arg2[%dma_wait3A_570, %dma_wait3A_577, %dma_wait3A_578] : memref<16x1024x128xf32, #tpu.memory_space<vmem>> -> memref<1x1024x128xf32, #tpu.memory_space<vmem>>
    %dma_wait3A_580 = tpu.memref_squeeze %dma_wait3A_579 : memref<1x1024x128xf32, #tpu.memory_space<vmem>> -> memref<1024x128xf32, #tpu.memory_space<vmem>>
    tpu.wait_dma2 semaphore(%dma_wait3A_573 : memref<!tpu.dma_semaphore, #tpu.memory_space<semaphore_mem>>) src(%dma_wait3A_580 : memref<1024x128xf32, #tpu.memory_space<vmem>>) dst(%dma_wait3A_576 : memref<1024x128xf32, #tpu.memory_space<any>>)
    %dma_wait3A_581 = arith.constant 5 : i32
    %dma_wait3A_582 = arith.constant 5 : i32
    %dma_wait3A_583 = tpu.memref_slice %arg4[%dma_wait3A_582] : memref<16x!tpu.dma_semaphore, #tpu.memory_space<semaphore_mem>> -> memref<1x!tpu.dma_semaphore, #tpu.memory_space<semaphore_mem>>
    %dma_wait3A_584 = tpu.memref_squeeze %dma_wait3A_583 : memref<1x!tpu.dma_semaphore, #tpu.memory_space<semaphore_mem>> -> memref<!tpu.dma_semaphore, #tpu.memory_space<semaphore_mem>>
    %dma_wait3A_585 = arith.constant 5120 : i32
    %dma_wait3A_586 = arith.constant 0 : i32
    %dma_wait3A_587 = tpu.memref_slice %arg1[%dma_wait3A_585, %dma_wait3A_586] : memref<16384x128xf32, #tpu.memory_space<any>> -> memref<1024x128xf32, #tpu.memory_space<any>>
    %dma_wait3A_588 = arith.constant 0 : i32
    %dma_wait3A_589 = arith.constant 0 : i32
    %dma_wait3A_590 = tpu.memref_slice %arg2[%dma_wait3A_581, %dma_wait3A_588, %dma_wait3A_589] : memref<16x1024x128xf32, #tpu.memory_space<vmem>> -> memref<1x1024x128xf32, #tpu.memory_space<vmem>>
    %dma_wait3A_591 = tpu.memref_squeeze %dma_wait3A_590 : memref<1x1024x128xf32, #tpu.memory_space<vmem>> -> memref<1024x128xf32, #tpu.memory_space<vmem>>
    tpu.wait_dma2 semaphore(%dma_wait3A_584 : memref<!tpu.dma_semaphore, #tpu.memory_space<semaphore_mem>>) src(%dma_wait3A_591 : memref<1024x128xf32, #tpu.memory_space<vmem>>) dst(%dma_wait3A_587 : memref<1024x128xf32, #tpu.memory_space<any>>)
    %dma_wait3A_592 = arith.constant 6 : i32
    %dma_wait3A_593 = arith.constant 6 : i32
    %dma_wait3A_594 = tpu.memref_slice %arg4[%dma_wait3A_593] : memref<16x!tpu.dma_semaphore, #tpu.memory_space<semaphore_mem>> -> memref<1x!tpu.dma_semaphore, #tpu.memory_space<semaphore_mem>>
    %dma_wait3A_595 = tpu.memref_squeeze %dma_wait3A_594 : memref<1x!tpu.dma_semaphore, #tpu.memory_space<semaphore_mem>> -> memref<!tpu.dma_semaphore, #tpu.memory_space<semaphore_mem>>
    %dma_wait3A_596 = arith.constant 6144 : i32
    %dma_wait3A_597 = arith.constant 0 : i32
    %dma_wait3A_598 = tpu.memref_slice %arg1[%dma_wait3A_596, %dma_wait3A_597] : memref<16384x128xf32, #tpu.memory_space<any>> -> memref<1024x128xf32, #tpu.memory_space<any>>
    %dma_wait3A_599 = arith.constant 0 : i32
    %dma_wait3A_600 = arith.constant 0 : i32
    %dma_wait3A_601 = tpu.memref_slice %arg2[%dma_wait3A_592, %dma_wait3A_599, %dma_wait3A_600] : memref<16x1024x128xf32, #tpu.memory_space<vmem>> -> memref<1x1024x128xf32, #tpu.memory_space<vmem>>
    %dma_wait3A_602 = tpu.memref_squeeze %dma_wait3A_601 : memref<1x1024x128xf32, #tpu.memory_space<vmem>> -> memref<1024x128xf32, #tpu.memory_space<vmem>>
    tpu.wait_dma2 semaphore(%dma_wait3A_595 : memref<!tpu.dma_semaphore, #tpu.memory_space<semaphore_mem>>) src(%dma_wait3A_602 : memref<1024x128xf32, #tpu.memory_space<vmem>>) dst(%dma_wait3A_598 : memref<1024x128xf32, #tpu.memory_space<any>>)
    %dma_wait3A_603 = arith.constant 7 : i32
    %dma_wait3A_604 = arith.constant 7 : i32
    %dma_wait3A_605 = tpu.memref_slice %arg4[%dma_wait3A_604] : memref<16x!tpu.dma_semaphore, #tpu.memory_space<semaphore_mem>> -> memref<1x!tpu.dma_semaphore, #tpu.memory_space<semaphore_mem>>
    %dma_wait3A_606 = tpu.memref_squeeze %dma_wait3A_605 : memref<1x!tpu.dma_semaphore, #tpu.memory_space<semaphore_mem>> -> memref<!tpu.dma_semaphore, #tpu.memory_space<semaphore_mem>>
    %dma_wait3A_607 = arith.constant 7168 : i32
    %dma_wait3A_608 = arith.constant 0 : i32
    %dma_wait3A_609 = tpu.memref_slice %arg1[%dma_wait3A_607, %dma_wait3A_608] : memref<16384x128xf32, #tpu.memory_space<any>> -> memref<1024x128xf32, #tpu.memory_space<any>>
    %dma_wait3A_610 = arith.constant 0 : i32
    %dma_wait3A_611 = arith.constant 0 : i32
    %dma_wait3A_612 = tpu.memref_slice %arg2[%dma_wait3A_603, %dma_wait3A_610, %dma_wait3A_611] : memref<16x1024x128xf32, #tpu.memory_space<vmem>> -> memref<1x1024x128xf32, #tpu.memory_space<vmem>>
    %dma_wait3A_613 = tpu.memref_squeeze %dma_wait3A_612 : memref<1x1024x128xf32, #tpu.memory_space<vmem>> -> memref<1024x128xf32, #tpu.memory_space<vmem>>
    tpu.wait_dma2 semaphore(%dma_wait3A_606 : memref<!tpu.dma_semaphore, #tpu.memory_space<semaphore_mem>>) src(%dma_wait3A_613 : memref<1024x128xf32, #tpu.memory_space<vmem>>) dst(%dma_wait3A_609 : memref<1024x128xf32, #tpu.memory_space<any>>)
    %dma_wait3A_614 = arith.constant 8 : i32
    %dma_wait3A_615 = arith.constant 8 : i32
    %dma_wait3A_616 = tpu.memref_slice %arg4[%dma_wait3A_615] : memref<16x!tpu.dma_semaphore, #tpu.memory_space<semaphore_mem>> -> memref<1x!tpu.dma_semaphore, #tpu.memory_space<semaphore_mem>>
    %dma_wait3A_617 = tpu.memref_squeeze %dma_wait3A_616 : memref<1x!tpu.dma_semaphore, #tpu.memory_space<semaphore_mem>> -> memref<!tpu.dma_semaphore, #tpu.memory_space<semaphore_mem>>
    %dma_wait3A_618 = arith.constant 8192 : i32
    %dma_wait3A_619 = arith.constant 0 : i32
    %dma_wait3A_620 = tpu.memref_slice %arg1[%dma_wait3A_618, %dma_wait3A_619] : memref<16384x128xf32, #tpu.memory_space<any>> -> memref<1024x128xf32, #tpu.memory_space<any>>
    %dma_wait3A_621 = arith.constant 0 : i32
    %dma_wait3A_622 = arith.constant 0 : i32
    %dma_wait3A_623 = tpu.memref_slice %arg2[%dma_wait3A_614, %dma_wait3A_621, %dma_wait3A_622] : memref<16x1024x128xf32, #tpu.memory_space<vmem>> -> memref<1x1024x128xf32, #tpu.memory_space<vmem>>
    %dma_wait3A_624 = tpu.memref_squeeze %dma_wait3A_623 : memref<1x1024x128xf32, #tpu.memory_space<vmem>> -> memref<1024x128xf32, #tpu.memory_space<vmem>>
    tpu.wait_dma2 semaphore(%dma_wait3A_617 : memref<!tpu.dma_semaphore, #tpu.memory_space<semaphore_mem>>) src(%dma_wait3A_624 : memref<1024x128xf32, #tpu.memory_space<vmem>>) dst(%dma_wait3A_620 : memref<1024x128xf32, #tpu.memory_space<any>>)
    %dma_wait3A_625 = arith.constant 9 : i32
    %dma_wait3A_626 = arith.constant 9 : i32
    %dma_wait3A_627 = tpu.memref_slice %arg4[%dma_wait3A_626] : memref<16x!tpu.dma_semaphore, #tpu.memory_space<semaphore_mem>> -> memref<1x!tpu.dma_semaphore, #tpu.memory_space<semaphore_mem>>
    %dma_wait3A_628 = tpu.memref_squeeze %dma_wait3A_627 : memref<1x!tpu.dma_semaphore, #tpu.memory_space<semaphore_mem>> -> memref<!tpu.dma_semaphore, #tpu.memory_space<semaphore_mem>>
    %dma_wait3A_629 = arith.constant 9216 : i32
    %dma_wait3A_630 = arith.constant 0 : i32
    %dma_wait3A_631 = tpu.memref_slice %arg1[%dma_wait3A_629, %dma_wait3A_630] : memref<16384x128xf32, #tpu.memory_space<any>> -> memref<1024x128xf32, #tpu.memory_space<any>>
    %dma_wait3A_632 = arith.constant 0 : i32
    %dma_wait3A_633 = arith.constant 0 : i32
    %dma_wait3A_634 = tpu.memref_slice %arg2[%dma_wait3A_625, %dma_wait3A_632, %dma_wait3A_633] : memref<16x1024x128xf32, #tpu.memory_space<vmem>> -> memref<1x1024x128xf32, #tpu.memory_space<vmem>>
    %dma_wait3A_635 = tpu.memref_squeeze %dma_wait3A_634 : memref<1x1024x128xf32, #tpu.memory_space<vmem>> -> memref<1024x128xf32, #tpu.memory_space<vmem>>
    tpu.wait_dma2 semaphore(%dma_wait3A_628 : memref<!tpu.dma_semaphore, #tpu.memory_space<semaphore_mem>>) src(%dma_wait3A_635 : memref<1024x128xf32, #tpu.memory_space<vmem>>) dst(%dma_wait3A_631 : memref<1024x128xf32, #tpu.memory_space<any>>)
    %dma_wait3A_636 = arith.constant 10 : i32
    %dma_wait3A_637 = arith.constant 10 : i32
    %dma_wait3A_638 = tpu.memref_slice %arg4[%dma_wait3A_637] : memref<16x!tpu.dma_semaphore, #tpu.memory_space<semaphore_mem>> -> memref<1x!tpu.dma_semaphore, #tpu.memory_space<semaphore_mem>>
    %dma_wait3A_639 = tpu.memref_squeeze %dma_wait3A_638 : memref<1x!tpu.dma_semaphore, #tpu.memory_space<semaphore_mem>> -> memref<!tpu.dma_semaphore, #tpu.memory_space<semaphore_mem>>
    %dma_wait3A_640 = arith.constant 10240 : i32
    %dma_wait3A_641 = arith.constant 0 : i32
    %dma_wait3A_642 = tpu.memref_slice %arg1[%dma_wait3A_640, %dma_wait3A_641] : memref<16384x128xf32, #tpu.memory_space<any>> -> memref<1024x128xf32, #tpu.memory_space<any>>
    %dma_wait3A_643 = arith.constant 0 : i32
    %dma_wait3A_644 = arith.constant 0 : i32
    %dma_wait3A_645 = tpu.memref_slice %arg2[%dma_wait3A_636, %dma_wait3A_643, %dma_wait3A_644] : memref<16x1024x128xf32, #tpu.memory_space<vmem>> -> memref<1x1024x128xf32, #tpu.memory_space<vmem>>
    %dma_wait3A_646 = tpu.memref_squeeze %dma_wait3A_645 : memref<1x1024x128xf32, #tpu.memory_space<vmem>> -> memref<1024x128xf32, #tpu.memory_space<vmem>>
    tpu.wait_dma2 semaphore(%dma_wait3A_639 : memref<!tpu.dma_semaphore, #tpu.memory_space<semaphore_mem>>) src(%dma_wait3A_646 : memref<1024x128xf32, #tpu.memory_space<vmem>>) dst(%dma_wait3A_642 : memref<1024x128xf32, #tpu.memory_space<any>>)
    %dma_wait3A_647 = arith.constant 11 : i32
    %dma_wait3A_648 = arith.constant 11 : i32
    %dma_wait3A_649 = tpu.memref_slice %arg4[%dma_wait3A_648] : memref<16x!tpu.dma_semaphore, #tpu.memory_space<semaphore_mem>> -> memref<1x!tpu.dma_semaphore, #tpu.memory_space<semaphore_mem>>
    %dma_wait3A_650 = tpu.memref_squeeze %dma_wait3A_649 : memref<1x!tpu.dma_semaphore, #tpu.memory_space<semaphore_mem>> -> memref<!tpu.dma_semaphore, #tpu.memory_space<semaphore_mem>>
    %dma_wait3A_651 = arith.constant 11264 : i32
    %dma_wait3A_652 = arith.constant 0 : i32
    %dma_wait3A_653 = tpu.memref_slice %arg1[%dma_wait3A_651, %dma_wait3A_652] : memref<16384x128xf32, #tpu.memory_space<any>> -> memref<1024x128xf32, #tpu.memory_space<any>>
    %dma_wait3A_654 = arith.constant 0 : i32
    %dma_wait3A_655 = arith.constant 0 : i32
    %dma_wait3A_656 = tpu.memref_slice %arg2[%dma_wait3A_647, %dma_wait3A_654, %dma_wait3A_655] : memref<16x1024x128xf32, #tpu.memory_space<vmem>> -> memref<1x1024x128xf32, #tpu.memory_space<vmem>>
    %dma_wait3A_657 = tpu.memref_squeeze %dma_wait3A_656 : memref<1x1024x128xf32, #tpu.memory_space<vmem>> -> memref<1024x128xf32, #tpu.memory_space<vmem>>
    tpu.wait_dma2 semaphore(%dma_wait3A_650 : memref<!tpu.dma_semaphore, #tpu.memory_space<semaphore_mem>>) src(%dma_wait3A_657 : memref<1024x128xf32, #tpu.memory_space<vmem>>) dst(%dma_wait3A_653 : memref<1024x128xf32, #tpu.memory_space<any>>)
    %dma_wait3A_658 = arith.constant 12 : i32
    %dma_wait3A_659 = arith.constant 12 : i32
    %dma_wait3A_660 = tpu.memref_slice %arg4[%dma_wait3A_659] : memref<16x!tpu.dma_semaphore, #tpu.memory_space<semaphore_mem>> -> memref<1x!tpu.dma_semaphore, #tpu.memory_space<semaphore_mem>>
    %dma_wait3A_661 = tpu.memref_squeeze %dma_wait3A_660 : memref<1x!tpu.dma_semaphore, #tpu.memory_space<semaphore_mem>> -> memref<!tpu.dma_semaphore, #tpu.memory_space<semaphore_mem>>
    %dma_wait3A_662 = arith.constant 12288 : i32
    %dma_wait3A_663 = arith.constant 0 : i32
    %dma_wait3A_664 = tpu.memref_slice %arg1[%dma_wait3A_662, %dma_wait3A_663] : memref<16384x128xf32, #tpu.memory_space<any>> -> memref<1024x128xf32, #tpu.memory_space<any>>
    %dma_wait3A_665 = arith.constant 0 : i32
    %dma_wait3A_666 = arith.constant 0 : i32
    %dma_wait3A_667 = tpu.memref_slice %arg2[%dma_wait3A_658, %dma_wait3A_665, %dma_wait3A_666] : memref<16x1024x128xf32, #tpu.memory_space<vmem>> -> memref<1x1024x128xf32, #tpu.memory_space<vmem>>
    %dma_wait3A_668 = tpu.memref_squeeze %dma_wait3A_667 : memref<1x1024x128xf32, #tpu.memory_space<vmem>> -> memref<1024x128xf32, #tpu.memory_space<vmem>>
    tpu.wait_dma2 semaphore(%dma_wait3A_661 : memref<!tpu.dma_semaphore, #tpu.memory_space<semaphore_mem>>) src(%dma_wait3A_668 : memref<1024x128xf32, #tpu.memory_space<vmem>>) dst(%dma_wait3A_664 : memref<1024x128xf32, #tpu.memory_space<any>>)
    %dma_wait3A_669 = arith.constant 13 : i32
    %dma_wait3A_670 = arith.constant 13 : i32
    %dma_wait3A_671 = tpu.memref_slice %arg4[%dma_wait3A_670] : memref<16x!tpu.dma_semaphore, #tpu.memory_space<semaphore_mem>> -> memref<1x!tpu.dma_semaphore, #tpu.memory_space<semaphore_mem>>
    %dma_wait3A_672 = tpu.memref_squeeze %dma_wait3A_671 : memref<1x!tpu.dma_semaphore, #tpu.memory_space<semaphore_mem>> -> memref<!tpu.dma_semaphore, #tpu.memory_space<semaphore_mem>>
    %dma_wait3A_673 = arith.constant 13312 : i32
    %dma_wait3A_674 = arith.constant 0 : i32
    %dma_wait3A_675 = tpu.memref_slice %arg1[%dma_wait3A_673, %dma_wait3A_674] : memref<16384x128xf32, #tpu.memory_space<any>> -> memref<1024x128xf32, #tpu.memory_space<any>>
    %dma_wait3A_676 = arith.constant 0 : i32
    %dma_wait3A_677 = arith.constant 0 : i32
    %dma_wait3A_678 = tpu.memref_slice %arg2[%dma_wait3A_669, %dma_wait3A_676, %dma_wait3A_677] : memref<16x1024x128xf32, #tpu.memory_space<vmem>> -> memref<1x1024x128xf32, #tpu.memory_space<vmem>>
    %dma_wait3A_679 = tpu.memref_squeeze %dma_wait3A_678 : memref<1x1024x128xf32, #tpu.memory_space<vmem>> -> memref<1024x128xf32, #tpu.memory_space<vmem>>
    tpu.wait_dma2 semaphore(%dma_wait3A_672 : memref<!tpu.dma_semaphore, #tpu.memory_space<semaphore_mem>>) src(%dma_wait3A_679 : memref<1024x128xf32, #tpu.memory_space<vmem>>) dst(%dma_wait3A_675 : memref<1024x128xf32, #tpu.memory_space<any>>)
    %dma_wait3A_680 = arith.constant 14 : i32
    %dma_wait3A_681 = arith.constant 14 : i32
    %dma_wait3A_682 = tpu.memref_slice %arg4[%dma_wait3A_681] : memref<16x!tpu.dma_semaphore, #tpu.memory_space<semaphore_mem>> -> memref<1x!tpu.dma_semaphore, #tpu.memory_space<semaphore_mem>>
    %dma_wait3A_683 = tpu.memref_squeeze %dma_wait3A_682 : memref<1x!tpu.dma_semaphore, #tpu.memory_space<semaphore_mem>> -> memref<!tpu.dma_semaphore, #tpu.memory_space<semaphore_mem>>
    %dma_wait3A_684 = arith.constant 14336 : i32
    %dma_wait3A_685 = arith.constant 0 : i32
    %dma_wait3A_686 = tpu.memref_slice %arg1[%dma_wait3A_684, %dma_wait3A_685] : memref<16384x128xf32, #tpu.memory_space<any>> -> memref<1024x128xf32, #tpu.memory_space<any>>
    %dma_wait3A_687 = arith.constant 0 : i32
    %dma_wait3A_688 = arith.constant 0 : i32
    %dma_wait3A_689 = tpu.memref_slice %arg2[%dma_wait3A_680, %dma_wait3A_687, %dma_wait3A_688] : memref<16x1024x128xf32, #tpu.memory_space<vmem>> -> memref<1x1024x128xf32, #tpu.memory_space<vmem>>
    %dma_wait3A_690 = tpu.memref_squeeze %dma_wait3A_689 : memref<1x1024x128xf32, #tpu.memory_space<vmem>> -> memref<1024x128xf32, #tpu.memory_space<vmem>>
    tpu.wait_dma2 semaphore(%dma_wait3A_683 : memref<!tpu.dma_semaphore, #tpu.memory_space<semaphore_mem>>) src(%dma_wait3A_690 : memref<1024x128xf32, #tpu.memory_space<vmem>>) dst(%dma_wait3A_686 : memref<1024x128xf32, #tpu.memory_space<any>>)
    %dma_wait3A_691 = arith.constant 15 : i32
    %dma_wait3A_692 = arith.constant 15 : i32
    %dma_wait3A_693 = tpu.memref_slice %arg4[%dma_wait3A_692] : memref<16x!tpu.dma_semaphore, #tpu.memory_space<semaphore_mem>> -> memref<1x!tpu.dma_semaphore, #tpu.memory_space<semaphore_mem>>
    %dma_wait3A_694 = tpu.memref_squeeze %dma_wait3A_693 : memref<1x!tpu.dma_semaphore, #tpu.memory_space<semaphore_mem>> -> memref<!tpu.dma_semaphore, #tpu.memory_space<semaphore_mem>>
    %dma_wait3A_695 = arith.constant 15360 : i32
    %dma_wait3A_696 = arith.constant 0 : i32
    %dma_wait3A_697 = tpu.memref_slice %arg1[%dma_wait3A_695, %dma_wait3A_696] : memref<16384x128xf32, #tpu.memory_space<any>> -> memref<1024x128xf32, #tpu.memory_space<any>>
    %dma_wait3A_698 = arith.constant 0 : i32
    %dma_wait3A_699 = arith.constant 0 : i32
    %dma_wait3A_700 = tpu.memref_slice %arg2[%dma_wait3A_691, %dma_wait3A_698, %dma_wait3A_699] : memref<16x1024x128xf32, #tpu.memory_space<vmem>> -> memref<1x1024x128xf32, #tpu.memory_space<vmem>>
    %dma_wait3A_701 = tpu.memref_squeeze %dma_wait3A_700 : memref<1x1024x128xf32, #tpu.memory_space<vmem>> -> memref<1024x128xf32, #tpu.memory_space<vmem>>
    tpu.wait_dma2 semaphore(%dma_wait3A_694 : memref<!tpu.dma_semaphore, #tpu.memory_space<semaphore_mem>>) src(%dma_wait3A_701 : memref<1024x128xf32, #tpu.memory_space<vmem>>) dst(%dma_wait3A_697 : memref<1024x128xf32, #tpu.memory_space<any>>)
    return
  }
}

</mosaic_0001>

<sc_bundles>
// kernel: kernel.5.cloned.1.call-start
scs
__scs_entry_jumppad:
0x0: {  	(pc) =	sbr.rel $0x88, $3  }
0x1: {  	(tag) =	ssettag $0x0;
	lr =	simm.s32 $0x1  }
0x2: {  	[smem:$0x3F9F] =	sst lr;
	_ =	strace $0xD0000000  }
0x3: {  	_ = 	snop  }
0x4: {  	_ = 	snop  }
0x5: {  	_ = 	snop  }
0x6: {  	_ = 	snop  }
0x7: {  	_ = 	snop  }
__scs_overlays_trampoline_lowered:
0x8: {  	[smem:$0x3FAE] =	sst s0  }
0x9: {  	[smem:$0x3FAF] =	sst s1  }
0xa: {  	[smem:$0x3FB0] =	sst s2  }
0xb: {  	[smem:$0x3FB1] =	sst s3  }
0xc: {  	[smem:$0x3FB2] =	sst s4  }
0xd: {  	[smem:$0x3FB3] =	sst s5  }
0xe: {  	[smem:$0x3FB4] =	sst s6  }
0xf: {  	[smem:$0x3FB5] =	sst s7  }
0x10: {  	[smem:$0x3FB6] =	sst s8  }
0x11: {  	[smem:$0x3FB7] =	sst s9;
	s0 =	simm.s32 @!p0 $0x0  }
0x12: {  	s1 =	sld [smem:$0x3F9D];
	s0 =	simm.s32 @p0 $0x1  }
0x13: {  	[smem:$0x3FB8] =	sst s0;
	s0 =	simm.s32 @!p1 $0x0  }
0x14: {  	s2 =	sld [smem:$0x3F9C];
	s0 =	simm.s32 @p1 $0x1  }
0x15: {  	[smem:$0x3FB9] =	sst s0;
	s0 =	simm.s32 @!p2 $0x0  }
0x16: {  	s3 =	sld [smem:$0x3FDB];
	s0 =	simm.s32 @p2 $0x1  }
0x17: {  	s4 =	simm.s32 $0x1BF5;
	[smem:$0x3FBB] =	sst s0  }
0x18: {  	s0 =	sld [smem:$0x3F9E];
	_ =	swait.ge [sflag:s4], $0x0  }
0x19: {  	s7 =	sld [smem:$0x3F9F]  }
0x1a: {  	s8 =	sadd.s32 $0xFFFFE003, lr  }
0x1b: {  	s9 =	sadd.s32 $0xFFFFFEF7, lr;
	s5 =	simm.s32 $0xFFFFFFFF;
	p2 =	slt.u32 s8, $0xFFFFF086  }
0x1c: {  	p1 =	slt.u32 s9, $0xF7A;
	s5 =	simm.s32 @!p2 $0x0  }
0x1d: {  	s5 =	simm.s32 @p1 $0x1;
	p0 =	seq.s32 s7, s2  }
0x1e: {  	s7 =	smul.u32 @!p0 $0xF7A, s2;
	p2 =	seq.s32 @!p0 s5, $0x0  }
0x1f: {  	s9 =	smul.u32 $0xF7A, s1;
	s8 =	simm.s32 @!p0 $0x1BF5;
	p2 =	por !p2, p0  }
0x20: {  	[sflag:s8] =	ssyncset.s32 @!p0 $0xFFFFF086;
	s6 =	sadd.s32 @!p0 s3, s7;
	s7 =	simm.s32 @!p0 $0x108  }
0x21: {  	s3 =	sadd.s32 s3, s9;
	s6 =	sadd.s32 @!p0 $0x88, s6;
	s7 =	simm.s32 @p2 $0x1082  }
0x22: {  	[simem:s7], [sflag:s8] =	dma.local @!p0 [hbm:s6], $0xF7A  }
0x23: {  	s9 =	sor.u32 $0xD0000000, s2;
	s6 =	simm.s32 $0x108;
	_ =	swait.ge @!p0 [sflag:s8], $0x0  }
0x24: {  	s3 =	sadd.s32 $0x88, s3;
	s6 =	simm.s32 @!p1 $0x1082;
	[sflag:s4] =	ssyncset.s32 $0xFFFFF086  }
0x25: {  	[simem:s6], [sflag:s4] =	dma.local [hbm:s3], $0xF7A  }
0x26: {  	[smem:$0x3F9F] =	sst s1;
	(tag) =	ssettag s2;
	_ =	strace s9  }
0x27: {  	s1 =	sld [smem:$0x3FAF]  }
0x28: {  	s2 =	sld [smem:$0x3FB0]  }
0x29: {  	s4 =	sld [smem:$0x3FB2]  }
0x2a: {  	p0 =	seq.s32 s5, $0x0;
	s5 =	sld [smem:$0x3FB3]  }
0x2b: {  	s6 =	sld [smem:$0x3FB4]  }
0x2c: {  	s7 =	sld [smem:$0x3FB5]  }
0x2d: {  	s3 =	simm.s32 $0x108;
	s8 =	sld [smem:$0x3FB6]  }
0x2e: {  	s3 =	simm.s32 @!p0 $0x1082;
	s9 =	sld [smem:$0x3FB7]  }
0x2f: {  	lr =	sadd.s32 s0, s3;
	s0 =	sld [smem:$0x3FAE]  }
0x30: {  	s3 =	sld [smem:$0x3FB1]  }
0x31: {  	[smem:$0x3FBA] =	sst s10  }
0x32: {  	s10 =	sld [smem:$0x3FB8];
	_ =	sdelay $0x3  }
0x33: {  	p0 =	seq.s32 s10, $0x1;
	s10 =	sld [smem:$0x3FBA];
	_ =	sdelay $0x3  }
0x34: {  	[smem:$0x3FBA] =	sst s10  }
0x35: {  	s10 =	sld [smem:$0x3FB9];
	_ =	sdelay $0x3  }
0x36: {  	p1 =	seq.s32 s10, $0x1;
	s10 =	sld [smem:$0x3FBA];
	_ =	sdelay $0x3  }
0x37: {  	[smem:$0x3FBA] =	sst s10  }
0x38: {  	s10 =	sld [smem:$0x3FBB]  }
0x39: {  	_ = 	snop;
	(pc) =	sbr.ind lr, $3  }
0x3a: {  	_ = 	snop  }
0x3b: {  	_ = 	snop  }
0x3c: {  	p2 =	seq.s32 s10, $0x1;
	s10 =	sld [smem:$0x3FBA]  }
0x3d: {  	_ =	shalt  }
0x3e: {  	_ =	shalt  }
0x3f: {  	_ =	shalt  }
0x40: {  	_ =	shalt  }
0x41: {  	_ =	shalt  }
0x42: {  	_ =	shalt  }
0x43: {  	_ =	shalt  }
0x44: {  	_ =	shalt  }
0x45: {  	_ =	shalt  }
0x46: {  	_ =	shalt  }
0x47: {  	_ =	shalt  }
0x48: {  	_ =	shalt  }
0x49: {  	_ =	shalt  }
0x4a: {  	_ =	shalt  }
0x4b: {  	_ =	shalt  }
0x4c: {  	_ =	shalt  }
0x4d: {  	_ =	shalt  }
0x4e: {  	_ =	shalt  }
0x4f: {  	_ =	shalt  }
0x50: {  	_ =	shalt  }
0x51: {  	_ =	shalt  }
0x52: {  	_ =	shalt  }
0x53: {  	_ =	shalt  }
0x54: {  	_ =	shalt  }
0x55: {  	_ =	shalt  }
0x56: {  	_ =	shalt  }
0x57: {  	_ =	shalt  }
0x58: {  	_ =	shalt  }
0x59: {  	_ =	shalt  }
0x5a: {  	_ =	shalt  }
0x5b: {  	_ =	shalt  }
0x5c: {  	_ =	shalt  }
0x5d: {  	_ =	shalt  }
0x5e: {  	_ =	shalt  }
0x5f: {  	_ =	shalt  }
0x60: {  	_ =	shalt  }
0x61: {  	_ =	shalt  }
0x62: {  	_ =	shalt  }
0x63: {  	_ =	shalt  }
0x64: {  	_ =	shalt  }
0x65: {  	_ =	shalt  }
0x66: {  	_ =	shalt  }
0x67: {  	_ =	shalt  }
0x68: {  	_ =	shalt  }
0x69: {  	_ =	shalt  }
0x6a: {  	_ =	shalt  }
0x6b: {  	_ =	shalt  }
0x6c: {  	_ =	shalt  }
0x6d: {  	_ =	shalt  }
0x6e: {  	_ =	shalt  }
0x6f: {  	_ =	shalt  }
0x70: {  	_ =	shalt  }
0x71: {  	_ =	shalt  }
0x72: {  	_ =	shalt  }
0x73: {  	_ =	shalt  }
0x74: {  	_ =	shalt  }
0x75: {  	_ =	shalt  }
0x76: {  	_ =	shalt  }
0x77: {  	_ =	shalt  }
0x78: {  	_ =	shalt  }
0x79: {  	_ =	shalt  }
0x7a: {  	_ =	shalt  }
0x7b: {  	_ =	shalt  }
0x7c: {  	_ =	shalt  }
0x7d: {  	_ =	shalt  }
0x7e: {  	_ =	shalt  }
0x7f: {  	_ =	shalt  }
0x80: {  	_ =	shalt  }
0x81: {  	_ =	shalt  }
0x82: {  	_ =	shalt  }
0x83: {  	_ =	shalt  }
0x84: {  	_ =	shalt  }
0x85: {  	_ =	shalt  }
0x86: {  	_ =	shalt  }
0x87: {  	_ =	shalt  }
.Lfunc_end0:
.L_simem_size_0:
called_computation_lowered:
.L_overlay_start_0:
0x88: {  	s2 =	sld [smem:$0x3FD9]  }
0x89: {  	s3 =	sld [smem:$0x3FFE];
	_ =	sdelay $0x1  }
0x8a: {  	s1 =	srdreg.scid  }
0x8b: {  	s0 =	sand.u32 $0x1, s1  }
0x8c: {  	s17 =	sshll.u32 s0, $0xA;
	s2 =	sadd.s32 s3, s2  }
0x8d: {  	s2 =	sadd.s32 s2, s17  }
0x8e: {  	[smem:$0x3FC6] =	sst s2  }
0x8f: {  	_ = 	snop  }
0x90: {  	s2 =	sld [smem:$0x3FC8];
	(tm) =	ssettm $0x1  }
0x91: {  	s18 =	sld [smem:$0x3FFB];
	_ =	sdelay $0x3  }
0x92: {  	_ =	strace s18  }
0x93: {  	s3 =	sld [smem:$0x3FFC];
	_ =	sdelay $0x3  }
0x94: {  	_ =	strace s3  }
0x95: {  	s3 =	sld [smem:$0x3FFD];
	_ =	sdelay $0x3  }
0x96: {  	_ =	strace s3  }
0x97: {  	_ =	strace $0x8FFFFFFF  }
0x98: {  	s19 =	sld [smem:$0x3FDB];
	_ =	sdelay $0x1  }
0x99: {  	s4 =	simm.s32 $_scs_section_size  }
0x9a: {  	s5 =	simm.s32 $_size__tile_overlayer_lowered;
	s6 =	simm.s32 $_tile_overlayer_lowered  }
0x9b: {  	s22 =	simm.s32 $0x1BFF;
	s21 =	sshll.u32 s6, $0x1;
	s3 =	sadd.s32 s4, s19  }
0x9c: {  	s7 =	simm.s32 $0x0;
	s20 =	sshll.u32 s5, $0x1;
	s5 =	sadd.s32 s21, s3  }
0x9d: {  	[timem:s7], [sflag:s22] =	dma.local [hbm:s5], s20  }
0x9e: {  	_ =	swait.ge [sflag:s22], s20  }
0x9f: {  	s4 =	ssub.s32 $0x0, s20;
	[sflag:s22] =	ssyncset.done $0x0  }
0xa0: {  	[sflag:s22] =	ssyncadd.s32 s4;
	_ =	sdelay $0x1  }
0xa1: {  	s23 =	simm.s32 $0x1B8B  }
0xa2: {  	_ =	swait.ge [sflag:s23], $0x1  }
0xa3: {  	[sflag:s23] =	ssyncset.done $0x0  }
0xa4: {  	s25 =	simm.s32 $0x1B8E;
	s24 =	sld [smem:$0x3FFE];
	[sflag:s23] =	ssyncadd.s32 $0xFFFFFFFF  }
0xa5: {  	s26 =	simm.s32 $execute0_lowered;
	[smem:$0x3FD2] =	sst s25  }
0xa6: {  	s5 =	sshll.u32 s26, $0x1;
	_ =	strace $0x80000046;
	[dreg:$0x1] =	wrdreg $0xFFFFFFFF  }
0xa7: {  	s28 =	simm.s32 $_size_execute0_lowered;
	s3 =	sadd.s32 s3, s5;
	[dreg:$0x0] =	wrdreg $0x0  }
0xa8: {  	s5 =	sshll.u32 s28, $0x1;
	[dreg:$0x2] =	wrdreg s3  }
0xa9: {  	[dreg:$0x3] =	wrdreg s5  }
0xaa: {  	[dreg:$0x4] =	wrdreg $0xC0  }
0xab: {  	_ =	task [dreg:s7], $0x5FFFF  }
0xac: {  	[dreg:$0x1] =	wrdreg $0xFFFFFFFF  }
0xad: {  	[dreg:$0x0] =	wrdreg $0x60  }
0xae: {  	[dreg:$0x2] =	wrdreg s2  }
0xaf: {  	[dreg:$0x3] =	wrdreg s24  }
0xb0: {  	[dreg:$0x4] =	wrdreg $0x9  }
0xb1: {  	_ =	task.clear_ibuf [dreg:s7], $0x5FFFF;
	_ =	strace $0x90000046  }
0xb2: {  	s29 =	simm.s32 $0x9;
	_ =	strace $0x80000048  }
0xb3: {  	_ =	swait.ge [sflag:s29], $0x1  }
0xb4: {  	[sflag:s29] =	ssyncadd.s32 $0xFFFFFFFF  }
0xb5: {  	_ =	strace $0x90000048  }
0xb6: {  	_ =	sfence  }
0xb7: {  	s30 =	sld [smem:$0x0];
	_ =	sdelay $0x2  }
0xb8: {  	s31 =	sshll.u32 s1, $0xD;
	s1 =	sshrl.u32 s1, $0x2  }
0xb9: {  	s3 =	sand.u32 $0x4000, s31;
	s1 =	sadd.s32 s1, s30  }
0xba: {  	s0 =	sor.u32 s3, s0;
	s1 =	sshll.u32 s1, $0x11  }
0xbb: {  	s0 =	sor.u32 s1, s0  }
0xbc: {  	s0 =	sadd.s32 $0x8F2B, s0  }
0xbd: {  	[sflag:s0] =	ssyncadd.remote.s32 $0x1  }
0xbe: {  	_ =	sfence.sel $0xFFFF  }
0xbf: {  	[dreg:$0x0] =	wrdreg $0xFFFFFFFF;
	(pc) =	sbr.abs _section_cstart, $3  }
0xc0: {  	[dreg:$0x1] =	wrdreg $0xFFFFFFFF  }
0xc1: {  	_ =	task.clear_ibuf [dreg:s7], $0x2FFFF;
	_ =	strace $0x9FFFFFFF  }
0xc2: {  	(tm) =	ssettm $0x7FFFFFFF  }
0xc3: {  	_ =	shalt  }
tec
execute0_lowered:
.L_overlay_start_1:
0x0: {  	(tag) =	ssettag $0x1  }
0x1: {  	s0 =	rddreg [dreg:$0x0]  }
0x2: {  	s1 =	rddreg [dreg:$0x1]  }
0x3: {  	s3 =	srdreg.scid;
	s4 =	stileid.u32;
	s2 =	simm.s32 $0x0  }
0x4: {  	s31 =	simm.s32 $0x1;
	s3 =	sand.u32 $0x1, s3;
	s4 =	sshll.u32 s4, $0x1  }
0x5: {  	s28 =	simm.s32 $0x6;
	s29 =	simm.s32 $0x7;
	s4 =	sor.u32 s3, s4  }
0x6: {  	s30 =	simm.s32 $0x8;
	s7 =	simm.s32 $0xC;
	s12 =	sshll.u32 s4, $0x9  }
0x7: {  	s8 =	simm.s32 $0xD;
	s5 =	ssub.s32 $0x2, s3;
	s3 =	sadd.s32 s0, s12  }
0x8: {  	s9 =	simm.s32 $0xE;
	[smem:$0x7FF] =	sst s2;
	s15 =	sadd.s32 $0x8000, s3  }
0x9: {  	_ =	strace $0x80000047;
	s16 =	sadd.s32 $0x10000, s3;
	[dreg:$0x3] =	wrdreg s15  }
0xa: {  	s10 =	simm.s32 $0xF;
	s17 =	sadd.s32 $0x18000, s3;
	[dreg:$0x4] =	wrdreg s16  }
0xb: {  	s11 =	simm.s32 $0x10;
	s18 =	sadd.s32 $0x80, s3;
	[dreg:$0x5] =	wrdreg s17  }
0xc: {  	s4 =	sshll.u32 s4, $0x4;
	s19 =	sadd.s32 $0x8080, s3;
	[dreg:$0x6] =	wrdreg s18  }
0xd: {  	s6 =	sshrl.u32 s5, $0x1;
	s20 =	sadd.s32 $0x10080, s3;
	[dreg:$0x7] =	wrdreg s19  }
0xe: {  	s13 =	sadd.s32 s4, s1;
	s21 =	sadd.s32 $0x18080, s3;
	[dreg:$0x8] =	wrdreg s20  }
0xf: {  	s14 =	ssub.s32 s5, s6;
	s22 =	sadd.s32 $0x100, s3;
	[dreg:$0x9] =	wrdreg s21  }
0x10: {  	s0 =	simm.s32 $0x2;
	s23 =	sadd.s32 $0x8100, s3;
	[dreg:$0xa] =	wrdreg s22  }
0x11: {  	s1 =	simm.s32 $0x3;
	s24 =	sadd.s32 $0x10100, s3;
	[dreg:$0xb] =	wrdreg s23  }
0x12: {  	s4 =	simm.s32 $0x9;
	s25 =	sadd.s32 $0x18100, s3;
	[dreg:$0xc] =	wrdreg s24  }
0x13: {  	s5 =	simm.s32 $0xA;
	s26 =	sadd.s32 $0x180, s3;
	[dreg:$0xd] =	wrdreg s25  }
0x14: {  	s6 =	simm.s32 $0xB;
	s12 =	simm.s32 $0x11;
	[dreg:$0xe] =	wrdreg s26  }
0x15: {  	s16 =	sadd.s32 $0x8180, s3;
	s17 =	sadd.s32 $0x10180, s3;
	s18 =	sadd.s32 $0x18180, s3  }
0x16: {  	s19 =	sadd.s32 $0x1000, s13;
	s20 =	sadd.s32 $0x1200, s13;
	s21 =	smax.u32 s14, $0x1  }
0x17: {  	v0 =	vimm.s32 $0x0;
	v1 =	vimm.s32 $0x10;
	s22 =	simm.s32 $0x400;
	s23 =	simm.s32 $0x20000;
	s24 =	simm.s32 $0x4  }
0x18: {  	v2 =	vimm.s32 $0x20;
	v3 =	vimm.s32 $0x30;
	v4 =	vimm.f32 $1.000000000e+00;
	s25 =	simm.s32 $0x8000;
	s26 =	simm.s32 $0x5;
	s13 =	simm.s32 $0x0  }
.LBB2_1:
0x19: {  	[tilespmem:s2], [sflag:$0x1] =	stream.strided.gather [hbm4b:s3+s22], $0x800, s23, s22, $0x38;
	[tilespmem:$0x8100] =	vst v63  }
0x1a: {  	s14 =	rddreg [dreg:$0x3];
	s15 =	simm.s32 $0x800  }
0x1b: {  	[tilespmem:s15], [sflag:$0x2] =	stream.strided.gather [hbm4b:s14+s22], $0x800, s23, s22, $0x38;
	[tilespmem:$0x8100] =	vst v63  }
0x1c: {  	s14 =	rddreg [dreg:$0x4];
	s15 =	simm.s32 $0x1000  }
0x1d: {  	[tilespmem:s15], [sflag:$0x3] =	stream.strided.gather [hbm4b:s14+s22], $0x800, s23, s22, $0x38;
	[tilespmem:$0x8100] =	vst v63  }
0x1e: {  	s14 =	rddreg [dreg:$0x5];
	s15 =	simm.s32 $0x1800  }
0x1f: {  	[tilespmem:s15], [sflag:$0x4] =	stream.strided.gather [hbm4b:s14+s22], $0x800, s23, s22, $0x38;
	[tilespmem:$0x8100] =	vst v63  }
0x20: {  	s14 =	rddreg [dreg:$0x6];
	s15 =	simm.s32 $0x2000  }
0x21: {  	[tilespmem:s15], [sflag:$0x5] =	stream.strided.gather [hbm4b:s14+s22], $0x800, s23, s22, $0x38;
	[tilespmem:$0x8100] =	vst v63  }
0x22: {  	s14 =	rddreg [dreg:$0x7];
	s15 =	simm.s32 $0x2800  }
0x23: {  	[tilespmem:s15], [sflag:$0x6] =	stream.strided.gather [hbm4b:s14+s22], $0x800, s23, s22, $0x38;
	[tilespmem:$0x8100] =	vst v63  }
0x24: {  	s14 =	rddreg [dreg:$0x8];
	s15 =	simm.s32 $0x3000  }
0x25: {  	[tilespmem:s15], [sflag:$0x7] =	stream.strided.gather [hbm4b:s14+s22], $0x800, s23, s22, $0x38;
	[tilespmem:$0x8100] =	vst v63  }
0x26: {  	s14 =	rddreg [dreg:$0x9];
	s15 =	simm.s32 $0x3800  }
0x27: {  	[tilespmem:s15], [sflag:$0x8] =	stream.strided.gather [hbm4b:s14+s22], $0x800, s23, s22, $0x38;
	[tilespmem:$0x8100] =	vst v63  }
0x28: {  	s14 =	rddreg [dreg:$0xa];
	s15 =	simm.s32 $0x4000  }
0x29: {  	[tilespmem:s15], [sflag:$0x9] =	stream.strided.gather [hbm4b:s14+s22], $0x800, s23, s22, $0x38;
	[tilespmem:$0x8100] =	vst v63  }
0x2a: {  	s14 =	rddreg [dreg:$0xb];
	s15 =	simm.s32 $0x4800  }
0x2b: {  	[tilespmem:s15], [sflag:$0xA] =	stream.strided.gather [hbm4b:s14+s22], $0x800, s23, s22, $0x38;
	[tilespmem:$0x8100] =	vst v63  }
0x2c: {  	s14 =	rddreg [dreg:$0xc];
	s15 =	simm.s32 $0x5000  }
0x2d: {  	[tilespmem:s15], [sflag:$0xB] =	stream.strided.gather [hbm4b:s14+s22], $0x800, s23, s22, $0x38;
	[tilespmem:$0x8100] =	vst v63  }
0x2e: {  	s14 =	rddreg [dreg:$0xd];
	s15 =	simm.s32 $0x5800  }
0x2f: {  	[tilespmem:s15], [sflag:$0xC] =	stream.strided.gather [hbm4b:s14+s22], $0x800, s23, s22, $0x38;
	[tilespmem:$0x8100] =	vst v63  }
0x30: {  	s14 =	rddreg [dreg:$0xe];
	s15 =	simm.s32 $0x6000  }
0x31: {  	[tilespmem:s15], [sflag:$0xD] =	stream.strided.gather [hbm4b:s14+s22], $0x800, s23, s22, $0x38;
	[tilespmem:$0x8100] =	vst v63  }
0x32: {  	s15 =	simm.s32 $0x6800  }
0x33: {  	[tilespmem:s15], [sflag:$0xE] =	stream.strided.gather [hbm4b:s16+s22], $0x800, s23, s22, $0x38;
	[tilespmem:$0x8100] =	vst v63  }
0x34: {  	s15 =	simm.s32 $0x7000  }
0x35: {  	[tilespmem:s15], [sflag:$0xF] =	stream.strided.gather [hbm4b:s17+s22], $0x800, s23, s22, $0x38;
	[tilespmem:$0x8100] =	vst v63  }
0x36: {  	s15 =	simm.s32 $0x7800  }
0x37: {  	v5 =	vimm.f32 $0.0e+00;
	[tilespmem:s15], [sflag:$0x10] =	stream.strided.gather [hbm4b:s18+s22], $0x800, s23, s22, $0x38;
	[tilespmem:$0x8100] =	vst v63  }
0x38: {  	[tilespmem:$0x8000] =	vst v5  }
0x39: {  	[tilespmem:$0x8010] =	vst v5  }
0x3a: {  	[tilespmem:$0x8020] =	vst v5  }
0x3b: {  	[tilespmem:$0x8030] =	vst v5  }
0x3c: {  	_ =	swait.ge [sflag:s31], $0x800  }
0x3d: {  	[sflag:s31] =	ssyncset.done $0x0  }
0x3e: {  	[sflag:s31] =	ssyncadd.s32 $0xFFFFF800  }
0x3f: {  	_ =	swait.ge [sflag:s0], $0x800  }
0x40: {  	[sflag:s0] =	ssyncset.done $0x0  }
0x41: {  	[sflag:s0] =	ssyncadd.s32 $0xFFFFF800  }
0x42: {  	_ =	swait.ge [sflag:s1], $0x800  }
0x43: {  	[sflag:s1] =	ssyncset.done $0x0  }
0x44: {  	[sflag:s1] =	ssyncadd.s32 $0xFFFFF800  }
0x45: {  	_ =	swait.ge [sflag:s24], $0x800  }
0x46: {  	[sflag:s24] =	ssyncset.done $0x0  }
0x47: {  	s14 =	simm.s32 $0xFFFFFE00;
	[sflag:s24] =	ssyncadd.s32 $0xFFFFF800  }
.LBB2_2:
0x48: {  	s15 =	sshra.s32 s14, $0x2  }
0x49: {  	v6 =	vld [tilespmem:s15+$0x80]  }
0x4a: {  	v7 =	vld [tilespmem:s15+$0x100]  }
0x4b: {  	v8 =	vld [tilespmem:s15+$0x180]  }
0x4c: {  	v9 =	vld [tilespmem:s15+$0x200]  }
0x4d: {  	v10 =	vld [tilespmem:s15+$0x280]  }
0x4e: {  	v24 =	vld [tilespmem:s15+$0x1080]  }
0x4f: {  	v41 =	vld [tilespmem:s15+$0x1880]  }
0x50: {  	v42 =	vld [tilespmem:s15+$0x1900]  }
0x51: {  	v25 =	vld [tilespmem:s15+$0x1100]  }
0x52: {  	v11 =	vld [tilespmem:s15+$0x300]  }
0x53: {  	v12 =	vld [tilespmem:s15+$0x380]  }
0x54: {  	v13 =	vld [tilespmem:s15+$0x400];
	vm0 =	vgt.f32 v7, v6  }
0x55: {  	v14 =	vld [tilespmem:s15+$0x480];
	v6 =	vmax.f32 v6, v7;
	vm1 =	vgt.f32 v42, v41;
	v15 =	vsel vm0, $0x1, v0  }
0x56: {  	v48 =	vld [tilespmem:s15+$0x580];
	vm4 =	vgt.f32 v8, v6;
	v6 =	vmax.f32 v6, v8;
	v8 =	vmax.f32 v24, v25  }
0x57: {  	v49 =	vld [tilespmem:s15+$0x600];
	v15 =	vsel vm4, $0x2, v15;
	vm5 =	vgt.f32 v9, v6;
	v6 =	vmax.f32 v6, v9  }
0x58: {  	v7 =	vld [tilespmem:s15+$0x500];
	v15 =	vsel vm5, $0x3, v15;
	vm6 =	vgt.f32 v10, v6;
	v6 =	vmax.f32 v6, v10  }
0x59: {  	v50 =	vld [tilespmem:s15+$0x680];
	v15 =	vsel vm6, $0x4, v15;
	vm7 =	vgt.f32 v11, v6;
	v6 =	vmax.f32 v6, v11  }
0x5a: {  	v51 =	vld [tilespmem:s15+$0x700];
	v15 =	vsel vm7, $0x5, v15;
	vm8 =	vgt.f32 v12, v6;
	v6 =	vmax.f32 v6, v12  }
0x5b: {  	v43 =	vld [tilespmem:s15+$0x1980];
	v15 =	vsel vm8, $0x6, v15;
	vm9 =	vgt.f32 v13, v6;
	v6 =	vmax.f32 v6, v13  }
0x5c: {  	v52 =	vld [tilespmem:s15+$0x780];
	v15 =	vsel vm9, $0x7, v15;
	vm10 =	vgt.f32 v14, v6;
	v6 =	vmax.f32 v6, v14  }
0x5d: {  	v54 =	vld [tilespmem:s15+$0x880];
	v15 =	vsel vm10, $0x8, v15;
	vm11 =	vgt.f32 v7, v6;
	v6 =	vmax.f32 v6, v7  }
0x5e: {  	v44 =	vld [tilespmem:s15+$0x1A00];
	v15 =	vsel vm11, $0x9, v15;
	vm12 =	vgt.f32 v48, v6;
	v6 =	vmax.f32 v6, v48  }
0x5f: {  	v7 =	vld [tilespmem:s15+$0x900];
	v48 =	vmax.f32 v41, v42;
	v15 =	vsel vm12, $0xA, v15;
	vm13 =	vgt.f32 v49, v6  }
0x60: {  	v53 =	vld [tilespmem:s15+$0x800];
	v6 =	vmax.f32 v6, v49;
	v11 =	vmax.f32 v48, v43;
	v15 =	vsel vm13, $0xB, v15  }
0x61: {  	v55 =	vld [tilespmem:s15+$0x980];
	vm14 =	vgt.f32 v50, v6;
	v6 =	vmax.f32 v6, v50;
	v50 =	vsel vm1, $0x31, v3  }
0x62: {  	v56 =	vld [tilespmem:s15+$0xA00];
	v15 =	vsel vm14, $0xC, v15;
	vm15 =	vgt.f32 v51, v6;
	v6 =	vmax.f32 v6, v51  }
0x63: {  	v57 =	vld [tilespmem:s15+$0xA80];
	v9 =	vmax.f32 v11, v44;
	v15 =	vsel vm15, $0xD, v15;
	vm4 =	vgt.f32 v52, v6  }
0x64: {  	v58 =	vld [tilespmem:s15+$0xB00];
	v12 =	vmax.f32 v6, v52;
	vm6 =	vgt.f32 v7, v54;
	v7 =	vmax.f32 v54, v7  }
0x65: {  	v6 =	vsel vm4, $0xE, v15;
	vm5 =	vgt.f32 v53, v12;
	v17 =	vsel vm6, $0x11, v1  }
0x66: {  	v16 =	vld [tilespmem:s15+$0xB80];
	vm7 =	vgt.f32 v55, v7;
	v7 =	vmax.f32 v7, v55;
	v12 =	vmax.f32 v12, v53  }
0x67: {  	v26 =	vld [tilespmem:s15+$0x1180];
	v17 =	vsel vm7, $0x12, v17;
	vm8 =	vgt.f32 v56, v7;
	v7 =	vmax.f32 v7, v56  }
0x68: {  	v59 =	vld [tilespmem:s15+$0xC00];
	v17 =	vsel vm8, $0x13, v17;
	vm9 =	vgt.f32 v57, v7;
	v7 =	vmax.f32 v7, v57  }
0x69: {  	v27 =	vld [tilespmem:s15+$0x1200];
	v6 =	vsel vm5, $0xF, v6;
	v17 =	vsel vm9, $0x14, v17;
	vm10 =	vgt.f32 v58, v7  }
0x6a: {  	v60 =	vld [tilespmem:s15+$0xC80];
	v7 =	vmax.f32 v7, v58;
	vm9 =	vgt.f32 v25, v24;
	v17 =	vsel vm10, $0x15, v17  }
0x6b: {  	v28 =	vld [tilespmem:s15+$0x1280];
	vm11 =	vgt.f32 v16, v7;
	v7 =	vmax.f32 v7, v16;
	v18 =	vsel vm9, $0x21, v2  }
0x6c: {  	v61 =	vld [tilespmem:s15+$0xD00];
	vm10 =	vgt.f32 v26, v8;
	v8 =	vmax.f32 v8, v26;
	v17 =	vsel vm11, $0x16, v17  }
0x6d: {  	v29 =	vld [tilespmem:s15+$0x1300];
	vm12 =	vgt.f32 v59, v7;
	v7 =	vmax.f32 v7, v59;
	v18 =	vsel vm10, $0x22, v18  }
0x6e: {  	v62 =	vld [tilespmem:s15+$0xD80];
	vm11 =	vgt.f32 v27, v8;
	v8 =	vmax.f32 v8, v27;
	v17 =	vsel vm12, $0x17, v17  }
0x6f: {  	v63 =	vld [tilespmem:s15+$0xE00];
	vm13 =	vgt.f32 v60, v7;
	v7 =	vmax.f32 v7, v60;
	v18 =	vsel vm11, $0x23, v18  }
0x70: {  	v31 =	vld [tilespmem:s15+$0x1380];
	vm12 =	vgt.f32 v28, v8;
	v8 =	vmax.f32 v8, v28;
	vm11 =	vgt.f32 v43, v48  }
0x71: {  	v45 =	vld [tilespmem:s15+$0x1A80];
	v17 =	vsel vm13, $0x18, v17;
	vm14 =	vgt.f32 v61, v7;
	v7 =	vmax.f32 v7, v61  }
0x72: {  	v20 =	vld [tilespmem:s15+$0xE80];
	v18 =	vsel vm12, $0x24, v18;
	vm13 =	vgt.f32 v29, v8;
	v8 =	vmax.f32 v8, v29  }
0x73: {  	v32 =	vld [tilespmem:s15+$0x1400];
	v16 =	vsel vm11, $0x32, v50;
	vm12 =	vgt.f32 v44, v11;
	v17 =	vsel vm14, $0x19, v17  }
0x74: {  	v47 =	vld [tilespmem:s15+$0x1B00];
	vm15 =	vgt.f32 v62, v7;
	v7 =	vmax.f32 v7, v62;
	v18 =	vsel vm13, $0x25, v18  }
0x75: {  	v21 =	vld [tilespmem:s15+$0xF00];
	vm14 =	vgt.f32 v31, v8;
	v8 =	vmax.f32 v8, v31;
	v16 =	vsel vm12, $0x33, v16  }
0x76: {  	v33 =	vld [tilespmem:s15+$0x1480];
	vm13 =	vgt.f32 v45, v9;
	v9 =	vmax.f32 v9, v45;
	v17 =	vsel vm15, $0x1A, v17  }
0x77: {  	v49 =	vld [tilespmem:s15+$0x1B80];
	vm4 =	vgt.f32 v63, v7;
	v7 =	vmax.f32 v7, v63;
	v18 =	vsel vm14, $0x26, v18  }
0x78: {  	v22 =	vld [tilespmem:s15+$0xF80];
	vm15 =	vgt.f32 v32, v8;
	v8 =	vmax.f32 v8, v32;
	v16 =	vsel vm13, $0x34, v16  }
0x79: {  	v34 =	vld [tilespmem:s15+$0x1500];
	vm14 =	vgt.f32 v47, v9;
	v9 =	vmax.f32 v9, v47;
	v17 =	vsel vm4, $0x1B, v17  }
0x7a: {  	v51 =	vld [tilespmem:s15+$0x1C00];
	vm5 =	vgt.f32 v20, v7;
	v7 =	vmax.f32 v7, v20;
	v18 =	vsel vm15, $0x27, v18  }
0x7b: {  	v23 =	vld [tilespmem:s15+$0x1000];
	vm4 =	vgt.f32 v33, v8;
	v8 =	vmax.f32 v8, v33;
	v16 =	vsel vm14, $0x35, v16  }
0x7c: {  	v35 =	vld [tilespmem:s15+$0x1580];
	vm15 =	vgt.f32 v49, v9;
	v9 =	vmax.f32 v9, v49;
	v17 =	vsel vm5, $0x1C, v17  }
0x7d: {  	v52 =	vld [tilespmem:s15+$0x1C80];
	vm6 =	vgt.f32 v21, v7;
	v7 =	vmax.f32 v7, v21;
	v18 =	vsel vm4, $0x28, v18  }
0x7e: {  	v36 =	vld [tilespmem:s15+$0x1600];
	vm5 =	vgt.f32 v34, v8;
	v8 =	vmax.f32 v8, v34;
	v16 =	vsel vm15, $0x36, v16  }
0x7f: {  	vm4 =	vgt.f32 v51, v9;
	v9 =	vmax.f32 v9, v51;
	v17 =	vsel vm6, $0x1D, v17  }
0x80: {  	v53 =	vld [tilespmem:s15+$0x1D00];
	vm7 =	vgt.f32 v22, v7;
	v7 =	vmax.f32 v7, v22;
	v18 =	vsel vm5, $0x29, v18  }
0x81: {  	v37 =	vld [tilespmem:s15+$0x1680];
	vm6 =	vgt.f32 v35, v8;
	v8 =	vmax.f32 v8, v35;
	v16 =	vsel vm4, $0x37, v16  }
0x82: {  	v54 =	vld [tilespmem:s15+$0x1D80];
	vm5 =	vgt.f32 v52, v9;
	v9 =	vmax.f32 v9, v52;
	v30 =	vsel vm7, $0x1E, v17  }
0x83: {  	vm8 =	vgt.f32 v23, v7;
	v18 =	vsel vm6, $0x2A, v18;
	vm7 =	vgt.f32 v36, v8  }
0x84: {  	v38 =	vld [tilespmem:s15+$0x1700];
	v8 =	vmax.f32 v8, v36;
	v7 =	vmax.f32 v7, v23;
	v16 =	vsel vm5, $0x38, v16  }
0x85: {  	v55 =	vld [tilespmem:s15+$0x1E00];
	vm6 =	vgt.f32 v53, v9;
	v9 =	vmax.f32 v9, v53;
	v13 =	vsel vm8, $0x1F, v30  }
0x86: {  	v39 =	vld [tilespmem:s15+$0x1780];
	v18 =	vsel vm7, $0x2B, v18;
	vm8 =	vgt.f32 v37, v8;
	v8 =	vmax.f32 v8, v37  }
0x87: {  	v56 =	vld [tilespmem:s15+$0x1E80];
	v16 =	vsel vm6, $0x39, v16;
	vm7 =	vgt.f32 v54, v9;
	v9 =	vmax.f32 v9, v54  }
0x88: {  	v40 =	vld [tilespmem:s15+$0x1800];
	vm13 =	vgt.f32 v7, v12;
	v7 =	vmax.f32 v12, v7;
	v18 =	vsel vm8, $0x2C, v18  }
0x89: {  	v57 =	vld [tilespmem:s15+$0x1F00];
	vm9 =	vgt.f32 v38, v8;
	v8 =	vmax.f32 v8, v38;
	v16 =	vsel vm7, $0x3A, v16  }
0x8a: {  	v58 =	vld [tilespmem:s15+$0x1F80];
	vm8 =	vgt.f32 v55, v9;
	v9 =	vmax.f32 v9, v55;
	v6 =	vsel vm13, v13, v6  }
0x8b: {  	v18 =	vsel vm9, $0x2D, v18;
	vm10 =	vgt.f32 v39, v8;
	v8 =	vmax.f32 v8, v39  }
0x8c: {  	v59 =	vld [tilespmem:s15+$0x2000];
	v60 =	vsel vm8, $0x3B, v16;
	vm9 =	vgt.f32 v56, v9;
	v9 =	vmax.f32 v9, v56  }
0x8d: {  	v46 =	vsel vm10, $0x2E, v18;
	vm0 =	vgt.f32 v40, v8;
	v8 =	vmax.f32 v8, v40  }
0x8e: {  	v15 =	vsel vm9, $0x3C, v60;
	vm10 =	vgt.f32 v57, v9;
	v9 =	vmax.f32 v9, v57  }
0x8f: {  	v61 =	vsel vm10, $0x3D, v15;
	vm11 =	vgt.f32 v58, v9;
	v9 =	vmax.f32 v9, v58  }
0x90: {  	v62 =	vsel vm0, $0x2F, v46;
	vm14 =	vgt.f32 v8, v7;
	v7 =	vmax.f32 v7, v8  }
0x91: {  	v11 =	vsel vm11, $0x3E, v61;
	vm12 =	vgt.f32 v59, v9;
	v9 =	vmax.f32 v9, v59  }
0x92: {  	v6 =	vsel vm14, v62, v6;
	v63 =	vsel vm12, $0x3F, v11;
	vm15 =	vgt.f32 v9, v7  }
0x93: {  	p0 =	sne.s32 s14, $0xFFFFFFC0;
	v6 =	vsel vm15, v63, v6  }
.Ltmp0:
0x94: {  	_ = 	snop;
	(pc) =	sbr.rel @p0 .LBB2_2-.Ltmp0, $3  }
0x95: {  	_ =	sdelay $0x1  }
0x96: {  	v7 =	vmax.f32 v7, v9  }
0x97: {  	s14 =	sadd.s32 $0x40, s14;
	v5 =	vadd.f32 v7, v5;
	[tilespmem:v6+s25+$0x0] =	vst.idx.msk $0xffff, v4  }
0x98: {  	_ =	swait.ge [sflag:s26], $0x800  }
0x99: {  	[sflag:s26] =	ssyncset.done $0x0  }
0x9a: {  	[sflag:s26] =	ssyncadd.s32 $0xFFFFF800  }
0x9b: {  	_ =	swait.ge [sflag:s28], $0x800  }
0x9c: {  	[sflag:s28] =	ssyncset.done $0x0  }
0x9d: {  	[sflag:s28] =	ssyncadd.s32 $0xFFFFF800  }
0x9e: {  	_ =	swait.ge [sflag:s29], $0x800  }
0x9f: {  	[sflag:s29] =	ssyncset.done $0x0  }
0xa0: {  	[sflag:s29] =	ssyncadd.s32 $0xFFFFF800  }
0xa1: {  	_ =	swait.ge [sflag:s30], $0x800  }
0xa2: {  	[sflag:s30] =	ssyncset.done $0x0  }
0xa3: {  	s14 =	simm.s32 $0xFFFFFE00;
	[sflag:s30] =	ssyncadd.s32 $0xFFFFF800  }
.LBB2_4:
0xa4: {  	s15 =	sshra.s32 s14, $0x2  }
0xa5: {  	v6 =	vld [tilespmem:s15+$0x2080]  }
0xa6: {  	v7 =	vld [tilespmem:s15+$0x2100]  }
0xa7: {  	v8 =	vld [tilespmem:s15+$0x2180]  }
0xa8: {  	v9 =	vld [tilespmem:s15+$0x2200]  }
0xa9: {  	v10 =	vld [tilespmem:s15+$0x2280]  }
0xaa: {  	v24 =	vld [tilespmem:s15+$0x3080]  }
0xab: {  	v41 =	vld [tilespmem:s15+$0x3880]  }
0xac: {  	v42 =	vld [tilespmem:s15+$0x3900]  }
0xad: {  	v25 =	vld [tilespmem:s15+$0x3100]  }
0xae: {  	v11 =	vld [tilespmem:s15+$0x2300]  }
0xaf: {  	v12 =	vld [tilespmem:s15+$0x2380]  }
0xb0: {  	v13 =	vld [tilespmem:s15+$0x2400];
	vm0 =	vgt.f32 v7, v6  }
0xb1: {  	v14 =	vld [tilespmem:s15+$0x2480];
	v6 =	vmax.f32 v6, v7;
	vm1 =	vgt.f32 v42, v41;
	v15 =	vsel vm0, $0x1, v0  }
0xb2: {  	v48 =	vld [tilespmem:s15+$0x2580];
	vm4 =	vgt.f32 v8, v6;
	v6 =	vmax.f32 v6, v8;
	v8 =	vmax.f32 v24, v25  }
0xb3: {  	v49 =	vld [tilespmem:s15+$0x2600];
	v15 =	vsel vm4, $0x2, v15;
	vm5 =	vgt.f32 v9, v6;
	v6 =	vmax.f32 v6, v9  }
0xb4: {  	v7 =	vld [tilespmem:s15+$0x2500];
	v15 =	vsel vm5, $0x3, v15;
	vm6 =	vgt.f32 v10, v6;
	v6 =	vmax.f32 v6, v10  }
0xb5: {  	v50 =	vld [tilespmem:s15+$0x2680];
	v15 =	vsel vm6, $0x4, v15;
	vm7 =	vgt.f32 v11, v6;
	v6 =	vmax.f32 v6, v11  }
0xb6: {  	v51 =	vld [tilespmem:s15+$0x2700];
	v15 =	vsel vm7, $0x5, v15;
	vm8 =	vgt.f32 v12, v6;
	v6 =	vmax.f32 v6, v12  }
0xb7: {  	v43 =	vld [tilespmem:s15+$0x3980];
	v15 =	vsel vm8, $0x6, v15;
	vm9 =	vgt.f32 v13, v6;
	v6 =	vmax.f32 v6, v13  }
0xb8: {  	v52 =	vld [tilespmem:s15+$0x2780];
	v15 =	vsel vm9, $0x7, v15;
	vm10 =	vgt.f32 v14, v6;
	v6 =	vmax.f32 v6, v14  }
0xb9: {  	v54 =	vld [tilespmem:s15+$0x2880];
	v15 =	vsel vm10, $0x8, v15;
	vm11 =	vgt.f32 v7, v6;
	v6 =	vmax.f32 v6, v7  }
0xba: {  	v44 =	vld [tilespmem:s15+$0x3A00];
	v15 =	vsel vm11, $0x9, v15;
	vm12 =	vgt.f32 v48, v6;
	v6 =	vmax.f32 v6, v48  }
0xbb: {  	v7 =	vld [tilespmem:s15+$0x2900];
	v48 =	vmax.f32 v41, v42;
	v15 =	vsel vm12, $0xA, v15;
	vm13 =	vgt.f32 v49, v6  }
0xbc: {  	v53 =	vld [tilespmem:s15+$0x2800];
	v6 =	vmax.f32 v6, v49;
	v11 =	vmax.f32 v48, v43;
	v15 =	vsel vm13, $0xB, v15  }
0xbd: {  	v55 =	vld [tilespmem:s15+$0x2980];
	vm14 =	vgt.f32 v50, v6;
	v6 =	vmax.f32 v6, v50;
	v50 =	vsel vm1, $0x31, v3  }
0xbe: {  	v56 =	vld [tilespmem:s15+$0x2A00];
	v15 =	vsel vm14, $0xC, v15;
	vm15 =	vgt.f32 v51, v6;
	v6 =	vmax.f32 v6, v51  }
0xbf: {  	v57 =	vld [tilespmem:s15+$0x2A80];
	v9 =	vmax.f32 v11, v44;
	v15 =	vsel vm15, $0xD, v15;
	vm4 =	vgt.f32 v52, v6  }
0xc0: {  	v58 =	vld [tilespmem:s15+$0x2B00];
	v12 =	vmax.f32 v6, v52;
	vm6 =	vgt.f32 v7, v54;
	v7 =	vmax.f32 v54, v7  }
0xc1: {  	v6 =	vsel vm4, $0xE, v15;
	vm5 =	vgt.f32 v53, v12;
	v17 =	vsel vm6, $0x11, v1  }
0xc2: {  	v16 =	vld [tilespmem:s15+$0x2B80];
	vm7 =	vgt.f32 v55, v7;
	v7 =	vmax.f32 v7, v55;
	v12 =	vmax.f32 v12, v53  }
0xc3: {  	v26 =	vld [tilespmem:s15+$0x3180];
	v17 =	vsel vm7, $0x12, v17;
	vm8 =	vgt.f32 v56, v7;
	v7 =	vmax.f32 v7, v56  }
0xc4: {  	v59 =	vld [tilespmem:s15+$0x2C00];
	v17 =	vsel vm8, $0x13, v17;
	vm9 =	vgt.f32 v57, v7;
	v7 =	vmax.f32 v7, v57  }
0xc5: {  	v27 =	vld [tilespmem:s15+$0x3200];
	v6 =	vsel vm5, $0xF, v6;
	v17 =	vsel vm9, $0x14, v17;
	vm10 =	vgt.f32 v58, v7  }
0xc6: {  	v60 =	vld [tilespmem:s15+$0x2C80];
	v7 =	vmax.f32 v7, v58;
	vm9 =	vgt.f32 v25, v24;
	v17 =	vsel vm10, $0x15, v17  }
0xc7: {  	v28 =	vld [tilespmem:s15+$0x3280];
	vm11 =	vgt.f32 v16, v7;
	v7 =	vmax.f32 v7, v16;
	v18 =	vsel vm9, $0x21, v2  }
0xc8: {  	v61 =	vld [tilespmem:s15+$0x2D00];
	vm10 =	vgt.f32 v26, v8;
	v8 =	vmax.f32 v8, v26;
	v17 =	vsel vm11, $0x16, v17  }
0xc9: {  	v29 =	vld [tilespmem:s15+$0x3300];
	vm12 =	vgt.f32 v59, v7;
	v7 =	vmax.f32 v7, v59;
	v18 =	vsel vm10, $0x22, v18  }
0xca: {  	v62 =	vld [tilespmem:s15+$0x2D80];
	vm11 =	vgt.f32 v27, v8;
	v8 =	vmax.f32 v8, v27;
	v17 =	vsel vm12, $0x17, v17  }
0xcb: {  	v63 =	vld [tilespmem:s15+$0x2E00];
	vm13 =	vgt.f32 v60, v7;
	v7 =	vmax.f32 v7, v60;
	v18 =	vsel vm11, $0x23, v18  }
0xcc: {  	v31 =	vld [tilespmem:s15+$0x3380];
	vm12 =	vgt.f32 v28, v8;
	v8 =	vmax.f32 v8, v28;
	vm11 =	vgt.f32 v43, v48  }
0xcd: {  	v45 =	vld [tilespmem:s15+$0x3A80];
	v17 =	vsel vm13, $0x18, v17;
	vm14 =	vgt.f32 v61, v7;
	v7 =	vmax.f32 v7, v61  }
0xce: {  	v20 =	vld [tilespmem:s15+$0x2E80];
	v18 =	vsel vm12, $0x24, v18;
	vm13 =	vgt.f32 v29, v8;
	v8 =	vmax.f32 v8, v29  }
0xcf: {  	v32 =	vld [tilespmem:s15+$0x3400];
	v16 =	vsel vm11, $0x32, v50;
	vm12 =	vgt.f32 v44, v11;
	v17 =	vsel vm14, $0x19, v17  }
0xd0: {  	v47 =	vld [tilespmem:s15+$0x3B00];
	vm15 =	vgt.f32 v62, v7;
	v7 =	vmax.f32 v7, v62;
	v18 =	vsel vm13, $0x25, v18  }
0xd1: {  	v21 =	vld [tilespmem:s15+$0x2F00];
	vm14 =	vgt.f32 v31, v8;
	v8 =	vmax.f32 v8, v31;
	v16 =	vsel vm12, $0x33, v16  }
0xd2: {  	v33 =	vld [tilespmem:s15+$0x3480];
	vm13 =	vgt.f32 v45, v9;
	v9 =	vmax.f32 v9, v45;
	v17 =	vsel vm15, $0x1A, v17  }
0xd3: {  	v49 =	vld [tilespmem:s15+$0x3B80];
	vm4 =	vgt.f32 v63, v7;
	v7 =	vmax.f32 v7, v63;
	v18 =	vsel vm14, $0x26, v18  }
0xd4: {  	v22 =	vld [tilespmem:s15+$0x2F80];
	vm15 =	vgt.f32 v32, v8;
	v8 =	vmax.f32 v8, v32;
	v16 =	vsel vm13, $0x34, v16  }
0xd5: {  	v34 =	vld [tilespmem:s15+$0x3500];
	vm14 =	vgt.f32 v47, v9;
	v9 =	vmax.f32 v9, v47;
	v17 =	vsel vm4, $0x1B, v17  }
0xd6: {  	v51 =	vld [tilespmem:s15+$0x3C00];
	vm5 =	vgt.f32 v20, v7;
	v7 =	vmax.f32 v7, v20;
	v18 =	vsel vm15, $0x27, v18  }
0xd7: {  	v23 =	vld [tilespmem:s15+$0x3000];
	vm4 =	vgt.f32 v33, v8;
	v8 =	vmax.f32 v8, v33;
	v16 =	vsel vm14, $0x35, v16  }
0xd8: {  	v35 =	vld [tilespmem:s15+$0x3580];
	vm15 =	vgt.f32 v49, v9;
	v9 =	vmax.f32 v9, v49;
	v17 =	vsel vm5, $0x1C, v17  }
0xd9: {  	v52 =	vld [tilespmem:s15+$0x3C80];
	vm6 =	vgt.f32 v21, v7;
	v7 =	vmax.f32 v7, v21;
	v18 =	vsel vm4, $0x28, v18  }
0xda: {  	v36 =	vld [tilespmem:s15+$0x3600];
	vm5 =	vgt.f32 v34, v8;
	v8 =	vmax.f32 v8, v34;
	v16 =	vsel vm15, $0x36, v16  }
0xdb: {  	vm4 =	vgt.f32 v51, v9;
	v9 =	vmax.f32 v9, v51;
	v17 =	vsel vm6, $0x1D, v17  }
0xdc: {  	v53 =	vld [tilespmem:s15+$0x3D00];
	vm7 =	vgt.f32 v22, v7;
	v7 =	vmax.f32 v7, v22;
	v18 =	vsel vm5, $0x29, v18  }
0xdd: {  	v37 =	vld [tilespmem:s15+$0x3680];
	vm6 =	vgt.f32 v35, v8;
	v8 =	vmax.f32 v8, v35;
	v16 =	vsel vm4, $0x37, v16  }
0xde: {  	v54 =	vld [tilespmem:s15+$0x3D80];
	vm5 =	vgt.f32 v52, v9;
	v9 =	vmax.f32 v9, v52;
	v30 =	vsel vm7, $0x1E, v17  }
0xdf: {  	vm8 =	vgt.f32 v23, v7;
	v18 =	vsel vm6, $0x2A, v18;
	vm7 =	vgt.f32 v36, v8  }
0xe0: {  	v38 =	vld [tilespmem:s15+$0x3700];
	v8 =	vmax.f32 v8, v36;
	v7 =	vmax.f32 v7, v23;
	v16 =	vsel vm5, $0x38, v16  }
0xe1: {  	v55 =	vld [tilespmem:s15+$0x3E00];
	vm6 =	vgt.f32 v53, v9;
	v9 =	vmax.f32 v9, v53;
	v13 =	vsel vm8, $0x1F, v30  }
0xe2: {  	v39 =	vld [tilespmem:s15+$0x3780];
	v18 =	vsel vm7, $0x2B, v18;
	vm8 =	vgt.f32 v37, v8;
	v8 =	vmax.f32 v8, v37  }
0xe3: {  	v56 =	vld [tilespmem:s15+$0x3E80];
	v16 =	vsel vm6, $0x39, v16;
	vm7 =	vgt.f32 v54, v9;
	v9 =	vmax.f32 v9, v54  }
0xe4: {  	v40 =	vld [tilespmem:s15+$0x3800];
	vm13 =	vgt.f32 v7, v12;
	v7 =	vmax.f32 v12, v7;
	v18 =	vsel vm8, $0x2C, v18  }
0xe5: {  	v57 =	vld [tilespmem:s15+$0x3F00];
	vm9 =	vgt.f32 v38, v8;
	v8 =	vmax.f32 v8, v38;
	v16 =	vsel vm7, $0x3A, v16  }
0xe6: {  	v58 =	vld [tilespmem:s15+$0x3F80];
	vm8 =	vgt.f32 v55, v9;
	v9 =	vmax.f32 v9, v55;
	v6 =	vsel vm13, v13, v6  }
0xe7: {  	v18 =	vsel vm9, $0x2D, v18;
	vm10 =	vgt.f32 v39, v8;
	v8 =	vmax.f32 v8, v39  }
0xe8: {  	v59 =	vld [tilespmem:s15+$0x4000];
	v60 =	vsel vm8, $0x3B, v16;
	vm9 =	vgt.f32 v56, v9;
	v9 =	vmax.f32 v9, v56  }
0xe9: {  	v46 =	vsel vm10, $0x2E, v18;
	vm0 =	vgt.f32 v40, v8;
	v8 =	vmax.f32 v8, v40  }
0xea: {  	v15 =	vsel vm9, $0x3C, v60;
	vm10 =	vgt.f32 v57, v9;
	v9 =	vmax.f32 v9, v57  }
0xeb: {  	v61 =	vsel vm10, $0x3D, v15;
	vm11 =	vgt.f32 v58, v9;
	v9 =	vmax.f32 v9, v58  }
0xec: {  	v62 =	vsel vm0, $0x2F, v46;
	vm14 =	vgt.f32 v8, v7;
	v7 =	vmax.f32 v7, v8  }
0xed: {  	v11 =	vsel vm11, $0x3E, v61;
	vm12 =	vgt.f32 v59, v9;
	v9 =	vmax.f32 v9, v59  }
0xee: {  	v6 =	vsel vm14, v62, v6;
	v63 =	vsel vm12, $0x3F, v11;
	vm15 =	vgt.f32 v9, v7  }
0xef: {  	p0 =	sne.s32 s14, $0xFFFFFFC0;
	v6 =	vsel vm15, v63, v6  }
.Ltmp1:
0xf0: {  	_ = 	snop;
	(pc) =	sbr.rel @p0 .LBB2_4-.Ltmp1, $3  }
0xf1: {  	_ =	sdelay $0x1  }
0xf2: {  	v7 =	vmax.f32 v7, v9  }
0xf3: {  	s14 =	sadd.s32 $0x40, s14;
	v5 =	vadd.f32 v7, v5;
	[tilespmem:v6+s25+$0x0] =	vst.idx.msk $0xffff, v4  }
0xf4: {  	_ =	swait.ge [sflag:s4], $0x800  }
0xf5: {  	[sflag:s4] =	ssyncset.done $0x0  }
0xf6: {  	[sflag:s4] =	ssyncadd.s32 $0xFFFFF800  }
0xf7: {  	_ =	swait.ge [sflag:s5], $0x800  }
0xf8: {  	[sflag:s5] =	ssyncset.done $0x0  }
0xf9: {  	[sflag:s5] =	ssyncadd.s32 $0xFFFFF800  }
0xfa: {  	_ =	swait.ge [sflag:s6], $0x800  }
0xfb: {  	[sflag:s6] =	ssyncset.done $0x0  }
0xfc: {  	[sflag:s6] =	ssyncadd.s32 $0xFFFFF800  }
0xfd: {  	_ =	swait.ge [sflag:s7], $0x800  }
0xfe: {  	[sflag:s7] =	ssyncset.done $0x0  }
0xff: {  	s14 =	simm.s32 $0x0;
	[sflag:s7] =	ssyncadd.s32 $0xFFFFF800  }
.LBB2_6:
0x100: {  	s15 =	sshra.s32 s14, $0x2  }
0x101: {  	v6 =	vld [tilespmem:s15+$0x4000]  }
0x102: {  	v7 =	vld [tilespmem:s15+$0x4080]  }
0x103: {  	v8 =	vld [tilespmem:s15+$0x4100]  }
0x104: {  	v9 =	vld [tilespmem:s15+$0x4180]  }
0x105: {  	v10 =	vld [tilespmem:s15+$0x4200]  }
0x106: {  	v24 =	vld [tilespmem:s15+$0x5000]  }
0x107: {  	v41 =	vld [tilespmem:s15+$0x5800]  }
0x108: {  	v42 =	vld [tilespmem:s15+$0x5880]  }
0x109: {  	v25 =	vld [tilespmem:s15+$0x5080]  }
0x10a: {  	v11 =	vld [tilespmem:s15+$0x4280]  }
0x10b: {  	v12 =	vld [tilespmem:s15+$0x4300]  }
0x10c: {  	v13 =	vld [tilespmem:s15+$0x4380];
	vm0 =	vgt.f32 v7, v6  }
0x10d: {  	v14 =	vld [tilespmem:s15+$0x4400];
	v6 =	vmax.f32 v6, v7;
	vm1 =	vgt.f32 v42, v41;
	v15 =	vsel vm0, $0x1, v0  }
0x10e: {  	v48 =	vld [tilespmem:s15+$0x4500];
	vm4 =	vgt.f32 v8, v6;
	v6 =	vmax.f32 v6, v8;
	v8 =	vmax.f32 v24, v25  }
0x10f: {  	v49 =	vld [tilespmem:s15+$0x4580];
	v15 =	vsel vm4, $0x2, v15;
	vm5 =	vgt.f32 v9, v6;
	v6 =	vmax.f32 v6, v9  }
0x110: {  	v7 =	vld [tilespmem:s15+$0x4480];
	v15 =	vsel vm5, $0x3, v15;
	vm6 =	vgt.f32 v10, v6;
	v6 =	vmax.f32 v6, v10  }
0x111: {  	v50 =	vld [tilespmem:s15+$0x4600];
	v15 =	vsel vm6, $0x4, v15;
	vm7 =	vgt.f32 v11, v6;
	v6 =	vmax.f32 v6, v11  }
0x112: {  	v51 =	vld [tilespmem:s15+$0x4680];
	v15 =	vsel vm7, $0x5, v15;
	vm8 =	vgt.f32 v12, v6;
	v6 =	vmax.f32 v6, v12  }
0x113: {  	v43 =	vld [tilespmem:s15+$0x5900];
	v15 =	vsel vm8, $0x6, v15;
	vm9 =	vgt.f32 v13, v6;
	v6 =	vmax.f32 v6, v13  }
0x114: {  	v52 =	vld [tilespmem:s15+$0x4700];
	v15 =	vsel vm9, $0x7, v15;
	vm10 =	vgt.f32 v14, v6;
	v6 =	vmax.f32 v6, v14  }
0x115: {  	v54 =	vld [tilespmem:s15+$0x4800];
	v15 =	vsel vm10, $0x8, v15;
	vm11 =	vgt.f32 v7, v6;
	v6 =	vmax.f32 v6, v7  }
0x116: {  	v44 =	vld [tilespmem:s15+$0x5980];
	v15 =	vsel vm11, $0x9, v15;
	vm12 =	vgt.f32 v48, v6;
	v6 =	vmax.f32 v6, v48  }
0x117: {  	v7 =	vld [tilespmem:s15+$0x4880];
	v48 =	vmax.f32 v41, v42;
	v15 =	vsel vm12, $0xA, v15;
	vm13 =	vgt.f32 v49, v6  }
0x118: {  	v53 =	vld [tilespmem:s15+$0x4780];
	v6 =	vmax.f32 v6, v49;
	v11 =	vmax.f32 v48, v43;
	v15 =	vsel vm13, $0xB, v15  }
0x119: {  	v55 =	vld [tilespmem:s15+$0x4900];
	vm14 =	vgt.f32 v50, v6;
	v6 =	vmax.f32 v6, v50;
	v50 =	vsel vm1, $0x31, v3  }
0x11a: {  	v56 =	vld [tilespmem:s15+$0x4980];
	v15 =	vsel vm14, $0xC, v15;
	vm15 =	vgt.f32 v51, v6;
	v6 =	vmax.f32 v6, v51  }
0x11b: {  	v57 =	vld [tilespmem:s15+$0x4A00];
	v9 =	vmax.f32 v11, v44;
	v15 =	vsel vm15, $0xD, v15;
	vm4 =	vgt.f32 v52, v6  }
0x11c: {  	v58 =	vld [tilespmem:s15+$0x4A80];
	v12 =	vmax.f32 v6, v52;
	vm6 =	vgt.f32 v7, v54;
	v7 =	vmax.f32 v54, v7  }
0x11d: {  	v6 =	vsel vm4, $0xE, v15;
	vm5 =	vgt.f32 v53, v12;
	v17 =	vsel vm6, $0x11, v1  }
0x11e: {  	v16 =	vld [tilespmem:s15+$0x4B00];
	vm7 =	vgt.f32 v55, v7;
	v7 =	vmax.f32 v7, v55;
	v12 =	vmax.f32 v12, v53  }
0x11f: {  	v26 =	vld [tilespmem:s15+$0x5100];
	v17 =	vsel vm7, $0x12, v17;
	vm8 =	vgt.f32 v56, v7;
	v7 =	vmax.f32 v7, v56  }
0x120: {  	v59 =	vld [tilespmem:s15+$0x4B80];
	v17 =	vsel vm8, $0x13, v17;
	vm9 =	vgt.f32 v57, v7;
	v7 =	vmax.f32 v7, v57  }
0x121: {  	v27 =	vld [tilespmem:s15+$0x5180];
	v6 =	vsel vm5, $0xF, v6;
	v17 =	vsel vm9, $0x14, v17;
	vm10 =	vgt.f32 v58, v7  }
0x122: {  	v60 =	vld [tilespmem:s15+$0x4C00];
	v7 =	vmax.f32 v7, v58;
	vm9 =	vgt.f32 v25, v24;
	v17 =	vsel vm10, $0x15, v17  }
0x123: {  	v28 =	vld [tilespmem:s15+$0x5200];
	vm11 =	vgt.f32 v16, v7;
	v7 =	vmax.f32 v7, v16;
	v18 =	vsel vm9, $0x21, v2  }
0x124: {  	v61 =	vld [tilespmem:s15+$0x4C80];
	vm10 =	vgt.f32 v26, v8;
	v8 =	vmax.f32 v8, v26;
	v17 =	vsel vm11, $0x16, v17  }
0x125: {  	v29 =	vld [tilespmem:s15+$0x5280];
	vm12 =	vgt.f32 v59, v7;
	v7 =	vmax.f32 v7, v59;
	v18 =	vsel vm10, $0x22, v18  }
0x126: {  	v62 =	vld [tilespmem:s15+$0x4D00];
	vm11 =	vgt.f32 v27, v8;
	v8 =	vmax.f32 v8, v27;
	v17 =	vsel vm12, $0x17, v17  }
0x127: {  	v63 =	vld [tilespmem:s15+$0x4D80];
	vm13 =	vgt.f32 v60, v7;
	v7 =	vmax.f32 v7, v60;
	v18 =	vsel vm11, $0x23, v18  }
0x128: {  	v31 =	vld [tilespmem:s15+$0x5300];
	vm12 =	vgt.f32 v28, v8;
	v8 =	vmax.f32 v8, v28;
	vm11 =	vgt.f32 v43, v48  }
0x129: {  	v45 =	vld [tilespmem:s15+$0x5A00];
	v17 =	vsel vm13, $0x18, v17;
	vm14 =	vgt.f32 v61, v7;
	v7 =	vmax.f32 v7, v61  }
0x12a: {  	v20 =	vld [tilespmem:s15+$0x4E00];
	v18 =	vsel vm12, $0x24, v18;
	vm13 =	vgt.f32 v29, v8;
	v8 =	vmax.f32 v8, v29  }
0x12b: {  	v32 =	vld [tilespmem:s15+$0x5380];
	v16 =	vsel vm11, $0x32, v50;
	vm12 =	vgt.f32 v44, v11;
	v17 =	vsel vm14, $0x19, v17  }
0x12c: {  	v47 =	vld [tilespmem:s15+$0x5A80];
	vm15 =	vgt.f32 v62, v7;
	v7 =	vmax.f32 v7, v62;
	v18 =	vsel vm13, $0x25, v18  }
0x12d: {  	v21 =	vld [tilespmem:s15+$0x4E80];
	vm14 =	vgt.f32 v31, v8;
	v8 =	vmax.f32 v8, v31;
	v16 =	vsel vm12, $0x33, v16  }
0x12e: {  	v33 =	vld [tilespmem:s15+$0x5400];
	vm13 =	vgt.f32 v45, v9;
	v9 =	vmax.f32 v9, v45;
	v17 =	vsel vm15, $0x1A, v17  }
0x12f: {  	v49 =	vld [tilespmem:s15+$0x5B00];
	vm4 =	vgt.f32 v63, v7;
	v7 =	vmax.f32 v7, v63;
	v18 =	vsel vm14, $0x26, v18  }
0x130: {  	v22 =	vld [tilespmem:s15+$0x4F00];
	vm15 =	vgt.f32 v32, v8;
	v8 =	vmax.f32 v8, v32;
	v16 =	vsel vm13, $0x34, v16  }
0x131: {  	v34 =	vld [tilespmem:s15+$0x5480];
	vm14 =	vgt.f32 v47, v9;
	v9 =	vmax.f32 v9, v47;
	v17 =	vsel vm4, $0x1B, v17  }
0x132: {  	v51 =	vld [tilespmem:s15+$0x5B80];
	vm5 =	vgt.f32 v20, v7;
	v7 =	vmax.f32 v7, v20;
	v18 =	vsel vm15, $0x27, v18  }
0x133: {  	v23 =	vld [tilespmem:s15+$0x4F80];
	vm4 =	vgt.f32 v33, v8;
	v8 =	vmax.f32 v8, v33;
	v16 =	vsel vm14, $0x35, v16  }
0x134: {  	v35 =	vld [tilespmem:s15+$0x5500];
	vm15 =	vgt.f32 v49, v9;
	v9 =	vmax.f32 v9, v49;
	v17 =	vsel vm5, $0x1C, v17  }
0x135: {  	v52 =	vld [tilespmem:s15+$0x5C00];
	vm6 =	vgt.f32 v21, v7;
	v7 =	vmax.f32 v7, v21;
	v18 =	vsel vm4, $0x28, v18  }
0x136: {  	v36 =	vld [tilespmem:s15+$0x5580];
	vm5 =	vgt.f32 v34, v8;
	v8 =	vmax.f32 v8, v34;
	v16 =	vsel vm15, $0x36, v16  }
0x137: {  	vm4 =	vgt.f32 v51, v9;
	v9 =	vmax.f32 v9, v51;
	v17 =	vsel vm6, $0x1D, v17  }
0x138: {  	v53 =	vld [tilespmem:s15+$0x5C80];
	vm7 =	vgt.f32 v22, v7;
	v7 =	vmax.f32 v7, v22;
	v18 =	vsel vm5, $0x29, v18  }
0x139: {  	v37 =	vld [tilespmem:s15+$0x5600];
	vm6 =	vgt.f32 v35, v8;
	v8 =	vmax.f32 v8, v35;
	v16 =	vsel vm4, $0x37, v16  }
0x13a: {  	v54 =	vld [tilespmem:s15+$0x5D00];
	vm5 =	vgt.f32 v52, v9;
	v9 =	vmax.f32 v9, v52;
	v30 =	vsel vm7, $0x1E, v17  }
0x13b: {  	vm8 =	vgt.f32 v23, v7;
	v18 =	vsel vm6, $0x2A, v18;
	vm7 =	vgt.f32 v36, v8  }
0x13c: {  	v38 =	vld [tilespmem:s15+$0x5680];
	v8 =	vmax.f32 v8, v36;
	v7 =	vmax.f32 v7, v23;
	v16 =	vsel vm5, $0x38, v16  }
0x13d: {  	v55 =	vld [tilespmem:s15+$0x5D80];
	vm6 =	vgt.f32 v53, v9;
	v9 =	vmax.f32 v9, v53;
	v13 =	vsel vm8, $0x1F, v30  }
0x13e: {  	v39 =	vld [tilespmem:s15+$0x5700];
	v18 =	vsel vm7, $0x2B, v18;
	vm8 =	vgt.f32 v37, v8;
	v8 =	vmax.f32 v8, v37  }
0x13f: {  	v56 =	vld [tilespmem:s15+$0x5E00];
	v16 =	vsel vm6, $0x39, v16;
	vm7 =	vgt.f32 v54, v9;
	v9 =	vmax.f32 v9, v54  }
0x140: {  	v40 =	vld [tilespmem:s15+$0x5780];
	vm13 =	vgt.f32 v7, v12;
	v7 =	vmax.f32 v12, v7;
	v18 =	vsel vm8, $0x2C, v18  }
0x141: {  	v57 =	vld [tilespmem:s15+$0x5E80];
	vm9 =	vgt.f32 v38, v8;
	v8 =	vmax.f32 v8, v38;
	v16 =	vsel vm7, $0x3A, v16  }
0x142: {  	v58 =	vld [tilespmem:s15+$0x5F00];
	vm8 =	vgt.f32 v55, v9;
	v9 =	vmax.f32 v9, v55;
	v6 =	vsel vm13, v13, v6  }
0x143: {  	v18 =	vsel vm9, $0x2D, v18;
	vm10 =	vgt.f32 v39, v8;
	v8 =	vmax.f32 v8, v39  }
0x144: {  	v59 =	vld [tilespmem:s15+$0x5F80];
	v60 =	vsel vm8, $0x3B, v16;
	vm9 =	vgt.f32 v56, v9;
	v9 =	vmax.f32 v9, v56  }
0x145: {  	v46 =	vsel vm10, $0x2E, v18;
	vm0 =	vgt.f32 v40, v8;
	v8 =	vmax.f32 v8, v40  }
0x146: {  	v15 =	vsel vm9, $0x3C, v60;
	vm10 =	vgt.f32 v57, v9;
	v9 =	vmax.f32 v9, v57  }
0x147: {  	v61 =	vsel vm10, $0x3D, v15;
	vm11 =	vgt.f32 v58, v9;
	v9 =	vmax.f32 v9, v58  }
0x148: {  	v62 =	vsel vm0, $0x2F, v46;
	vm14 =	vgt.f32 v8, v7;
	v7 =	vmax.f32 v7, v8  }
0x149: {  	v11 =	vsel vm11, $0x3E, v61;
	vm12 =	vgt.f32 v59, v9;
	v9 =	vmax.f32 v9, v59  }
0x14a: {  	v6 =	vsel vm14, v62, v6;
	v63 =	vsel vm12, $0x3F, v11;
	vm15 =	vgt.f32 v9, v7  }
0x14b: {  	p0 =	sne.s32 s14, $0x1C0;
	v6 =	vsel vm15, v63, v6  }
.Ltmp2:
0x14c: {  	_ = 	snop;
	(pc) =	sbr.rel @p0 .LBB2_6-.Ltmp2, $3  }
0x14d: {  	_ =	sdelay $0x1  }
0x14e: {  	v7 =	vmax.f32 v7, v9  }
0x14f: {  	s14 =	sadd.s32 $0x40, s14;
	v5 =	vadd.f32 v7, v5;
	[tilespmem:v6+s25+$0x0] =	vst.idx.msk $0xffff, v4  }
0x150: {  	_ =	swait.ge [sflag:s8], $0x800  }
0x151: {  	[sflag:s8] =	ssyncset.done $0x0  }
0x152: {  	[sflag:s8] =	ssyncadd.s32 $0xFFFFF800  }
0x153: {  	_ =	swait.ge [sflag:s9], $0x800  }
0x154: {  	[sflag:s9] =	ssyncset.done $0x0  }
0x155: {  	[sflag:s9] =	ssyncadd.s32 $0xFFFFF800  }
0x156: {  	_ =	swait.ge [sflag:s10], $0x800  }
0x157: {  	[sflag:s10] =	ssyncset.done $0x0  }
0x158: {  	[sflag:s10] =	ssyncadd.s32 $0xFFFFF800  }
0x159: {  	_ =	swait.ge [sflag:s11], $0x800  }
0x15a: {  	[sflag:s11] =	ssyncset.done $0x0  }
0x15b: {  	s14 =	simm.s32 $0x0;
	[sflag:s11] =	ssyncadd.s32 $0xFFFFF800  }
.LBB2_8:
0x15c: {  	s15 =	sshra.s32 s14, $0x2  }
0x15d: {  	v6 =	vld [tilespmem:s15+$0x6000]  }
0x15e: {  	v7 =	vld [tilespmem:s15+$0x6080]  }
0x15f: {  	v8 =	vld [tilespmem:s15+$0x6100]  }
0x160: {  	v9 =	vld [tilespmem:s15+$0x6180]  }
0x161: {  	v10 =	vld [tilespmem:s15+$0x6200]  }
0x162: {  	v24 =	vld [tilespmem:s15+$0x7000]  }
0x163: {  	v41 =	vld [tilespmem:s15+$0x7800]  }
0x164: {  	v42 =	vld [tilespmem:s15+$0x7880]  }
0x165: {  	v25 =	vld [tilespmem:s15+$0x7080]  }
0x166: {  	v11 =	vld [tilespmem:s15+$0x6280]  }
0x167: {  	v12 =	vld [tilespmem:s15+$0x6300]  }
0x168: {  	v13 =	vld [tilespmem:s15+$0x6380];
	vm0 =	vgt.f32 v7, v6  }
0x169: {  	v14 =	vld [tilespmem:s15+$0x6400];
	v6 =	vmax.f32 v6, v7;
	vm1 =	vgt.f32 v42, v41;
	v15 =	vsel vm0, $0x1, v0  }
0x16a: {  	v48 =	vld [tilespmem:s15+$0x6500];
	vm4 =	vgt.f32 v8, v6;
	v6 =	vmax.f32 v6, v8;
	v8 =	vmax.f32 v24, v25  }
0x16b: {  	v49 =	vld [tilespmem:s15+$0x6580];
	v15 =	vsel vm4, $0x2, v15;
	vm5 =	vgt.f32 v9, v6;
	v6 =	vmax.f32 v6, v9  }
0x16c: {  	v7 =	vld [tilespmem:s15+$0x6480];
	v15 =	vsel vm5, $0x3, v15;
	vm6 =	vgt.f32 v10, v6;
	v6 =	vmax.f32 v6, v10  }
0x16d: {  	v50 =	vld [tilespmem:s15+$0x6600];
	v15 =	vsel vm6, $0x4, v15;
	vm7 =	vgt.f32 v11, v6;
	v6 =	vmax.f32 v6, v11  }
0x16e: {  	v51 =	vld [tilespmem:s15+$0x6680];
	v15 =	vsel vm7, $0x5, v15;
	vm8 =	vgt.f32 v12, v6;
	v6 =	vmax.f32 v6, v12  }
0x16f: {  	v43 =	vld [tilespmem:s15+$0x7900];
	v15 =	vsel vm8, $0x6, v15;
	vm9 =	vgt.f32 v13, v6;
	v6 =	vmax.f32 v6, v13  }
0x170: {  	v52 =	vld [tilespmem:s15+$0x6700];
	v15 =	vsel vm9, $0x7, v15;
	vm10 =	vgt.f32 v14, v6;
	v6 =	vmax.f32 v6, v14  }
0x171: {  	v54 =	vld [tilespmem:s15+$0x6800];
	v15 =	vsel vm10, $0x8, v15;
	vm11 =	vgt.f32 v7, v6;
	v6 =	vmax.f32 v6, v7  }
0x172: {  	v44 =	vld [tilespmem:s15+$0x7980];
	v15 =	vsel vm11, $0x9, v15;
	vm12 =	vgt.f32 v48, v6;
	v6 =	vmax.f32 v6, v48  }
0x173: {  	v7 =	vld [tilespmem:s15+$0x6880];
	v48 =	vmax.f32 v41, v42;
	v15 =	vsel vm12, $0xA, v15;
	vm13 =	vgt.f32 v49, v6  }
0x174: {  	v53 =	vld [tilespmem:s15+$0x6780];
	v6 =	vmax.f32 v6, v49;
	v11 =	vmax.f32 v48, v43;
	v15 =	vsel vm13, $0xB, v15  }
0x175: {  	v55 =	vld [tilespmem:s15+$0x6900];
	vm14 =	vgt.f32 v50, v6;
	v6 =	vmax.f32 v6, v50;
	v50 =	vsel vm1, $0x31, v3  }
0x176: {  	v56 =	vld [tilespmem:s15+$0x6980];
	v15 =	vsel vm14, $0xC, v15;
	vm15 =	vgt.f32 v51, v6;
	v6 =	vmax.f32 v6, v51  }
0x177: {  	v57 =	vld [tilespmem:s15+$0x6A00];
	v9 =	vmax.f32 v11, v44;
	v15 =	vsel vm15, $0xD, v15;
	vm4 =	vgt.f32 v52, v6  }
0x178: {  	v58 =	vld [tilespmem:s15+$0x6A80];
	v12 =	vmax.f32 v6, v52;
	vm6 =	vgt.f32 v7, v54;
	v7 =	vmax.f32 v54, v7  }
0x179: {  	v6 =	vsel vm4, $0xE, v15;
	vm5 =	vgt.f32 v53, v12;
	v17 =	vsel vm6, $0x11, v1  }
0x17a: {  	v16 =	vld [tilespmem:s15+$0x6B00];
	vm7 =	vgt.f32 v55, v7;
	v7 =	vmax.f32 v7, v55;
	v12 =	vmax.f32 v12, v53  }
0x17b: {  	v26 =	vld [tilespmem:s15+$0x7100];
	v17 =	vsel vm7, $0x12, v17;
	vm8 =	vgt.f32 v56, v7;
	v7 =	vmax.f32 v7, v56  }
0x17c: {  	v59 =	vld [tilespmem:s15+$0x6B80];
	v17 =	vsel vm8, $0x13, v17;
	vm9 =	vgt.f32 v57, v7;
	v7 =	vmax.f32 v7, v57  }
0x17d: {  	v27 =	vld [tilespmem:s15+$0x7180];
	v6 =	vsel vm5, $0xF, v6;
	v17 =	vsel vm9, $0x14, v17;
	vm10 =	vgt.f32 v58, v7  }
0x17e: {  	v60 =	vld [tilespmem:s15+$0x6C00];
	v7 =	vmax.f32 v7, v58;
	vm9 =	vgt.f32 v25, v24;
	v17 =	vsel vm10, $0x15, v17  }
0x17f: {  	v28 =	vld [tilespmem:s15+$0x7200];
	vm11 =	vgt.f32 v16, v7;
	v7 =	vmax.f32 v7, v16;
	v18 =	vsel vm9, $0x21, v2  }
0x180: {  	v61 =	vld [tilespmem:s15+$0x6C80];
	vm10 =	vgt.f32 v26, v8;
	v8 =	vmax.f32 v8, v26;
	v17 =	vsel vm11, $0x16, v17  }
0x181: {  	v29 =	vld [tilespmem:s15+$0x7280];
	vm12 =	vgt.f32 v59, v7;
	v7 =	vmax.f32 v7, v59;
	v18 =	vsel vm10, $0x22, v18  }
0x182: {  	v62 =	vld [tilespmem:s15+$0x6D00];
	vm11 =	vgt.f32 v27, v8;
	v8 =	vmax.f32 v8, v27;
	v17 =	vsel vm12, $0x17, v17  }
0x183: {  	v63 =	vld [tilespmem:s15+$0x6D80];
	vm13 =	vgt.f32 v60, v7;
	v7 =	vmax.f32 v7, v60;
	v18 =	vsel vm11, $0x23, v18  }
0x184: {  	v31 =	vld [tilespmem:s15+$0x7300];
	vm12 =	vgt.f32 v28, v8;
	v8 =	vmax.f32 v8, v28;
	vm11 =	vgt.f32 v43, v48  }
0x185: {  	v45 =	vld [tilespmem:s15+$0x7A00];
	v17 =	vsel vm13, $0x18, v17;
	vm14 =	vgt.f32 v61, v7;
	v7 =	vmax.f32 v7, v61  }
0x186: {  	v20 =	vld [tilespmem:s15+$0x6E00];
	v18 =	vsel vm12, $0x24, v18;
	vm13 =	vgt.f32 v29, v8;
	v8 =	vmax.f32 v8, v29  }
0x187: {  	v32 =	vld [tilespmem:s15+$0x7380];
	v16 =	vsel vm11, $0x32, v50;
	vm12 =	vgt.f32 v44, v11;
	v17 =	vsel vm14, $0x19, v17  }
0x188: {  	v47 =	vld [tilespmem:s15+$0x7A80];
	vm15 =	vgt.f32 v62, v7;
	v7 =	vmax.f32 v7, v62;
	v18 =	vsel vm13, $0x25, v18  }
0x189: {  	v21 =	vld [tilespmem:s15+$0x6E80];
	vm14 =	vgt.f32 v31, v8;
	v8 =	vmax.f32 v8, v31;
	v16 =	vsel vm12, $0x33, v16  }
0x18a: {  	v33 =	vld [tilespmem:s15+$0x7400];
	vm13 =	vgt.f32 v45, v9;
	v9 =	vmax.f32 v9, v45;
	v17 =	vsel vm15, $0x1A, v17  }
0x18b: {  	v49 =	vld [tilespmem:s15+$0x7B00];
	vm4 =	vgt.f32 v63, v7;
	v7 =	vmax.f32 v7, v63;
	v18 =	vsel vm14, $0x26, v18  }
0x18c: {  	v22 =	vld [tilespmem:s15+$0x6F00];
	vm15 =	vgt.f32 v32, v8;
	v8 =	vmax.f32 v8, v32;
	v16 =	vsel vm13, $0x34, v16  }
0x18d: {  	v34 =	vld [tilespmem:s15+$0x7480];
	vm14 =	vgt.f32 v47, v9;
	v9 =	vmax.f32 v9, v47;
	v17 =	vsel vm4, $0x1B, v17  }
0x18e: {  	v51 =	vld [tilespmem:s15+$0x7B80];
	vm5 =	vgt.f32 v20, v7;
	v7 =	vmax.f32 v7, v20;
	v18 =	vsel vm15, $0x27, v18  }
0x18f: {  	v23 =	vld [tilespmem:s15+$0x6F80];
	vm4 =	vgt.f32 v33, v8;
	v8 =	vmax.f32 v8, v33;
	v16 =	vsel vm14, $0x35, v16  }
0x190: {  	v35 =	vld [tilespmem:s15+$0x7500];
	vm15 =	vgt.f32 v49, v9;
	v9 =	vmax.f32 v9, v49;
	v17 =	vsel vm5, $0x1C, v17  }
0x191: {  	v52 =	vld [tilespmem:s15+$0x7C00];
	vm6 =	vgt.f32 v21, v7;
	v7 =	vmax.f32 v7, v21;
	v18 =	vsel vm4, $0x28, v18  }
0x192: {  	v36 =	vld [tilespmem:s15+$0x7580];
	vm5 =	vgt.f32 v34, v8;
	v8 =	vmax.f32 v8, v34;
	v16 =	vsel vm15, $0x36, v16  }
0x193: {  	vm4 =	vgt.f32 v51, v9;
	v9 =	vmax.f32 v9, v51;
	v17 =	vsel vm6, $0x1D, v17  }
0x194: {  	v53 =	vld [tilespmem:s15+$0x7C80];
	vm7 =	vgt.f32 v22, v7;
	v7 =	vmax.f32 v7, v22;
	v18 =	vsel vm5, $0x29, v18  }
0x195: {  	v37 =	vld [tilespmem:s15+$0x7600];
	vm6 =	vgt.f32 v35, v8;
	v8 =	vmax.f32 v8, v35;
	v16 =	vsel vm4, $0x37, v16  }
0x196: {  	v54 =	vld [tilespmem:s15+$0x7D00];
	vm5 =	vgt.f32 v52, v9;
	v9 =	vmax.f32 v9, v52;
	v30 =	vsel vm7, $0x1E, v17  }
0x197: {  	vm8 =	vgt.f32 v23, v7;
	v18 =	vsel vm6, $0x2A, v18;
	vm7 =	vgt.f32 v36, v8  }
0x198: {  	v38 =	vld [tilespmem:s15+$0x7680];
	v8 =	vmax.f32 v8, v36;
	v7 =	vmax.f32 v7, v23;
	v16 =	vsel vm5, $0x38, v16  }
0x199: {  	v55 =	vld [tilespmem:s15+$0x7D80];
	vm6 =	vgt.f32 v53, v9;
	v9 =	vmax.f32 v9, v53;
	v13 =	vsel vm8, $0x1F, v30  }
0x19a: {  	v39 =	vld [tilespmem:s15+$0x7700];
	v18 =	vsel vm7, $0x2B, v18;
	vm8 =	vgt.f32 v37, v8;
	v8 =	vmax.f32 v8, v37  }
0x19b: {  	v56 =	vld [tilespmem:s15+$0x7E00];
	v16 =	vsel vm6, $0x39, v16;
	vm7 =	vgt.f32 v54, v9;
	v9 =	vmax.f32 v9, v54  }
0x19c: {  	v40 =	vld [tilespmem:s15+$0x7780];
	vm13 =	vgt.f32 v7, v12;
	v7 =	vmax.f32 v12, v7;
	v18 =	vsel vm8, $0x2C, v18  }
0x19d: {  	v57 =	vld [tilespmem:s15+$0x7E80];
	vm9 =	vgt.f32 v38, v8;
	v8 =	vmax.f32 v8, v38;
	v16 =	vsel vm7, $0x3A, v16  }
0x19e: {  	v58 =	vld [tilespmem:s15+$0x7F00];
	vm8 =	vgt.f32 v55, v9;
	v9 =	vmax.f32 v9, v55;
	v6 =	vsel vm13, v13, v6  }
0x19f: {  	v18 =	vsel vm9, $0x2D, v18;
	vm10 =	vgt.f32 v39, v8;
	v8 =	vmax.f32 v8, v39  }
0x1a0: {  	v59 =	vld [tilespmem:s15+$0x7F80];
	v60 =	vsel vm8, $0x3B, v16;
	vm9 =	vgt.f32 v56, v9;
	v9 =	vmax.f32 v9, v56  }
0x1a1: {  	v46 =	vsel vm10, $0x2E, v18;
	vm0 =	vgt.f32 v40, v8;
	v8 =	vmax.f32 v8, v40  }
0x1a2: {  	v15 =	vsel vm9, $0x3C, v60;
	vm10 =	vgt.f32 v57, v9;
	v9 =	vmax.f32 v9, v57  }
0x1a3: {  	v61 =	vsel vm10, $0x3D, v15;
	vm11 =	vgt.f32 v58, v9;
	v9 =	vmax.f32 v9, v58  }
0x1a4: {  	v62 =	vsel vm0, $0x2F, v46;
	vm14 =	vgt.f32 v8, v7;
	v7 =	vmax.f32 v7, v8  }
0x1a5: {  	v11 =	vsel vm11, $0x3E, v61;
	vm12 =	vgt.f32 v59, v9;
	v9 =	vmax.f32 v9, v59  }
0x1a6: {  	v6 =	vsel vm14, v62, v6;
	v63 =	vsel vm12, $0x3F, v11;
	vm15 =	vgt.f32 v9, v7  }
0x1a7: {  	p0 =	sne.s32 s14, $0x1C0;
	v6 =	vsel vm15, v63, v6  }
.Ltmp3:
0x1a8: {  	_ = 	snop;
	(pc) =	sbr.rel @p0 .LBB2_8-.Ltmp3, $3  }
0x1a9: {  	_ =	sdelay $0x1  }
0x1aa: {  	v7 =	vmax.f32 v7, v9  }
0x1ab: {  	s14 =	sadd.s32 $0x40, s14;
	v5 =	vadd.f32 v7, v5;
	[tilespmem:v6+s25+$0x0] =	vst.idx.msk $0xffff, v4  }
0x1ac: {  	_ = 	snop  }
0x1ad: {  	[tilespmem:$0x8080] =	vst v5  }
0x1ae: {  	[hbm4b:s19+s2] =	stream.linear.scatter [tilespmem:s25], [sflag:$0x11], $0x80, $0x38;
	[tilespmem:$0x8100] =	vst v63  }
0x1af: {  	s13 =	sadd.s32 $0x1, s13;
	_ =	swait.ge [sflag:s12], $0x80  }
0x1b0: {  	p0 =	sne.s32 s13, s21;
	[sflag:s12] =	ssyncset.done $0x0  }
.Ltmp4:
0x1b1: {  	s14 =	simm.s32 $0x8080;
	[sflag:s12] =	ssyncadd.s32 $0xFFFFFF80;
	(pc) =	sbr.rel @p0 .LBB2_1-.Ltmp4, $4  }
0x1b2: {  	[hbm4b:s20+s2] =	stream.linear.scatter [tilespmem:s14], [sflag:$0x11], $0x80, $0x38;
	[tilespmem:$0x8100] =	vst v63  }
0x1b3: {  	_ =	swait.ge [sflag:s12], $0x80  }
0x1b4: {  	[sflag:s12] =	ssyncset.done $0x0  }
0x1b5: {  	[sflag:s12] =	ssyncadd.s32 $0xFFFFFF80  }
0x1b6: {  	_ =	sfence.sel $0x180000  }
0x1b7: {  	[bflag:$0x0] =	sbarrier.arrive $0xFFFF  }
0x1b8: {  	_ =	strace $0x90000047  }
0x1b9: {  	s0 =	stileid.u32;
	[bflag:$0x2] =	sbarrier.arrive $0xFFFF  }
0x1ba: {  	p0 =	sne.s32 s0, $0x0;
	s0 =	rddreg [dreg:$0x2]  }
0x1bb: {  	s0 =	sadd.s32 @!p0 $0x100000, s0  }
0x1bc: {  	[sflag:s0] =	ssyncadd.tile.s32 @!p0 $0x1;
	_ =	shalt  }
.Lfunc_end2:
_tile_overlayer_lowered:
.L_overlay_start_2:
0x1bd: {  	(tag) =	ssettag $0x2  }
0x1be: {  	s0 =	rddreg [dreg:$0x0];
	s2 =	stileid.u32  }
0x1bf: {  	s1 =	rddreg [dreg:$0x1];
	p0 =	sne.s32 s2, $0x0  }
0x1c0: {  	s3 =	rddreg [dreg:$0x2];
	[bflag:$0x3] =	sbarrier.arrive $0xFFFF;
	s2 =	simm.s32 @!p0 $0x1C11  }
0x1c1: {  	[timem:s3], [sflag:s2] =	dma.local @!p0 [hbm:s0], s1  }
0x1c2: {  	s0 =	simm.s32 @!p0 $0x11  }
0x1c3: {  	_ =	swait.ge @!p0 [sflag:s0], s1  }
0x1c4: {  	s1 =	ssub.s32 @!p0 $0x0, s1;
	[sflag:s0] =	ssyncset.done @!p0 $0x0  }
0x1c5: {  	[sflag:s0] =	ssyncadd.s32 @!p0 s1  }
0x1c6: {  	[bflag:$0x3] =	sbarrier.arrive $0xFFFF  }
0x1c7: {  	_ =	shalt  }

</sc_bundles>
